<compile_context>
chip_gen: v7x
topology: tpu7x:2x2x1
jax: 0.10.2.dev20260603
libtpu: 0.0.44.dev20260713+nightly
codegen_flags: <defaults>
</compile_context>

<pallas_src>
import functools

import jax
import jax.numpy as jnp
from jax import lax
from jax.experimental import pallas as pl
from jax.experimental.pallas import tpu as pltpu
from jax.experimental.pallas import tpu_sc as plsc

_NI = 16384
_NJ = 50
_D = 64
_B = _NI * _NJ
_NW = 32
_G = 128
_NIG = _NI // _G
_TPW = _NIG // _NW
_NBLK = _TPW * _NJ
_GP = _G + 8

_mesh = plsc.VectorSubcoreMesh(core_axis_name="c", subcore_axis_name="s")


@functools.partial(
    pl.kernel,
    mesh=_mesh,
    compiler_params=pltpu.CompilerParams(
        use_tc_tiling_on_sc=False, needs_layout_passes=False
    ),
    out_type=jax.ShapeDtypeStruct((_NJ, _D // 8, _NIG, 8, _G), jnp.float32),
    scratch_types=[
        pltpu.VMEM((_TPW * _G * _NJ,), jnp.int32),
        pltpu.VMEM((4, _G), jnp.int32),
        pltpu.VMEM((4, _G, _D), jnp.float32),
        pltpu.VMEM((2, _D, _GP), jnp.float32),
        pltpu.SemaphoreType.DMA,
        pltpu.SemaphoreType.DMA,
        pltpu.SemaphoreType.DMA,
        pltpu.SemaphoreType.DMA,
        pltpu.SemaphoreType.DMA,
        pltpu.SemaphoreType.DMA,
    ],
)
def _emb_lookup(idx_hbm, table_hbm, out_hbm, xblk, idxb, gbuf, tbuf,
                gsem0, gsem1, gsem2, gsem3, wsem0, wsem1):
    wid = lax.axis_index("s") * 2 + lax.axis_index("c")
    pltpu.sync_copy(idx_hbm.at[pl.ds(wid * (_TPW * _G * _NJ), _TPW * _G * _NJ)],
                    xblk)
    gsems = (gsem0, gsem1, gsem2, gsem3)
    wsems = (wsem0, wsem1)
    iota16 = lax.iota(jnp.int32, 16)
    iota_nj = iota16 * _NJ
    zeros16 = iota16 * 0
    rows8 = [iota16 + g * 16 for g in range(8)]

    def prep_and_fire(c, b):
        t = c // _NJ
        j = c - t * _NJ
        base = t * (_G * _NJ) + j
        for g in range(8):
            v = plsc.load_gather(xblk, [iota_nj + (base + g * 16 * _NJ)])
            idxb[b, pl.ds(g * 16, 16)] = v
        pltpu.async_copy(table_hbm.at[idxb.at[b]], gbuf.at[b], gsems[b])

    def maybe_prefetch(c, b):
        @pl.when(c < _NBLK)
        def _():
            prep_and_fire(c, b)

    def drain_gather(b):
        pltpu.make_async_copy(
            table_hbm.at[pl.ds(0, _G)], gbuf.at[b], gsems[b]
        ).wait()

    def transpose(b, tb_i):
        @plsc.parallel_loop(0, _G, 1, unroll=4)
        def tr(r):
            rvec = zeros16 + r
            for k in range(4):
                v = gbuf[b, r, pl.ds(k * 16, 16)]
                plsc.store_scatter(tbuf.at[tb_i], [rows8[k], rvec], v)

    def fire_write(c, tb_i):
        t = c // _NJ
        j = c - t * _NJ
        ig = wid * _TPW + t

        def wr(d, _):
            dt = d // 8
            pltpu.async_copy(
                tbuf.at[tb_i, d, pl.ds(0, _G)],
                out_hbm.at[j, dt, ig, d - dt * 8],
                wsems[tb_i],
            )
            return ()

        lax.fori_loop(0, _D, wr, (), unroll=8)

    def drain_write(tb_i):
        pltpu.make_async_copy(
            table_hbm.at[pl.ds(0, _G)], gbuf.at[0], wsems[tb_i]
        ).wait()

    def maybe_drain_write(c, tb_i):
        @pl.when(c >= 2)
        def _():
            drain_write(tb_i)

    prep_and_fire(0, 0)
    prep_and_fire(1, 1)
    prep_and_fire(2, 2)

    def body(cc, _):
        c0 = cc * 4
        for b in range(4):
            c = c0 + b
            maybe_prefetch(c + 3, (b + 3) % 4)
            drain_gather(b)
            maybe_drain_write(c, b % 2)
            transpose(b, b % 2)
            fire_write(c, b % 2)
        return ()

    lax.fori_loop(0, _NBLK // 4, body, (), unroll=False)
    drain_write(0)
    drain_write(1)


def kernel(x, weight):
    idx = x.reshape(_B).astype(jnp.int32)
    out5 = _emb_lookup(idx, weight)
    return out5.transpose(2, 4, 0, 1, 3).reshape(_NI, _NJ, _D)

# --- scband reference (transcript-rebuilt; emitter-appended) ---
"""Pipeline reference for scband-embedding-3685081940163 (READ-ONLY COPY).

The authoritative reference and input builder live on the scoring server;
editing this copy changes nothing except your own understanding.
"""

import jax, jax.numpy as jnp
import numpy as np

NUM_EMBEDDINGS = 1000000
EMBEDDING_DIM = 64

def setup_inputs(seed: int = 0) -> dict:
    key = jax.random.key(seed)
    k1, k2 = jax.random.split(key)
    x = jax.random.randint(k1, (16384, 50), 0, NUM_EMBEDDINGS, dtype=jnp.int64 if jax.config.jax_enable_x64 else jnp.int32)
    # trunc_normal_(mean=0, std=1, a=-3, b=3)
    weight = jax.random.truncated_normal(k2, -3.0, 3.0, (NUM_EMBEDDINGS, EMBEDDING_DIM), dtype=jnp.float32)
    return {"x": x, "weight": weight}

def reference(x, weight):
    # Embedding lookup: weight[x]
    return jnp.take(weight, x, axis=0)

if __name__ == "__main__":
    import jax
    _d = setup_inputs()
    print(jax.jit(kernel)(*tuple(_d.values())))

</pallas_src>

<mosaic_0001>
#map = affine_map<(d0, d1) -> (0)>
#map1 = affine_map<(d0, d1) -> (0, 0)>
#map2 = affine_map<(d0, d1) -> (0, 0, 0, 0, 0)>
module attributes {stable_mosaic.version = 14 : i64} {
  func.func @_emb_lookup(%arg0: i32, %arg1: i32, %arg2: memref<819200xi32, #tpu.memory_space<hbm>>, %arg3: memref<1000000x64xf32, #tpu.memory_space<hbm>>, %arg4: memref<50x8x128x8x128xf32, #tpu.memory_space<hbm>>, %arg5: memref<25600xi32, #tpu.memory_space<vmem>>, %arg6: memref<4x128xi32, #tpu.memory_space<vmem>>, %arg7: memref<4x128x64xf32, #tpu.memory_space<vmem>>, %arg8: memref<2x64x136xf32, #tpu.memory_space<vmem>>, %arg9: memref<!tpu.dma_semaphore, #tpu.memory_space<semaphore_mem>>, %arg10: memref<!tpu.dma_semaphore, #tpu.memory_space<semaphore_mem>>, %arg11: memref<!tpu.dma_semaphore, #tpu.memory_space<semaphore_mem>>, %arg12: memref<!tpu.dma_semaphore, #tpu.memory_space<semaphore_mem>>, %arg13: memref<!tpu.dma_semaphore, #tpu.memory_space<semaphore_mem>>, %arg14: memref<!tpu.dma_semaphore, #tpu.memory_space<semaphore_mem>>) attributes {dimension_semantics = [#tpu.dimension_semantics<core_parallel>, #tpu.dimension_semantics<subcore_parallel>], iteration_bounds = array<i64: 2, 16>, scalar_prefetch = 0 : i64, scratch_operands = 10 : i64, tpu.core_type = #tpu.core_type<sc_vector_subcore>, window_params = [{transform_indices = #map}, {transform_indices = #map1}, {transform_indices = #map2}]} {
    %mul3A = arith.constant 2 : i32
    %mul3A_0 = arith.muli %arg1, %mul3A : i32
    %add3A = arith.addi %mul3A_0, %arg0 : i32
    %mul3A_1 = arith.constant 25600 : i32
    %mul3A_2 = arith.muli %add3A, %mul3A_1 : i32
    "tpu.region"() ({
      %run_scoped3A = tpu.sem_alloc : memref<!tpu.dma_semaphore, #tpu.memory_space<semaphore_mem>>
      %dma_start3A_291 = tpu.memref_slice %arg2[%mul3A_2] : memref<819200xi32, #tpu.memory_space<hbm>> -> memref<25600xi32, #tpu.memory_space<hbm>>
      %dma_start3A_292 = tpu.memref_slice %arg2[%mul3A_2] : memref<819200xi32, #tpu.memory_space<hbm>> -> memref<25600xi32, #tpu.memory_space<hbm>>
      tpu.enqueue_dma source(%dma_start3A_292 : memref<25600xi32, #tpu.memory_space<hbm>>) target(%arg5 : memref<25600xi32, #tpu.memory_space<vmem>>) target_semaphore(%run_scoped3A : memref<!tpu.dma_semaphore, #tpu.memory_space<semaphore_mem>>)
      %dma_wait3A_293 = tpu.memref_slice %arg2[%mul3A_2] : memref<819200xi32, #tpu.memory_space<hbm>> -> memref<25600xi32, #tpu.memory_space<hbm>>
      %dma_wait3A_294 = tpu.memref_slice %arg2[%mul3A_2] : memref<819200xi32, #tpu.memory_space<hbm>> -> memref<25600xi32, #tpu.memory_space<hbm>>
      tpu.wait_dma2 semaphore(%run_scoped3A : memref<!tpu.dma_semaphore, #tpu.memory_space<semaphore_mem>>) src(%dma_wait3A_294 : memref<25600xi32, #tpu.memory_space<hbm>>) dst(%arg5 : memref<25600xi32, #tpu.memory_space<vmem>>)
      tpu.yield
    }) : () -> ()
    %iota3A = tpu.iota {dimensions = array<i32: 0>} : vector<16xi32>
    %mul3A_3 = arith.constant 50 : i32
    %mul3A_4 = vector.broadcast %mul3A_3 : i32 to vector<16xi32>
    %mul3A_5 = arith.muli %iota3A, %mul3A_4 : vector<16xi32>
    %mul3A_6 = arith.constant 0 : i32
    %mul3A_7 = vector.broadcast %mul3A_6 : i32 to vector<16xi32>
    %mul3A_8 = arith.muli %iota3A, %mul3A_7 : vector<16xi32>
    %add3A_9 = arith.constant 0 : i32
    %add3A_10 = vector.broadcast %add3A_9 : i32 to vector<16xi32>
    %add3A_11 = arith.addi %iota3A, %add3A_10 : vector<16xi32>
    %add3A_12 = arith.constant 16 : i32
    %add3A_13 = vector.broadcast %add3A_12 : i32 to vector<16xi32>
    %add3A_14 = arith.addi %iota3A, %add3A_13 : vector<16xi32>
    %add3A_15 = arith.constant 32 : i32
    %add3A_16 = vector.broadcast %add3A_15 : i32 to vector<16xi32>
    %add3A_17 = arith.addi %iota3A, %add3A_16 : vector<16xi32>
    %add3A_18 = arith.constant 48 : i32
    %add3A_19 = vector.broadcast %add3A_18 : i32 to vector<16xi32>
    %add3A_20 = arith.addi %iota3A, %add3A_19 : vector<16xi32>
    %add3A_21 = arith.constant 64 : i32
    %add3A_22 = vector.broadcast %add3A_21 : i32 to vector<16xi32>
    %add3A_23 = arith.addi %iota3A, %add3A_22 : vector<16xi32>
    %add3A_24 = arith.constant 80 : i32
    %add3A_25 = vector.broadcast %add3A_24 : i32 to vector<16xi32>
    %add3A_26 = arith.addi %iota3A, %add3A_25 : vector<16xi32>
    %add3A_27 = arith.constant 96 : i32
    %add3A_28 = vector.broadcast %add3A_27 : i32 to vector<16xi32>
    %add3A_29 = arith.addi %iota3A, %add3A_28 : vector<16xi32>
    %add3A_30 = arith.constant 112 : i32
    %add3A_31 = vector.broadcast %add3A_30 : i32 to vector<16xi32>
    %add3A_32 = arith.addi %iota3A, %add3A_31 : vector<16xi32>
    %add3A_33 = arith.constant 0 : i32
    %add3A_34 = vector.broadcast %add3A_33 : i32 to vector<16xi32>
    %add3A_35 = arith.addi %mul3A_5, %add3A_34 : vector<16xi32>
    %gather3A = tpu.vector_load_idx %arg5[%add3A_35] : memref<25600xi32, #tpu.memory_space<vmem>>[vector<16xi32>], vector<16xi32>,
    %swap3A = arith.constant 0 : i32
    %swap3A_36 = arith.index_cast %swap3A : i32 to index
    %swap3A_37 = arith.constant 0 : index
    %swap3A_38 = tpu.vector_load %arg6[%swap3A_36, %swap3A_37] {strides = array<i32>} : memref<4x128xi32, #tpu.memory_space<vmem>>, vector<16xi32>,
    tpu.vector_store %arg6[%swap3A_36, %swap3A_37], %gather3A {strides = array<i32>} : memref<4x128xi32, #tpu.memory_space<vmem>>, vector<16xi32>,
    %add3A_39 = arith.constant 800 : i32
    %add3A_40 = vector.broadcast %add3A_39 : i32 to vector<16xi32>
    %add3A_41 = arith.addi %mul3A_5, %add3A_40 : vector<16xi32>
    %gather3A_42 = tpu.vector_load_idx %arg5[%add3A_41] : memref<25600xi32, #tpu.memory_space<vmem>>[vector<16xi32>], vector<16xi32>,
    %swap3A_43 = arith.constant 0 : i32
    %swap3A_44 = arith.index_cast %swap3A_43 : i32 to index
    %swap3A_45 = arith.constant 16 : index
    %swap3A_46 = tpu.vector_load %arg6[%swap3A_44, %swap3A_45] {strides = array<i32>} : memref<4x128xi32, #tpu.memory_space<vmem>>, vector<16xi32>,
    tpu.vector_store %arg6[%swap3A_44, %swap3A_45], %gather3A_42 {strides = array<i32>} : memref<4x128xi32, #tpu.memory_space<vmem>>, vector<16xi32>,
    %add3A_47 = arith.constant 1600 : i32
    %add3A_48 = vector.broadcast %add3A_47 : i32 to vector<16xi32>
    %add3A_49 = arith.addi %mul3A_5, %add3A_48 : vector<16xi32>
    %gather3A_50 = tpu.vector_load_idx %arg5[%add3A_49] : memref<25600xi32, #tpu.memory_space<vmem>>[vector<16xi32>], vector<16xi32>,
    %swap3A_51 = arith.constant 0 : i32
    %swap3A_52 = arith.index_cast %swap3A_51 : i32 to index
    %swap3A_53 = arith.constant 32 : index
    %swap3A_54 = tpu.vector_load %arg6[%swap3A_52, %swap3A_53] {strides = array<i32>} : memref<4x128xi32, #tpu.memory_space<vmem>>, vector<16xi32>,
    tpu.vector_store %arg6[%swap3A_52, %swap3A_53], %gather3A_50 {strides = array<i32>} : memref<4x128xi32, #tpu.memory_space<vmem>>, vector<16xi32>,
    %add3A_55 = arith.constant 2400 : i32
    %add3A_56 = vector.broadcast %add3A_55 : i32 to vector<16xi32>
    %add3A_57 = arith.addi %mul3A_5, %add3A_56 : vector<16xi32>
    %gather3A_58 = tpu.vector_load_idx %arg5[%add3A_57] : memref<25600xi32, #tpu.memory_space<vmem>>[vector<16xi32>], vector<16xi32>,
    %swap3A_59 = arith.constant 0 : i32
    %swap3A_60 = arith.index_cast %swap3A_59 : i32 to index
    %swap3A_61 = arith.constant 48 : index
    %swap3A_62 = tpu.vector_load %arg6[%swap3A_60, %swap3A_61] {strides = array<i32>} : memref<4x128xi32, #tpu.memory_space<vmem>>, vector<16xi32>,
    tpu.vector_store %arg6[%swap3A_60, %swap3A_61], %gather3A_58 {strides = array<i32>} : memref<4x128xi32, #tpu.memory_space<vmem>>, vector<16xi32>,
    %add3A_63 = arith.constant 3200 : i32
    %add3A_64 = vector.broadcast %add3A_63 : i32 to vector<16xi32>
    %add3A_65 = arith.addi %mul3A_5, %add3A_64 : vector<16xi32>
    %gather3A_66 = tpu.vector_load_idx %arg5[%add3A_65] : memref<25600xi32, #tpu.memory_space<vmem>>[vector<16xi32>], vector<16xi32>,
    %swap3A_67 = arith.constant 0 : i32
    %swap3A_68 = arith.index_cast %swap3A_67 : i32 to index
    %swap3A_69 = arith.constant 64 : index
    %swap3A_70 = tpu.vector_load %arg6[%swap3A_68, %swap3A_69] {strides = array<i32>} : memref<4x128xi32, #tpu.memory_space<vmem>>, vector<16xi32>,
    tpu.vector_store %arg6[%swap3A_68, %swap3A_69], %gather3A_66 {strides = array<i32>} : memref<4x128xi32, #tpu.memory_space<vmem>>, vector<16xi32>,
    %add3A_71 = arith.constant 4000 : i32
    %add3A_72 = vector.broadcast %add3A_71 : i32 to vector<16xi32>
    %add3A_73 = arith.addi %mul3A_5, %add3A_72 : vector<16xi32>
    %gather3A_74 = tpu.vector_load_idx %arg5[%add3A_73] : memref<25600xi32, #tpu.memory_space<vmem>>[vector<16xi32>], vector<16xi32>,
    %swap3A_75 = arith.constant 0 : i32
    %swap3A_76 = arith.index_cast %swap3A_75 : i32 to index
    %swap3A_77 = arith.constant 80 : index
    %swap3A_78 = tpu.vector_load %arg6[%swap3A_76, %swap3A_77] {strides = array<i32>} : memref<4x128xi32, #tpu.memory_space<vmem>>, vector<16xi32>,
    tpu.vector_store %arg6[%swap3A_76, %swap3A_77], %gather3A_74 {strides = array<i32>} : memref<4x128xi32, #tpu.memory_space<vmem>>, vector<16xi32>,
    %add3A_79 = arith.constant 4800 : i32
    %add3A_80 = vector.broadcast %add3A_79 : i32 to vector<16xi32>
    %add3A_81 = arith.addi %mul3A_5, %add3A_80 : vector<16xi32>
    %gather3A_82 = tpu.vector_load_idx %arg5[%add3A_81] : memref<25600xi32, #tpu.memory_space<vmem>>[vector<16xi32>], vector<16xi32>,
    %swap3A_83 = arith.constant 0 : i32
    %swap3A_84 = arith.index_cast %swap3A_83 : i32 to index
    %swap3A_85 = arith.constant 96 : index
    %swap3A_86 = tpu.vector_load %arg6[%swap3A_84, %swap3A_85] {strides = array<i32>} : memref<4x128xi32, #tpu.memory_space<vmem>>, vector<16xi32>,
    tpu.vector_store %arg6[%swap3A_84, %swap3A_85], %gather3A_82 {strides = array<i32>} : memref<4x128xi32, #tpu.memory_space<vmem>>, vector<16xi32>,
    %add3A_87 = arith.constant 5600 : i32
    %add3A_88 = vector.broadcast %add3A_87 : i32 to vector<16xi32>
    %add3A_89 = arith.addi %mul3A_5, %add3A_88 : vector<16xi32>
    %gather3A_90 = tpu.vector_load_idx %arg5[%add3A_89] : memref<25600xi32, #tpu.memory_space<vmem>>[vector<16xi32>], vector<16xi32>,
    %swap3A_91 = arith.constant 0 : i32
    %swap3A_92 = arith.index_cast %swap3A_91 : i32 to index
    %swap3A_93 = arith.constant 112 : index
    %swap3A_94 = tpu.vector_load %arg6[%swap3A_92, %swap3A_93] {strides = array<i32>} : memref<4x128xi32, #tpu.memory_space<vmem>>, vector<16xi32>,
    tpu.vector_store %arg6[%swap3A_92, %swap3A_93], %gather3A_90 {strides = array<i32>} : memref<4x128xi32, #tpu.memory_space<vmem>>, vector<16xi32>,
    %dma_start3A = arith.constant 0 : i32
    %dma_start3A_95 = arith.constant 0 : i32
    %dma_start3A_96 = arith.constant 0 : i32
    %dma_start3A_97 = arith.constant 0 : i32
    %dma_start3A_98 = tpu.memref_slice %arg7[%dma_start3A_95, %dma_start3A_96, %dma_start3A_97] : memref<4x128x64xf32, #tpu.memory_space<vmem>> -> memref<1x128x64xf32, #tpu.memory_space<vmem>>
    %dma_start3A_99 = tpu.memref_squeeze %dma_start3A_98 : memref<1x128x64xf32, #tpu.memory_space<vmem>> -> memref<128x64xf32, #tpu.memory_space<vmem>>
    %dma_start3A_100 = arith.constant 0 : i32
    %dma_start3A_101 = tpu.memref_slice %arg6[%dma_start3A, %dma_start3A_100] : memref<4x128xi32, #tpu.memory_space<vmem>> -> memref<1x128xi32, #tpu.memory_space<vmem>>
    %dma_start3A_102 = tpu.memref_squeeze %dma_start3A_101 : memref<1x128xi32, #tpu.memory_space<vmem>> -> memref<128xi32, #tpu.memory_space<vmem>>
    %dma_start3A_103 = arith.constant 0 : i32
    %dma_start3A_104 = arith.constant 0 : i32
    %dma_start3A_105 = tpu.memref_slice %arg3[%dma_start3A_103, %dma_start3A_104] : memref<1000000x64xf32, #tpu.memory_space<hbm>> -> memref<1000000x64xf32, #tpu.memory_space<hbm>>
    tpu.enqueue_indirect_dma source(%dma_start3A_105 : memref<1000000x64xf32, #tpu.memory_space<hbm>>) target(%dma_start3A_99 : memref<128x64xf32, #tpu.memory_space<vmem>>) offsets(%dma_start3A_102 : memref<128xi32, #tpu.memory_space<vmem>>) semaphore(%arg9 : memref<!tpu.dma_semaphore, #tpu.memory_space<semaphore_mem>>)
    %add3A_106 = arith.constant 1 : i32
    %add3A_107 = vector.broadcast %add3A_106 : i32 to vector<16xi32>
    %add3A_108 = arith.addi %mul3A_5, %add3A_107 : vector<16xi32>
    %gather3A_109 = tpu.vector_load_idx %arg5[%add3A_108] : memref<25600xi32, #tpu.memory_space<vmem>>[vector<16xi32>], vector<16xi32>,
    %swap3A_110 = arith.constant 1 : i32
    %swap3A_111 = arith.index_cast %swap3A_110 : i32 to index
    %swap3A_112 = arith.constant 0 : index
    %swap3A_113 = tpu.vector_load %arg6[%swap3A_111, %swap3A_112] {strides = array<i32>} : memref<4x128xi32, #tpu.memory_space<vmem>>, vector<16xi32>,
    tpu.vector_store %arg6[%swap3A_111, %swap3A_112], %gather3A_109 {strides = array<i32>} : memref<4x128xi32, #tpu.memory_space<vmem>>, vector<16xi32>,
    %add3A_114 = arith.constant 801 : i32
    %add3A_115 = vector.broadcast %add3A_114 : i32 to vector<16xi32>
    %add3A_116 = arith.addi %mul3A_5, %add3A_115 : vector<16xi32>
    %gather3A_117 = tpu.vector_load_idx %arg5[%add3A_116] : memref<25600xi32, #tpu.memory_space<vmem>>[vector<16xi32>], vector<16xi32>,
    %swap3A_118 = arith.constant 1 : i32
    %swap3A_119 = arith.index_cast %swap3A_118 : i32 to index
    %swap3A_120 = arith.constant 16 : index
    %swap3A_121 = tpu.vector_load %arg6[%swap3A_119, %swap3A_120] {strides = array<i32>} : memref<4x128xi32, #tpu.memory_space<vmem>>, vector<16xi32>,
    tpu.vector_store %arg6[%swap3A_119, %swap3A_120], %gather3A_117 {strides = array<i32>} : memref<4x128xi32, #tpu.memory_space<vmem>>, vector<16xi32>,
    %add3A_122 = arith.constant 1601 : i32
    %add3A_123 = vector.broadcast %add3A_122 : i32 to vector<16xi32>
    %add3A_124 = arith.addi %mul3A_5, %add3A_123 : vector<16xi32>
    %gather3A_125 = tpu.vector_load_idx %arg5[%add3A_124] : memref<25600xi32, #tpu.memory_space<vmem>>[vector<16xi32>], vector<16xi32>,
    %swap3A_126 = arith.constant 1 : i32
    %swap3A_127 = arith.index_cast %swap3A_126 : i32 to index
    %swap3A_128 = arith.constant 32 : index
    %swap3A_129 = tpu.vector_load %arg6[%swap3A_127, %swap3A_128] {strides = array<i32>} : memref<4x128xi32, #tpu.memory_space<vmem>>, vector<16xi32>,
    tpu.vector_store %arg6[%swap3A_127, %swap3A_128], %gather3A_125 {strides = array<i32>} : memref<4x128xi32, #tpu.memory_space<vmem>>, vector<16xi32>,
    %add3A_130 = arith.constant 2401 : i32
    %add3A_131 = vector.broadcast %add3A_130 : i32 to vector<16xi32>
    %add3A_132 = arith.addi %mul3A_5, %add3A_131 : vector<16xi32>
    %gather3A_133 = tpu.vector_load_idx %arg5[%add3A_132] : memref<25600xi32, #tpu.memory_space<vmem>>[vector<16xi32>], vector<16xi32>,
    %swap3A_134 = arith.constant 1 : i32
    %swap3A_135 = arith.index_cast %swap3A_134 : i32 to index
    %swap3A_136 = arith.constant 48 : index
    %swap3A_137 = tpu.vector_load %arg6[%swap3A_135, %swap3A_136] {strides = array<i32>} : memref<4x128xi32, #tpu.memory_space<vmem>>, vector<16xi32>,
    tpu.vector_store %arg6[%swap3A_135, %swap3A_136], %gather3A_133 {strides = array<i32>} : memref<4x128xi32, #tpu.memory_space<vmem>>, vector<16xi32>,
    %add3A_138 = arith.constant 3201 : i32
    %add3A_139 = vector.broadcast %add3A_138 : i32 to vector<16xi32>
    %add3A_140 = arith.addi %mul3A_5, %add3A_139 : vector<16xi32>
    %gather3A_141 = tpu.vector_load_idx %arg5[%add3A_140] : memref<25600xi32, #tpu.memory_space<vmem>>[vector<16xi32>], vector<16xi32>,
    %swap3A_142 = arith.constant 1 : i32
    %swap3A_143 = arith.index_cast %swap3A_142 : i32 to index
    %swap3A_144 = arith.constant 64 : index
    %swap3A_145 = tpu.vector_load %arg6[%swap3A_143, %swap3A_144] {strides = array<i32>} : memref<4x128xi32, #tpu.memory_space<vmem>>, vector<16xi32>,
    tpu.vector_store %arg6[%swap3A_143, %swap3A_144], %gather3A_141 {strides = array<i32>} : memref<4x128xi32, #tpu.memory_space<vmem>>, vector<16xi32>,
    %add3A_146 = arith.constant 4001 : i32
    %add3A_147 = vector.broadcast %add3A_146 : i32 to vector<16xi32>
    %add3A_148 = arith.addi %mul3A_5, %add3A_147 : vector<16xi32>
    %gather3A_149 = tpu.vector_load_idx %arg5[%add3A_148] : memref<25600xi32, #tpu.memory_space<vmem>>[vector<16xi32>], vector<16xi32>,
    %swap3A_150 = arith.constant 1 : i32
    %swap3A_151 = arith.index_cast %swap3A_150 : i32 to index
    %swap3A_152 = arith.constant 80 : index
    %swap3A_153 = tpu.vector_load %arg6[%swap3A_151, %swap3A_152] {strides = array<i32>} : memref<4x128xi32, #tpu.memory_space<vmem>>, vector<16xi32>,
    tpu.vector_store %arg6[%swap3A_151, %swap3A_152], %gather3A_149 {strides = array<i32>} : memref<4x128xi32, #tpu.memory_space<vmem>>, vector<16xi32>,
    %add3A_154 = arith.constant 4801 : i32
    %add3A_155 = vector.broadcast %add3A_154 : i32 to vector<16xi32>
    %add3A_156 = arith.addi %mul3A_5, %add3A_155 : vector<16xi32>
    %gather3A_157 = tpu.vector_load_idx %arg5[%add3A_156] : memref<25600xi32, #tpu.memory_space<vmem>>[vector<16xi32>], vector<16xi32>,
    %swap3A_158 = arith.constant 1 : i32
    %swap3A_159 = arith.index_cast %swap3A_158 : i32 to index
    %swap3A_160 = arith.constant 96 : index
    %swap3A_161 = tpu.vector_load %arg6[%swap3A_159, %swap3A_160] {strides = array<i32>} : memref<4x128xi32, #tpu.memory_space<vmem>>, vector<16xi32>,
    tpu.vector_store %arg6[%swap3A_159, %swap3A_160], %gather3A_157 {strides = array<i32>} : memref<4x128xi32, #tpu.memory_space<vmem>>, vector<16xi32>,
    %add3A_162 = arith.constant 5601 : i32
    %add3A_163 = vector.broadcast %add3A_162 : i32 to vector<16xi32>
    %add3A_164 = arith.addi %mul3A_5, %add3A_163 : vector<16xi32>
    %gather3A_165 = tpu.vector_load_idx %arg5[%add3A_164] : memref<25600xi32, #tpu.memory_space<vmem>>[vector<16xi32>], vector<16xi32>,
    %swap3A_166 = arith.constant 1 : i32
    %swap3A_167 = arith.index_cast %swap3A_166 : i32 to index
    %swap3A_168 = arith.constant 112 : index
    %swap3A_169 = tpu.vector_load %arg6[%swap3A_167, %swap3A_168] {strides = array<i32>} : memref<4x128xi32, #tpu.memory_space<vmem>>, vector<16xi32>,
    tpu.vector_store %arg6[%swap3A_167, %swap3A_168], %gather3A_165 {strides = array<i32>} : memref<4x128xi32, #tpu.memory_space<vmem>>, vector<16xi32>,
    %dma_start3A_170 = arith.constant 1 : i32
    %dma_start3A_171 = arith.constant 1 : i32
    %dma_start3A_172 = arith.constant 0 : i32
    %dma_start3A_173 = arith.constant 0 : i32
    %dma_start3A_174 = tpu.memref_slice %arg7[%dma_start3A_171, %dma_start3A_172, %dma_start3A_173] : memref<4x128x64xf32, #tpu.memory_space<vmem>> -> memref<1x128x64xf32, #tpu.memory_space<vmem>>
    %dma_start3A_175 = tpu.memref_squeeze %dma_start3A_174 : memref<1x128x64xf32, #tpu.memory_space<vmem>> -> memref<128x64xf32, #tpu.memory_space<vmem>>
    %dma_start3A_176 = arith.constant 0 : i32
    %dma_start3A_177 = tpu.memref_slice %arg6[%dma_start3A_170, %dma_start3A_176] : memref<4x128xi32, #tpu.memory_space<vmem>> -> memref<1x128xi32, #tpu.memory_space<vmem>>
    %dma_start3A_178 = tpu.memref_squeeze %dma_start3A_177 : memref<1x128xi32, #tpu.memory_space<vmem>> -> memref<128xi32, #tpu.memory_space<vmem>>
    %dma_start3A_179 = arith.constant 0 : i32
    %dma_start3A_180 = arith.constant 0 : i32
    %dma_start3A_181 = tpu.memref_slice %arg3[%dma_start3A_179, %dma_start3A_180] : memref<1000000x64xf32, #tpu.memory_space<hbm>> -> memref<1000000x64xf32, #tpu.memory_space<hbm>>
    tpu.enqueue_indirect_dma source(%dma_start3A_181 : memref<1000000x64xf32, #tpu.memory_space<hbm>>) target(%dma_start3A_175 : memref<128x64xf32, #tpu.memory_space<vmem>>) offsets(%dma_start3A_178 : memref<128xi32, #tpu.memory_space<vmem>>) semaphore(%arg10 : memref<!tpu.dma_semaphore, #tpu.memory_space<semaphore_mem>>)
    %add3A_182 = arith.constant 2 : i32
    %add3A_183 = vector.broadcast %add3A_182 : i32 to vector<16xi32>
    %add3A_184 = arith.addi %mul3A_5, %add3A_183 : vector<16xi32>
    %gather3A_185 = tpu.vector_load_idx %arg5[%add3A_184] : memref<25600xi32, #tpu.memory_space<vmem>>[vector<16xi32>], vector<16xi32>,
    %swap3A_186 = arith.constant 2 : i32
    %swap3A_187 = arith.index_cast %swap3A_186 : i32 to index
    %swap3A_188 = arith.constant 0 : index
    %swap3A_189 = tpu.vector_load %arg6[%swap3A_187, %swap3A_188] {strides = array<i32>} : memref<4x128xi32, #tpu.memory_space<vmem>>, vector<16xi32>,
    tpu.vector_store %arg6[%swap3A_187, %swap3A_188], %gather3A_185 {strides = array<i32>} : memref<4x128xi32, #tpu.memory_space<vmem>>, vector<16xi32>,
    %add3A_190 = arith.constant 802 : i32
    %add3A_191 = vector.broadcast %add3A_190 : i32 to vector<16xi32>
    %add3A_192 = arith.addi %mul3A_5, %add3A_191 : vector<16xi32>
    %gather3A_193 = tpu.vector_load_idx %arg5[%add3A_192] : memref<25600xi32, #tpu.memory_space<vmem>>[vector<16xi32>], vector<16xi32>,
    %swap3A_194 = arith.constant 2 : i32
    %swap3A_195 = arith.index_cast %swap3A_194 : i32 to index
    %swap3A_196 = arith.constant 16 : index
    %swap3A_197 = tpu.vector_load %arg6[%swap3A_195, %swap3A_196] {strides = array<i32>} : memref<4x128xi32, #tpu.memory_space<vmem>>, vector<16xi32>,
    tpu.vector_store %arg6[%swap3A_195, %swap3A_196], %gather3A_193 {strides = array<i32>} : memref<4x128xi32, #tpu.memory_space<vmem>>, vector<16xi32>,
    %add3A_198 = arith.constant 1602 : i32
    %add3A_199 = vector.broadcast %add3A_198 : i32 to vector<16xi32>
    %add3A_200 = arith.addi %mul3A_5, %add3A_199 : vector<16xi32>
    %gather3A_201 = tpu.vector_load_idx %arg5[%add3A_200] : memref<25600xi32, #tpu.memory_space<vmem>>[vector<16xi32>], vector<16xi32>,
    %swap3A_202 = arith.constant 2 : i32
    %swap3A_203 = arith.index_cast %swap3A_202 : i32 to index
    %swap3A_204 = arith.constant 32 : index
    %swap3A_205 = tpu.vector_load %arg6[%swap3A_203, %swap3A_204] {strides = array<i32>} : memref<4x128xi32, #tpu.memory_space<vmem>>, vector<16xi32>,
    tpu.vector_store %arg6[%swap3A_203, %swap3A_204], %gather3A_201 {strides = array<i32>} : memref<4x128xi32, #tpu.memory_space<vmem>>, vector<16xi32>,
    %add3A_206 = arith.constant 2402 : i32
    %add3A_207 = vector.broadcast %add3A_206 : i32 to vector<16xi32>
    %add3A_208 = arith.addi %mul3A_5, %add3A_207 : vector<16xi32>
    %gather3A_209 = tpu.vector_load_idx %arg5[%add3A_208] : memref<25600xi32, #tpu.memory_space<vmem>>[vector<16xi32>], vector<16xi32>,
    %swap3A_210 = arith.constant 2 : i32
    %swap3A_211 = arith.index_cast %swap3A_210 : i32 to index
    %swap3A_212 = arith.constant 48 : index
    %swap3A_213 = tpu.vector_load %arg6[%swap3A_211, %swap3A_212] {strides = array<i32>} : memref<4x128xi32, #tpu.memory_space<vmem>>, vector<16xi32>,
    tpu.vector_store %arg6[%swap3A_211, %swap3A_212], %gather3A_209 {strides = array<i32>} : memref<4x128xi32, #tpu.memory_space<vmem>>, vector<16xi32>,
    %add3A_214 = arith.constant 3202 : i32
    %add3A_215 = vector.broadcast %add3A_214 : i32 to vector<16xi32>
    %add3A_216 = arith.addi %mul3A_5, %add3A_215 : vector<16xi32>
    %gather3A_217 = tpu.vector_load_idx %arg5[%add3A_216] : memref<25600xi32, #tpu.memory_space<vmem>>[vector<16xi32>], vector<16xi32>,
    %swap3A_218 = arith.constant 2 : i32
    %swap3A_219 = arith.index_cast %swap3A_218 : i32 to index
    %swap3A_220 = arith.constant 64 : index
    %swap3A_221 = tpu.vector_load %arg6[%swap3A_219, %swap3A_220] {strides = array<i32>} : memref<4x128xi32, #tpu.memory_space<vmem>>, vector<16xi32>,
    tpu.vector_store %arg6[%swap3A_219, %swap3A_220], %gather3A_217 {strides = array<i32>} : memref<4x128xi32, #tpu.memory_space<vmem>>, vector<16xi32>,
    %add3A_222 = arith.constant 4002 : i32
    %add3A_223 = vector.broadcast %add3A_222 : i32 to vector<16xi32>
    %add3A_224 = arith.addi %mul3A_5, %add3A_223 : vector<16xi32>
    %gather3A_225 = tpu.vector_load_idx %arg5[%add3A_224] : memref<25600xi32, #tpu.memory_space<vmem>>[vector<16xi32>], vector<16xi32>,
    %swap3A_226 = arith.constant 2 : i32
    %swap3A_227 = arith.index_cast %swap3A_226 : i32 to index
    %swap3A_228 = arith.constant 80 : index
    %swap3A_229 = tpu.vector_load %arg6[%swap3A_227, %swap3A_228] {strides = array<i32>} : memref<4x128xi32, #tpu.memory_space<vmem>>, vector<16xi32>,
    tpu.vector_store %arg6[%swap3A_227, %swap3A_228], %gather3A_225 {strides = array<i32>} : memref<4x128xi32, #tpu.memory_space<vmem>>, vector<16xi32>,
    %add3A_230 = arith.constant 4802 : i32
    %add3A_231 = vector.broadcast %add3A_230 : i32 to vector<16xi32>
    %add3A_232 = arith.addi %mul3A_5, %add3A_231 : vector<16xi32>
    %gather3A_233 = tpu.vector_load_idx %arg5[%add3A_232] : memref<25600xi32, #tpu.memory_space<vmem>>[vector<16xi32>], vector<16xi32>,
    %swap3A_234 = arith.constant 2 : i32
    %swap3A_235 = arith.index_cast %swap3A_234 : i32 to index
    %swap3A_236 = arith.constant 96 : index
    %swap3A_237 = tpu.vector_load %arg6[%swap3A_235, %swap3A_236] {strides = array<i32>} : memref<4x128xi32, #tpu.memory_space<vmem>>, vector<16xi32>,
    tpu.vector_store %arg6[%swap3A_235, %swap3A_236], %gather3A_233 {strides = array<i32>} : memref<4x128xi32, #tpu.memory_space<vmem>>, vector<16xi32>,
    %add3A_238 = arith.constant 5602 : i32
    %add3A_239 = vector.broadcast %add3A_238 : i32 to vector<16xi32>
    %add3A_240 = arith.addi %mul3A_5, %add3A_239 : vector<16xi32>
    %gather3A_241 = tpu.vector_load_idx %arg5[%add3A_240] : memref<25600xi32, #tpu.memory_space<vmem>>[vector<16xi32>], vector<16xi32>,
    %swap3A_242 = arith.constant 2 : i32
    %swap3A_243 = arith.index_cast %swap3A_242 : i32 to index
    %swap3A_244 = arith.constant 112 : index
    %swap3A_245 = tpu.vector_load %arg6[%swap3A_243, %swap3A_244] {strides = array<i32>} : memref<4x128xi32, #tpu.memory_space<vmem>>, vector<16xi32>,
    tpu.vector_store %arg6[%swap3A_243, %swap3A_244], %gather3A_241 {strides = array<i32>} : memref<4x128xi32, #tpu.memory_space<vmem>>, vector<16xi32>,
    %dma_start3A_246 = arith.constant 2 : i32
    %dma_start3A_247 = arith.constant 2 : i32
    %dma_start3A_248 = arith.constant 0 : i32
    %dma_start3A_249 = arith.constant 0 : i32
    %dma_start3A_250 = tpu.memref_slice %arg7[%dma_start3A_247, %dma_start3A_248, %dma_start3A_249] : memref<4x128x64xf32, #tpu.memory_space<vmem>> -> memref<1x128x64xf32, #tpu.memory_space<vmem>>
    %dma_start3A_251 = tpu.memref_squeeze %dma_start3A_250 : memref<1x128x64xf32, #tpu.memory_space<vmem>> -> memref<128x64xf32, #tpu.memory_space<vmem>>
    %dma_start3A_252 = arith.constant 0 : i32
    %dma_start3A_253 = tpu.memref_slice %arg6[%dma_start3A_246, %dma_start3A_252] : memref<4x128xi32, #tpu.memory_space<vmem>> -> memref<1x128xi32, #tpu.memory_space<vmem>>
    %dma_start3A_254 = tpu.memref_squeeze %dma_start3A_253 : memref<1x128xi32, #tpu.memory_space<vmem>> -> memref<128xi32, #tpu.memory_space<vmem>>
    %dma_start3A_255 = arith.constant 0 : i32
    %dma_start3A_256 = arith.constant 0 : i32
    %dma_start3A_257 = tpu.memref_slice %arg3[%dma_start3A_255, %dma_start3A_256] : memref<1000000x64xf32, #tpu.memory_space<hbm>> -> memref<1000000x64xf32, #tpu.memory_space<hbm>>
    tpu.enqueue_indirect_dma source(%dma_start3A_257 : memref<1000000x64xf32, #tpu.memory_space<hbm>>) target(%dma_start3A_251 : memref<128x64xf32, #tpu.memory_space<vmem>>) offsets(%dma_start3A_254 : memref<128xi32, #tpu.memory_space<vmem>>) semaphore(%arg11 : memref<!tpu.dma_semaphore, #tpu.memory_space<semaphore_mem>>)
    %scan3A = arith.constant 0 : i32
    %scan3A_258 = arith.constant 50 : i32
    %scan3A_259 = arith.addi %scan3A, %scan3A_258 : i32
    %scan3A_260 = arith.constant 1 : i32
    scf.for %scan3A_291 = %scan3A to %scan3A_259 step %scan3A_260  : i32 {
      %mul3A_292 = arith.constant 4 : i32
      %mul3A_293 = arith.muli %scan3A_291, %mul3A_292 : i32
      %add3A_294 = arith.constant 0 : i32
      %add3A_295 = arith.addi %mul3A_293, %add3A_294 : i32
      %add3A_296 = arith.constant 3 : i32
      %add3A_297 = arith.addi %add3A_295, %add3A_296 : i32
      %lt3A = arith.constant 200 : i32
      %lt3A_298 = arith.cmpi slt, %add3A_297, %lt3A : i32
      %convert_element_type3A = arith.extui %lt3A_298 : i1 to i32
      %cond3A = arith.constant 0 : i32
      %cond3A_299 = arith.cmpi ne, %convert_element_type3A, %cond3A : i32
      scf.if %cond3A_299 {
        %jit3A_549 = arith.constant 50 : i32
        %div3A_550 = arith.divsi %add3A_297, %jit3A_549 : i32
        %sign3A_551 = arith.constant 0 : i32
        %sign3A_552 = arith.cmpi sgt, %add3A_297, %sign3A_551 : i32
        %sign3A_553 = arith.extui %sign3A_552 : i1 to i32
        %sign3A_554 = arith.constant 0 : i32
        %sign3A_555 = arith.cmpi slt, %add3A_297, %sign3A_554 : i32
        %sign3A_556 = arith.extui %sign3A_555 : i1 to i32
        %sign3A_557 = arith.subi %sign3A_553, %sign3A_556 : i32
        %sign3A_558 = arith.constant 0 : i32
        %sign3A_559 = arith.cmpi sgt, %jit3A_549, %sign3A_558 : i32
        %sign3A_560 = arith.extui %sign3A_559 : i1 to i32
        %sign3A_561 = arith.constant 0 : i32
        %sign3A_562 = arith.cmpi slt, %jit3A_549, %sign3A_561 : i32
        %sign3A_563 = arith.extui %sign3A_562 : i1 to i32
        %sign3A_564 = arith.subi %sign3A_560, %sign3A_563 : i32
        %ne3A_565 = arith.cmpi ne, %sign3A_557, %sign3A_564 : i32
        %rem3A_566 = arith.remsi %add3A_297, %jit3A_549 : i32
        %ne3A_567 = arith.constant 0 : i32
        %ne3A_568 = arith.cmpi ne, %rem3A_566, %ne3A_567 : i32
        %and3A_569 = arith.andi %ne3A_565, %ne3A_568 : i1
        %sub3A_570 = arith.constant 1 : i32
        %sub3A_571 = arith.subi %div3A_550, %sub3A_570 : i32
        %select_n3A_572 = arith.select %and3A_569, %sub3A_571, %div3A_550 : i32
        %mul3A_573 = arith.constant 50 : i32
        %mul3A_574 = arith.muli %select_n3A_572, %mul3A_573 : i32
        %sub3A_575 = arith.subi %add3A_297, %mul3A_574 : i32
        %mul3A_576 = arith.constant 6400 : i32
        %mul3A_577 = arith.muli %select_n3A_572, %mul3A_576 : i32
        %add3A_578 = arith.addi %mul3A_577, %sub3A_575 : i32
        %add3A_579 = arith.constant 0 : i32
        %add3A_580 = arith.addi %add3A_578, %add3A_579 : i32
        %add3A_581 = vector.broadcast %add3A_580 : i32 to vector<16xi32>
        %add3A_582 = arith.addi %mul3A_5, %add3A_581 : vector<16xi32>
        %gather3A_583 = tpu.vector_load_idx %arg5[%add3A_582] : memref<25600xi32, #tpu.memory_space<vmem>>[vector<16xi32>], vector<16xi32>,
        %swap3A_584 = arith.constant 3 : i32
        %swap3A_585 = arith.index_cast %swap3A_584 : i32 to index
        %swap3A_586 = arith.constant 0 : index
        %swap3A_587 = tpu.vector_load %arg6[%swap3A_585, %swap3A_586] {strides = array<i32>} : memref<4x128xi32, #tpu.memory_space<vmem>>, vector<16xi32>,
        tpu.vector_store %arg6[%swap3A_585, %swap3A_586], %gather3A_583 {strides = array<i32>} : memref<4x128xi32, #tpu.memory_space<vmem>>, vector<16xi32>,
        %add3A_588 = arith.constant 800 : i32
        %add3A_589 = arith.addi %add3A_578, %add3A_588 : i32
        %add3A_590 = vector.broadcast %add3A_589 : i32 to vector<16xi32>
        %add3A_591 = arith.addi %mul3A_5, %add3A_590 : vector<16xi32>
        %gather3A_592 = tpu.vector_load_idx %arg5[%add3A_591] : memref<25600xi32, #tpu.memory_space<vmem>>[vector<16xi32>], vector<16xi32>,
        %swap3A_593 = arith.constant 3 : i32
        %swap3A_594 = arith.index_cast %swap3A_593 : i32 to index
        %swap3A_595 = arith.constant 16 : index
        %swap3A_596 = tpu.vector_load %arg6[%swap3A_594, %swap3A_595] {strides = array<i32>} : memref<4x128xi32, #tpu.memory_space<vmem>>, vector<16xi32>,
        tpu.vector_store %arg6[%swap3A_594, %swap3A_595], %gather3A_592 {strides = array<i32>} : memref<4x128xi32, #tpu.memory_space<vmem>>, vector<16xi32>,
        %add3A_597 = arith.constant 1600 : i32
        %add3A_598 = arith.addi %add3A_578, %add3A_597 : i32
        %add3A_599 = vector.broadcast %add3A_598 : i32 to vector<16xi32>
        %add3A_600 = arith.addi %mul3A_5, %add3A_599 : vector<16xi32>
        %gather3A_601 = tpu.vector_load_idx %arg5[%add3A_600] : memref<25600xi32, #tpu.memory_space<vmem>>[vector<16xi32>], vector<16xi32>,
        %swap3A_602 = arith.constant 3 : i32
        %swap3A_603 = arith.index_cast %swap3A_602 : i32 to index
        %swap3A_604 = arith.constant 32 : index
        %swap3A_605 = tpu.vector_load %arg6[%swap3A_603, %swap3A_604] {strides = array<i32>} : memref<4x128xi32, #tpu.memory_space<vmem>>, vector<16xi32>,
        tpu.vector_store %arg6[%swap3A_603, %swap3A_604], %gather3A_601 {strides = array<i32>} : memref<4x128xi32, #tpu.memory_space<vmem>>, vector<16xi32>,
        %add3A_606 = arith.constant 2400 : i32
        %add3A_607 = arith.addi %add3A_578, %add3A_606 : i32
        %add3A_608 = vector.broadcast %add3A_607 : i32 to vector<16xi32>
        %add3A_609 = arith.addi %mul3A_5, %add3A_608 : vector<16xi32>
        %gather3A_610 = tpu.vector_load_idx %arg5[%add3A_609] : memref<25600xi32, #tpu.memory_space<vmem>>[vector<16xi32>], vector<16xi32>,
        %swap3A_611 = arith.constant 3 : i32
        %swap3A_612 = arith.index_cast %swap3A_611 : i32 to index
        %swap3A_613 = arith.constant 48 : index
        %swap3A_614 = tpu.vector_load %arg6[%swap3A_612, %swap3A_613] {strides = array<i32>} : memref<4x128xi32, #tpu.memory_space<vmem>>, vector<16xi32>,
        tpu.vector_store %arg6[%swap3A_612, %swap3A_613], %gather3A_610 {strides = array<i32>} : memref<4x128xi32, #tpu.memory_space<vmem>>, vector<16xi32>,
        %add3A_615 = arith.constant 3200 : i32
        %add3A_616 = arith.addi %add3A_578, %add3A_615 : i32
        %add3A_617 = vector.broadcast %add3A_616 : i32 to vector<16xi32>
        %add3A_618 = arith.addi %mul3A_5, %add3A_617 : vector<16xi32>
        %gather3A_619 = tpu.vector_load_idx %arg5[%add3A_618] : memref<25600xi32, #tpu.memory_space<vmem>>[vector<16xi32>], vector<16xi32>,
        %swap3A_620 = arith.constant 3 : i32
        %swap3A_621 = arith.index_cast %swap3A_620 : i32 to index
        %swap3A_622 = arith.constant 64 : index
        %swap3A_623 = tpu.vector_load %arg6[%swap3A_621, %swap3A_622] {strides = array<i32>} : memref<4x128xi32, #tpu.memory_space<vmem>>, vector<16xi32>,
        tpu.vector_store %arg6[%swap3A_621, %swap3A_622], %gather3A_619 {strides = array<i32>} : memref<4x128xi32, #tpu.memory_space<vmem>>, vector<16xi32>,
        %add3A_624 = arith.constant 4000 : i32
        %add3A_625 = arith.addi %add3A_578, %add3A_624 : i32
        %add3A_626 = vector.broadcast %add3A_625 : i32 to vector<16xi32>
        %add3A_627 = arith.addi %mul3A_5, %add3A_626 : vector<16xi32>
        %gather3A_628 = tpu.vector_load_idx %arg5[%add3A_627] : memref<25600xi32, #tpu.memory_space<vmem>>[vector<16xi32>], vector<16xi32>,
        %swap3A_629 = arith.constant 3 : i32
        %swap3A_630 = arith.index_cast %swap3A_629 : i32 to index
        %swap3A_631 = arith.constant 80 : index
        %swap3A_632 = tpu.vector_load %arg6[%swap3A_630, %swap3A_631] {strides = array<i32>} : memref<4x128xi32, #tpu.memory_space<vmem>>, vector<16xi32>,
        tpu.vector_store %arg6[%swap3A_630, %swap3A_631], %gather3A_628 {strides = array<i32>} : memref<4x128xi32, #tpu.memory_space<vmem>>, vector<16xi32>,
        %add3A_633 = arith.constant 4800 : i32
        %add3A_634 = arith.addi %add3A_578, %add3A_633 : i32
        %add3A_635 = vector.broadcast %add3A_634 : i32 to vector<16xi32>
        %add3A_636 = arith.addi %mul3A_5, %add3A_635 : vector<16xi32>
        %gather3A_637 = tpu.vector_load_idx %arg5[%add3A_636] : memref<25600xi32, #tpu.memory_space<vmem>>[vector<16xi32>], vector<16xi32>,
        %swap3A_638 = arith.constant 3 : i32
        %swap3A_639 = arith.index_cast %swap3A_638 : i32 to index
        %swap3A_640 = arith.constant 96 : index
        %swap3A_641 = tpu.vector_load %arg6[%swap3A_639, %swap3A_640] {strides = array<i32>} : memref<4x128xi32, #tpu.memory_space<vmem>>, vector<16xi32>,
        tpu.vector_store %arg6[%swap3A_639, %swap3A_640], %gather3A_637 {strides = array<i32>} : memref<4x128xi32, #tpu.memory_space<vmem>>, vector<16xi32>,
        %add3A_642 = arith.constant 5600 : i32
        %add3A_643 = arith.addi %add3A_578, %add3A_642 : i32
        %add3A_644 = vector.broadcast %add3A_643 : i32 to vector<16xi32>
        %add3A_645 = arith.addi %mul3A_5, %add3A_644 : vector<16xi32>
        %gather3A_646 = tpu.vector_load_idx %arg5[%add3A_645] : memref<25600xi32, #tpu.memory_space<vmem>>[vector<16xi32>], vector<16xi32>,
        %swap3A_647 = arith.constant 3 : i32
        %swap3A_648 = arith.index_cast %swap3A_647 : i32 to index
        %swap3A_649 = arith.constant 112 : index
        %swap3A_650 = tpu.vector_load %arg6[%swap3A_648, %swap3A_649] {strides = array<i32>} : memref<4x128xi32, #tpu.memory_space<vmem>>, vector<16xi32>,
        tpu.vector_store %arg6[%swap3A_648, %swap3A_649], %gather3A_646 {strides = array<i32>} : memref<4x128xi32, #tpu.memory_space<vmem>>, vector<16xi32>,
        %dma_start3A_651 = arith.constant 3 : i32
        %dma_start3A_652 = arith.constant 3 : i32
        %dma_start3A_653 = arith.constant 0 : i32
        %dma_start3A_654 = arith.constant 0 : i32
        %dma_start3A_655 = tpu.memref_slice %arg7[%dma_start3A_652, %dma_start3A_653, %dma_start3A_654] : memref<4x128x64xf32, #tpu.memory_space<vmem>> -> memref<1x128x64xf32, #tpu.memory_space<vmem>>
        %dma_start3A_656 = tpu.memref_squeeze %dma_start3A_655 : memref<1x128x64xf32, #tpu.memory_space<vmem>> -> memref<128x64xf32, #tpu.memory_space<vmem>>
        %dma_start3A_657 = arith.constant 0 : i32
        %dma_start3A_658 = tpu.memref_slice %arg6[%dma_start3A_651, %dma_start3A_657] : memref<4x128xi32, #tpu.memory_space<vmem>> -> memref<1x128xi32, #tpu.memory_space<vmem>>
        %dma_start3A_659 = tpu.memref_squeeze %dma_start3A_658 : memref<1x128xi32, #tpu.memory_space<vmem>> -> memref<128xi32, #tpu.memory_space<vmem>>
        %dma_start3A_660 = arith.constant 0 : i32
        %dma_start3A_661 = arith.constant 0 : i32
        %dma_start3A_662 = tpu.memref_slice %arg3[%dma_start3A_660, %dma_start3A_661] : memref<1000000x64xf32, #tpu.memory_space<hbm>> -> memref<1000000x64xf32, #tpu.memory_space<hbm>>
        tpu.enqueue_indirect_dma source(%dma_start3A_662 : memref<1000000x64xf32, #tpu.memory_space<hbm>>) target(%dma_start3A_656 : memref<128x64xf32, #tpu.memory_space<vmem>>) offsets(%dma_start3A_659 : memref<128xi32, #tpu.memory_space<vmem>>) semaphore(%arg12 : memref<!tpu.dma_semaphore, #tpu.memory_space<semaphore_mem>>)
      } else {
      }
      %dma_wait3A_300 = arith.constant 0 : i32
      %dma_wait3A_301 = arith.constant 0 : i32
      %dma_wait3A_302 = arith.constant 0 : i32
      %dma_wait3A_303 = tpu.memref_slice %arg7[%dma_wait3A_300, %dma_wait3A_301, %dma_wait3A_302] : memref<4x128x64xf32, #tpu.memory_space<vmem>> -> memref<1x128x64xf32, #tpu.memory_space<vmem>>
      %dma_wait3A_304 = tpu.memref_squeeze %dma_wait3A_303 : memref<1x128x64xf32, #tpu.memory_space<vmem>> -> memref<128x64xf32, #tpu.memory_space<vmem>>
      %dma_wait3A_305 = arith.constant 0 : i32
      %dma_wait3A_306 = arith.constant 0 : i32
      %dma_wait3A_307 = tpu.memref_slice %arg3[%dma_wait3A_305, %dma_wait3A_306] : memref<1000000x64xf32, #tpu.memory_space<hbm>> -> memref<128x64xf32, #tpu.memory_space<hbm>>
      %dma_wait3A_308 = arith.constant 0 : i32
      %dma_wait3A_309 = arith.constant 0 : i32
      %dma_wait3A_310 = tpu.memref_slice %arg7[%dma_wait3A_300, %dma_wait3A_308, %dma_wait3A_309] : memref<4x128x64xf32, #tpu.memory_space<vmem>> -> memref<1x128x64xf32, #tpu.memory_space<vmem>>
      %dma_wait3A_311 = tpu.memref_squeeze %dma_wait3A_310 : memref<1x128x64xf32, #tpu.memory_space<vmem>> -> memref<128x64xf32, #tpu.memory_space<vmem>>
      %dma_wait3A_312 = arith.constant 0 : i32
      %dma_wait3A_313 = arith.constant 0 : i32
      %dma_wait3A_314 = tpu.memref_slice %arg3[%dma_wait3A_312, %dma_wait3A_313] : memref<1000000x64xf32, #tpu.memory_space<hbm>> -> memref<128x64xf32, #tpu.memory_space<hbm>>
      tpu.wait_dma2 semaphore(%arg9 : memref<!tpu.dma_semaphore, #tpu.memory_space<semaphore_mem>>) src(%dma_wait3A_314 : memref<128x64xf32, #tpu.memory_space<hbm>>) dst(%dma_wait3A_311 : memref<128x64xf32, #tpu.memory_space<vmem>>)
      %ge3A = arith.constant 2 : i32
      %ge3A_315 = arith.cmpi sge, %add3A_295, %ge3A : i32
      %convert_element_type3A_316 = arith.extui %ge3A_315 : i1 to i32
      %cond3A_317 = arith.constant 0 : i32
      %cond3A_318 = arith.cmpi ne, %convert_element_type3A_316, %cond3A_317 : i32
      scf.if %cond3A_318 {
        %dma_wait3A_549 = arith.constant 0 : i32
        %dma_wait3A_550 = arith.constant 0 : i32
        %dma_wait3A_551 = arith.constant 0 : i32
        %dma_wait3A_552 = tpu.memref_slice %arg7[%dma_wait3A_549, %dma_wait3A_550, %dma_wait3A_551] : memref<4x128x64xf32, #tpu.memory_space<vmem>> -> memref<1x128x64xf32, #tpu.memory_space<vmem>>
        %dma_wait3A_553 = tpu.memref_squeeze %dma_wait3A_552 : memref<1x128x64xf32, #tpu.memory_space<vmem>> -> memref<128x64xf32, #tpu.memory_space<vmem>>
        %dma_wait3A_554 = arith.constant 0 : i32
        %dma_wait3A_555 = arith.constant 0 : i32
        %dma_wait3A_556 = tpu.memref_slice %arg3[%dma_wait3A_554, %dma_wait3A_555] : memref<1000000x64xf32, #tpu.memory_space<hbm>> -> memref<128x64xf32, #tpu.memory_space<hbm>>
        %dma_wait3A_557 = arith.constant 0 : i32
        %dma_wait3A_558 = arith.constant 0 : i32
        %dma_wait3A_559 = tpu.memref_slice %arg7[%dma_wait3A_549, %dma_wait3A_557, %dma_wait3A_558] : memref<4x128x64xf32, #tpu.memory_space<vmem>> -> memref<1x128x64xf32, #tpu.memory_space<vmem>>
        %dma_wait3A_560 = tpu.memref_squeeze %dma_wait3A_559 : memref<1x128x64xf32, #tpu.memory_space<vmem>> -> memref<128x64xf32, #tpu.memory_space<vmem>>
        %dma_wait3A_561 = arith.constant 0 : i32
        %dma_wait3A_562 = arith.constant 0 : i32
        %dma_wait3A_563 = tpu.memref_slice %arg3[%dma_wait3A_561, %dma_wait3A_562] : memref<1000000x64xf32, #tpu.memory_space<hbm>> -> memref<128x64xf32, #tpu.memory_space<hbm>>
        tpu.wait_dma2 semaphore(%arg13 : memref<!tpu.dma_semaphore, #tpu.memory_space<semaphore_mem>>) src(%dma_wait3A_563 : memref<128x64xf32, #tpu.memory_space<hbm>>) dst(%dma_wait3A_560 : memref<128x64xf32, #tpu.memory_space<vmem>>)
      } else {
      }
      %parallel_loop3A = arith.constant 0 : i32
      %parallel_loop3A_319 = arith.constant 128 : i32
      %parallel_loop3A_320 = arith.constant 1 : i32
      scf.for %parallel_loop3A_549 = %parallel_loop3A to %parallel_loop3A_319 step %parallel_loop3A_320  : i32 {
        %parallel_loop3A_550 = vector.broadcast %parallel_loop3A_549 : i32 to vector<16xi32>
        %parallel_loop3A_551 = arith.addi %mul3A_8, %parallel_loop3A_550 : vector<16xi32>
        %parallel_loop3A_552 = arith.constant 0 : i32
        %parallel_loop3A_553 = arith.index_cast %parallel_loop3A_552 : i32 to index
        %parallel_loop3A_554 = arith.index_cast %parallel_loop3A_549 : i32 to index
        %parallel_loop3A_555 = arith.constant 0 : index
        %parallel_loop3A_556 = tpu.vector_load %arg7[%parallel_loop3A_553, %parallel_loop3A_554, %parallel_loop3A_555] {strides = array<i32>} : memref<4x128x64xf32, #tpu.memory_space<vmem>>, vector<16xf32>,
        %parallel_loop3A_557 = arith.constant 0 : i32
        %parallel_loop3A_558 = arith.constant 0 : i32
        %parallel_loop3A_559 = arith.constant 0 : i32
        %parallel_loop3A_560 = tpu.memref_slice %arg8[%parallel_loop3A_557, %parallel_loop3A_558, %parallel_loop3A_559] : memref<2x64x136xf32, #tpu.memory_space<vmem>> -> memref<1x64x136xf32, #tpu.memory_space<vmem>>
        %parallel_loop3A_561 = tpu.memref_squeeze %parallel_loop3A_560 : memref<1x64x136xf32, #tpu.memory_space<vmem>> -> memref<64x136xf32, #tpu.memory_space<vmem>>
        tpu.vector_store_idx %parallel_loop3A_561[%add3A_11, %parallel_loop3A_551], %parallel_loop3A_556 : memref<64x136xf32, #tpu.memory_space<vmem>>[vector<16xi32>, vector<16xi32>], vector<16xf32>,
        %parallel_loop3A_562 = arith.constant 0 : i32
        %parallel_loop3A_563 = arith.index_cast %parallel_loop3A_562 : i32 to index
        %parallel_loop3A_564 = arith.index_cast %parallel_loop3A_549 : i32 to index
        %parallel_loop3A_565 = arith.constant 16 : index
        %parallel_loop3A_566 = tpu.vector_load %arg7[%parallel_loop3A_563, %parallel_loop3A_564, %parallel_loop3A_565] {strides = array<i32>} : memref<4x128x64xf32, #tpu.memory_space<vmem>>, vector<16xf32>,
        %parallel_loop3A_567 = arith.constant 0 : i32
        %parallel_loop3A_568 = arith.constant 0 : i32
        %parallel_loop3A_569 = arith.constant 0 : i32
        %parallel_loop3A_570 = tpu.memref_slice %arg8[%parallel_loop3A_567, %parallel_loop3A_568, %parallel_loop3A_569] : memref<2x64x136xf32, #tpu.memory_space<vmem>> -> memref<1x64x136xf32, #tpu.memory_space<vmem>>
        %parallel_loop3A_571 = tpu.memref_squeeze %parallel_loop3A_570 : memref<1x64x136xf32, #tpu.memory_space<vmem>> -> memref<64x136xf32, #tpu.memory_space<vmem>>
        tpu.vector_store_idx %parallel_loop3A_571[%add3A_14, %parallel_loop3A_551], %parallel_loop3A_566 : memref<64x136xf32, #tpu.memory_space<vmem>>[vector<16xi32>, vector<16xi32>], vector<16xf32>,
        %parallel_loop3A_572 = arith.constant 0 : i32
        %parallel_loop3A_573 = arith.index_cast %parallel_loop3A_572 : i32 to index
        %parallel_loop3A_574 = arith.index_cast %parallel_loop3A_549 : i32 to index
        %parallel_loop3A_575 = arith.constant 32 : index
        %parallel_loop3A_576 = tpu.vector_load %arg7[%parallel_loop3A_573, %parallel_loop3A_574, %parallel_loop3A_575] {strides = array<i32>} : memref<4x128x64xf32, #tpu.memory_space<vmem>>, vector<16xf32>,
        %parallel_loop3A_577 = arith.constant 0 : i32
        %parallel_loop3A_578 = arith.constant 0 : i32
        %parallel_loop3A_579 = arith.constant 0 : i32
        %parallel_loop3A_580 = tpu.memref_slice %arg8[%parallel_loop3A_577, %parallel_loop3A_578, %parallel_loop3A_579] : memref<2x64x136xf32, #tpu.memory_space<vmem>> -> memref<1x64x136xf32, #tpu.memory_space<vmem>>
        %parallel_loop3A_581 = tpu.memref_squeeze %parallel_loop3A_580 : memref<1x64x136xf32, #tpu.memory_space<vmem>> -> memref<64x136xf32, #tpu.memory_space<vmem>>
        tpu.vector_store_idx %parallel_loop3A_581[%add3A_17, %parallel_loop3A_551], %parallel_loop3A_576 : memref<64x136xf32, #tpu.memory_space<vmem>>[vector<16xi32>, vector<16xi32>], vector<16xf32>,
        %parallel_loop3A_582 = arith.constant 0 : i32
        %parallel_loop3A_583 = arith.index_cast %parallel_loop3A_582 : i32 to index
        %parallel_loop3A_584 = arith.index_cast %parallel_loop3A_549 : i32 to index
        %parallel_loop3A_585 = arith.constant 48 : index
        %parallel_loop3A_586 = tpu.vector_load %arg7[%parallel_loop3A_583, %parallel_loop3A_584, %parallel_loop3A_585] {strides = array<i32>} : memref<4x128x64xf32, #tpu.memory_space<vmem>>, vector<16xf32>,
        %parallel_loop3A_587 = arith.constant 0 : i32
        %parallel_loop3A_588 = arith.constant 0 : i32
        %parallel_loop3A_589 = arith.constant 0 : i32
        %parallel_loop3A_590 = tpu.memref_slice %arg8[%parallel_loop3A_587, %parallel_loop3A_588, %parallel_loop3A_589] : memref<2x64x136xf32, #tpu.memory_space<vmem>> -> memref<1x64x136xf32, #tpu.memory_space<vmem>>
        %parallel_loop3A_591 = tpu.memref_squeeze %parallel_loop3A_590 : memref<1x64x136xf32, #tpu.memory_space<vmem>> -> memref<64x136xf32, #tpu.memory_space<vmem>>
        tpu.vector_store_idx %parallel_loop3A_591[%add3A_20, %parallel_loop3A_551], %parallel_loop3A_586 : memref<64x136xf32, #tpu.memory_space<vmem>>[vector<16xi32>, vector<16xi32>], vector<16xf32>,
      } {sc.loop_unroll_factor = 4 : i64, sc.parallel_access}
      %jit3A = arith.constant 50 : i32
      %div3A = arith.divsi %add3A_295, %jit3A : i32
      %sign3A = arith.constant 0 : i32
      %sign3A_321 = arith.cmpi sgt, %add3A_295, %sign3A : i32
      %sign3A_322 = arith.extui %sign3A_321 : i1 to i32
      %sign3A_323 = arith.constant 0 : i32
      %sign3A_324 = arith.cmpi slt, %add3A_295, %sign3A_323 : i32
      %sign3A_325 = arith.extui %sign3A_324 : i1 to i32
      %sign3A_326 = arith.subi %sign3A_322, %sign3A_325 : i32
      %sign3A_327 = arith.constant 0 : i32
      %sign3A_328 = arith.cmpi sgt, %jit3A, %sign3A_327 : i32
      %sign3A_329 = arith.extui %sign3A_328 : i1 to i32
      %sign3A_330 = arith.constant 0 : i32
      %sign3A_331 = arith.cmpi slt, %jit3A, %sign3A_330 : i32
      %sign3A_332 = arith.extui %sign3A_331 : i1 to i32
      %sign3A_333 = arith.subi %sign3A_329, %sign3A_332 : i32
      %ne3A = arith.cmpi ne, %sign3A_326, %sign3A_333 : i32
      %rem3A = arith.remsi %add3A_295, %jit3A : i32
      %ne3A_334 = arith.constant 0 : i32
      %ne3A_335 = arith.cmpi ne, %rem3A, %ne3A_334 : i32
      %and3A = arith.andi %ne3A, %ne3A_335 : i1
      %sub3A = arith.constant 1 : i32
      %sub3A_336 = arith.subi %div3A, %sub3A : i32
      %select_n3A = arith.select %and3A, %sub3A_336, %div3A : i32
      %mul3A_337 = arith.constant 50 : i32
      %mul3A_338 = arith.muli %select_n3A, %mul3A_337 : i32
      %sub3A_339 = arith.subi %add3A_295, %mul3A_338 : i32
      %mul3A_340 = arith.constant 4 : i32
      %mul3A_341 = arith.muli %add3A, %mul3A_340 : i32
      %add3A_342 = arith.addi %mul3A_341, %select_n3A : i32
      %scan3A_343 = arith.constant 0 : i32
      %scan3A_344 = arith.constant 64 : i32
      %scan3A_345 = arith.addi %scan3A_343, %scan3A_344 : i32
      %scan3A_346 = arith.constant 8 : i32
      scf.for %scan3A_549 = %scan3A_343 to %scan3A_345 step %scan3A_346  : i32 {
        %jit3A_550 = arith.constant 8 : i32
        %div3A_551 = arith.divsi %scan3A_549, %jit3A_550 : i32
        %sign3A_552 = arith.constant 0 : i32
        %sign3A_553 = arith.cmpi sgt, %scan3A_549, %sign3A_552 : i32
        %sign3A_554 = arith.extui %sign3A_553 : i1 to i32
        %sign3A_555 = arith.constant 0 : i32
        %sign3A_556 = arith.cmpi slt, %scan3A_549, %sign3A_555 : i32
        %sign3A_557 = arith.extui %sign3A_556 : i1 to i32
        %sign3A_558 = arith.subi %sign3A_554, %sign3A_557 : i32
        %sign3A_559 = arith.constant 0 : i32
        %sign3A_560 = arith.cmpi sgt, %jit3A_550, %sign3A_559 : i32
        %sign3A_561 = arith.extui %sign3A_560 : i1 to i32
        %sign3A_562 = arith.constant 0 : i32
        %sign3A_563 = arith.cmpi slt, %jit3A_550, %sign3A_562 : i32
        %sign3A_564 = arith.extui %sign3A_563 : i1 to i32
        %sign3A_565 = arith.subi %sign3A_561, %sign3A_564 : i32
        %ne3A_566 = arith.cmpi ne, %sign3A_558, %sign3A_565 : i32
        %rem3A_567 = arith.remsi %scan3A_549, %jit3A_550 : i32
        %ne3A_568 = arith.constant 0 : i32
        %ne3A_569 = arith.cmpi ne, %rem3A_567, %ne3A_568 : i32
        %and3A_570 = arith.andi %ne3A_566, %ne3A_569 : i1
        %sub3A_571 = arith.constant 1 : i32
        %sub3A_572 = arith.subi %div3A_551, %sub3A_571 : i32
        %select_n3A_573 = arith.select %and3A_570, %sub3A_572, %div3A_551 : i32
        %mul3A_574 = arith.constant 8 : i32
        %mul3A_575 = arith.muli %select_n3A_573, %mul3A_574 : i32
        %sub3A_576 = arith.subi %scan3A_549, %mul3A_575 : i32
        %dma_start3A_577 = arith.constant 0 : i32
        %dma_start3A_578 = arith.constant 0 : i32
        %dma_start3A_579 = tpu.memref_slice %arg8[%dma_start3A_577, %scan3A_549, %dma_start3A_578] : memref<2x64x136xf32, #tpu.memory_space<vmem>> -> memref<1x1x128xf32, #tpu.memory_space<vmem>>
        %dma_start3A_580 = tpu.memref_squeeze %dma_start3A_579 : memref<1x1x128xf32, #tpu.memory_space<vmem>> -> memref<128xf32, #tpu.memory_space<vmem>>
        %dma_start3A_581 = arith.constant 0 : i32
        %dma_start3A_582 = tpu.memref_slice %arg4[%sub3A_339, %select_n3A_573, %add3A_342, %sub3A_576, %dma_start3A_581] : memref<50x8x128x8x128xf32, #tpu.memory_space<hbm>> -> memref<1x1x1x1x128xf32, #tpu.memory_space<hbm>>
        %dma_start3A_583 = tpu.memref_squeeze %dma_start3A_582 : memref<1x1x1x1x128xf32, #tpu.memory_space<hbm>> -> memref<128xf32, #tpu.memory_space<hbm>>
        %dma_start3A_584 = arith.constant 0 : i32
        %dma_start3A_585 = tpu.memref_slice %arg4[%sub3A_339, %select_n3A_573, %add3A_342, %sub3A_576, %dma_start3A_584] : memref<50x8x128x8x128xf32, #tpu.memory_space<hbm>> -> memref<1x1x1x1x128xf32, #tpu.memory_space<hbm>>
        %dma_start3A_586 = tpu.memref_squeeze %dma_start3A_585 : memref<1x1x1x1x128xf32, #tpu.memory_space<hbm>> -> memref<128xf32, #tpu.memory_space<hbm>>
        %dma_start3A_587 = arith.constant 0 : i32
        %dma_start3A_588 = tpu.memref_slice %arg8[%dma_start3A_577, %scan3A_549, %dma_start3A_587] : memref<2x64x136xf32, #tpu.memory_space<vmem>> -> memref<1x1x128xf32, #tpu.memory_space<vmem>>
        %dma_start3A_589 = tpu.memref_squeeze %dma_start3A_588 : memref<1x1x128xf32, #tpu.memory_space<vmem>> -> memref<128xf32, #tpu.memory_space<vmem>>
        tpu.enqueue_dma source(%dma_start3A_589 : memref<128xf32, #tpu.memory_space<vmem>>) target(%dma_start3A_586 : memref<128xf32, #tpu.memory_space<hbm>>) target_semaphore(%arg13 : memref<!tpu.dma_semaphore, #tpu.memory_space<semaphore_mem>>)
        %scan3A_590 = arith.constant 1 : i32
        %scan3A_591 = arith.addi %scan3A_549, %scan3A_590 : i32
        %jit3A_592 = arith.constant 8 : i32
        %div3A_593 = arith.divsi %scan3A_591, %jit3A_592 : i32
        %sign3A_594 = arith.constant 0 : i32
        %sign3A_595 = arith.cmpi sgt, %scan3A_591, %sign3A_594 : i32
        %sign3A_596 = arith.extui %sign3A_595 : i1 to i32
        %sign3A_597 = arith.constant 0 : i32
        %sign3A_598 = arith.cmpi slt, %scan3A_591, %sign3A_597 : i32
        %sign3A_599 = arith.extui %sign3A_598 : i1 to i32
        %sign3A_600 = arith.subi %sign3A_596, %sign3A_599 : i32
        %sign3A_601 = arith.constant 0 : i32
        %sign3A_602 = arith.cmpi sgt, %jit3A_592, %sign3A_601 : i32
        %sign3A_603 = arith.extui %sign3A_602 : i1 to i32
        %sign3A_604 = arith.constant 0 : i32
        %sign3A_605 = arith.cmpi slt, %jit3A_592, %sign3A_604 : i32
        %sign3A_606 = arith.extui %sign3A_605 : i1 to i32
        %sign3A_607 = arith.subi %sign3A_603, %sign3A_606 : i32
        %ne3A_608 = arith.cmpi ne, %sign3A_600, %sign3A_607 : i32
        %rem3A_609 = arith.remsi %scan3A_591, %jit3A_592 : i32
        %ne3A_610 = arith.constant 0 : i32
        %ne3A_611 = arith.cmpi ne, %rem3A_609, %ne3A_610 : i32
        %and3A_612 = arith.andi %ne3A_608, %ne3A_611 : i1
        %sub3A_613 = arith.constant 1 : i32
        %sub3A_614 = arith.subi %div3A_593, %sub3A_613 : i32
        %select_n3A_615 = arith.select %and3A_612, %sub3A_614, %div3A_593 : i32
        %mul3A_616 = arith.constant 8 : i32
        %mul3A_617 = arith.muli %select_n3A_615, %mul3A_616 : i32
        %sub3A_618 = arith.subi %scan3A_591, %mul3A_617 : i32
        %dma_start3A_619 = arith.constant 0 : i32
        %dma_start3A_620 = arith.constant 0 : i32
        %dma_start3A_621 = tpu.memref_slice %arg8[%dma_start3A_619, %scan3A_591, %dma_start3A_620] : memref<2x64x136xf32, #tpu.memory_space<vmem>> -> memref<1x1x128xf32, #tpu.memory_space<vmem>>
        %dma_start3A_622 = tpu.memref_squeeze %dma_start3A_621 : memref<1x1x128xf32, #tpu.memory_space<vmem>> -> memref<128xf32, #tpu.memory_space<vmem>>
        %dma_start3A_623 = arith.constant 0 : i32
        %dma_start3A_624 = tpu.memref_slice %arg4[%sub3A_339, %select_n3A_615, %add3A_342, %sub3A_618, %dma_start3A_623] : memref<50x8x128x8x128xf32, #tpu.memory_space<hbm>> -> memref<1x1x1x1x128xf32, #tpu.memory_space<hbm>>
        %dma_start3A_625 = tpu.memref_squeeze %dma_start3A_624 : memref<1x1x1x1x128xf32, #tpu.memory_space<hbm>> -> memref<128xf32, #tpu.memory_space<hbm>>
        %dma_start3A_626 = arith.constant 0 : i32
        %dma_start3A_627 = tpu.memref_slice %arg4[%sub3A_339, %select_n3A_615, %add3A_342, %sub3A_618, %dma_start3A_626] : memref<50x8x128x8x128xf32, #tpu.memory_space<hbm>> -> memref<1x1x1x1x128xf32, #tpu.memory_space<hbm>>
        %dma_start3A_628 = tpu.memref_squeeze %dma_start3A_627 : memref<1x1x1x1x128xf32, #tpu.memory_space<hbm>> -> memref<128xf32, #tpu.memory_space<hbm>>
        %dma_start3A_629 = arith.constant 0 : i32
        %dma_start3A_630 = tpu.memref_slice %arg8[%dma_start3A_619, %scan3A_591, %dma_start3A_629] : memref<2x64x136xf32, #tpu.memory_space<vmem>> -> memref<1x1x128xf32, #tpu.memory_space<vmem>>
        %dma_start3A_631 = tpu.memref_squeeze %dma_start3A_630 : memref<1x1x128xf32, #tpu.memory_space<vmem>> -> memref<128xf32, #tpu.memory_space<vmem>>
        tpu.enqueue_dma source(%dma_start3A_631 : memref<128xf32, #tpu.memory_space<vmem>>) target(%dma_start3A_628 : memref<128xf32, #tpu.memory_space<hbm>>) target_semaphore(%arg13 : memref<!tpu.dma_semaphore, #tpu.memory_space<semaphore_mem>>)
        %scan3A_632 = arith.constant 2 : i32
        %scan3A_633 = arith.addi %scan3A_549, %scan3A_632 : i32
        %jit3A_634 = arith.constant 8 : i32
        %div3A_635 = arith.divsi %scan3A_633, %jit3A_634 : i32
        %sign3A_636 = arith.constant 0 : i32
        %sign3A_637 = arith.cmpi sgt, %scan3A_633, %sign3A_636 : i32
        %sign3A_638 = arith.extui %sign3A_637 : i1 to i32
        %sign3A_639 = arith.constant 0 : i32
        %sign3A_640 = arith.cmpi slt, %scan3A_633, %sign3A_639 : i32
        %sign3A_641 = arith.extui %sign3A_640 : i1 to i32
        %sign3A_642 = arith.subi %sign3A_638, %sign3A_641 : i32
        %sign3A_643 = arith.constant 0 : i32
        %sign3A_644 = arith.cmpi sgt, %jit3A_634, %sign3A_643 : i32
        %sign3A_645 = arith.extui %sign3A_644 : i1 to i32
        %sign3A_646 = arith.constant 0 : i32
        %sign3A_647 = arith.cmpi slt, %jit3A_634, %sign3A_646 : i32
        %sign3A_648 = arith.extui %sign3A_647 : i1 to i32
        %sign3A_649 = arith.subi %sign3A_645, %sign3A_648 : i32
        %ne3A_650 = arith.cmpi ne, %sign3A_642, %sign3A_649 : i32
        %rem3A_651 = arith.remsi %scan3A_633, %jit3A_634 : i32
        %ne3A_652 = arith.constant 0 : i32
        %ne3A_653 = arith.cmpi ne, %rem3A_651, %ne3A_652 : i32
        %and3A_654 = arith.andi %ne3A_650, %ne3A_653 : i1
        %sub3A_655 = arith.constant 1 : i32
        %sub3A_656 = arith.subi %div3A_635, %sub3A_655 : i32
        %select_n3A_657 = arith.select %and3A_654, %sub3A_656, %div3A_635 : i32
        %mul3A_658 = arith.constant 8 : i32
        %mul3A_659 = arith.muli %select_n3A_657, %mul3A_658 : i32
        %sub3A_660 = arith.subi %scan3A_633, %mul3A_659 : i32
        %dma_start3A_661 = arith.constant 0 : i32
        %dma_start3A_662 = arith.constant 0 : i32
        %dma_start3A_663 = tpu.memref_slice %arg8[%dma_start3A_661, %scan3A_633, %dma_start3A_662] : memref<2x64x136xf32, #tpu.memory_space<vmem>> -> memref<1x1x128xf32, #tpu.memory_space<vmem>>
        %dma_start3A_664 = tpu.memref_squeeze %dma_start3A_663 : memref<1x1x128xf32, #tpu.memory_space<vmem>> -> memref<128xf32, #tpu.memory_space<vmem>>
        %dma_start3A_665 = arith.constant 0 : i32
        %dma_start3A_666 = tpu.memref_slice %arg4[%sub3A_339, %select_n3A_657, %add3A_342, %sub3A_660, %dma_start3A_665] : memref<50x8x128x8x128xf32, #tpu.memory_space<hbm>> -> memref<1x1x1x1x128xf32, #tpu.memory_space<hbm>>
        %dma_start3A_667 = tpu.memref_squeeze %dma_start3A_666 : memref<1x1x1x1x128xf32, #tpu.memory_space<hbm>> -> memref<128xf32, #tpu.memory_space<hbm>>
        %dma_start3A_668 = arith.constant 0 : i32
        %dma_start3A_669 = tpu.memref_slice %arg4[%sub3A_339, %select_n3A_657, %add3A_342, %sub3A_660, %dma_start3A_668] : memref<50x8x128x8x128xf32, #tpu.memory_space<hbm>> -> memref<1x1x1x1x128xf32, #tpu.memory_space<hbm>>
        %dma_start3A_670 = tpu.memref_squeeze %dma_start3A_669 : memref<1x1x1x1x128xf32, #tpu.memory_space<hbm>> -> memref<128xf32, #tpu.memory_space<hbm>>
        %dma_start3A_671 = arith.constant 0 : i32
        %dma_start3A_672 = tpu.memref_slice %arg8[%dma_start3A_661, %scan3A_633, %dma_start3A_671] : memref<2x64x136xf32, #tpu.memory_space<vmem>> -> memref<1x1x128xf32, #tpu.memory_space<vmem>>
        %dma_start3A_673 = tpu.memref_squeeze %dma_start3A_672 : memref<1x1x128xf32, #tpu.memory_space<vmem>> -> memref<128xf32, #tpu.memory_space<vmem>>
        tpu.enqueue_dma source(%dma_start3A_673 : memref<128xf32, #tpu.memory_space<vmem>>) target(%dma_start3A_670 : memref<128xf32, #tpu.memory_space<hbm>>) target_semaphore(%arg13 : memref<!tpu.dma_semaphore, #tpu.memory_space<semaphore_mem>>)
        %scan3A_674 = arith.constant 3 : i32
        %scan3A_675 = arith.addi %scan3A_549, %scan3A_674 : i32
        %jit3A_676 = arith.constant 8 : i32
        %div3A_677 = arith.divsi %scan3A_675, %jit3A_676 : i32
        %sign3A_678 = arith.constant 0 : i32
        %sign3A_679 = arith.cmpi sgt, %scan3A_675, %sign3A_678 : i32
        %sign3A_680 = arith.extui %sign3A_679 : i1 to i32
        %sign3A_681 = arith.constant 0 : i32
        %sign3A_682 = arith.cmpi slt, %scan3A_675, %sign3A_681 : i32
        %sign3A_683 = arith.extui %sign3A_682 : i1 to i32
        %sign3A_684 = arith.subi %sign3A_680, %sign3A_683 : i32
        %sign3A_685 = arith.constant 0 : i32
        %sign3A_686 = arith.cmpi sgt, %jit3A_676, %sign3A_685 : i32
        %sign3A_687 = arith.extui %sign3A_686 : i1 to i32
        %sign3A_688 = arith.constant 0 : i32
        %sign3A_689 = arith.cmpi slt, %jit3A_676, %sign3A_688 : i32
        %sign3A_690 = arith.extui %sign3A_689 : i1 to i32
        %sign3A_691 = arith.subi %sign3A_687, %sign3A_690 : i32
        %ne3A_692 = arith.cmpi ne, %sign3A_684, %sign3A_691 : i32
        %rem3A_693 = arith.remsi %scan3A_675, %jit3A_676 : i32
        %ne3A_694 = arith.constant 0 : i32
        %ne3A_695 = arith.cmpi ne, %rem3A_693, %ne3A_694 : i32
        %and3A_696 = arith.andi %ne3A_692, %ne3A_695 : i1
        %sub3A_697 = arith.constant 1 : i32
        %sub3A_698 = arith.subi %div3A_677, %sub3A_697 : i32
        %select_n3A_699 = arith.select %and3A_696, %sub3A_698, %div3A_677 : i32
        %mul3A_700 = arith.constant 8 : i32
        %mul3A_701 = arith.muli %select_n3A_699, %mul3A_700 : i32
        %sub3A_702 = arith.subi %scan3A_675, %mul3A_701 : i32
        %dma_start3A_703 = arith.constant 0 : i32
        %dma_start3A_704 = arith.constant 0 : i32
        %dma_start3A_705 = tpu.memref_slice %arg8[%dma_start3A_703, %scan3A_675, %dma_start3A_704] : memref<2x64x136xf32, #tpu.memory_space<vmem>> -> memref<1x1x128xf32, #tpu.memory_space<vmem>>
        %dma_start3A_706 = tpu.memref_squeeze %dma_start3A_705 : memref<1x1x128xf32, #tpu.memory_space<vmem>> -> memref<128xf32, #tpu.memory_space<vmem>>
        %dma_start3A_707 = arith.constant 0 : i32
        %dma_start3A_708 = tpu.memref_slice %arg4[%sub3A_339, %select_n3A_699, %add3A_342, %sub3A_702, %dma_start3A_707] : memref<50x8x128x8x128xf32, #tpu.memory_space<hbm>> -> memref<1x1x1x1x128xf32, #tpu.memory_space<hbm>>
        %dma_start3A_709 = tpu.memref_squeeze %dma_start3A_708 : memref<1x1x1x1x128xf32, #tpu.memory_space<hbm>> -> memref<128xf32, #tpu.memory_space<hbm>>
        %dma_start3A_710 = arith.constant 0 : i32
        %dma_start3A_711 = tpu.memref_slice %arg4[%sub3A_339, %select_n3A_699, %add3A_342, %sub3A_702, %dma_start3A_710] : memref<50x8x128x8x128xf32, #tpu.memory_space<hbm>> -> memref<1x1x1x1x128xf32, #tpu.memory_space<hbm>>
        %dma_start3A_712 = tpu.memref_squeeze %dma_start3A_711 : memref<1x1x1x1x128xf32, #tpu.memory_space<hbm>> -> memref<128xf32, #tpu.memory_space<hbm>>
        %dma_start3A_713 = arith.constant 0 : i32
        %dma_start3A_714 = tpu.memref_slice %arg8[%dma_start3A_703, %scan3A_675, %dma_start3A_713] : memref<2x64x136xf32, #tpu.memory_space<vmem>> -> memref<1x1x128xf32, #tpu.memory_space<vmem>>
        %dma_start3A_715 = tpu.memref_squeeze %dma_start3A_714 : memref<1x1x128xf32, #tpu.memory_space<vmem>> -> memref<128xf32, #tpu.memory_space<vmem>>
        tpu.enqueue_dma source(%dma_start3A_715 : memref<128xf32, #tpu.memory_space<vmem>>) target(%dma_start3A_712 : memref<128xf32, #tpu.memory_space<hbm>>) target_semaphore(%arg13 : memref<!tpu.dma_semaphore, #tpu.memory_space<semaphore_mem>>)
        %scan3A_716 = arith.constant 4 : i32
        %scan3A_717 = arith.addi %scan3A_549, %scan3A_716 : i32
        %jit3A_718 = arith.constant 8 : i32
        %div3A_719 = arith.divsi %scan3A_717, %jit3A_718 : i32
        %sign3A_720 = arith.constant 0 : i32
        %sign3A_721 = arith.cmpi sgt, %scan3A_717, %sign3A_720 : i32
        %sign3A_722 = arith.extui %sign3A_721 : i1 to i32
        %sign3A_723 = arith.constant 0 : i32
        %sign3A_724 = arith.cmpi slt, %scan3A_717, %sign3A_723 : i32
        %sign3A_725 = arith.extui %sign3A_724 : i1 to i32
        %sign3A_726 = arith.subi %sign3A_722, %sign3A_725 : i32
        %sign3A_727 = arith.constant 0 : i32
        %sign3A_728 = arith.cmpi sgt, %jit3A_718, %sign3A_727 : i32
        %sign3A_729 = arith.extui %sign3A_728 : i1 to i32
        %sign3A_730 = arith.constant 0 : i32
        %sign3A_731 = arith.cmpi slt, %jit3A_718, %sign3A_730 : i32
        %sign3A_732 = arith.extui %sign3A_731 : i1 to i32
        %sign3A_733 = arith.subi %sign3A_729, %sign3A_732 : i32
        %ne3A_734 = arith.cmpi ne, %sign3A_726, %sign3A_733 : i32
        %rem3A_735 = arith.remsi %scan3A_717, %jit3A_718 : i32
        %ne3A_736 = arith.constant 0 : i32
        %ne3A_737 = arith.cmpi ne, %rem3A_735, %ne3A_736 : i32
        %and3A_738 = arith.andi %ne3A_734, %ne3A_737 : i1
        %sub3A_739 = arith.constant 1 : i32
        %sub3A_740 = arith.subi %div3A_719, %sub3A_739 : i32
        %select_n3A_741 = arith.select %and3A_738, %sub3A_740, %div3A_719 : i32
        %mul3A_742 = arith.constant 8 : i32
        %mul3A_743 = arith.muli %select_n3A_741, %mul3A_742 : i32
        %sub3A_744 = arith.subi %scan3A_717, %mul3A_743 : i32
        %dma_start3A_745 = arith.constant 0 : i32
        %dma_start3A_746 = arith.constant 0 : i32
        %dma_start3A_747 = tpu.memref_slice %arg8[%dma_start3A_745, %scan3A_717, %dma_start3A_746] : memref<2x64x136xf32, #tpu.memory_space<vmem>> -> memref<1x1x128xf32, #tpu.memory_space<vmem>>
        %dma_start3A_748 = tpu.memref_squeeze %dma_start3A_747 : memref<1x1x128xf32, #tpu.memory_space<vmem>> -> memref<128xf32, #tpu.memory_space<vmem>>
        %dma_start3A_749 = arith.constant 0 : i32
        %dma_start3A_750 = tpu.memref_slice %arg4[%sub3A_339, %select_n3A_741, %add3A_342, %sub3A_744, %dma_start3A_749] : memref<50x8x128x8x128xf32, #tpu.memory_space<hbm>> -> memref<1x1x1x1x128xf32, #tpu.memory_space<hbm>>
        %dma_start3A_751 = tpu.memref_squeeze %dma_start3A_750 : memref<1x1x1x1x128xf32, #tpu.memory_space<hbm>> -> memref<128xf32, #tpu.memory_space<hbm>>
        %dma_start3A_752 = arith.constant 0 : i32
        %dma_start3A_753 = tpu.memref_slice %arg4[%sub3A_339, %select_n3A_741, %add3A_342, %sub3A_744, %dma_start3A_752] : memref<50x8x128x8x128xf32, #tpu.memory_space<hbm>> -> memref<1x1x1x1x128xf32, #tpu.memory_space<hbm>>
        %dma_start3A_754 = tpu.memref_squeeze %dma_start3A_753 : memref<1x1x1x1x128xf32, #tpu.memory_space<hbm>> -> memref<128xf32, #tpu.memory_space<hbm>>
        %dma_start3A_755 = arith.constant 0 : i32
        %dma_start3A_756 = tpu.memref_slice %arg8[%dma_start3A_745, %scan3A_717, %dma_start3A_755] : memref<2x64x136xf32, #tpu.memory_space<vmem>> -> memref<1x1x128xf32, #tpu.memory_space<vmem>>
        %dma_start3A_757 = tpu.memref_squeeze %dma_start3A_756 : memref<1x1x128xf32, #tpu.memory_space<vmem>> -> memref<128xf32, #tpu.memory_space<vmem>>
        tpu.enqueue_dma source(%dma_start3A_757 : memref<128xf32, #tpu.memory_space<vmem>>) target(%dma_start3A_754 : memref<128xf32, #tpu.memory_space<hbm>>) target_semaphore(%arg13 : memref<!tpu.dma_semaphore, #tpu.memory_space<semaphore_mem>>)
        %scan3A_758 = arith.constant 5 : i32
        %scan3A_759 = arith.addi %scan3A_549, %scan3A_758 : i32
        %jit3A_760 = arith.constant 8 : i32
        %div3A_761 = arith.divsi %scan3A_759, %jit3A_760 : i32
        %sign3A_762 = arith.constant 0 : i32
        %sign3A_763 = arith.cmpi sgt, %scan3A_759, %sign3A_762 : i32
        %sign3A_764 = arith.extui %sign3A_763 : i1 to i32
        %sign3A_765 = arith.constant 0 : i32
        %sign3A_766 = arith.cmpi slt, %scan3A_759, %sign3A_765 : i32
        %sign3A_767 = arith.extui %sign3A_766 : i1 to i32
        %sign3A_768 = arith.subi %sign3A_764, %sign3A_767 : i32
        %sign3A_769 = arith.constant 0 : i32
        %sign3A_770 = arith.cmpi sgt, %jit3A_760, %sign3A_769 : i32
        %sign3A_771 = arith.extui %sign3A_770 : i1 to i32
        %sign3A_772 = arith.constant 0 : i32
        %sign3A_773 = arith.cmpi slt, %jit3A_760, %sign3A_772 : i32
        %sign3A_774 = arith.extui %sign3A_773 : i1 to i32
        %sign3A_775 = arith.subi %sign3A_771, %sign3A_774 : i32
        %ne3A_776 = arith.cmpi ne, %sign3A_768, %sign3A_775 : i32
        %rem3A_777 = arith.remsi %scan3A_759, %jit3A_760 : i32
        %ne3A_778 = arith.constant 0 : i32
        %ne3A_779 = arith.cmpi ne, %rem3A_777, %ne3A_778 : i32
        %and3A_780 = arith.andi %ne3A_776, %ne3A_779 : i1
        %sub3A_781 = arith.constant 1 : i32
        %sub3A_782 = arith.subi %div3A_761, %sub3A_781 : i32
        %select_n3A_783 = arith.select %and3A_780, %sub3A_782, %div3A_761 : i32
        %mul3A_784 = arith.constant 8 : i32
        %mul3A_785 = arith.muli %select_n3A_783, %mul3A_784 : i32
        %sub3A_786 = arith.subi %scan3A_759, %mul3A_785 : i32
        %dma_start3A_787 = arith.constant 0 : i32
        %dma_start3A_788 = arith.constant 0 : i32
        %dma_start3A_789 = tpu.memref_slice %arg8[%dma_start3A_787, %scan3A_759, %dma_start3A_788] : memref<2x64x136xf32, #tpu.memory_space<vmem>> -> memref<1x1x128xf32, #tpu.memory_space<vmem>>
        %dma_start3A_790 = tpu.memref_squeeze %dma_start3A_789 : memref<1x1x128xf32, #tpu.memory_space<vmem>> -> memref<128xf32, #tpu.memory_space<vmem>>
        %dma_start3A_791 = arith.constant 0 : i32
        %dma_start3A_792 = tpu.memref_slice %arg4[%sub3A_339, %select_n3A_783, %add3A_342, %sub3A_786, %dma_start3A_791] : memref<50x8x128x8x128xf32, #tpu.memory_space<hbm>> -> memref<1x1x1x1x128xf32, #tpu.memory_space<hbm>>
        %dma_start3A_793 = tpu.memref_squeeze %dma_start3A_792 : memref<1x1x1x1x128xf32, #tpu.memory_space<hbm>> -> memref<128xf32, #tpu.memory_space<hbm>>
        %dma_start3A_794 = arith.constant 0 : i32
        %dma_start3A_795 = tpu.memref_slice %arg4[%sub3A_339, %select_n3A_783, %add3A_342, %sub3A_786, %dma_start3A_794] : memref<50x8x128x8x128xf32, #tpu.memory_space<hbm>> -> memref<1x1x1x1x128xf32, #tpu.memory_space<hbm>>
        %dma_start3A_796 = tpu.memref_squeeze %dma_start3A_795 : memref<1x1x1x1x128xf32, #tpu.memory_space<hbm>> -> memref<128xf32, #tpu.memory_space<hbm>>
        %dma_start3A_797 = arith.constant 0 : i32
        %dma_start3A_798 = tpu.memref_slice %arg8[%dma_start3A_787, %scan3A_759, %dma_start3A_797] : memref<2x64x136xf32, #tpu.memory_space<vmem>> -> memref<1x1x128xf32, #tpu.memory_space<vmem>>
        %dma_start3A_799 = tpu.memref_squeeze %dma_start3A_798 : memref<1x1x128xf32, #tpu.memory_space<vmem>> -> memref<128xf32, #tpu.memory_space<vmem>>
        tpu.enqueue_dma source(%dma_start3A_799 : memref<128xf32, #tpu.memory_space<vmem>>) target(%dma_start3A_796 : memref<128xf32, #tpu.memory_space<hbm>>) target_semaphore(%arg13 : memref<!tpu.dma_semaphore, #tpu.memory_space<semaphore_mem>>)
        %scan3A_800 = arith.constant 6 : i32
        %scan3A_801 = arith.addi %scan3A_549, %scan3A_800 : i32
        %jit3A_802 = arith.constant 8 : i32
        %div3A_803 = arith.divsi %scan3A_801, %jit3A_802 : i32
        %sign3A_804 = arith.constant 0 : i32
        %sign3A_805 = arith.cmpi sgt, %scan3A_801, %sign3A_804 : i32
        %sign3A_806 = arith.extui %sign3A_805 : i1 to i32
        %sign3A_807 = arith.constant 0 : i32
        %sign3A_808 = arith.cmpi slt, %scan3A_801, %sign3A_807 : i32
        %sign3A_809 = arith.extui %sign3A_808 : i1 to i32
        %sign3A_810 = arith.subi %sign3A_806, %sign3A_809 : i32
        %sign3A_811 = arith.constant 0 : i32
        %sign3A_812 = arith.cmpi sgt, %jit3A_802, %sign3A_811 : i32
        %sign3A_813 = arith.extui %sign3A_812 : i1 to i32
        %sign3A_814 = arith.constant 0 : i32
        %sign3A_815 = arith.cmpi slt, %jit3A_802, %sign3A_814 : i32
        %sign3A_816 = arith.extui %sign3A_815 : i1 to i32
        %sign3A_817 = arith.subi %sign3A_813, %sign3A_816 : i32
        %ne3A_818 = arith.cmpi ne, %sign3A_810, %sign3A_817 : i32
        %rem3A_819 = arith.remsi %scan3A_801, %jit3A_802 : i32
        %ne3A_820 = arith.constant 0 : i32
        %ne3A_821 = arith.cmpi ne, %rem3A_819, %ne3A_820 : i32
        %and3A_822 = arith.andi %ne3A_818, %ne3A_821 : i1
        %sub3A_823 = arith.constant 1 : i32
        %sub3A_824 = arith.subi %div3A_803, %sub3A_823 : i32
        %select_n3A_825 = arith.select %and3A_822, %sub3A_824, %div3A_803 : i32
        %mul3A_826 = arith.constant 8 : i32
        %mul3A_827 = arith.muli %select_n3A_825, %mul3A_826 : i32
        %sub3A_828 = arith.subi %scan3A_801, %mul3A_827 : i32
        %dma_start3A_829 = arith.constant 0 : i32
        %dma_start3A_830 = arith.constant 0 : i32
        %dma_start3A_831 = tpu.memref_slice %arg8[%dma_start3A_829, %scan3A_801, %dma_start3A_830] : memref<2x64x136xf32, #tpu.memory_space<vmem>> -> memref<1x1x128xf32, #tpu.memory_space<vmem>>
        %dma_start3A_832 = tpu.memref_squeeze %dma_start3A_831 : memref<1x1x128xf32, #tpu.memory_space<vmem>> -> memref<128xf32, #tpu.memory_space<vmem>>
        %dma_start3A_833 = arith.constant 0 : i32
        %dma_start3A_834 = tpu.memref_slice %arg4[%sub3A_339, %select_n3A_825, %add3A_342, %sub3A_828, %dma_start3A_833] : memref<50x8x128x8x128xf32, #tpu.memory_space<hbm>> -> memref<1x1x1x1x128xf32, #tpu.memory_space<hbm>>
        %dma_start3A_835 = tpu.memref_squeeze %dma_start3A_834 : memref<1x1x1x1x128xf32, #tpu.memory_space<hbm>> -> memref<128xf32, #tpu.memory_space<hbm>>
        %dma_start3A_836 = arith.constant 0 : i32
        %dma_start3A_837 = tpu.memref_slice %arg4[%sub3A_339, %select_n3A_825, %add3A_342, %sub3A_828, %dma_start3A_836] : memref<50x8x128x8x128xf32, #tpu.memory_space<hbm>> -> memref<1x1x1x1x128xf32, #tpu.memory_space<hbm>>
        %dma_start3A_838 = tpu.memref_squeeze %dma_start3A_837 : memref<1x1x1x1x128xf32, #tpu.memory_space<hbm>> -> memref<128xf32, #tpu.memory_space<hbm>>
        %dma_start3A_839 = arith.constant 0 : i32
        %dma_start3A_840 = tpu.memref_slice %arg8[%dma_start3A_829, %scan3A_801, %dma_start3A_839] : memref<2x64x136xf32, #tpu.memory_space<vmem>> -> memref<1x1x128xf32, #tpu.memory_space<vmem>>
        %dma_start3A_841 = tpu.memref_squeeze %dma_start3A_840 : memref<1x1x128xf32, #tpu.memory_space<vmem>> -> memref<128xf32, #tpu.memory_space<vmem>>
        tpu.enqueue_dma source(%dma_start3A_841 : memref<128xf32, #tpu.memory_space<vmem>>) target(%dma_start3A_838 : memref<128xf32, #tpu.memory_space<hbm>>) target_semaphore(%arg13 : memref<!tpu.dma_semaphore, #tpu.memory_space<semaphore_mem>>)
        %scan3A_842 = arith.constant 7 : i32
        %scan3A_843 = arith.addi %scan3A_549, %scan3A_842 : i32
        %jit3A_844 = arith.constant 8 : i32
        %div3A_845 = arith.divsi %scan3A_843, %jit3A_844 : i32
        %sign3A_846 = arith.constant 0 : i32
        %sign3A_847 = arith.cmpi sgt, %scan3A_843, %sign3A_846 : i32
        %sign3A_848 = arith.extui %sign3A_847 : i1 to i32
        %sign3A_849 = arith.constant 0 : i32
        %sign3A_850 = arith.cmpi slt, %scan3A_843, %sign3A_849 : i32
        %sign3A_851 = arith.extui %sign3A_850 : i1 to i32
        %sign3A_852 = arith.subi %sign3A_848, %sign3A_851 : i32
        %sign3A_853 = arith.constant 0 : i32
        %sign3A_854 = arith.cmpi sgt, %jit3A_844, %sign3A_853 : i32
        %sign3A_855 = arith.extui %sign3A_854 : i1 to i32
        %sign3A_856 = arith.constant 0 : i32
        %sign3A_857 = arith.cmpi slt, %jit3A_844, %sign3A_856 : i32
        %sign3A_858 = arith.extui %sign3A_857 : i1 to i32
        %sign3A_859 = arith.subi %sign3A_855, %sign3A_858 : i32
        %ne3A_860 = arith.cmpi ne, %sign3A_852, %sign3A_859 : i32
        %rem3A_861 = arith.remsi %scan3A_843, %jit3A_844 : i32
        %ne3A_862 = arith.constant 0 : i32
        %ne3A_863 = arith.cmpi ne, %rem3A_861, %ne3A_862 : i32
        %and3A_864 = arith.andi %ne3A_860, %ne3A_863 : i1
        %sub3A_865 = arith.constant 1 : i32
        %sub3A_866 = arith.subi %div3A_845, %sub3A_865 : i32
        %select_n3A_867 = arith.select %and3A_864, %sub3A_866, %div3A_845 : i32
        %mul3A_868 = arith.constant 8 : i32
        %mul3A_869 = arith.muli %select_n3A_867, %mul3A_868 : i32
        %sub3A_870 = arith.subi %scan3A_843, %mul3A_869 : i32
        %dma_start3A_871 = arith.constant 0 : i32
        %dma_start3A_872 = arith.constant 0 : i32
        %dma_start3A_873 = tpu.memref_slice %arg8[%dma_start3A_871, %scan3A_843, %dma_start3A_872] : memref<2x64x136xf32, #tpu.memory_space<vmem>> -> memref<1x1x128xf32, #tpu.memory_space<vmem>>
        %dma_start3A_874 = tpu.memref_squeeze %dma_start3A_873 : memref<1x1x128xf32, #tpu.memory_space<vmem>> -> memref<128xf32, #tpu.memory_space<vmem>>
        %dma_start3A_875 = arith.constant 0 : i32
        %dma_start3A_876 = tpu.memref_slice %arg4[%sub3A_339, %select_n3A_867, %add3A_342, %sub3A_870, %dma_start3A_875] : memref<50x8x128x8x128xf32, #tpu.memory_space<hbm>> -> memref<1x1x1x1x128xf32, #tpu.memory_space<hbm>>
        %dma_start3A_877 = tpu.memref_squeeze %dma_start3A_876 : memref<1x1x1x1x128xf32, #tpu.memory_space<hbm>> -> memref<128xf32, #tpu.memory_space<hbm>>
        %dma_start3A_878 = arith.constant 0 : i32
        %dma_start3A_879 = tpu.memref_slice %arg4[%sub3A_339, %select_n3A_867, %add3A_342, %sub3A_870, %dma_start3A_878] : memref<50x8x128x8x128xf32, #tpu.memory_space<hbm>> -> memref<1x1x1x1x128xf32, #tpu.memory_space<hbm>>
        %dma_start3A_880 = tpu.memref_squeeze %dma_start3A_879 : memref<1x1x1x1x128xf32, #tpu.memory_space<hbm>> -> memref<128xf32, #tpu.memory_space<hbm>>
        %dma_start3A_881 = arith.constant 0 : i32
        %dma_start3A_882 = tpu.memref_slice %arg8[%dma_start3A_871, %scan3A_843, %dma_start3A_881] : memref<2x64x136xf32, #tpu.memory_space<vmem>> -> memref<1x1x128xf32, #tpu.memory_space<vmem>>
        %dma_start3A_883 = tpu.memref_squeeze %dma_start3A_882 : memref<1x1x128xf32, #tpu.memory_space<vmem>> -> memref<128xf32, #tpu.memory_space<vmem>>
        tpu.enqueue_dma source(%dma_start3A_883 : memref<128xf32, #tpu.memory_space<vmem>>) target(%dma_start3A_880 : memref<128xf32, #tpu.memory_space<hbm>>) target_semaphore(%arg13 : memref<!tpu.dma_semaphore, #tpu.memory_space<semaphore_mem>>)
      }
      %scan3A_347 = arith.constant 64 : i32
      %add3A_348 = arith.constant 1 : i32
      %add3A_349 = arith.addi %mul3A_293, %add3A_348 : i32
      %add3A_350 = arith.constant 3 : i32
      %add3A_351 = arith.addi %add3A_349, %add3A_350 : i32
      %lt3A_352 = arith.constant 200 : i32
      %lt3A_353 = arith.cmpi slt, %add3A_351, %lt3A_352 : i32
      %convert_element_type3A_354 = arith.extui %lt3A_353 : i1 to i32
      %cond3A_355 = arith.constant 0 : i32
      %cond3A_356 = arith.cmpi ne, %convert_element_type3A_354, %cond3A_355 : i32
      scf.if %cond3A_356 {
        %jit3A_549 = arith.constant 50 : i32
        %div3A_550 = arith.divsi %add3A_351, %jit3A_549 : i32
        %sign3A_551 = arith.constant 0 : i32
        %sign3A_552 = arith.cmpi sgt, %add3A_351, %sign3A_551 : i32
        %sign3A_553 = arith.extui %sign3A_552 : i1 to i32
        %sign3A_554 = arith.constant 0 : i32
        %sign3A_555 = arith.cmpi slt, %add3A_351, %sign3A_554 : i32
        %sign3A_556 = arith.extui %sign3A_555 : i1 to i32
        %sign3A_557 = arith.subi %sign3A_553, %sign3A_556 : i32
        %sign3A_558 = arith.constant 0 : i32
        %sign3A_559 = arith.cmpi sgt, %jit3A_549, %sign3A_558 : i32
        %sign3A_560 = arith.extui %sign3A_559 : i1 to i32
        %sign3A_561 = arith.constant 0 : i32
        %sign3A_562 = arith.cmpi slt, %jit3A_549, %sign3A_561 : i32
        %sign3A_563 = arith.extui %sign3A_562 : i1 to i32
        %sign3A_564 = arith.subi %sign3A_560, %sign3A_563 : i32
        %ne3A_565 = arith.cmpi ne, %sign3A_557, %sign3A_564 : i32
        %rem3A_566 = arith.remsi %add3A_351, %jit3A_549 : i32
        %ne3A_567 = arith.constant 0 : i32
        %ne3A_568 = arith.cmpi ne, %rem3A_566, %ne3A_567 : i32
        %and3A_569 = arith.andi %ne3A_565, %ne3A_568 : i1
        %sub3A_570 = arith.constant 1 : i32
        %sub3A_571 = arith.subi %div3A_550, %sub3A_570 : i32
        %select_n3A_572 = arith.select %and3A_569, %sub3A_571, %div3A_550 : i32
        %mul3A_573 = arith.constant 50 : i32
        %mul3A_574 = arith.muli %select_n3A_572, %mul3A_573 : i32
        %sub3A_575 = arith.subi %add3A_351, %mul3A_574 : i32
        %mul3A_576 = arith.constant 6400 : i32
        %mul3A_577 = arith.muli %select_n3A_572, %mul3A_576 : i32
        %add3A_578 = arith.addi %mul3A_577, %sub3A_575 : i32
        %add3A_579 = arith.constant 0 : i32
        %add3A_580 = arith.addi %add3A_578, %add3A_579 : i32
        %add3A_581 = vector.broadcast %add3A_580 : i32 to vector<16xi32>
        %add3A_582 = arith.addi %mul3A_5, %add3A_581 : vector<16xi32>
        %gather3A_583 = tpu.vector_load_idx %arg5[%add3A_582] : memref<25600xi32, #tpu.memory_space<vmem>>[vector<16xi32>], vector<16xi32>,
        %swap3A_584 = arith.constant 0 : i32
        %swap3A_585 = arith.index_cast %swap3A_584 : i32 to index
        %swap3A_586 = arith.constant 0 : index
        %swap3A_587 = tpu.vector_load %arg6[%swap3A_585, %swap3A_586] {strides = array<i32>} : memref<4x128xi32, #tpu.memory_space<vmem>>, vector<16xi32>,
        tpu.vector_store %arg6[%swap3A_585, %swap3A_586], %gather3A_583 {strides = array<i32>} : memref<4x128xi32, #tpu.memory_space<vmem>>, vector<16xi32>,
        %add3A_588 = arith.constant 800 : i32
        %add3A_589 = arith.addi %add3A_578, %add3A_588 : i32
        %add3A_590 = vector.broadcast %add3A_589 : i32 to vector<16xi32>
        %add3A_591 = arith.addi %mul3A_5, %add3A_590 : vector<16xi32>
        %gather3A_592 = tpu.vector_load_idx %arg5[%add3A_591] : memref<25600xi32, #tpu.memory_space<vmem>>[vector<16xi32>], vector<16xi32>,
        %swap3A_593 = arith.constant 0 : i32
        %swap3A_594 = arith.index_cast %swap3A_593 : i32 to index
        %swap3A_595 = arith.constant 16 : index
        %swap3A_596 = tpu.vector_load %arg6[%swap3A_594, %swap3A_595] {strides = array<i32>} : memref<4x128xi32, #tpu.memory_space<vmem>>, vector<16xi32>,
        tpu.vector_store %arg6[%swap3A_594, %swap3A_595], %gather3A_592 {strides = array<i32>} : memref<4x128xi32, #tpu.memory_space<vmem>>, vector<16xi32>,
        %add3A_597 = arith.constant 1600 : i32
        %add3A_598 = arith.addi %add3A_578, %add3A_597 : i32
        %add3A_599 = vector.broadcast %add3A_598 : i32 to vector<16xi32>
        %add3A_600 = arith.addi %mul3A_5, %add3A_599 : vector<16xi32>
        %gather3A_601 = tpu.vector_load_idx %arg5[%add3A_600] : memref<25600xi32, #tpu.memory_space<vmem>>[vector<16xi32>], vector<16xi32>,
        %swap3A_602 = arith.constant 0 : i32
        %swap3A_603 = arith.index_cast %swap3A_602 : i32 to index
        %swap3A_604 = arith.constant 32 : index
        %swap3A_605 = tpu.vector_load %arg6[%swap3A_603, %swap3A_604] {strides = array<i32>} : memref<4x128xi32, #tpu.memory_space<vmem>>, vector<16xi32>,
        tpu.vector_store %arg6[%swap3A_603, %swap3A_604], %gather3A_601 {strides = array<i32>} : memref<4x128xi32, #tpu.memory_space<vmem>>, vector<16xi32>,
        %add3A_606 = arith.constant 2400 : i32
        %add3A_607 = arith.addi %add3A_578, %add3A_606 : i32
        %add3A_608 = vector.broadcast %add3A_607 : i32 to vector<16xi32>
        %add3A_609 = arith.addi %mul3A_5, %add3A_608 : vector<16xi32>
        %gather3A_610 = tpu.vector_load_idx %arg5[%add3A_609] : memref<25600xi32, #tpu.memory_space<vmem>>[vector<16xi32>], vector<16xi32>,
        %swap3A_611 = arith.constant 0 : i32
        %swap3A_612 = arith.index_cast %swap3A_611 : i32 to index
        %swap3A_613 = arith.constant 48 : index
        %swap3A_614 = tpu.vector_load %arg6[%swap3A_612, %swap3A_613] {strides = array<i32>} : memref<4x128xi32, #tpu.memory_space<vmem>>, vector<16xi32>,
        tpu.vector_store %arg6[%swap3A_612, %swap3A_613], %gather3A_610 {strides = array<i32>} : memref<4x128xi32, #tpu.memory_space<vmem>>, vector<16xi32>,
        %add3A_615 = arith.constant 3200 : i32
        %add3A_616 = arith.addi %add3A_578, %add3A_615 : i32
        %add3A_617 = vector.broadcast %add3A_616 : i32 to vector<16xi32>
        %add3A_618 = arith.addi %mul3A_5, %add3A_617 : vector<16xi32>
        %gather3A_619 = tpu.vector_load_idx %arg5[%add3A_618] : memref<25600xi32, #tpu.memory_space<vmem>>[vector<16xi32>], vector<16xi32>,
        %swap3A_620 = arith.constant 0 : i32
        %swap3A_621 = arith.index_cast %swap3A_620 : i32 to index
        %swap3A_622 = arith.constant 64 : index
        %swap3A_623 = tpu.vector_load %arg6[%swap3A_621, %swap3A_622] {strides = array<i32>} : memref<4x128xi32, #tpu.memory_space<vmem>>, vector<16xi32>,
        tpu.vector_store %arg6[%swap3A_621, %swap3A_622], %gather3A_619 {strides = array<i32>} : memref<4x128xi32, #tpu.memory_space<vmem>>, vector<16xi32>,
        %add3A_624 = arith.constant 4000 : i32
        %add3A_625 = arith.addi %add3A_578, %add3A_624 : i32
        %add3A_626 = vector.broadcast %add3A_625 : i32 to vector<16xi32>
        %add3A_627 = arith.addi %mul3A_5, %add3A_626 : vector<16xi32>
        %gather3A_628 = tpu.vector_load_idx %arg5[%add3A_627] : memref<25600xi32, #tpu.memory_space<vmem>>[vector<16xi32>], vector<16xi32>,
        %swap3A_629 = arith.constant 0 : i32
        %swap3A_630 = arith.index_cast %swap3A_629 : i32 to index
        %swap3A_631 = arith.constant 80 : index
        %swap3A_632 = tpu.vector_load %arg6[%swap3A_630, %swap3A_631] {strides = array<i32>} : memref<4x128xi32, #tpu.memory_space<vmem>>, vector<16xi32>,
        tpu.vector_store %arg6[%swap3A_630, %swap3A_631], %gather3A_628 {strides = array<i32>} : memref<4x128xi32, #tpu.memory_space<vmem>>, vector<16xi32>,
        %add3A_633 = arith.constant 4800 : i32
        %add3A_634 = arith.addi %add3A_578, %add3A_633 : i32
        %add3A_635 = vector.broadcast %add3A_634 : i32 to vector<16xi32>
        %add3A_636 = arith.addi %mul3A_5, %add3A_635 : vector<16xi32>
        %gather3A_637 = tpu.vector_load_idx %arg5[%add3A_636] : memref<25600xi32, #tpu.memory_space<vmem>>[vector<16xi32>], vector<16xi32>,
        %swap3A_638 = arith.constant 0 : i32
        %swap3A_639 = arith.index_cast %swap3A_638 : i32 to index
        %swap3A_640 = arith.constant 96 : index
        %swap3A_641 = tpu.vector_load %arg6[%swap3A_639, %swap3A_640] {strides = array<i32>} : memref<4x128xi32, #tpu.memory_space<vmem>>, vector<16xi32>,
        tpu.vector_store %arg6[%swap3A_639, %swap3A_640], %gather3A_637 {strides = array<i32>} : memref<4x128xi32, #tpu.memory_space<vmem>>, vector<16xi32>,
        %add3A_642 = arith.constant 5600 : i32
        %add3A_643 = arith.addi %add3A_578, %add3A_642 : i32
        %add3A_644 = vector.broadcast %add3A_643 : i32 to vector<16xi32>
        %add3A_645 = arith.addi %mul3A_5, %add3A_644 : vector<16xi32>
        %gather3A_646 = tpu.vector_load_idx %arg5[%add3A_645] : memref<25600xi32, #tpu.memory_space<vmem>>[vector<16xi32>], vector<16xi32>,
        %swap3A_647 = arith.constant 0 : i32
        %swap3A_648 = arith.index_cast %swap3A_647 : i32 to index
        %swap3A_649 = arith.constant 112 : index
        %swap3A_650 = tpu.vector_load %arg6[%swap3A_648, %swap3A_649] {strides = array<i32>} : memref<4x128xi32, #tpu.memory_space<vmem>>, vector<16xi32>,
        tpu.vector_store %arg6[%swap3A_648, %swap3A_649], %gather3A_646 {strides = array<i32>} : memref<4x128xi32, #tpu.memory_space<vmem>>, vector<16xi32>,
        %dma_start3A_651 = arith.constant 0 : i32
        %dma_start3A_652 = arith.constant 0 : i32
        %dma_start3A_653 = arith.constant 0 : i32
        %dma_start3A_654 = arith.constant 0 : i32
        %dma_start3A_655 = tpu.memref_slice %arg7[%dma_start3A_652, %dma_start3A_653, %dma_start3A_654] : memref<4x128x64xf32, #tpu.memory_space<vmem>> -> memref<1x128x64xf32, #tpu.memory_space<vmem>>
        %dma_start3A_656 = tpu.memref_squeeze %dma_start3A_655 : memref<1x128x64xf32, #tpu.memory_space<vmem>> -> memref<128x64xf32, #tpu.memory_space<vmem>>
        %dma_start3A_657 = arith.constant 0 : i32
        %dma_start3A_658 = tpu.memref_slice %arg6[%dma_start3A_651, %dma_start3A_657] : memref<4x128xi32, #tpu.memory_space<vmem>> -> memref<1x128xi32, #tpu.memory_space<vmem>>
        %dma_start3A_659 = tpu.memref_squeeze %dma_start3A_658 : memref<1x128xi32, #tpu.memory_space<vmem>> -> memref<128xi32, #tpu.memory_space<vmem>>
        %dma_start3A_660 = arith.constant 0 : i32
        %dma_start3A_661 = arith.constant 0 : i32
        %dma_start3A_662 = tpu.memref_slice %arg3[%dma_start3A_660, %dma_start3A_661] : memref<1000000x64xf32, #tpu.memory_space<hbm>> -> memref<1000000x64xf32, #tpu.memory_space<hbm>>
        tpu.enqueue_indirect_dma source(%dma_start3A_662 : memref<1000000x64xf32, #tpu.memory_space<hbm>>) target(%dma_start3A_656 : memref<128x64xf32, #tpu.memory_space<vmem>>) offsets(%dma_start3A_659 : memref<128xi32, #tpu.memory_space<vmem>>) semaphore(%arg9 : memref<!tpu.dma_semaphore, #tpu.memory_space<semaphore_mem>>)
      } else {
      }
      %dma_wait3A_357 = arith.constant 1 : i32
      %dma_wait3A_358 = arith.constant 0 : i32
      %dma_wait3A_359 = arith.constant 0 : i32
      %dma_wait3A_360 = tpu.memref_slice %arg7[%dma_wait3A_357, %dma_wait3A_358, %dma_wait3A_359] : memref<4x128x64xf32, #tpu.memory_space<vmem>> -> memref<1x128x64xf32, #tpu.memory_space<vmem>>
      %dma_wait3A_361 = tpu.memref_squeeze %dma_wait3A_360 : memref<1x128x64xf32, #tpu.memory_space<vmem>> -> memref<128x64xf32, #tpu.memory_space<vmem>>
      %dma_wait3A_362 = arith.constant 0 : i32
      %dma_wait3A_363 = arith.constant 0 : i32
      %dma_wait3A_364 = tpu.memref_slice %arg3[%dma_wait3A_362, %dma_wait3A_363] : memref<1000000x64xf32, #tpu.memory_space<hbm>> -> memref<128x64xf32, #tpu.memory_space<hbm>>
      %dma_wait3A_365 = arith.constant 0 : i32
      %dma_wait3A_366 = arith.constant 0 : i32
      %dma_wait3A_367 = tpu.memref_slice %arg7[%dma_wait3A_357, %dma_wait3A_365, %dma_wait3A_366] : memref<4x128x64xf32, #tpu.memory_space<vmem>> -> memref<1x128x64xf32, #tpu.memory_space<vmem>>
      %dma_wait3A_368 = tpu.memref_squeeze %dma_wait3A_367 : memref<1x128x64xf32, #tpu.memory_space<vmem>> -> memref<128x64xf32, #tpu.memory_space<vmem>>
      %dma_wait3A_369 = arith.constant 0 : i32
      %dma_wait3A_370 = arith.constant 0 : i32
      %dma_wait3A_371 = tpu.memref_slice %arg3[%dma_wait3A_369, %dma_wait3A_370] : memref<1000000x64xf32, #tpu.memory_space<hbm>> -> memref<128x64xf32, #tpu.memory_space<hbm>>
      tpu.wait_dma2 semaphore(%arg10 : memref<!tpu.dma_semaphore, #tpu.memory_space<semaphore_mem>>) src(%dma_wait3A_371 : memref<128x64xf32, #tpu.memory_space<hbm>>) dst(%dma_wait3A_368 : memref<128x64xf32, #tpu.memory_space<vmem>>)
      %ge3A_372 = arith.constant 2 : i32
      %ge3A_373 = arith.cmpi sge, %add3A_349, %ge3A_372 : i32
      %convert_element_type3A_374 = arith.extui %ge3A_373 : i1 to i32
      %cond3A_375 = arith.constant 0 : i32
      %cond3A_376 = arith.cmpi ne, %convert_element_type3A_374, %cond3A_375 : i32
      scf.if %cond3A_376 {
        %dma_wait3A_549 = arith.constant 0 : i32
        %dma_wait3A_550 = arith.constant 0 : i32
        %dma_wait3A_551 = arith.constant 0 : i32
        %dma_wait3A_552 = tpu.memref_slice %arg7[%dma_wait3A_549, %dma_wait3A_550, %dma_wait3A_551] : memref<4x128x64xf32, #tpu.memory_space<vmem>> -> memref<1x128x64xf32, #tpu.memory_space<vmem>>
        %dma_wait3A_553 = tpu.memref_squeeze %dma_wait3A_552 : memref<1x128x64xf32, #tpu.memory_space<vmem>> -> memref<128x64xf32, #tpu.memory_space<vmem>>
        %dma_wait3A_554 = arith.constant 0 : i32
        %dma_wait3A_555 = arith.constant 0 : i32
        %dma_wait3A_556 = tpu.memref_slice %arg3[%dma_wait3A_554, %dma_wait3A_555] : memref<1000000x64xf32, #tpu.memory_space<hbm>> -> memref<128x64xf32, #tpu.memory_space<hbm>>
        %dma_wait3A_557 = arith.constant 0 : i32
        %dma_wait3A_558 = arith.constant 0 : i32
        %dma_wait3A_559 = tpu.memref_slice %arg7[%dma_wait3A_549, %dma_wait3A_557, %dma_wait3A_558] : memref<4x128x64xf32, #tpu.memory_space<vmem>> -> memref<1x128x64xf32, #tpu.memory_space<vmem>>
        %dma_wait3A_560 = tpu.memref_squeeze %dma_wait3A_559 : memref<1x128x64xf32, #tpu.memory_space<vmem>> -> memref<128x64xf32, #tpu.memory_space<vmem>>
        %dma_wait3A_561 = arith.constant 0 : i32
        %dma_wait3A_562 = arith.constant 0 : i32
        %dma_wait3A_563 = tpu.memref_slice %arg3[%dma_wait3A_561, %dma_wait3A_562] : memref<1000000x64xf32, #tpu.memory_space<hbm>> -> memref<128x64xf32, #tpu.memory_space<hbm>>
        tpu.wait_dma2 semaphore(%arg14 : memref<!tpu.dma_semaphore, #tpu.memory_space<semaphore_mem>>) src(%dma_wait3A_563 : memref<128x64xf32, #tpu.memory_space<hbm>>) dst(%dma_wait3A_560 : memref<128x64xf32, #tpu.memory_space<vmem>>)
      } else {
      }
      %parallel_loop3A_377 = arith.constant 0 : i32
      %parallel_loop3A_378 = arith.constant 128 : i32
      %parallel_loop3A_379 = arith.constant 1 : i32
      scf.for %parallel_loop3A_549 = %parallel_loop3A_377 to %parallel_loop3A_378 step %parallel_loop3A_379  : i32 {
        %parallel_loop3A_550 = vector.broadcast %parallel_loop3A_549 : i32 to vector<16xi32>
        %parallel_loop3A_551 = arith.addi %mul3A_8, %parallel_loop3A_550 : vector<16xi32>
        %parallel_loop3A_552 = arith.constant 1 : i32
        %parallel_loop3A_553 = arith.index_cast %parallel_loop3A_552 : i32 to index
        %parallel_loop3A_554 = arith.index_cast %parallel_loop3A_549 : i32 to index
        %parallel_loop3A_555 = arith.constant 0 : index
        %parallel_loop3A_556 = tpu.vector_load %arg7[%parallel_loop3A_553, %parallel_loop3A_554, %parallel_loop3A_555] {strides = array<i32>} : memref<4x128x64xf32, #tpu.memory_space<vmem>>, vector<16xf32>,
        %parallel_loop3A_557 = arith.constant 1 : i32
        %parallel_loop3A_558 = arith.constant 0 : i32
        %parallel_loop3A_559 = arith.constant 0 : i32
        %parallel_loop3A_560 = tpu.memref_slice %arg8[%parallel_loop3A_557, %parallel_loop3A_558, %parallel_loop3A_559] : memref<2x64x136xf32, #tpu.memory_space<vmem>> -> memref<1x64x136xf32, #tpu.memory_space<vmem>>
        %parallel_loop3A_561 = tpu.memref_squeeze %parallel_loop3A_560 : memref<1x64x136xf32, #tpu.memory_space<vmem>> -> memref<64x136xf32, #tpu.memory_space<vmem>>
        tpu.vector_store_idx %parallel_loop3A_561[%add3A_11, %parallel_loop3A_551], %parallel_loop3A_556 : memref<64x136xf32, #tpu.memory_space<vmem>>[vector<16xi32>, vector<16xi32>], vector<16xf32>,
        %parallel_loop3A_562 = arith.constant 1 : i32
        %parallel_loop3A_563 = arith.index_cast %parallel_loop3A_562 : i32 to index
        %parallel_loop3A_564 = arith.index_cast %parallel_loop3A_549 : i32 to index
        %parallel_loop3A_565 = arith.constant 16 : index
        %parallel_loop3A_566 = tpu.vector_load %arg7[%parallel_loop3A_563, %parallel_loop3A_564, %parallel_loop3A_565] {strides = array<i32>} : memref<4x128x64xf32, #tpu.memory_space<vmem>>, vector<16xf32>,
        %parallel_loop3A_567 = arith.constant 1 : i32
        %parallel_loop3A_568 = arith.constant 0 : i32
        %parallel_loop3A_569 = arith.constant 0 : i32
        %parallel_loop3A_570 = tpu.memref_slice %arg8[%parallel_loop3A_567, %parallel_loop3A_568, %parallel_loop3A_569] : memref<2x64x136xf32, #tpu.memory_space<vmem>> -> memref<1x64x136xf32, #tpu.memory_space<vmem>>
        %parallel_loop3A_571 = tpu.memref_squeeze %parallel_loop3A_570 : memref<1x64x136xf32, #tpu.memory_space<vmem>> -> memref<64x136xf32, #tpu.memory_space<vmem>>
        tpu.vector_store_idx %parallel_loop3A_571[%add3A_14, %parallel_loop3A_551], %parallel_loop3A_566 : memref<64x136xf32, #tpu.memory_space<vmem>>[vector<16xi32>, vector<16xi32>], vector<16xf32>,
        %parallel_loop3A_572 = arith.constant 1 : i32
        %parallel_loop3A_573 = arith.index_cast %parallel_loop3A_572 : i32 to index
        %parallel_loop3A_574 = arith.index_cast %parallel_loop3A_549 : i32 to index
        %parallel_loop3A_575 = arith.constant 32 : index
        %parallel_loop3A_576 = tpu.vector_load %arg7[%parallel_loop3A_573, %parallel_loop3A_574, %parallel_loop3A_575] {strides = array<i32>} : memref<4x128x64xf32, #tpu.memory_space<vmem>>, vector<16xf32>,
        %parallel_loop3A_577 = arith.constant 1 : i32
        %parallel_loop3A_578 = arith.constant 0 : i32
        %parallel_loop3A_579 = arith.constant 0 : i32
        %parallel_loop3A_580 = tpu.memref_slice %arg8[%parallel_loop3A_577, %parallel_loop3A_578, %parallel_loop3A_579] : memref<2x64x136xf32, #tpu.memory_space<vmem>> -> memref<1x64x136xf32, #tpu.memory_space<vmem>>
        %parallel_loop3A_581 = tpu.memref_squeeze %parallel_loop3A_580 : memref<1x64x136xf32, #tpu.memory_space<vmem>> -> memref<64x136xf32, #tpu.memory_space<vmem>>
        tpu.vector_store_idx %parallel_loop3A_581[%add3A_17, %parallel_loop3A_551], %parallel_loop3A_576 : memref<64x136xf32, #tpu.memory_space<vmem>>[vector<16xi32>, vector<16xi32>], vector<16xf32>,
        %parallel_loop3A_582 = arith.constant 1 : i32
        %parallel_loop3A_583 = arith.index_cast %parallel_loop3A_582 : i32 to index
        %parallel_loop3A_584 = arith.index_cast %parallel_loop3A_549 : i32 to index
        %parallel_loop3A_585 = arith.constant 48 : index
        %parallel_loop3A_586 = tpu.vector_load %arg7[%parallel_loop3A_583, %parallel_loop3A_584, %parallel_loop3A_585] {strides = array<i32>} : memref<4x128x64xf32, #tpu.memory_space<vmem>>, vector<16xf32>,
        %parallel_loop3A_587 = arith.constant 1 : i32
        %parallel_loop3A_588 = arith.constant 0 : i32
        %parallel_loop3A_589 = arith.constant 0 : i32
        %parallel_loop3A_590 = tpu.memref_slice %arg8[%parallel_loop3A_587, %parallel_loop3A_588, %parallel_loop3A_589] : memref<2x64x136xf32, #tpu.memory_space<vmem>> -> memref<1x64x136xf32, #tpu.memory_space<vmem>>
        %parallel_loop3A_591 = tpu.memref_squeeze %parallel_loop3A_590 : memref<1x64x136xf32, #tpu.memory_space<vmem>> -> memref<64x136xf32, #tpu.memory_space<vmem>>
        tpu.vector_store_idx %parallel_loop3A_591[%add3A_20, %parallel_loop3A_551], %parallel_loop3A_586 : memref<64x136xf32, #tpu.memory_space<vmem>>[vector<16xi32>, vector<16xi32>], vector<16xf32>,
      } {sc.loop_unroll_factor = 4 : i64, sc.parallel_access}
      %jit3A_380 = arith.constant 50 : i32
      %div3A_381 = arith.divsi %add3A_349, %jit3A_380 : i32
      %sign3A_382 = arith.constant 0 : i32
      %sign3A_383 = arith.cmpi sgt, %add3A_349, %sign3A_382 : i32
      %sign3A_384 = arith.extui %sign3A_383 : i1 to i32
      %sign3A_385 = arith.constant 0 : i32
      %sign3A_386 = arith.cmpi slt, %add3A_349, %sign3A_385 : i32
      %sign3A_387 = arith.extui %sign3A_386 : i1 to i32
      %sign3A_388 = arith.subi %sign3A_384, %sign3A_387 : i32
      %sign3A_389 = arith.constant 0 : i32
      %sign3A_390 = arith.cmpi sgt, %jit3A_380, %sign3A_389 : i32
      %sign3A_391 = arith.extui %sign3A_390 : i1 to i32
      %sign3A_392 = arith.constant 0 : i32
      %sign3A_393 = arith.cmpi slt, %jit3A_380, %sign3A_392 : i32
      %sign3A_394 = arith.extui %sign3A_393 : i1 to i32
      %sign3A_395 = arith.subi %sign3A_391, %sign3A_394 : i32
      %ne3A_396 = arith.cmpi ne, %sign3A_388, %sign3A_395 : i32
      %rem3A_397 = arith.remsi %add3A_349, %jit3A_380 : i32
      %ne3A_398 = arith.constant 0 : i32
      %ne3A_399 = arith.cmpi ne, %rem3A_397, %ne3A_398 : i32
      %and3A_400 = arith.andi %ne3A_396, %ne3A_399 : i1
      %sub3A_401 = arith.constant 1 : i32
      %sub3A_402 = arith.subi %div3A_381, %sub3A_401 : i32
      %select_n3A_403 = arith.select %and3A_400, %sub3A_402, %div3A_381 : i32
      %mul3A_404 = arith.constant 50 : i32
      %mul3A_405 = arith.muli %select_n3A_403, %mul3A_404 : i32
      %sub3A_406 = arith.subi %add3A_349, %mul3A_405 : i32
      %mul3A_407 = arith.constant 4 : i32
      %mul3A_408 = arith.muli %add3A, %mul3A_407 : i32
      %add3A_409 = arith.addi %mul3A_408, %select_n3A_403 : i32
      %scan3A_410 = arith.constant 0 : i32
      %scan3A_411 = arith.constant 64 : i32
      %scan3A_412 = arith.addi %scan3A_410, %scan3A_411 : i32
      %scan3A_413 = arith.constant 8 : i32
      scf.for %scan3A_549 = %scan3A_410 to %scan3A_412 step %scan3A_413  : i32 {
        %jit3A_550 = arith.constant 8 : i32
        %div3A_551 = arith.divsi %scan3A_549, %jit3A_550 : i32
        %sign3A_552 = arith.constant 0 : i32
        %sign3A_553 = arith.cmpi sgt, %scan3A_549, %sign3A_552 : i32
        %sign3A_554 = arith.extui %sign3A_553 : i1 to i32
        %sign3A_555 = arith.constant 0 : i32
        %sign3A_556 = arith.cmpi slt, %scan3A_549, %sign3A_555 : i32
        %sign3A_557 = arith.extui %sign3A_556 : i1 to i32
        %sign3A_558 = arith.subi %sign3A_554, %sign3A_557 : i32
        %sign3A_559 = arith.constant 0 : i32
        %sign3A_560 = arith.cmpi sgt, %jit3A_550, %sign3A_559 : i32
        %sign3A_561 = arith.extui %sign3A_560 : i1 to i32
        %sign3A_562 = arith.constant 0 : i32
        %sign3A_563 = arith.cmpi slt, %jit3A_550, %sign3A_562 : i32
        %sign3A_564 = arith.extui %sign3A_563 : i1 to i32
        %sign3A_565 = arith.subi %sign3A_561, %sign3A_564 : i32
        %ne3A_566 = arith.cmpi ne, %sign3A_558, %sign3A_565 : i32
        %rem3A_567 = arith.remsi %scan3A_549, %jit3A_550 : i32
        %ne3A_568 = arith.constant 0 : i32
        %ne3A_569 = arith.cmpi ne, %rem3A_567, %ne3A_568 : i32
        %and3A_570 = arith.andi %ne3A_566, %ne3A_569 : i1
        %sub3A_571 = arith.constant 1 : i32
        %sub3A_572 = arith.subi %div3A_551, %sub3A_571 : i32
        %select_n3A_573 = arith.select %and3A_570, %sub3A_572, %div3A_551 : i32
        %mul3A_574 = arith.constant 8 : i32
        %mul3A_575 = arith.muli %select_n3A_573, %mul3A_574 : i32
        %sub3A_576 = arith.subi %scan3A_549, %mul3A_575 : i32
        %dma_start3A_577 = arith.constant 1 : i32
        %dma_start3A_578 = arith.constant 0 : i32
        %dma_start3A_579 = tpu.memref_slice %arg8[%dma_start3A_577, %scan3A_549, %dma_start3A_578] : memref<2x64x136xf32, #tpu.memory_space<vmem>> -> memref<1x1x128xf32, #tpu.memory_space<vmem>>
        %dma_start3A_580 = tpu.memref_squeeze %dma_start3A_579 : memref<1x1x128xf32, #tpu.memory_space<vmem>> -> memref<128xf32, #tpu.memory_space<vmem>>
        %dma_start3A_581 = arith.constant 0 : i32
        %dma_start3A_582 = tpu.memref_slice %arg4[%sub3A_406, %select_n3A_573, %add3A_409, %sub3A_576, %dma_start3A_581] : memref<50x8x128x8x128xf32, #tpu.memory_space<hbm>> -> memref<1x1x1x1x128xf32, #tpu.memory_space<hbm>>
        %dma_start3A_583 = tpu.memref_squeeze %dma_start3A_582 : memref<1x1x1x1x128xf32, #tpu.memory_space<hbm>> -> memref<128xf32, #tpu.memory_space<hbm>>
        %dma_start3A_584 = arith.constant 0 : i32
        %dma_start3A_585 = tpu.memref_slice %arg4[%sub3A_406, %select_n3A_573, %add3A_409, %sub3A_576, %dma_start3A_584] : memref<50x8x128x8x128xf32, #tpu.memory_space<hbm>> -> memref<1x1x1x1x128xf32, #tpu.memory_space<hbm>>
        %dma_start3A_586 = tpu.memref_squeeze %dma_start3A_585 : memref<1x1x1x1x128xf32, #tpu.memory_space<hbm>> -> memref<128xf32, #tpu.memory_space<hbm>>
        %dma_start3A_587 = arith.constant 0 : i32
        %dma_start3A_588 = tpu.memref_slice %arg8[%dma_start3A_577, %scan3A_549, %dma_start3A_587] : memref<2x64x136xf32, #tpu.memory_space<vmem>> -> memref<1x1x128xf32, #tpu.memory_space<vmem>>
        %dma_start3A_589 = tpu.memref_squeeze %dma_start3A_588 : memref<1x1x128xf32, #tpu.memory_space<vmem>> -> memref<128xf32, #tpu.memory_space<vmem>>
        tpu.enqueue_dma source(%dma_start3A_589 : memref<128xf32, #tpu.memory_space<vmem>>) target(%dma_start3A_586 : memref<128xf32, #tpu.memory_space<hbm>>) target_semaphore(%arg14 : memref<!tpu.dma_semaphore, #tpu.memory_space<semaphore_mem>>)
        %scan3A_590 = arith.constant 1 : i32
        %scan3A_591 = arith.addi %scan3A_549, %scan3A_590 : i32
        %jit3A_592 = arith.constant 8 : i32
        %div3A_593 = arith.divsi %scan3A_591, %jit3A_592 : i32
        %sign3A_594 = arith.constant 0 : i32
        %sign3A_595 = arith.cmpi sgt, %scan3A_591, %sign3A_594 : i32
        %sign3A_596 = arith.extui %sign3A_595 : i1 to i32
        %sign3A_597 = arith.constant 0 : i32
        %sign3A_598 = arith.cmpi slt, %scan3A_591, %sign3A_597 : i32
        %sign3A_599 = arith.extui %sign3A_598 : i1 to i32
        %sign3A_600 = arith.subi %sign3A_596, %sign3A_599 : i32
        %sign3A_601 = arith.constant 0 : i32
        %sign3A_602 = arith.cmpi sgt, %jit3A_592, %sign3A_601 : i32
        %sign3A_603 = arith.extui %sign3A_602 : i1 to i32
        %sign3A_604 = arith.constant 0 : i32
        %sign3A_605 = arith.cmpi slt, %jit3A_592, %sign3A_604 : i32
        %sign3A_606 = arith.extui %sign3A_605 : i1 to i32
        %sign3A_607 = arith.subi %sign3A_603, %sign3A_606 : i32
        %ne3A_608 = arith.cmpi ne, %sign3A_600, %sign3A_607 : i32
        %rem3A_609 = arith.remsi %scan3A_591, %jit3A_592 : i32
        %ne3A_610 = arith.constant 0 : i32
        %ne3A_611 = arith.cmpi ne, %rem3A_609, %ne3A_610 : i32
        %and3A_612 = arith.andi %ne3A_608, %ne3A_611 : i1
        %sub3A_613 = arith.constant 1 : i32
        %sub3A_614 = arith.subi %div3A_593, %sub3A_613 : i32
        %select_n3A_615 = arith.select %and3A_612, %sub3A_614, %div3A_593 : i32
        %mul3A_616 = arith.constant 8 : i32
        %mul3A_617 = arith.muli %select_n3A_615, %mul3A_616 : i32
        %sub3A_618 = arith.subi %scan3A_591, %mul3A_617 : i32
        %dma_start3A_619 = arith.constant 1 : i32
        %dma_start3A_620 = arith.constant 0 : i32
        %dma_start3A_621 = tpu.memref_slice %arg8[%dma_start3A_619, %scan3A_591, %dma_start3A_620] : memref<2x64x136xf32, #tpu.memory_space<vmem>> -> memref<1x1x128xf32, #tpu.memory_space<vmem>>
        %dma_start3A_622 = tpu.memref_squeeze %dma_start3A_621 : memref<1x1x128xf32, #tpu.memory_space<vmem>> -> memref<128xf32, #tpu.memory_space<vmem>>
        %dma_start3A_623 = arith.constant 0 : i32
        %dma_start3A_624 = tpu.memref_slice %arg4[%sub3A_406, %select_n3A_615, %add3A_409, %sub3A_618, %dma_start3A_623] : memref<50x8x128x8x128xf32, #tpu.memory_space<hbm>> -> memref<1x1x1x1x128xf32, #tpu.memory_space<hbm>>
        %dma_start3A_625 = tpu.memref_squeeze %dma_start3A_624 : memref<1x1x1x1x128xf32, #tpu.memory_space<hbm>> -> memref<128xf32, #tpu.memory_space<hbm>>
        %dma_start3A_626 = arith.constant 0 : i32
        %dma_start3A_627 = tpu.memref_slice %arg4[%sub3A_406, %select_n3A_615, %add3A_409, %sub3A_618, %dma_start3A_626] : memref<50x8x128x8x128xf32, #tpu.memory_space<hbm>> -> memref<1x1x1x1x128xf32, #tpu.memory_space<hbm>>
        %dma_start3A_628 = tpu.memref_squeeze %dma_start3A_627 : memref<1x1x1x1x128xf32, #tpu.memory_space<hbm>> -> memref<128xf32, #tpu.memory_space<hbm>>
        %dma_start3A_629 = arith.constant 0 : i32
        %dma_start3A_630 = tpu.memref_slice %arg8[%dma_start3A_619, %scan3A_591, %dma_start3A_629] : memref<2x64x136xf32, #tpu.memory_space<vmem>> -> memref<1x1x128xf32, #tpu.memory_space<vmem>>
        %dma_start3A_631 = tpu.memref_squeeze %dma_start3A_630 : memref<1x1x128xf32, #tpu.memory_space<vmem>> -> memref<128xf32, #tpu.memory_space<vmem>>
        tpu.enqueue_dma source(%dma_start3A_631 : memref<128xf32, #tpu.memory_space<vmem>>) target(%dma_start3A_628 : memref<128xf32, #tpu.memory_space<hbm>>) target_semaphore(%arg14 : memref<!tpu.dma_semaphore, #tpu.memory_space<semaphore_mem>>)
        %scan3A_632 = arith.constant 2 : i32
        %scan3A_633 = arith.addi %scan3A_549, %scan3A_632 : i32
        %jit3A_634 = arith.constant 8 : i32
        %div3A_635 = arith.divsi %scan3A_633, %jit3A_634 : i32
        %sign3A_636 = arith.constant 0 : i32
        %sign3A_637 = arith.cmpi sgt, %scan3A_633, %sign3A_636 : i32
        %sign3A_638 = arith.extui %sign3A_637 : i1 to i32
        %sign3A_639 = arith.constant 0 : i32
        %sign3A_640 = arith.cmpi slt, %scan3A_633, %sign3A_639 : i32
        %sign3A_641 = arith.extui %sign3A_640 : i1 to i32
        %sign3A_642 = arith.subi %sign3A_638, %sign3A_641 : i32
        %sign3A_643 = arith.constant 0 : i32
        %sign3A_644 = arith.cmpi sgt, %jit3A_634, %sign3A_643 : i32
        %sign3A_645 = arith.extui %sign3A_644 : i1 to i32
        %sign3A_646 = arith.constant 0 : i32
        %sign3A_647 = arith.cmpi slt, %jit3A_634, %sign3A_646 : i32
        %sign3A_648 = arith.extui %sign3A_647 : i1 to i32
        %sign3A_649 = arith.subi %sign3A_645, %sign3A_648 : i32
        %ne3A_650 = arith.cmpi ne, %sign3A_642, %sign3A_649 : i32
        %rem3A_651 = arith.remsi %scan3A_633, %jit3A_634 : i32
        %ne3A_652 = arith.constant 0 : i32
        %ne3A_653 = arith.cmpi ne, %rem3A_651, %ne3A_652 : i32
        %and3A_654 = arith.andi %ne3A_650, %ne3A_653 : i1
        %sub3A_655 = arith.constant 1 : i32
        %sub3A_656 = arith.subi %div3A_635, %sub3A_655 : i32
        %select_n3A_657 = arith.select %and3A_654, %sub3A_656, %div3A_635 : i32
        %mul3A_658 = arith.constant 8 : i32
        %mul3A_659 = arith.muli %select_n3A_657, %mul3A_658 : i32
        %sub3A_660 = arith.subi %scan3A_633, %mul3A_659 : i32
        %dma_start3A_661 = arith.constant 1 : i32
        %dma_start3A_662 = arith.constant 0 : i32
        %dma_start3A_663 = tpu.memref_slice %arg8[%dma_start3A_661, %scan3A_633, %dma_start3A_662] : memref<2x64x136xf32, #tpu.memory_space<vmem>> -> memref<1x1x128xf32, #tpu.memory_space<vmem>>
        %dma_start3A_664 = tpu.memref_squeeze %dma_start3A_663 : memref<1x1x128xf32, #tpu.memory_space<vmem>> -> memref<128xf32, #tpu.memory_space<vmem>>
        %dma_start3A_665 = arith.constant 0 : i32
        %dma_start3A_666 = tpu.memref_slice %arg4[%sub3A_406, %select_n3A_657, %add3A_409, %sub3A_660, %dma_start3A_665] : memref<50x8x128x8x128xf32, #tpu.memory_space<hbm>> -> memref<1x1x1x1x128xf32, #tpu.memory_space<hbm>>
        %dma_start3A_667 = tpu.memref_squeeze %dma_start3A_666 : memref<1x1x1x1x128xf32, #tpu.memory_space<hbm>> -> memref<128xf32, #tpu.memory_space<hbm>>
        %dma_start3A_668 = arith.constant 0 : i32
        %dma_start3A_669 = tpu.memref_slice %arg4[%sub3A_406, %select_n3A_657, %add3A_409, %sub3A_660, %dma_start3A_668] : memref<50x8x128x8x128xf32, #tpu.memory_space<hbm>> -> memref<1x1x1x1x128xf32, #tpu.memory_space<hbm>>
        %dma_start3A_670 = tpu.memref_squeeze %dma_start3A_669 : memref<1x1x1x1x128xf32, #tpu.memory_space<hbm>> -> memref<128xf32, #tpu.memory_space<hbm>>
        %dma_start3A_671 = arith.constant 0 : i32
        %dma_start3A_672 = tpu.memref_slice %arg8[%dma_start3A_661, %scan3A_633, %dma_start3A_671] : memref<2x64x136xf32, #tpu.memory_space<vmem>> -> memref<1x1x128xf32, #tpu.memory_space<vmem>>
        %dma_start3A_673 = tpu.memref_squeeze %dma_start3A_672 : memref<1x1x128xf32, #tpu.memory_space<vmem>> -> memref<128xf32, #tpu.memory_space<vmem>>
        tpu.enqueue_dma source(%dma_start3A_673 : memref<128xf32, #tpu.memory_space<vmem>>) target(%dma_start3A_670 : memref<128xf32, #tpu.memory_space<hbm>>) target_semaphore(%arg14 : memref<!tpu.dma_semaphore, #tpu.memory_space<semaphore_mem>>)
        %scan3A_674 = arith.constant 3 : i32
        %scan3A_675 = arith.addi %scan3A_549, %scan3A_674 : i32
        %jit3A_676 = arith.constant 8 : i32
        %div3A_677 = arith.divsi %scan3A_675, %jit3A_676 : i32
        %sign3A_678 = arith.constant 0 : i32
        %sign3A_679 = arith.cmpi sgt, %scan3A_675, %sign3A_678 : i32
        %sign3A_680 = arith.extui %sign3A_679 : i1 to i32
        %sign3A_681 = arith.constant 0 : i32
        %sign3A_682 = arith.cmpi slt, %scan3A_675, %sign3A_681 : i32
        %sign3A_683 = arith.extui %sign3A_682 : i1 to i32
        %sign3A_684 = arith.subi %sign3A_680, %sign3A_683 : i32
        %sign3A_685 = arith.constant 0 : i32
        %sign3A_686 = arith.cmpi sgt, %jit3A_676, %sign3A_685 : i32
        %sign3A_687 = arith.extui %sign3A_686 : i1 to i32
        %sign3A_688 = arith.constant 0 : i32
        %sign3A_689 = arith.cmpi slt, %jit3A_676, %sign3A_688 : i32
        %sign3A_690 = arith.extui %sign3A_689 : i1 to i32
        %sign3A_691 = arith.subi %sign3A_687, %sign3A_690 : i32
        %ne3A_692 = arith.cmpi ne, %sign3A_684, %sign3A_691 : i32
        %rem3A_693 = arith.remsi %scan3A_675, %jit3A_676 : i32
        %ne3A_694 = arith.constant 0 : i32
        %ne3A_695 = arith.cmpi ne, %rem3A_693, %ne3A_694 : i32
        %and3A_696 = arith.andi %ne3A_692, %ne3A_695 : i1
        %sub3A_697 = arith.constant 1 : i32
        %sub3A_698 = arith.subi %div3A_677, %sub3A_697 : i32
        %select_n3A_699 = arith.select %and3A_696, %sub3A_698, %div3A_677 : i32
        %mul3A_700 = arith.constant 8 : i32
        %mul3A_701 = arith.muli %select_n3A_699, %mul3A_700 : i32
        %sub3A_702 = arith.subi %scan3A_675, %mul3A_701 : i32
        %dma_start3A_703 = arith.constant 1 : i32
        %dma_start3A_704 = arith.constant 0 : i32
        %dma_start3A_705 = tpu.memref_slice %arg8[%dma_start3A_703, %scan3A_675, %dma_start3A_704] : memref<2x64x136xf32, #tpu.memory_space<vmem>> -> memref<1x1x128xf32, #tpu.memory_space<vmem>>
        %dma_start3A_706 = tpu.memref_squeeze %dma_start3A_705 : memref<1x1x128xf32, #tpu.memory_space<vmem>> -> memref<128xf32, #tpu.memory_space<vmem>>
        %dma_start3A_707 = arith.constant 0 : i32
        %dma_start3A_708 = tpu.memref_slice %arg4[%sub3A_406, %select_n3A_699, %add3A_409, %sub3A_702, %dma_start3A_707] : memref<50x8x128x8x128xf32, #tpu.memory_space<hbm>> -> memref<1x1x1x1x128xf32, #tpu.memory_space<hbm>>
        %dma_start3A_709 = tpu.memref_squeeze %dma_start3A_708 : memref<1x1x1x1x128xf32, #tpu.memory_space<hbm>> -> memref<128xf32, #tpu.memory_space<hbm>>
        %dma_start3A_710 = arith.constant 0 : i32
        %dma_start3A_711 = tpu.memref_slice %arg4[%sub3A_406, %select_n3A_699, %add3A_409, %sub3A_702, %dma_start3A_710] : memref<50x8x128x8x128xf32, #tpu.memory_space<hbm>> -> memref<1x1x1x1x128xf32, #tpu.memory_space<hbm>>
        %dma_start3A_712 = tpu.memref_squeeze %dma_start3A_711 : memref<1x1x1x1x128xf32, #tpu.memory_space<hbm>> -> memref<128xf32, #tpu.memory_space<hbm>>
        %dma_start3A_713 = arith.constant 0 : i32
        %dma_start3A_714 = tpu.memref_slice %arg8[%dma_start3A_703, %scan3A_675, %dma_start3A_713] : memref<2x64x136xf32, #tpu.memory_space<vmem>> -> memref<1x1x128xf32, #tpu.memory_space<vmem>>
        %dma_start3A_715 = tpu.memref_squeeze %dma_start3A_714 : memref<1x1x128xf32, #tpu.memory_space<vmem>> -> memref<128xf32, #tpu.memory_space<vmem>>
        tpu.enqueue_dma source(%dma_start3A_715 : memref<128xf32, #tpu.memory_space<vmem>>) target(%dma_start3A_712 : memref<128xf32, #tpu.memory_space<hbm>>) target_semaphore(%arg14 : memref<!tpu.dma_semaphore, #tpu.memory_space<semaphore_mem>>)
        %scan3A_716 = arith.constant 4 : i32
        %scan3A_717 = arith.addi %scan3A_549, %scan3A_716 : i32
        %jit3A_718 = arith.constant 8 : i32
        %div3A_719 = arith.divsi %scan3A_717, %jit3A_718 : i32
        %sign3A_720 = arith.constant 0 : i32
        %sign3A_721 = arith.cmpi sgt, %scan3A_717, %sign3A_720 : i32
        %sign3A_722 = arith.extui %sign3A_721 : i1 to i32
        %sign3A_723 = arith.constant 0 : i32
        %sign3A_724 = arith.cmpi slt, %scan3A_717, %sign3A_723 : i32
        %sign3A_725 = arith.extui %sign3A_724 : i1 to i32
        %sign3A_726 = arith.subi %sign3A_722, %sign3A_725 : i32
        %sign3A_727 = arith.constant 0 : i32
        %sign3A_728 = arith.cmpi sgt, %jit3A_718, %sign3A_727 : i32
        %sign3A_729 = arith.extui %sign3A_728 : i1 to i32
        %sign3A_730 = arith.constant 0 : i32
        %sign3A_731 = arith.cmpi slt, %jit3A_718, %sign3A_730 : i32
        %sign3A_732 = arith.extui %sign3A_731 : i1 to i32
        %sign3A_733 = arith.subi %sign3A_729, %sign3A_732 : i32
        %ne3A_734 = arith.cmpi ne, %sign3A_726, %sign3A_733 : i32
        %rem3A_735 = arith.remsi %scan3A_717, %jit3A_718 : i32
        %ne3A_736 = arith.constant 0 : i32
        %ne3A_737 = arith.cmpi ne, %rem3A_735, %ne3A_736 : i32
        %and3A_738 = arith.andi %ne3A_734, %ne3A_737 : i1
        %sub3A_739 = arith.constant 1 : i32
        %sub3A_740 = arith.subi %div3A_719, %sub3A_739 : i32
        %select_n3A_741 = arith.select %and3A_738, %sub3A_740, %div3A_719 : i32
        %mul3A_742 = arith.constant 8 : i32
        %mul3A_743 = arith.muli %select_n3A_741, %mul3A_742 : i32
        %sub3A_744 = arith.subi %scan3A_717, %mul3A_743 : i32
        %dma_start3A_745 = arith.constant 1 : i32
        %dma_start3A_746 = arith.constant 0 : i32
        %dma_start3A_747 = tpu.memref_slice %arg8[%dma_start3A_745, %scan3A_717, %dma_start3A_746] : memref<2x64x136xf32, #tpu.memory_space<vmem>> -> memref<1x1x128xf32, #tpu.memory_space<vmem>>
        %dma_start3A_748 = tpu.memref_squeeze %dma_start3A_747 : memref<1x1x128xf32, #tpu.memory_space<vmem>> -> memref<128xf32, #tpu.memory_space<vmem>>
        %dma_start3A_749 = arith.constant 0 : i32
        %dma_start3A_750 = tpu.memref_slice %arg4[%sub3A_406, %select_n3A_741, %add3A_409, %sub3A_744, %dma_start3A_749] : memref<50x8x128x8x128xf32, #tpu.memory_space<hbm>> -> memref<1x1x1x1x128xf32, #tpu.memory_space<hbm>>
        %dma_start3A_751 = tpu.memref_squeeze %dma_start3A_750 : memref<1x1x1x1x128xf32, #tpu.memory_space<hbm>> -> memref<128xf32, #tpu.memory_space<hbm>>
        %dma_start3A_752 = arith.constant 0 : i32
        %dma_start3A_753 = tpu.memref_slice %arg4[%sub3A_406, %select_n3A_741, %add3A_409, %sub3A_744, %dma_start3A_752] : memref<50x8x128x8x128xf32, #tpu.memory_space<hbm>> -> memref<1x1x1x1x128xf32, #tpu.memory_space<hbm>>
        %dma_start3A_754 = tpu.memref_squeeze %dma_start3A_753 : memref<1x1x1x1x128xf32, #tpu.memory_space<hbm>> -> memref<128xf32, #tpu.memory_space<hbm>>
        %dma_start3A_755 = arith.constant 0 : i32
        %dma_start3A_756 = tpu.memref_slice %arg8[%dma_start3A_745, %scan3A_717, %dma_start3A_755] : memref<2x64x136xf32, #tpu.memory_space<vmem>> -> memref<1x1x128xf32, #tpu.memory_space<vmem>>
        %dma_start3A_757 = tpu.memref_squeeze %dma_start3A_756 : memref<1x1x128xf32, #tpu.memory_space<vmem>> -> memref<128xf32, #tpu.memory_space<vmem>>
        tpu.enqueue_dma source(%dma_start3A_757 : memref<128xf32, #tpu.memory_space<vmem>>) target(%dma_start3A_754 : memref<128xf32, #tpu.memory_space<hbm>>) target_semaphore(%arg14 : memref<!tpu.dma_semaphore, #tpu.memory_space<semaphore_mem>>)
        %scan3A_758 = arith.constant 5 : i32
        %scan3A_759 = arith.addi %scan3A_549, %scan3A_758 : i32
        %jit3A_760 = arith.constant 8 : i32
        %div3A_761 = arith.divsi %scan3A_759, %jit3A_760 : i32
        %sign3A_762 = arith.constant 0 : i32
        %sign3A_763 = arith.cmpi sgt, %scan3A_759, %sign3A_762 : i32
        %sign3A_764 = arith.extui %sign3A_763 : i1 to i32
        %sign3A_765 = arith.constant 0 : i32
        %sign3A_766 = arith.cmpi slt, %scan3A_759, %sign3A_765 : i32
        %sign3A_767 = arith.extui %sign3A_766 : i1 to i32
        %sign3A_768 = arith.subi %sign3A_764, %sign3A_767 : i32
        %sign3A_769 = arith.constant 0 : i32
        %sign3A_770 = arith.cmpi sgt, %jit3A_760, %sign3A_769 : i32
        %sign3A_771 = arith.extui %sign3A_770 : i1 to i32
        %sign3A_772 = arith.constant 0 : i32
        %sign3A_773 = arith.cmpi slt, %jit3A_760, %sign3A_772 : i32
        %sign3A_774 = arith.extui %sign3A_773 : i1 to i32
        %sign3A_775 = arith.subi %sign3A_771, %sign3A_774 : i32
        %ne3A_776 = arith.cmpi ne, %sign3A_768, %sign3A_775 : i32
        %rem3A_777 = arith.remsi %scan3A_759, %jit3A_760 : i32
        %ne3A_778 = arith.constant 0 : i32
        %ne3A_779 = arith.cmpi ne, %rem3A_777, %ne3A_778 : i32
        %and3A_780 = arith.andi %ne3A_776, %ne3A_779 : i1
        %sub3A_781 = arith.constant 1 : i32
        %sub3A_782 = arith.subi %div3A_761, %sub3A_781 : i32
        %select_n3A_783 = arith.select %and3A_780, %sub3A_782, %div3A_761 : i32
        %mul3A_784 = arith.constant 8 : i32
        %mul3A_785 = arith.muli %select_n3A_783, %mul3A_784 : i32
        %sub3A_786 = arith.subi %scan3A_759, %mul3A_785 : i32
        %dma_start3A_787 = arith.constant 1 : i32
        %dma_start3A_788 = arith.constant 0 : i32
        %dma_start3A_789 = tpu.memref_slice %arg8[%dma_start3A_787, %scan3A_759, %dma_start3A_788] : memref<2x64x136xf32, #tpu.memory_space<vmem>> -> memref<1x1x128xf32, #tpu.memory_space<vmem>>
        %dma_start3A_790 = tpu.memref_squeeze %dma_start3A_789 : memref<1x1x128xf32, #tpu.memory_space<vmem>> -> memref<128xf32, #tpu.memory_space<vmem>>
        %dma_start3A_791 = arith.constant 0 : i32
        %dma_start3A_792 = tpu.memref_slice %arg4[%sub3A_406, %select_n3A_783, %add3A_409, %sub3A_786, %dma_start3A_791] : memref<50x8x128x8x128xf32, #tpu.memory_space<hbm>> -> memref<1x1x1x1x128xf32, #tpu.memory_space<hbm>>
        %dma_start3A_793 = tpu.memref_squeeze %dma_start3A_792 : memref<1x1x1x1x128xf32, #tpu.memory_space<hbm>> -> memref<128xf32, #tpu.memory_space<hbm>>
        %dma_start3A_794 = arith.constant 0 : i32
        %dma_start3A_795 = tpu.memref_slice %arg4[%sub3A_406, %select_n3A_783, %add3A_409, %sub3A_786, %dma_start3A_794] : memref<50x8x128x8x128xf32, #tpu.memory_space<hbm>> -> memref<1x1x1x1x128xf32, #tpu.memory_space<hbm>>
        %dma_start3A_796 = tpu.memref_squeeze %dma_start3A_795 : memref<1x1x1x1x128xf32, #tpu.memory_space<hbm>> -> memref<128xf32, #tpu.memory_space<hbm>>
        %dma_start3A_797 = arith.constant 0 : i32
        %dma_start3A_798 = tpu.memref_slice %arg8[%dma_start3A_787, %scan3A_759, %dma_start3A_797] : memref<2x64x136xf32, #tpu.memory_space<vmem>> -> memref<1x1x128xf32, #tpu.memory_space<vmem>>
        %dma_start3A_799 = tpu.memref_squeeze %dma_start3A_798 : memref<1x1x128xf32, #tpu.memory_space<vmem>> -> memref<128xf32, #tpu.memory_space<vmem>>
        tpu.enqueue_dma source(%dma_start3A_799 : memref<128xf32, #tpu.memory_space<vmem>>) target(%dma_start3A_796 : memref<128xf32, #tpu.memory_space<hbm>>) target_semaphore(%arg14 : memref<!tpu.dma_semaphore, #tpu.memory_space<semaphore_mem>>)
        %scan3A_800 = arith.constant 6 : i32
        %scan3A_801 = arith.addi %scan3A_549, %scan3A_800 : i32
        %jit3A_802 = arith.constant 8 : i32
        %div3A_803 = arith.divsi %scan3A_801, %jit3A_802 : i32
        %sign3A_804 = arith.constant 0 : i32
        %sign3A_805 = arith.cmpi sgt, %scan3A_801, %sign3A_804 : i32
        %sign3A_806 = arith.extui %sign3A_805 : i1 to i32
        %sign3A_807 = arith.constant 0 : i32
        %sign3A_808 = arith.cmpi slt, %scan3A_801, %sign3A_807 : i32
        %sign3A_809 = arith.extui %sign3A_808 : i1 to i32
        %sign3A_810 = arith.subi %sign3A_806, %sign3A_809 : i32
        %sign3A_811 = arith.constant 0 : i32
        %sign3A_812 = arith.cmpi sgt, %jit3A_802, %sign3A_811 : i32
        %sign3A_813 = arith.extui %sign3A_812 : i1 to i32
        %sign3A_814 = arith.constant 0 : i32
        %sign3A_815 = arith.cmpi slt, %jit3A_802, %sign3A_814 : i32
        %sign3A_816 = arith.extui %sign3A_815 : i1 to i32
        %sign3A_817 = arith.subi %sign3A_813, %sign3A_816 : i32
        %ne3A_818 = arith.cmpi ne, %sign3A_810, %sign3A_817 : i32
        %rem3A_819 = arith.remsi %scan3A_801, %jit3A_802 : i32
        %ne3A_820 = arith.constant 0 : i32
        %ne3A_821 = arith.cmpi ne, %rem3A_819, %ne3A_820 : i32
        %and3A_822 = arith.andi %ne3A_818, %ne3A_821 : i1
        %sub3A_823 = arith.constant 1 : i32
        %sub3A_824 = arith.subi %div3A_803, %sub3A_823 : i32
        %select_n3A_825 = arith.select %and3A_822, %sub3A_824, %div3A_803 : i32
        %mul3A_826 = arith.constant 8 : i32
        %mul3A_827 = arith.muli %select_n3A_825, %mul3A_826 : i32
        %sub3A_828 = arith.subi %scan3A_801, %mul3A_827 : i32
        %dma_start3A_829 = arith.constant 1 : i32
        %dma_start3A_830 = arith.constant 0 : i32
        %dma_start3A_831 = tpu.memref_slice %arg8[%dma_start3A_829, %scan3A_801, %dma_start3A_830] : memref<2x64x136xf32, #tpu.memory_space<vmem>> -> memref<1x1x128xf32, #tpu.memory_space<vmem>>
        %dma_start3A_832 = tpu.memref_squeeze %dma_start3A_831 : memref<1x1x128xf32, #tpu.memory_space<vmem>> -> memref<128xf32, #tpu.memory_space<vmem>>
        %dma_start3A_833 = arith.constant 0 : i32
        %dma_start3A_834 = tpu.memref_slice %arg4[%sub3A_406, %select_n3A_825, %add3A_409, %sub3A_828, %dma_start3A_833] : memref<50x8x128x8x128xf32, #tpu.memory_space<hbm>> -> memref<1x1x1x1x128xf32, #tpu.memory_space<hbm>>
        %dma_start3A_835 = tpu.memref_squeeze %dma_start3A_834 : memref<1x1x1x1x128xf32, #tpu.memory_space<hbm>> -> memref<128xf32, #tpu.memory_space<hbm>>
        %dma_start3A_836 = arith.constant 0 : i32
        %dma_start3A_837 = tpu.memref_slice %arg4[%sub3A_406, %select_n3A_825, %add3A_409, %sub3A_828, %dma_start3A_836] : memref<50x8x128x8x128xf32, #tpu.memory_space<hbm>> -> memref<1x1x1x1x128xf32, #tpu.memory_space<hbm>>
        %dma_start3A_838 = tpu.memref_squeeze %dma_start3A_837 : memref<1x1x1x1x128xf32, #tpu.memory_space<hbm>> -> memref<128xf32, #tpu.memory_space<hbm>>
        %dma_start3A_839 = arith.constant 0 : i32
        %dma_start3A_840 = tpu.memref_slice %arg8[%dma_start3A_829, %scan3A_801, %dma_start3A_839] : memref<2x64x136xf32, #tpu.memory_space<vmem>> -> memref<1x1x128xf32, #tpu.memory_space<vmem>>
        %dma_start3A_841 = tpu.memref_squeeze %dma_start3A_840 : memref<1x1x128xf32, #tpu.memory_space<vmem>> -> memref<128xf32, #tpu.memory_space<vmem>>
        tpu.enqueue_dma source(%dma_start3A_841 : memref<128xf32, #tpu.memory_space<vmem>>) target(%dma_start3A_838 : memref<128xf32, #tpu.memory_space<hbm>>) target_semaphore(%arg14 : memref<!tpu.dma_semaphore, #tpu.memory_space<semaphore_mem>>)
        %scan3A_842 = arith.constant 7 : i32
        %scan3A_843 = arith.addi %scan3A_549, %scan3A_842 : i32
        %jit3A_844 = arith.constant 8 : i32
        %div3A_845 = arith.divsi %scan3A_843, %jit3A_844 : i32
        %sign3A_846 = arith.constant 0 : i32
        %sign3A_847 = arith.cmpi sgt, %scan3A_843, %sign3A_846 : i32
        %sign3A_848 = arith.extui %sign3A_847 : i1 to i32
        %sign3A_849 = arith.constant 0 : i32
        %sign3A_850 = arith.cmpi slt, %scan3A_843, %sign3A_849 : i32
        %sign3A_851 = arith.extui %sign3A_850 : i1 to i32
        %sign3A_852 = arith.subi %sign3A_848, %sign3A_851 : i32
        %sign3A_853 = arith.constant 0 : i32
        %sign3A_854 = arith.cmpi sgt, %jit3A_844, %sign3A_853 : i32
        %sign3A_855 = arith.extui %sign3A_854 : i1 to i32
        %sign3A_856 = arith.constant 0 : i32
        %sign3A_857 = arith.cmpi slt, %jit3A_844, %sign3A_856 : i32
        %sign3A_858 = arith.extui %sign3A_857 : i1 to i32
        %sign3A_859 = arith.subi %sign3A_855, %sign3A_858 : i32
        %ne3A_860 = arith.cmpi ne, %sign3A_852, %sign3A_859 : i32
        %rem3A_861 = arith.remsi %scan3A_843, %jit3A_844 : i32
        %ne3A_862 = arith.constant 0 : i32
        %ne3A_863 = arith.cmpi ne, %rem3A_861, %ne3A_862 : i32
        %and3A_864 = arith.andi %ne3A_860, %ne3A_863 : i1
        %sub3A_865 = arith.constant 1 : i32
        %sub3A_866 = arith.subi %div3A_845, %sub3A_865 : i32
        %select_n3A_867 = arith.select %and3A_864, %sub3A_866, %div3A_845 : i32
        %mul3A_868 = arith.constant 8 : i32
        %mul3A_869 = arith.muli %select_n3A_867, %mul3A_868 : i32
        %sub3A_870 = arith.subi %scan3A_843, %mul3A_869 : i32
        %dma_start3A_871 = arith.constant 1 : i32
        %dma_start3A_872 = arith.constant 0 : i32
        %dma_start3A_873 = tpu.memref_slice %arg8[%dma_start3A_871, %scan3A_843, %dma_start3A_872] : memref<2x64x136xf32, #tpu.memory_space<vmem>> -> memref<1x1x128xf32, #tpu.memory_space<vmem>>
        %dma_start3A_874 = tpu.memref_squeeze %dma_start3A_873 : memref<1x1x128xf32, #tpu.memory_space<vmem>> -> memref<128xf32, #tpu.memory_space<vmem>>
        %dma_start3A_875 = arith.constant 0 : i32
        %dma_start3A_876 = tpu.memref_slice %arg4[%sub3A_406, %select_n3A_867, %add3A_409, %sub3A_870, %dma_start3A_875] : memref<50x8x128x8x128xf32, #tpu.memory_space<hbm>> -> memref<1x1x1x1x128xf32, #tpu.memory_space<hbm>>
        %dma_start3A_877 = tpu.memref_squeeze %dma_start3A_876 : memref<1x1x1x1x128xf32, #tpu.memory_space<hbm>> -> memref<128xf32, #tpu.memory_space<hbm>>
        %dma_start3A_878 = arith.constant 0 : i32
        %dma_start3A_879 = tpu.memref_slice %arg4[%sub3A_406, %select_n3A_867, %add3A_409, %sub3A_870, %dma_start3A_878] : memref<50x8x128x8x128xf32, #tpu.memory_space<hbm>> -> memref<1x1x1x1x128xf32, #tpu.memory_space<hbm>>
        %dma_start3A_880 = tpu.memref_squeeze %dma_start3A_879 : memref<1x1x1x1x128xf32, #tpu.memory_space<hbm>> -> memref<128xf32, #tpu.memory_space<hbm>>
        %dma_start3A_881 = arith.constant 0 : i32
        %dma_start3A_882 = tpu.memref_slice %arg8[%dma_start3A_871, %scan3A_843, %dma_start3A_881] : memref<2x64x136xf32, #tpu.memory_space<vmem>> -> memref<1x1x128xf32, #tpu.memory_space<vmem>>
        %dma_start3A_883 = tpu.memref_squeeze %dma_start3A_882 : memref<1x1x128xf32, #tpu.memory_space<vmem>> -> memref<128xf32, #tpu.memory_space<vmem>>
        tpu.enqueue_dma source(%dma_start3A_883 : memref<128xf32, #tpu.memory_space<vmem>>) target(%dma_start3A_880 : memref<128xf32, #tpu.memory_space<hbm>>) target_semaphore(%arg14 : memref<!tpu.dma_semaphore, #tpu.memory_space<semaphore_mem>>)
      }
      %scan3A_414 = arith.constant 64 : i32
      %add3A_415 = arith.constant 2 : i32
      %add3A_416 = arith.addi %mul3A_293, %add3A_415 : i32
      %add3A_417 = arith.constant 3 : i32
      %add3A_418 = arith.addi %add3A_416, %add3A_417 : i32
      %lt3A_419 = arith.constant 200 : i32
      %lt3A_420 = arith.cmpi slt, %add3A_418, %lt3A_419 : i32
      %convert_element_type3A_421 = arith.extui %lt3A_420 : i1 to i32
      %cond3A_422 = arith.constant 0 : i32
      %cond3A_423 = arith.cmpi ne, %convert_element_type3A_421, %cond3A_422 : i32
      scf.if %cond3A_423 {
        %jit3A_549 = arith.constant 50 : i32
        %div3A_550 = arith.divsi %add3A_418, %jit3A_549 : i32
        %sign3A_551 = arith.constant 0 : i32
        %sign3A_552 = arith.cmpi sgt, %add3A_418, %sign3A_551 : i32
        %sign3A_553 = arith.extui %sign3A_552 : i1 to i32
        %sign3A_554 = arith.constant 0 : i32
        %sign3A_555 = arith.cmpi slt, %add3A_418, %sign3A_554 : i32
        %sign3A_556 = arith.extui %sign3A_555 : i1 to i32
        %sign3A_557 = arith.subi %sign3A_553, %sign3A_556 : i32
        %sign3A_558 = arith.constant 0 : i32
        %sign3A_559 = arith.cmpi sgt, %jit3A_549, %sign3A_558 : i32
        %sign3A_560 = arith.extui %sign3A_559 : i1 to i32
        %sign3A_561 = arith.constant 0 : i32
        %sign3A_562 = arith.cmpi slt, %jit3A_549, %sign3A_561 : i32
        %sign3A_563 = arith.extui %sign3A_562 : i1 to i32
        %sign3A_564 = arith.subi %sign3A_560, %sign3A_563 : i32
        %ne3A_565 = arith.cmpi ne, %sign3A_557, %sign3A_564 : i32
        %rem3A_566 = arith.remsi %add3A_418, %jit3A_549 : i32
        %ne3A_567 = arith.constant 0 : i32
        %ne3A_568 = arith.cmpi ne, %rem3A_566, %ne3A_567 : i32
        %and3A_569 = arith.andi %ne3A_565, %ne3A_568 : i1
        %sub3A_570 = arith.constant 1 : i32
        %sub3A_571 = arith.subi %div3A_550, %sub3A_570 : i32
        %select_n3A_572 = arith.select %and3A_569, %sub3A_571, %div3A_550 : i32
        %mul3A_573 = arith.constant 50 : i32
        %mul3A_574 = arith.muli %select_n3A_572, %mul3A_573 : i32
        %sub3A_575 = arith.subi %add3A_418, %mul3A_574 : i32
        %mul3A_576 = arith.constant 6400 : i32
        %mul3A_577 = arith.muli %select_n3A_572, %mul3A_576 : i32
        %add3A_578 = arith.addi %mul3A_577, %sub3A_575 : i32
        %add3A_579 = arith.constant 0 : i32
        %add3A_580 = arith.addi %add3A_578, %add3A_579 : i32
        %add3A_581 = vector.broadcast %add3A_580 : i32 to vector<16xi32>
        %add3A_582 = arith.addi %mul3A_5, %add3A_581 : vector<16xi32>
        %gather3A_583 = tpu.vector_load_idx %arg5[%add3A_582] : memref<25600xi32, #tpu.memory_space<vmem>>[vector<16xi32>], vector<16xi32>,
        %swap3A_584 = arith.constant 1 : i32
        %swap3A_585 = arith.index_cast %swap3A_584 : i32 to index
        %swap3A_586 = arith.constant 0 : index
        %swap3A_587 = tpu.vector_load %arg6[%swap3A_585, %swap3A_586] {strides = array<i32>} : memref<4x128xi32, #tpu.memory_space<vmem>>, vector<16xi32>,
        tpu.vector_store %arg6[%swap3A_585, %swap3A_586], %gather3A_583 {strides = array<i32>} : memref<4x128xi32, #tpu.memory_space<vmem>>, vector<16xi32>,
        %add3A_588 = arith.constant 800 : i32
        %add3A_589 = arith.addi %add3A_578, %add3A_588 : i32
        %add3A_590 = vector.broadcast %add3A_589 : i32 to vector<16xi32>
        %add3A_591 = arith.addi %mul3A_5, %add3A_590 : vector<16xi32>
        %gather3A_592 = tpu.vector_load_idx %arg5[%add3A_591] : memref<25600xi32, #tpu.memory_space<vmem>>[vector<16xi32>], vector<16xi32>,
        %swap3A_593 = arith.constant 1 : i32
        %swap3A_594 = arith.index_cast %swap3A_593 : i32 to index
        %swap3A_595 = arith.constant 16 : index
        %swap3A_596 = tpu.vector_load %arg6[%swap3A_594, %swap3A_595] {strides = array<i32>} : memref<4x128xi32, #tpu.memory_space<vmem>>, vector<16xi32>,
        tpu.vector_store %arg6[%swap3A_594, %swap3A_595], %gather3A_592 {strides = array<i32>} : memref<4x128xi32, #tpu.memory_space<vmem>>, vector<16xi32>,
        %add3A_597 = arith.constant 1600 : i32
        %add3A_598 = arith.addi %add3A_578, %add3A_597 : i32
        %add3A_599 = vector.broadcast %add3A_598 : i32 to vector<16xi32>
        %add3A_600 = arith.addi %mul3A_5, %add3A_599 : vector<16xi32>
        %gather3A_601 = tpu.vector_load_idx %arg5[%add3A_600] : memref<25600xi32, #tpu.memory_space<vmem>>[vector<16xi32>], vector<16xi32>,
        %swap3A_602 = arith.constant 1 : i32
        %swap3A_603 = arith.index_cast %swap3A_602 : i32 to index
        %swap3A_604 = arith.constant 32 : index
        %swap3A_605 = tpu.vector_load %arg6[%swap3A_603, %swap3A_604] {strides = array<i32>} : memref<4x128xi32, #tpu.memory_space<vmem>>, vector<16xi32>,
        tpu.vector_store %arg6[%swap3A_603, %swap3A_604], %gather3A_601 {strides = array<i32>} : memref<4x128xi32, #tpu.memory_space<vmem>>, vector<16xi32>,
        %add3A_606 = arith.constant 2400 : i32
        %add3A_607 = arith.addi %add3A_578, %add3A_606 : i32
        %add3A_608 = vector.broadcast %add3A_607 : i32 to vector<16xi32>
        %add3A_609 = arith.addi %mul3A_5, %add3A_608 : vector<16xi32>
        %gather3A_610 = tpu.vector_load_idx %arg5[%add3A_609] : memref<25600xi32, #tpu.memory_space<vmem>>[vector<16xi32>], vector<16xi32>,
        %swap3A_611 = arith.constant 1 : i32
        %swap3A_612 = arith.index_cast %swap3A_611 : i32 to index
        %swap3A_613 = arith.constant 48 : index
        %swap3A_614 = tpu.vector_load %arg6[%swap3A_612, %swap3A_613] {strides = array<i32>} : memref<4x128xi32, #tpu.memory_space<vmem>>, vector<16xi32>,
        tpu.vector_store %arg6[%swap3A_612, %swap3A_613], %gather3A_610 {strides = array<i32>} : memref<4x128xi32, #tpu.memory_space<vmem>>, vector<16xi32>,
        %add3A_615 = arith.constant 3200 : i32
        %add3A_616 = arith.addi %add3A_578, %add3A_615 : i32
        %add3A_617 = vector.broadcast %add3A_616 : i32 to vector<16xi32>
        %add3A_618 = arith.addi %mul3A_5, %add3A_617 : vector<16xi32>
        %gather3A_619 = tpu.vector_load_idx %arg5[%add3A_618] : memref<25600xi32, #tpu.memory_space<vmem>>[vector<16xi32>], vector<16xi32>,
        %swap3A_620 = arith.constant 1 : i32
        %swap3A_621 = arith.index_cast %swap3A_620 : i32 to index
        %swap3A_622 = arith.constant 64 : index
        %swap3A_623 = tpu.vector_load %arg6[%swap3A_621, %swap3A_622] {strides = array<i32>} : memref<4x128xi32, #tpu.memory_space<vmem>>, vector<16xi32>,
        tpu.vector_store %arg6[%swap3A_621, %swap3A_622], %gather3A_619 {strides = array<i32>} : memref<4x128xi32, #tpu.memory_space<vmem>>, vector<16xi32>,
        %add3A_624 = arith.constant 4000 : i32
        %add3A_625 = arith.addi %add3A_578, %add3A_624 : i32
        %add3A_626 = vector.broadcast %add3A_625 : i32 to vector<16xi32>
        %add3A_627 = arith.addi %mul3A_5, %add3A_626 : vector<16xi32>
        %gather3A_628 = tpu.vector_load_idx %arg5[%add3A_627] : memref<25600xi32, #tpu.memory_space<vmem>>[vector<16xi32>], vector<16xi32>,
        %swap3A_629 = arith.constant 1 : i32
        %swap3A_630 = arith.index_cast %swap3A_629 : i32 to index
        %swap3A_631 = arith.constant 80 : index
        %swap3A_632 = tpu.vector_load %arg6[%swap3A_630, %swap3A_631] {strides = array<i32>} : memref<4x128xi32, #tpu.memory_space<vmem>>, vector<16xi32>,
        tpu.vector_store %arg6[%swap3A_630, %swap3A_631], %gather3A_628 {strides = array<i32>} : memref<4x128xi32, #tpu.memory_space<vmem>>, vector<16xi32>,
        %add3A_633 = arith.constant 4800 : i32
        %add3A_634 = arith.addi %add3A_578, %add3A_633 : i32
        %add3A_635 = vector.broadcast %add3A_634 : i32 to vector<16xi32>
        %add3A_636 = arith.addi %mul3A_5, %add3A_635 : vector<16xi32>
        %gather3A_637 = tpu.vector_load_idx %arg5[%add3A_636] : memref<25600xi32, #tpu.memory_space<vmem>>[vector<16xi32>], vector<16xi32>,
        %swap3A_638 = arith.constant 1 : i32
        %swap3A_639 = arith.index_cast %swap3A_638 : i32 to index
        %swap3A_640 = arith.constant 96 : index
        %swap3A_641 = tpu.vector_load %arg6[%swap3A_639, %swap3A_640] {strides = array<i32>} : memref<4x128xi32, #tpu.memory_space<vmem>>, vector<16xi32>,
        tpu.vector_store %arg6[%swap3A_639, %swap3A_640], %gather3A_637 {strides = array<i32>} : memref<4x128xi32, #tpu.memory_space<vmem>>, vector<16xi32>,
        %add3A_642 = arith.constant 5600 : i32
        %add3A_643 = arith.addi %add3A_578, %add3A_642 : i32
        %add3A_644 = vector.broadcast %add3A_643 : i32 to vector<16xi32>
        %add3A_645 = arith.addi %mul3A_5, %add3A_644 : vector<16xi32>
        %gather3A_646 = tpu.vector_load_idx %arg5[%add3A_645] : memref<25600xi32, #tpu.memory_space<vmem>>[vector<16xi32>], vector<16xi32>,
        %swap3A_647 = arith.constant 1 : i32
        %swap3A_648 = arith.index_cast %swap3A_647 : i32 to index
        %swap3A_649 = arith.constant 112 : index
        %swap3A_650 = tpu.vector_load %arg6[%swap3A_648, %swap3A_649] {strides = array<i32>} : memref<4x128xi32, #tpu.memory_space<vmem>>, vector<16xi32>,
        tpu.vector_store %arg6[%swap3A_648, %swap3A_649], %gather3A_646 {strides = array<i32>} : memref<4x128xi32, #tpu.memory_space<vmem>>, vector<16xi32>,
        %dma_start3A_651 = arith.constant 1 : i32
        %dma_start3A_652 = arith.constant 1 : i32
        %dma_start3A_653 = arith.constant 0 : i32
        %dma_start3A_654 = arith.constant 0 : i32
        %dma_start3A_655 = tpu.memref_slice %arg7[%dma_start3A_652, %dma_start3A_653, %dma_start3A_654] : memref<4x128x64xf32, #tpu.memory_space<vmem>> -> memref<1x128x64xf32, #tpu.memory_space<vmem>>
        %dma_start3A_656 = tpu.memref_squeeze %dma_start3A_655 : memref<1x128x64xf32, #tpu.memory_space<vmem>> -> memref<128x64xf32, #tpu.memory_space<vmem>>
        %dma_start3A_657 = arith.constant 0 : i32
        %dma_start3A_658 = tpu.memref_slice %arg6[%dma_start3A_651, %dma_start3A_657] : memref<4x128xi32, #tpu.memory_space<vmem>> -> memref<1x128xi32, #tpu.memory_space<vmem>>
        %dma_start3A_659 = tpu.memref_squeeze %dma_start3A_658 : memref<1x128xi32, #tpu.memory_space<vmem>> -> memref<128xi32, #tpu.memory_space<vmem>>
        %dma_start3A_660 = arith.constant 0 : i32
        %dma_start3A_661 = arith.constant 0 : i32
        %dma_start3A_662 = tpu.memref_slice %arg3[%dma_start3A_660, %dma_start3A_661] : memref<1000000x64xf32, #tpu.memory_space<hbm>> -> memref<1000000x64xf32, #tpu.memory_space<hbm>>
        tpu.enqueue_indirect_dma source(%dma_start3A_662 : memref<1000000x64xf32, #tpu.memory_space<hbm>>) target(%dma_start3A_656 : memref<128x64xf32, #tpu.memory_space<vmem>>) offsets(%dma_start3A_659 : memref<128xi32, #tpu.memory_space<vmem>>) semaphore(%arg10 : memref<!tpu.dma_semaphore, #tpu.memory_space<semaphore_mem>>)
      } else {
      }
      %dma_wait3A_424 = arith.constant 2 : i32
      %dma_wait3A_425 = arith.constant 0 : i32
      %dma_wait3A_426 = arith.constant 0 : i32
      %dma_wait3A_427 = tpu.memref_slice %arg7[%dma_wait3A_424, %dma_wait3A_425, %dma_wait3A_426] : memref<4x128x64xf32, #tpu.memory_space<vmem>> -> memref<1x128x64xf32, #tpu.memory_space<vmem>>
      %dma_wait3A_428 = tpu.memref_squeeze %dma_wait3A_427 : memref<1x128x64xf32, #tpu.memory_space<vmem>> -> memref<128x64xf32, #tpu.memory_space<vmem>>
      %dma_wait3A_429 = arith.constant 0 : i32
      %dma_wait3A_430 = arith.constant 0 : i32
      %dma_wait3A_431 = tpu.memref_slice %arg3[%dma_wait3A_429, %dma_wait3A_430] : memref<1000000x64xf32, #tpu.memory_space<hbm>> -> memref<128x64xf32, #tpu.memory_space<hbm>>
      %dma_wait3A_432 = arith.constant 0 : i32
      %dma_wait3A_433 = arith.constant 0 : i32
      %dma_wait3A_434 = tpu.memref_slice %arg7[%dma_wait3A_424, %dma_wait3A_432, %dma_wait3A_433] : memref<4x128x64xf32, #tpu.memory_space<vmem>> -> memref<1x128x64xf32, #tpu.memory_space<vmem>>
      %dma_wait3A_435 = tpu.memref_squeeze %dma_wait3A_434 : memref<1x128x64xf32, #tpu.memory_space<vmem>> -> memref<128x64xf32, #tpu.memory_space<vmem>>
      %dma_wait3A_436 = arith.constant 0 : i32
      %dma_wait3A_437 = arith.constant 0 : i32
      %dma_wait3A_438 = tpu.memref_slice %arg3[%dma_wait3A_436, %dma_wait3A_437] : memref<1000000x64xf32, #tpu.memory_space<hbm>> -> memref<128x64xf32, #tpu.memory_space<hbm>>
      tpu.wait_dma2 semaphore(%arg11 : memref<!tpu.dma_semaphore, #tpu.memory_space<semaphore_mem>>) src(%dma_wait3A_438 : memref<128x64xf32, #tpu.memory_space<hbm>>) dst(%dma_wait3A_435 : memref<128x64xf32, #tpu.memory_space<vmem>>)
      %ge3A_439 = arith.constant 2 : i32
      %ge3A_440 = arith.cmpi sge, %add3A_416, %ge3A_439 : i32
      %convert_element_type3A_441 = arith.extui %ge3A_440 : i1 to i32
      %cond3A_442 = arith.constant 0 : i32
      %cond3A_443 = arith.cmpi ne, %convert_element_type3A_441, %cond3A_442 : i32
      scf.if %cond3A_443 {
        %dma_wait3A_549 = arith.constant 0 : i32
        %dma_wait3A_550 = arith.constant 0 : i32
        %dma_wait3A_551 = arith.constant 0 : i32
        %dma_wait3A_552 = tpu.memref_slice %arg7[%dma_wait3A_549, %dma_wait3A_550, %dma_wait3A_551] : memref<4x128x64xf32, #tpu.memory_space<vmem>> -> memref<1x128x64xf32, #tpu.memory_space<vmem>>
        %dma_wait3A_553 = tpu.memref_squeeze %dma_wait3A_552 : memref<1x128x64xf32, #tpu.memory_space<vmem>> -> memref<128x64xf32, #tpu.memory_space<vmem>>
        %dma_wait3A_554 = arith.constant 0 : i32
        %dma_wait3A_555 = arith.constant 0 : i32
        %dma_wait3A_556 = tpu.memref_slice %arg3[%dma_wait3A_554, %dma_wait3A_555] : memref<1000000x64xf32, #tpu.memory_space<hbm>> -> memref<128x64xf32, #tpu.memory_space<hbm>>
        %dma_wait3A_557 = arith.constant 0 : i32
        %dma_wait3A_558 = arith.constant 0 : i32
        %dma_wait3A_559 = tpu.memref_slice %arg7[%dma_wait3A_549, %dma_wait3A_557, %dma_wait3A_558] : memref<4x128x64xf32, #tpu.memory_space<vmem>> -> memref<1x128x64xf32, #tpu.memory_space<vmem>>
        %dma_wait3A_560 = tpu.memref_squeeze %dma_wait3A_559 : memref<1x128x64xf32, #tpu.memory_space<vmem>> -> memref<128x64xf32, #tpu.memory_space<vmem>>
        %dma_wait3A_561 = arith.constant 0 : i32
        %dma_wait3A_562 = arith.constant 0 : i32
        %dma_wait3A_563 = tpu.memref_slice %arg3[%dma_wait3A_561, %dma_wait3A_562] : memref<1000000x64xf32, #tpu.memory_space<hbm>> -> memref<128x64xf32, #tpu.memory_space<hbm>>
        tpu.wait_dma2 semaphore(%arg13 : memref<!tpu.dma_semaphore, #tpu.memory_space<semaphore_mem>>) src(%dma_wait3A_563 : memref<128x64xf32, #tpu.memory_space<hbm>>) dst(%dma_wait3A_560 : memref<128x64xf32, #tpu.memory_space<vmem>>)
      } else {
      }
      %parallel_loop3A_444 = arith.constant 0 : i32
      %parallel_loop3A_445 = arith.constant 128 : i32
      %parallel_loop3A_446 = arith.constant 1 : i32
      scf.for %parallel_loop3A_549 = %parallel_loop3A_444 to %parallel_loop3A_445 step %parallel_loop3A_446  : i32 {
        %parallel_loop3A_550 = vector.broadcast %parallel_loop3A_549 : i32 to vector<16xi32>
        %parallel_loop3A_551 = arith.addi %mul3A_8, %parallel_loop3A_550 : vector<16xi32>
        %parallel_loop3A_552 = arith.constant 2 : i32
        %parallel_loop3A_553 = arith.index_cast %parallel_loop3A_552 : i32 to index
        %parallel_loop3A_554 = arith.index_cast %parallel_loop3A_549 : i32 to index
        %parallel_loop3A_555 = arith.constant 0 : index
        %parallel_loop3A_556 = tpu.vector_load %arg7[%parallel_loop3A_553, %parallel_loop3A_554, %parallel_loop3A_555] {strides = array<i32>} : memref<4x128x64xf32, #tpu.memory_space<vmem>>, vector<16xf32>,
        %parallel_loop3A_557 = arith.constant 0 : i32
        %parallel_loop3A_558 = arith.constant 0 : i32
        %parallel_loop3A_559 = arith.constant 0 : i32
        %parallel_loop3A_560 = tpu.memref_slice %arg8[%parallel_loop3A_557, %parallel_loop3A_558, %parallel_loop3A_559] : memref<2x64x136xf32, #tpu.memory_space<vmem>> -> memref<1x64x136xf32, #tpu.memory_space<vmem>>
        %parallel_loop3A_561 = tpu.memref_squeeze %parallel_loop3A_560 : memref<1x64x136xf32, #tpu.memory_space<vmem>> -> memref<64x136xf32, #tpu.memory_space<vmem>>
        tpu.vector_store_idx %parallel_loop3A_561[%add3A_11, %parallel_loop3A_551], %parallel_loop3A_556 : memref<64x136xf32, #tpu.memory_space<vmem>>[vector<16xi32>, vector<16xi32>], vector<16xf32>,
        %parallel_loop3A_562 = arith.constant 2 : i32
        %parallel_loop3A_563 = arith.index_cast %parallel_loop3A_562 : i32 to index
        %parallel_loop3A_564 = arith.index_cast %parallel_loop3A_549 : i32 to index
        %parallel_loop3A_565 = arith.constant 16 : index
        %parallel_loop3A_566 = tpu.vector_load %arg7[%parallel_loop3A_563, %parallel_loop3A_564, %parallel_loop3A_565] {strides = array<i32>} : memref<4x128x64xf32, #tpu.memory_space<vmem>>, vector<16xf32>,
        %parallel_loop3A_567 = arith.constant 0 : i32
        %parallel_loop3A_568 = arith.constant 0 : i32
        %parallel_loop3A_569 = arith.constant 0 : i32
        %parallel_loop3A_570 = tpu.memref_slice %arg8[%parallel_loop3A_567, %parallel_loop3A_568, %parallel_loop3A_569] : memref<2x64x136xf32, #tpu.memory_space<vmem>> -> memref<1x64x136xf32, #tpu.memory_space<vmem>>
        %parallel_loop3A_571 = tpu.memref_squeeze %parallel_loop3A_570 : memref<1x64x136xf32, #tpu.memory_space<vmem>> -> memref<64x136xf32, #tpu.memory_space<vmem>>
        tpu.vector_store_idx %parallel_loop3A_571[%add3A_14, %parallel_loop3A_551], %parallel_loop3A_566 : memref<64x136xf32, #tpu.memory_space<vmem>>[vector<16xi32>, vector<16xi32>], vector<16xf32>,
        %parallel_loop3A_572 = arith.constant 2 : i32
        %parallel_loop3A_573 = arith.index_cast %parallel_loop3A_572 : i32 to index
        %parallel_loop3A_574 = arith.index_cast %parallel_loop3A_549 : i32 to index
        %parallel_loop3A_575 = arith.constant 32 : index
        %parallel_loop3A_576 = tpu.vector_load %arg7[%parallel_loop3A_573, %parallel_loop3A_574, %parallel_loop3A_575] {strides = array<i32>} : memref<4x128x64xf32, #tpu.memory_space<vmem>>, vector<16xf32>,
        %parallel_loop3A_577 = arith.constant 0 : i32
        %parallel_loop3A_578 = arith.constant 0 : i32
        %parallel_loop3A_579 = arith.constant 0 : i32
        %parallel_loop3A_580 = tpu.memref_slice %arg8[%parallel_loop3A_577, %parallel_loop3A_578, %parallel_loop3A_579] : memref<2x64x136xf32, #tpu.memory_space<vmem>> -> memref<1x64x136xf32, #tpu.memory_space<vmem>>
        %parallel_loop3A_581 = tpu.memref_squeeze %parallel_loop3A_580 : memref<1x64x136xf32, #tpu.memory_space<vmem>> -> memref<64x136xf32, #tpu.memory_space<vmem>>
        tpu.vector_store_idx %parallel_loop3A_581[%add3A_17, %parallel_loop3A_551], %parallel_loop3A_576 : memref<64x136xf32, #tpu.memory_space<vmem>>[vector<16xi32>, vector<16xi32>], vector<16xf32>,
        %parallel_loop3A_582 = arith.constant 2 : i32
        %parallel_loop3A_583 = arith.index_cast %parallel_loop3A_582 : i32 to index
        %parallel_loop3A_584 = arith.index_cast %parallel_loop3A_549 : i32 to index
        %parallel_loop3A_585 = arith.constant 48 : index
        %parallel_loop3A_586 = tpu.vector_load %arg7[%parallel_loop3A_583, %parallel_loop3A_584, %parallel_loop3A_585] {strides = array<i32>} : memref<4x128x64xf32, #tpu.memory_space<vmem>>, vector<16xf32>,
        %parallel_loop3A_587 = arith.constant 0 : i32
        %parallel_loop3A_588 = arith.constant 0 : i32
        %parallel_loop3A_589 = arith.constant 0 : i32
        %parallel_loop3A_590 = tpu.memref_slice %arg8[%parallel_loop3A_587, %parallel_loop3A_588, %parallel_loop3A_589] : memref<2x64x136xf32, #tpu.memory_space<vmem>> -> memref<1x64x136xf32, #tpu.memory_space<vmem>>
        %parallel_loop3A_591 = tpu.memref_squeeze %parallel_loop3A_590 : memref<1x64x136xf32, #tpu.memory_space<vmem>> -> memref<64x136xf32, #tpu.memory_space<vmem>>
        tpu.vector_store_idx %parallel_loop3A_591[%add3A_20, %parallel_loop3A_551], %parallel_loop3A_586 : memref<64x136xf32, #tpu.memory_space<vmem>>[vector<16xi32>, vector<16xi32>], vector<16xf32>,
      } {sc.loop_unroll_factor = 4 : i64, sc.parallel_access}
      %jit3A_447 = arith.constant 50 : i32
      %div3A_448 = arith.divsi %add3A_416, %jit3A_447 : i32
      %sign3A_449 = arith.constant 0 : i32
      %sign3A_450 = arith.cmpi sgt, %add3A_416, %sign3A_449 : i32
      %sign3A_451 = arith.extui %sign3A_450 : i1 to i32
      %sign3A_452 = arith.constant 0 : i32
      %sign3A_453 = arith.cmpi slt, %add3A_416, %sign3A_452 : i32
      %sign3A_454 = arith.extui %sign3A_453 : i1 to i32
      %sign3A_455 = arith.subi %sign3A_451, %sign3A_454 : i32
      %sign3A_456 = arith.constant 0 : i32
      %sign3A_457 = arith.cmpi sgt, %jit3A_447, %sign3A_456 : i32
      %sign3A_458 = arith.extui %sign3A_457 : i1 to i32
      %sign3A_459 = arith.constant 0 : i32
      %sign3A_460 = arith.cmpi slt, %jit3A_447, %sign3A_459 : i32
      %sign3A_461 = arith.extui %sign3A_460 : i1 to i32
      %sign3A_462 = arith.subi %sign3A_458, %sign3A_461 : i32
      %ne3A_463 = arith.cmpi ne, %sign3A_455, %sign3A_462 : i32
      %rem3A_464 = arith.remsi %add3A_416, %jit3A_447 : i32
      %ne3A_465 = arith.constant 0 : i32
      %ne3A_466 = arith.cmpi ne, %rem3A_464, %ne3A_465 : i32
      %and3A_467 = arith.andi %ne3A_463, %ne3A_466 : i1
      %sub3A_468 = arith.constant 1 : i32
      %sub3A_469 = arith.subi %div3A_448, %sub3A_468 : i32
      %select_n3A_470 = arith.select %and3A_467, %sub3A_469, %div3A_448 : i32
      %mul3A_471 = arith.constant 50 : i32
      %mul3A_472 = arith.muli %select_n3A_470, %mul3A_471 : i32
      %sub3A_473 = arith.subi %add3A_416, %mul3A_472 : i32
      %mul3A_474 = arith.constant 4 : i32
      %mul3A_475 = arith.muli %add3A, %mul3A_474 : i32
      %add3A_476 = arith.addi %mul3A_475, %select_n3A_470 : i32
      %scan3A_477 = arith.constant 0 : i32
      %scan3A_478 = arith.constant 64 : i32
      %scan3A_479 = arith.addi %scan3A_477, %scan3A_478 : i32
      %scan3A_480 = arith.constant 8 : i32
      scf.for %scan3A_549 = %scan3A_477 to %scan3A_479 step %scan3A_480  : i32 {
        %jit3A_550 = arith.constant 8 : i32
        %div3A_551 = arith.divsi %scan3A_549, %jit3A_550 : i32
        %sign3A_552 = arith.constant 0 : i32
        %sign3A_553 = arith.cmpi sgt, %scan3A_549, %sign3A_552 : i32
        %sign3A_554 = arith.extui %sign3A_553 : i1 to i32
        %sign3A_555 = arith.constant 0 : i32
        %sign3A_556 = arith.cmpi slt, %scan3A_549, %sign3A_555 : i32
        %sign3A_557 = arith.extui %sign3A_556 : i1 to i32
        %sign3A_558 = arith.subi %sign3A_554, %sign3A_557 : i32
        %sign3A_559 = arith.constant 0 : i32
        %sign3A_560 = arith.cmpi sgt, %jit3A_550, %sign3A_559 : i32
        %sign3A_561 = arith.extui %sign3A_560 : i1 to i32
        %sign3A_562 = arith.constant 0 : i32
        %sign3A_563 = arith.cmpi slt, %jit3A_550, %sign3A_562 : i32
        %sign3A_564 = arith.extui %sign3A_563 : i1 to i32
        %sign3A_565 = arith.subi %sign3A_561, %sign3A_564 : i32
        %ne3A_566 = arith.cmpi ne, %sign3A_558, %sign3A_565 : i32
        %rem3A_567 = arith.remsi %scan3A_549, %jit3A_550 : i32
        %ne3A_568 = arith.constant 0 : i32
        %ne3A_569 = arith.cmpi ne, %rem3A_567, %ne3A_568 : i32
        %and3A_570 = arith.andi %ne3A_566, %ne3A_569 : i1
        %sub3A_571 = arith.constant 1 : i32
        %sub3A_572 = arith.subi %div3A_551, %sub3A_571 : i32
        %select_n3A_573 = arith.select %and3A_570, %sub3A_572, %div3A_551 : i32
        %mul3A_574 = arith.constant 8 : i32
        %mul3A_575 = arith.muli %select_n3A_573, %mul3A_574 : i32
        %sub3A_576 = arith.subi %scan3A_549, %mul3A_575 : i32
        %dma_start3A_577 = arith.constant 0 : i32
        %dma_start3A_578 = arith.constant 0 : i32
        %dma_start3A_579 = tpu.memref_slice %arg8[%dma_start3A_577, %scan3A_549, %dma_start3A_578] : memref<2x64x136xf32, #tpu.memory_space<vmem>> -> memref<1x1x128xf32, #tpu.memory_space<vmem>>
        %dma_start3A_580 = tpu.memref_squeeze %dma_start3A_579 : memref<1x1x128xf32, #tpu.memory_space<vmem>> -> memref<128xf32, #tpu.memory_space<vmem>>
        %dma_start3A_581 = arith.constant 0 : i32
        %dma_start3A_582 = tpu.memref_slice %arg4[%sub3A_473, %select_n3A_573, %add3A_476, %sub3A_576, %dma_start3A_581] : memref<50x8x128x8x128xf32, #tpu.memory_space<hbm>> -> memref<1x1x1x1x128xf32, #tpu.memory_space<hbm>>
        %dma_start3A_583 = tpu.memref_squeeze %dma_start3A_582 : memref<1x1x1x1x128xf32, #tpu.memory_space<hbm>> -> memref<128xf32, #tpu.memory_space<hbm>>
        %dma_start3A_584 = arith.constant 0 : i32
        %dma_start3A_585 = tpu.memref_slice %arg4[%sub3A_473, %select_n3A_573, %add3A_476, %sub3A_576, %dma_start3A_584] : memref<50x8x128x8x128xf32, #tpu.memory_space<hbm>> -> memref<1x1x1x1x128xf32, #tpu.memory_space<hbm>>
        %dma_start3A_586 = tpu.memref_squeeze %dma_start3A_585 : memref<1x1x1x1x128xf32, #tpu.memory_space<hbm>> -> memref<128xf32, #tpu.memory_space<hbm>>
        %dma_start3A_587 = arith.constant 0 : i32
        %dma_start3A_588 = tpu.memref_slice %arg8[%dma_start3A_577, %scan3A_549, %dma_start3A_587] : memref<2x64x136xf32, #tpu.memory_space<vmem>> -> memref<1x1x128xf32, #tpu.memory_space<vmem>>
        %dma_start3A_589 = tpu.memref_squeeze %dma_start3A_588 : memref<1x1x128xf32, #tpu.memory_space<vmem>> -> memref<128xf32, #tpu.memory_space<vmem>>
        tpu.enqueue_dma source(%dma_start3A_589 : memref<128xf32, #tpu.memory_space<vmem>>) target(%dma_start3A_586 : memref<128xf32, #tpu.memory_space<hbm>>) target_semaphore(%arg13 : memref<!tpu.dma_semaphore, #tpu.memory_space<semaphore_mem>>)
        %scan3A_590 = arith.constant 1 : i32
        %scan3A_591 = arith.addi %scan3A_549, %scan3A_590 : i32
        %jit3A_592 = arith.constant 8 : i32
        %div3A_593 = arith.divsi %scan3A_591, %jit3A_592 : i32
        %sign3A_594 = arith.constant 0 : i32
        %sign3A_595 = arith.cmpi sgt, %scan3A_591, %sign3A_594 : i32
        %sign3A_596 = arith.extui %sign3A_595 : i1 to i32
        %sign3A_597 = arith.constant 0 : i32
        %sign3A_598 = arith.cmpi slt, %scan3A_591, %sign3A_597 : i32
        %sign3A_599 = arith.extui %sign3A_598 : i1 to i32
        %sign3A_600 = arith.subi %sign3A_596, %sign3A_599 : i32
        %sign3A_601 = arith.constant 0 : i32
        %sign3A_602 = arith.cmpi sgt, %jit3A_592, %sign3A_601 : i32
        %sign3A_603 = arith.extui %sign3A_602 : i1 to i32
        %sign3A_604 = arith.constant 0 : i32
        %sign3A_605 = arith.cmpi slt, %jit3A_592, %sign3A_604 : i32
        %sign3A_606 = arith.extui %sign3A_605 : i1 to i32
        %sign3A_607 = arith.subi %sign3A_603, %sign3A_606 : i32
        %ne3A_608 = arith.cmpi ne, %sign3A_600, %sign3A_607 : i32
        %rem3A_609 = arith.remsi %scan3A_591, %jit3A_592 : i32
        %ne3A_610 = arith.constant 0 : i32
        %ne3A_611 = arith.cmpi ne, %rem3A_609, %ne3A_610 : i32
        %and3A_612 = arith.andi %ne3A_608, %ne3A_611 : i1
        %sub3A_613 = arith.constant 1 : i32
        %sub3A_614 = arith.subi %div3A_593, %sub3A_613 : i32
        %select_n3A_615 = arith.select %and3A_612, %sub3A_614, %div3A_593 : i32
        %mul3A_616 = arith.constant 8 : i32
        %mul3A_617 = arith.muli %select_n3A_615, %mul3A_616 : i32
        %sub3A_618 = arith.subi %scan3A_591, %mul3A_617 : i32
        %dma_start3A_619 = arith.constant 0 : i32
        %dma_start3A_620 = arith.constant 0 : i32
        %dma_start3A_621 = tpu.memref_slice %arg8[%dma_start3A_619, %scan3A_591, %dma_start3A_620] : memref<2x64x136xf32, #tpu.memory_space<vmem>> -> memref<1x1x128xf32, #tpu.memory_space<vmem>>
        %dma_start3A_622 = tpu.memref_squeeze %dma_start3A_621 : memref<1x1x128xf32, #tpu.memory_space<vmem>> -> memref<128xf32, #tpu.memory_space<vmem>>
        %dma_start3A_623 = arith.constant 0 : i32
        %dma_start3A_624 = tpu.memref_slice %arg4[%sub3A_473, %select_n3A_615, %add3A_476, %sub3A_618, %dma_start3A_623] : memref<50x8x128x8x128xf32, #tpu.memory_space<hbm>> -> memref<1x1x1x1x128xf32, #tpu.memory_space<hbm>>
        %dma_start3A_625 = tpu.memref_squeeze %dma_start3A_624 : memref<1x1x1x1x128xf32, #tpu.memory_space<hbm>> -> memref<128xf32, #tpu.memory_space<hbm>>
        %dma_start3A_626 = arith.constant 0 : i32
        %dma_start3A_627 = tpu.memref_slice %arg4[%sub3A_473, %select_n3A_615, %add3A_476, %sub3A_618, %dma_start3A_626] : memref<50x8x128x8x128xf32, #tpu.memory_space<hbm>> -> memref<1x1x1x1x128xf32, #tpu.memory_space<hbm>>
        %dma_start3A_628 = tpu.memref_squeeze %dma_start3A_627 : memref<1x1x1x1x128xf32, #tpu.memory_space<hbm>> -> memref<128xf32, #tpu.memory_space<hbm>>
        %dma_start3A_629 = arith.constant 0 : i32
        %dma_start3A_630 = tpu.memref_slice %arg8[%dma_start3A_619, %scan3A_591, %dma_start3A_629] : memref<2x64x136xf32, #tpu.memory_space<vmem>> -> memref<1x1x128xf32, #tpu.memory_space<vmem>>
        %dma_start3A_631 = tpu.memref_squeeze %dma_start3A_630 : memref<1x1x128xf32, #tpu.memory_space<vmem>> -> memref<128xf32, #tpu.memory_space<vmem>>
        tpu.enqueue_dma source(%dma_start3A_631 : memref<128xf32, #tpu.memory_space<vmem>>) target(%dma_start3A_628 : memref<128xf32, #tpu.memory_space<hbm>>) target_semaphore(%arg13 : memref<!tpu.dma_semaphore, #tpu.memory_space<semaphore_mem>>)
        %scan3A_632 = arith.constant 2 : i32
        %scan3A_633 = arith.addi %scan3A_549, %scan3A_632 : i32
        %jit3A_634 = arith.constant 8 : i32
        %div3A_635 = arith.divsi %scan3A_633, %jit3A_634 : i32
        %sign3A_636 = arith.constant 0 : i32
        %sign3A_637 = arith.cmpi sgt, %scan3A_633, %sign3A_636 : i32
        %sign3A_638 = arith.extui %sign3A_637 : i1 to i32
        %sign3A_639 = arith.constant 0 : i32
        %sign3A_640 = arith.cmpi slt, %scan3A_633, %sign3A_639 : i32
        %sign3A_641 = arith.extui %sign3A_640 : i1 to i32
        %sign3A_642 = arith.subi %sign3A_638, %sign3A_641 : i32
        %sign3A_643 = arith.constant 0 : i32
        %sign3A_644 = arith.cmpi sgt, %jit3A_634, %sign3A_643 : i32
        %sign3A_645 = arith.extui %sign3A_644 : i1 to i32
        %sign3A_646 = arith.constant 0 : i32
        %sign3A_647 = arith.cmpi slt, %jit3A_634, %sign3A_646 : i32
        %sign3A_648 = arith.extui %sign3A_647 : i1 to i32
        %sign3A_649 = arith.subi %sign3A_645, %sign3A_648 : i32
        %ne3A_650 = arith.cmpi ne, %sign3A_642, %sign3A_649 : i32
        %rem3A_651 = arith.remsi %scan3A_633, %jit3A_634 : i32
        %ne3A_652 = arith.constant 0 : i32
        %ne3A_653 = arith.cmpi ne, %rem3A_651, %ne3A_652 : i32
        %and3A_654 = arith.andi %ne3A_650, %ne3A_653 : i1
        %sub3A_655 = arith.constant 1 : i32
        %sub3A_656 = arith.subi %div3A_635, %sub3A_655 : i32
        %select_n3A_657 = arith.select %and3A_654, %sub3A_656, %div3A_635 : i32
        %mul3A_658 = arith.constant 8 : i32
        %mul3A_659 = arith.muli %select_n3A_657, %mul3A_658 : i32
        %sub3A_660 = arith.subi %scan3A_633, %mul3A_659 : i32
        %dma_start3A_661 = arith.constant 0 : i32
        %dma_start3A_662 = arith.constant 0 : i32
        %dma_start3A_663 = tpu.memref_slice %arg8[%dma_start3A_661, %scan3A_633, %dma_start3A_662] : memref<2x64x136xf32, #tpu.memory_space<vmem>> -> memref<1x1x128xf32, #tpu.memory_space<vmem>>
        %dma_start3A_664 = tpu.memref_squeeze %dma_start3A_663 : memref<1x1x128xf32, #tpu.memory_space<vmem>> -> memref<128xf32, #tpu.memory_space<vmem>>
        %dma_start3A_665 = arith.constant 0 : i32
        %dma_start3A_666 = tpu.memref_slice %arg4[%sub3A_473, %select_n3A_657, %add3A_476, %sub3A_660, %dma_start3A_665] : memref<50x8x128x8x128xf32, #tpu.memory_space<hbm>> -> memref<1x1x1x1x128xf32, #tpu.memory_space<hbm>>
        %dma_start3A_667 = tpu.memref_squeeze %dma_start3A_666 : memref<1x1x1x1x128xf32, #tpu.memory_space<hbm>> -> memref<128xf32, #tpu.memory_space<hbm>>
        %dma_start3A_668 = arith.constant 0 : i32
        %dma_start3A_669 = tpu.memref_slice %arg4[%sub3A_473, %select_n3A_657, %add3A_476, %sub3A_660, %dma_start3A_668] : memref<50x8x128x8x128xf32, #tpu.memory_space<hbm>> -> memref<1x1x1x1x128xf32, #tpu.memory_space<hbm>>
        %dma_start3A_670 = tpu.memref_squeeze %dma_start3A_669 : memref<1x1x1x1x128xf32, #tpu.memory_space<hbm>> -> memref<128xf32, #tpu.memory_space<hbm>>
        %dma_start3A_671 = arith.constant 0 : i32
        %dma_start3A_672 = tpu.memref_slice %arg8[%dma_start3A_661, %scan3A_633, %dma_start3A_671] : memref<2x64x136xf32, #tpu.memory_space<vmem>> -> memref<1x1x128xf32, #tpu.memory_space<vmem>>
        %dma_start3A_673 = tpu.memref_squeeze %dma_start3A_672 : memref<1x1x128xf32, #tpu.memory_space<vmem>> -> memref<128xf32, #tpu.memory_space<vmem>>
        tpu.enqueue_dma source(%dma_start3A_673 : memref<128xf32, #tpu.memory_space<vmem>>) target(%dma_start3A_670 : memref<128xf32, #tpu.memory_space<hbm>>) target_semaphore(%arg13 : memref<!tpu.dma_semaphore, #tpu.memory_space<semaphore_mem>>)
        %scan3A_674 = arith.constant 3 : i32
        %scan3A_675 = arith.addi %scan3A_549, %scan3A_674 : i32
        %jit3A_676 = arith.constant 8 : i32
        %div3A_677 = arith.divsi %scan3A_675, %jit3A_676 : i32
        %sign3A_678 = arith.constant 0 : i32
        %sign3A_679 = arith.cmpi sgt, %scan3A_675, %sign3A_678 : i32
        %sign3A_680 = arith.extui %sign3A_679 : i1 to i32
        %sign3A_681 = arith.constant 0 : i32
        %sign3A_682 = arith.cmpi slt, %scan3A_675, %sign3A_681 : i32
        %sign3A_683 = arith.extui %sign3A_682 : i1 to i32
        %sign3A_684 = arith.subi %sign3A_680, %sign3A_683 : i32
        %sign3A_685 = arith.constant 0 : i32
        %sign3A_686 = arith.cmpi sgt, %jit3A_676, %sign3A_685 : i32
        %sign3A_687 = arith.extui %sign3A_686 : i1 to i32
        %sign3A_688 = arith.constant 0 : i32
        %sign3A_689 = arith.cmpi slt, %jit3A_676, %sign3A_688 : i32
        %sign3A_690 = arith.extui %sign3A_689 : i1 to i32
        %sign3A_691 = arith.subi %sign3A_687, %sign3A_690 : i32
        %ne3A_692 = arith.cmpi ne, %sign3A_684, %sign3A_691 : i32
        %rem3A_693 = arith.remsi %scan3A_675, %jit3A_676 : i32
        %ne3A_694 = arith.constant 0 : i32
        %ne3A_695 = arith.cmpi ne, %rem3A_693, %ne3A_694 : i32
        %and3A_696 = arith.andi %ne3A_692, %ne3A_695 : i1
        %sub3A_697 = arith.constant 1 : i32
        %sub3A_698 = arith.subi %div3A_677, %sub3A_697 : i32
        %select_n3A_699 = arith.select %and3A_696, %sub3A_698, %div3A_677 : i32
        %mul3A_700 = arith.constant 8 : i32
        %mul3A_701 = arith.muli %select_n3A_699, %mul3A_700 : i32
        %sub3A_702 = arith.subi %scan3A_675, %mul3A_701 : i32
        %dma_start3A_703 = arith.constant 0 : i32
        %dma_start3A_704 = arith.constant 0 : i32
        %dma_start3A_705 = tpu.memref_slice %arg8[%dma_start3A_703, %scan3A_675, %dma_start3A_704] : memref<2x64x136xf32, #tpu.memory_space<vmem>> -> memref<1x1x128xf32, #tpu.memory_space<vmem>>
        %dma_start3A_706 = tpu.memref_squeeze %dma_start3A_705 : memref<1x1x128xf32, #tpu.memory_space<vmem>> -> memref<128xf32, #tpu.memory_space<vmem>>
        %dma_start3A_707 = arith.constant 0 : i32
        %dma_start3A_708 = tpu.memref_slice %arg4[%sub3A_473, %select_n3A_699, %add3A_476, %sub3A_702, %dma_start3A_707] : memref<50x8x128x8x128xf32, #tpu.memory_space<hbm>> -> memref<1x1x1x1x128xf32, #tpu.memory_space<hbm>>
        %dma_start3A_709 = tpu.memref_squeeze %dma_start3A_708 : memref<1x1x1x1x128xf32, #tpu.memory_space<hbm>> -> memref<128xf32, #tpu.memory_space<hbm>>
        %dma_start3A_710 = arith.constant 0 : i32
        %dma_start3A_711 = tpu.memref_slice %arg4[%sub3A_473, %select_n3A_699, %add3A_476, %sub3A_702, %dma_start3A_710] : memref<50x8x128x8x128xf32, #tpu.memory_space<hbm>> -> memref<1x1x1x1x128xf32, #tpu.memory_space<hbm>>
        %dma_start3A_712 = tpu.memref_squeeze %dma_start3A_711 : memref<1x1x1x1x128xf32, #tpu.memory_space<hbm>> -> memref<128xf32, #tpu.memory_space<hbm>>
        %dma_start3A_713 = arith.constant 0 : i32
        %dma_start3A_714 = tpu.memref_slice %arg8[%dma_start3A_703, %scan3A_675, %dma_start3A_713] : memref<2x64x136xf32, #tpu.memory_space<vmem>> -> memref<1x1x128xf32, #tpu.memory_space<vmem>>
        %dma_start3A_715 = tpu.memref_squeeze %dma_start3A_714 : memref<1x1x128xf32, #tpu.memory_space<vmem>> -> memref<128xf32, #tpu.memory_space<vmem>>
        tpu.enqueue_dma source(%dma_start3A_715 : memref<128xf32, #tpu.memory_space<vmem>>) target(%dma_start3A_712 : memref<128xf32, #tpu.memory_space<hbm>>) target_semaphore(%arg13 : memref<!tpu.dma_semaphore, #tpu.memory_space<semaphore_mem>>)
        %scan3A_716 = arith.constant 4 : i32
        %scan3A_717 = arith.addi %scan3A_549, %scan3A_716 : i32
        %jit3A_718 = arith.constant 8 : i32
        %div3A_719 = arith.divsi %scan3A_717, %jit3A_718 : i32
        %sign3A_720 = arith.constant 0 : i32
        %sign3A_721 = arith.cmpi sgt, %scan3A_717, %sign3A_720 : i32
        %sign3A_722 = arith.extui %sign3A_721 : i1 to i32
        %sign3A_723 = arith.constant 0 : i32
        %sign3A_724 = arith.cmpi slt, %scan3A_717, %sign3A_723 : i32
        %sign3A_725 = arith.extui %sign3A_724 : i1 to i32
        %sign3A_726 = arith.subi %sign3A_722, %sign3A_725 : i32
        %sign3A_727 = arith.constant 0 : i32
        %sign3A_728 = arith.cmpi sgt, %jit3A_718, %sign3A_727 : i32
        %sign3A_729 = arith.extui %sign3A_728 : i1 to i32
        %sign3A_730 = arith.constant 0 : i32
        %sign3A_731 = arith.cmpi slt, %jit3A_718, %sign3A_730 : i32
        %sign3A_732 = arith.extui %sign3A_731 : i1 to i32
        %sign3A_733 = arith.subi %sign3A_729, %sign3A_732 : i32
        %ne3A_734 = arith.cmpi ne, %sign3A_726, %sign3A_733 : i32
        %rem3A_735 = arith.remsi %scan3A_717, %jit3A_718 : i32
        %ne3A_736 = arith.constant 0 : i32
        %ne3A_737 = arith.cmpi ne, %rem3A_735, %ne3A_736 : i32
        %and3A_738 = arith.andi %ne3A_734, %ne3A_737 : i1
        %sub3A_739 = arith.constant 1 : i32
        %sub3A_740 = arith.subi %div3A_719, %sub3A_739 : i32
        %select_n3A_741 = arith.select %and3A_738, %sub3A_740, %div3A_719 : i32
        %mul3A_742 = arith.constant 8 : i32
        %mul3A_743 = arith.muli %select_n3A_741, %mul3A_742 : i32
        %sub3A_744 = arith.subi %scan3A_717, %mul3A_743 : i32
        %dma_start3A_745 = arith.constant 0 : i32
        %dma_start3A_746 = arith.constant 0 : i32
        %dma_start3A_747 = tpu.memref_slice %arg8[%dma_start3A_745, %scan3A_717, %dma_start3A_746] : memref<2x64x136xf32, #tpu.memory_space<vmem>> -> memref<1x1x128xf32, #tpu.memory_space<vmem>>
        %dma_start3A_748 = tpu.memref_squeeze %dma_start3A_747 : memref<1x1x128xf32, #tpu.memory_space<vmem>> -> memref<128xf32, #tpu.memory_space<vmem>>
        %dma_start3A_749 = arith.constant 0 : i32
        %dma_start3A_750 = tpu.memref_slice %arg4[%sub3A_473, %select_n3A_741, %add3A_476, %sub3A_744, %dma_start3A_749] : memref<50x8x128x8x128xf32, #tpu.memory_space<hbm>> -> memref<1x1x1x1x128xf32, #tpu.memory_space<hbm>>
        %dma_start3A_751 = tpu.memref_squeeze %dma_start3A_750 : memref<1x1x1x1x128xf32, #tpu.memory_space<hbm>> -> memref<128xf32, #tpu.memory_space<hbm>>
        %dma_start3A_752 = arith.constant 0 : i32
        %dma_start3A_753 = tpu.memref_slice %arg4[%sub3A_473, %select_n3A_741, %add3A_476, %sub3A_744, %dma_start3A_752] : memref<50x8x128x8x128xf32, #tpu.memory_space<hbm>> -> memref<1x1x1x1x128xf32, #tpu.memory_space<hbm>>
        %dma_start3A_754 = tpu.memref_squeeze %dma_start3A_753 : memref<1x1x1x1x128xf32, #tpu.memory_space<hbm>> -> memref<128xf32, #tpu.memory_space<hbm>>
        %dma_start3A_755 = arith.constant 0 : i32
        %dma_start3A_756 = tpu.memref_slice %arg8[%dma_start3A_745, %scan3A_717, %dma_start3A_755] : memref<2x64x136xf32, #tpu.memory_space<vmem>> -> memref<1x1x128xf32, #tpu.memory_space<vmem>>
        %dma_start3A_757 = tpu.memref_squeeze %dma_start3A_756 : memref<1x1x128xf32, #tpu.memory_space<vmem>> -> memref<128xf32, #tpu.memory_space<vmem>>
        tpu.enqueue_dma source(%dma_start3A_757 : memref<128xf32, #tpu.memory_space<vmem>>) target(%dma_start3A_754 : memref<128xf32, #tpu.memory_space<hbm>>) target_semaphore(%arg13 : memref<!tpu.dma_semaphore, #tpu.memory_space<semaphore_mem>>)
        %scan3A_758 = arith.constant 5 : i32
        %scan3A_759 = arith.addi %scan3A_549, %scan3A_758 : i32
        %jit3A_760 = arith.constant 8 : i32
        %div3A_761 = arith.divsi %scan3A_759, %jit3A_760 : i32
        %sign3A_762 = arith.constant 0 : i32
        %sign3A_763 = arith.cmpi sgt, %scan3A_759, %sign3A_762 : i32
        %sign3A_764 = arith.extui %sign3A_763 : i1 to i32
        %sign3A_765 = arith.constant 0 : i32
        %sign3A_766 = arith.cmpi slt, %scan3A_759, %sign3A_765 : i32
        %sign3A_767 = arith.extui %sign3A_766 : i1 to i32
        %sign3A_768 = arith.subi %sign3A_764, %sign3A_767 : i32
        %sign3A_769 = arith.constant 0 : i32
        %sign3A_770 = arith.cmpi sgt, %jit3A_760, %sign3A_769 : i32
        %sign3A_771 = arith.extui %sign3A_770 : i1 to i32
        %sign3A_772 = arith.constant 0 : i32
        %sign3A_773 = arith.cmpi slt, %jit3A_760, %sign3A_772 : i32
        %sign3A_774 = arith.extui %sign3A_773 : i1 to i32
        %sign3A_775 = arith.subi %sign3A_771, %sign3A_774 : i32
        %ne3A_776 = arith.cmpi ne, %sign3A_768, %sign3A_775 : i32
        %rem3A_777 = arith.remsi %scan3A_759, %jit3A_760 : i32
        %ne3A_778 = arith.constant 0 : i32
        %ne3A_779 = arith.cmpi ne, %rem3A_777, %ne3A_778 : i32
        %and3A_780 = arith.andi %ne3A_776, %ne3A_779 : i1
        %sub3A_781 = arith.constant 1 : i32
        %sub3A_782 = arith.subi %div3A_761, %sub3A_781 : i32
        %select_n3A_783 = arith.select %and3A_780, %sub3A_782, %div3A_761 : i32
        %mul3A_784 = arith.constant 8 : i32
        %mul3A_785 = arith.muli %select_n3A_783, %mul3A_784 : i32
        %sub3A_786 = arith.subi %scan3A_759, %mul3A_785 : i32
        %dma_start3A_787 = arith.constant 0 : i32
        %dma_start3A_788 = arith.constant 0 : i32
        %dma_start3A_789 = tpu.memref_slice %arg8[%dma_start3A_787, %scan3A_759, %dma_start3A_788] : memref<2x64x136xf32, #tpu.memory_space<vmem>> -> memref<1x1x128xf32, #tpu.memory_space<vmem>>
        %dma_start3A_790 = tpu.memref_squeeze %dma_start3A_789 : memref<1x1x128xf32, #tpu.memory_space<vmem>> -> memref<128xf32, #tpu.memory_space<vmem>>
        %dma_start3A_791 = arith.constant 0 : i32
        %dma_start3A_792 = tpu.memref_slice %arg4[%sub3A_473, %select_n3A_783, %add3A_476, %sub3A_786, %dma_start3A_791] : memref<50x8x128x8x128xf32, #tpu.memory_space<hbm>> -> memref<1x1x1x1x128xf32, #tpu.memory_space<hbm>>
        %dma_start3A_793 = tpu.memref_squeeze %dma_start3A_792 : memref<1x1x1x1x128xf32, #tpu.memory_space<hbm>> -> memref<128xf32, #tpu.memory_space<hbm>>
        %dma_start3A_794 = arith.constant 0 : i32
        %dma_start3A_795 = tpu.memref_slice %arg4[%sub3A_473, %select_n3A_783, %add3A_476, %sub3A_786, %dma_start3A_794] : memref<50x8x128x8x128xf32, #tpu.memory_space<hbm>> -> memref<1x1x1x1x128xf32, #tpu.memory_space<hbm>>
        %dma_start3A_796 = tpu.memref_squeeze %dma_start3A_795 : memref<1x1x1x1x128xf32, #tpu.memory_space<hbm>> -> memref<128xf32, #tpu.memory_space<hbm>>
        %dma_start3A_797 = arith.constant 0 : i32
        %dma_start3A_798 = tpu.memref_slice %arg8[%dma_start3A_787, %scan3A_759, %dma_start3A_797] : memref<2x64x136xf32, #tpu.memory_space<vmem>> -> memref<1x1x128xf32, #tpu.memory_space<vmem>>
        %dma_start3A_799 = tpu.memref_squeeze %dma_start3A_798 : memref<1x1x128xf32, #tpu.memory_space<vmem>> -> memref<128xf32, #tpu.memory_space<vmem>>
        tpu.enqueue_dma source(%dma_start3A_799 : memref<128xf32, #tpu.memory_space<vmem>>) target(%dma_start3A_796 : memref<128xf32, #tpu.memory_space<hbm>>) target_semaphore(%arg13 : memref<!tpu.dma_semaphore, #tpu.memory_space<semaphore_mem>>)
        %scan3A_800 = arith.constant 6 : i32
        %scan3A_801 = arith.addi %scan3A_549, %scan3A_800 : i32
        %jit3A_802 = arith.constant 8 : i32
        %div3A_803 = arith.divsi %scan3A_801, %jit3A_802 : i32
        %sign3A_804 = arith.constant 0 : i32
        %sign3A_805 = arith.cmpi sgt, %scan3A_801, %sign3A_804 : i32
        %sign3A_806 = arith.extui %sign3A_805 : i1 to i32
        %sign3A_807 = arith.constant 0 : i32
        %sign3A_808 = arith.cmpi slt, %scan3A_801, %sign3A_807 : i32
        %sign3A_809 = arith.extui %sign3A_808 : i1 to i32
        %sign3A_810 = arith.subi %sign3A_806, %sign3A_809 : i32
        %sign3A_811 = arith.constant 0 : i32
        %sign3A_812 = arith.cmpi sgt, %jit3A_802, %sign3A_811 : i32
        %sign3A_813 = arith.extui %sign3A_812 : i1 to i32
        %sign3A_814 = arith.constant 0 : i32
        %sign3A_815 = arith.cmpi slt, %jit3A_802, %sign3A_814 : i32
        %sign3A_816 = arith.extui %sign3A_815 : i1 to i32
        %sign3A_817 = arith.subi %sign3A_813, %sign3A_816 : i32
        %ne3A_818 = arith.cmpi ne, %sign3A_810, %sign3A_817 : i32
        %rem3A_819 = arith.remsi %scan3A_801, %jit3A_802 : i32
        %ne3A_820 = arith.constant 0 : i32
        %ne3A_821 = arith.cmpi ne, %rem3A_819, %ne3A_820 : i32
        %and3A_822 = arith.andi %ne3A_818, %ne3A_821 : i1
        %sub3A_823 = arith.constant 1 : i32
        %sub3A_824 = arith.subi %div3A_803, %sub3A_823 : i32
        %select_n3A_825 = arith.select %and3A_822, %sub3A_824, %div3A_803 : i32
        %mul3A_826 = arith.constant 8 : i32
        %mul3A_827 = arith.muli %select_n3A_825, %mul3A_826 : i32
        %sub3A_828 = arith.subi %scan3A_801, %mul3A_827 : i32
        %dma_start3A_829 = arith.constant 0 : i32
        %dma_start3A_830 = arith.constant 0 : i32
        %dma_start3A_831 = tpu.memref_slice %arg8[%dma_start3A_829, %scan3A_801, %dma_start3A_830] : memref<2x64x136xf32, #tpu.memory_space<vmem>> -> memref<1x1x128xf32, #tpu.memory_space<vmem>>
        %dma_start3A_832 = tpu.memref_squeeze %dma_start3A_831 : memref<1x1x128xf32, #tpu.memory_space<vmem>> -> memref<128xf32, #tpu.memory_space<vmem>>
        %dma_start3A_833 = arith.constant 0 : i32
        %dma_start3A_834 = tpu.memref_slice %arg4[%sub3A_473, %select_n3A_825, %add3A_476, %sub3A_828, %dma_start3A_833] : memref<50x8x128x8x128xf32, #tpu.memory_space<hbm>> -> memref<1x1x1x1x128xf32, #tpu.memory_space<hbm>>
        %dma_start3A_835 = tpu.memref_squeeze %dma_start3A_834 : memref<1x1x1x1x128xf32, #tpu.memory_space<hbm>> -> memref<128xf32, #tpu.memory_space<hbm>>
        %dma_start3A_836 = arith.constant 0 : i32
        %dma_start3A_837 = tpu.memref_slice %arg4[%sub3A_473, %select_n3A_825, %add3A_476, %sub3A_828, %dma_start3A_836] : memref<50x8x128x8x128xf32, #tpu.memory_space<hbm>> -> memref<1x1x1x1x128xf32, #tpu.memory_space<hbm>>
        %dma_start3A_838 = tpu.memref_squeeze %dma_start3A_837 : memref<1x1x1x1x128xf32, #tpu.memory_space<hbm>> -> memref<128xf32, #tpu.memory_space<hbm>>
        %dma_start3A_839 = arith.constant 0 : i32
        %dma_start3A_840 = tpu.memref_slice %arg8[%dma_start3A_829, %scan3A_801, %dma_start3A_839] : memref<2x64x136xf32, #tpu.memory_space<vmem>> -> memref<1x1x128xf32, #tpu.memory_space<vmem>>
        %dma_start3A_841 = tpu.memref_squeeze %dma_start3A_840 : memref<1x1x128xf32, #tpu.memory_space<vmem>> -> memref<128xf32, #tpu.memory_space<vmem>>
        tpu.enqueue_dma source(%dma_start3A_841 : memref<128xf32, #tpu.memory_space<vmem>>) target(%dma_start3A_838 : memref<128xf32, #tpu.memory_space<hbm>>) target_semaphore(%arg13 : memref<!tpu.dma_semaphore, #tpu.memory_space<semaphore_mem>>)
        %scan3A_842 = arith.constant 7 : i32
        %scan3A_843 = arith.addi %scan3A_549, %scan3A_842 : i32
        %jit3A_844 = arith.constant 8 : i32
        %div3A_845 = arith.divsi %scan3A_843, %jit3A_844 : i32
        %sign3A_846 = arith.constant 0 : i32
        %sign3A_847 = arith.cmpi sgt, %scan3A_843, %sign3A_846 : i32
        %sign3A_848 = arith.extui %sign3A_847 : i1 to i32
        %sign3A_849 = arith.constant 0 : i32
        %sign3A_850 = arith.cmpi slt, %scan3A_843, %sign3A_849 : i32
        %sign3A_851 = arith.extui %sign3A_850 : i1 to i32
        %sign3A_852 = arith.subi %sign3A_848, %sign3A_851 : i32
        %sign3A_853 = arith.constant 0 : i32
        %sign3A_854 = arith.cmpi sgt, %jit3A_844, %sign3A_853 : i32
        %sign3A_855 = arith.extui %sign3A_854 : i1 to i32
        %sign3A_856 = arith.constant 0 : i32
        %sign3A_857 = arith.cmpi slt, %jit3A_844, %sign3A_856 : i32
        %sign3A_858 = arith.extui %sign3A_857 : i1 to i32
        %sign3A_859 = arith.subi %sign3A_855, %sign3A_858 : i32
        %ne3A_860 = arith.cmpi ne, %sign3A_852, %sign3A_859 : i32
        %rem3A_861 = arith.remsi %scan3A_843, %jit3A_844 : i32
        %ne3A_862 = arith.constant 0 : i32
        %ne3A_863 = arith.cmpi ne, %rem3A_861, %ne3A_862 : i32
        %and3A_864 = arith.andi %ne3A_860, %ne3A_863 : i1
        %sub3A_865 = arith.constant 1 : i32
        %sub3A_866 = arith.subi %div3A_845, %sub3A_865 : i32
        %select_n3A_867 = arith.select %and3A_864, %sub3A_866, %div3A_845 : i32
        %mul3A_868 = arith.constant 8 : i32
        %mul3A_869 = arith.muli %select_n3A_867, %mul3A_868 : i32
        %sub3A_870 = arith.subi %scan3A_843, %mul3A_869 : i32
        %dma_start3A_871 = arith.constant 0 : i32
        %dma_start3A_872 = arith.constant 0 : i32
        %dma_start3A_873 = tpu.memref_slice %arg8[%dma_start3A_871, %scan3A_843, %dma_start3A_872] : memref<2x64x136xf32, #tpu.memory_space<vmem>> -> memref<1x1x128xf32, #tpu.memory_space<vmem>>
        %dma_start3A_874 = tpu.memref_squeeze %dma_start3A_873 : memref<1x1x128xf32, #tpu.memory_space<vmem>> -> memref<128xf32, #tpu.memory_space<vmem>>
        %dma_start3A_875 = arith.constant 0 : i32
        %dma_start3A_876 = tpu.memref_slice %arg4[%sub3A_473, %select_n3A_867, %add3A_476, %sub3A_870, %dma_start3A_875] : memref<50x8x128x8x128xf32, #tpu.memory_space<hbm>> -> memref<1x1x1x1x128xf32, #tpu.memory_space<hbm>>
        %dma_start3A_877 = tpu.memref_squeeze %dma_start3A_876 : memref<1x1x1x1x128xf32, #tpu.memory_space<hbm>> -> memref<128xf32, #tpu.memory_space<hbm>>
        %dma_start3A_878 = arith.constant 0 : i32
        %dma_start3A_879 = tpu.memref_slice %arg4[%sub3A_473, %select_n3A_867, %add3A_476, %sub3A_870, %dma_start3A_878] : memref<50x8x128x8x128xf32, #tpu.memory_space<hbm>> -> memref<1x1x1x1x128xf32, #tpu.memory_space<hbm>>
        %dma_start3A_880 = tpu.memref_squeeze %dma_start3A_879 : memref<1x1x1x1x128xf32, #tpu.memory_space<hbm>> -> memref<128xf32, #tpu.memory_space<hbm>>
        %dma_start3A_881 = arith.constant 0 : i32
        %dma_start3A_882 = tpu.memref_slice %arg8[%dma_start3A_871, %scan3A_843, %dma_start3A_881] : memref<2x64x136xf32, #tpu.memory_space<vmem>> -> memref<1x1x128xf32, #tpu.memory_space<vmem>>
        %dma_start3A_883 = tpu.memref_squeeze %dma_start3A_882 : memref<1x1x128xf32, #tpu.memory_space<vmem>> -> memref<128xf32, #tpu.memory_space<vmem>>
        tpu.enqueue_dma source(%dma_start3A_883 : memref<128xf32, #tpu.memory_space<vmem>>) target(%dma_start3A_880 : memref<128xf32, #tpu.memory_space<hbm>>) target_semaphore(%arg13 : memref<!tpu.dma_semaphore, #tpu.memory_space<semaphore_mem>>)
      }
      %scan3A_481 = arith.constant 64 : i32
      %add3A_482 = arith.constant 3 : i32
      %add3A_483 = arith.addi %mul3A_293, %add3A_482 : i32
      %add3A_484 = arith.constant 3 : i32
      %add3A_485 = arith.addi %add3A_483, %add3A_484 : i32
      %lt3A_486 = arith.constant 200 : i32
      %lt3A_487 = arith.cmpi slt, %add3A_485, %lt3A_486 : i32
      %convert_element_type3A_488 = arith.extui %lt3A_487 : i1 to i32
      %cond3A_489 = arith.constant 0 : i32
      %cond3A_490 = arith.cmpi ne, %convert_element_type3A_488, %cond3A_489 : i32
      scf.if %cond3A_490 {
        %jit3A_549 = arith.constant 50 : i32
        %div3A_550 = arith.divsi %add3A_485, %jit3A_549 : i32
        %sign3A_551 = arith.constant 0 : i32
        %sign3A_552 = arith.cmpi sgt, %add3A_485, %sign3A_551 : i32
        %sign3A_553 = arith.extui %sign3A_552 : i1 to i32
        %sign3A_554 = arith.constant 0 : i32
        %sign3A_555 = arith.cmpi slt, %add3A_485, %sign3A_554 : i32
        %sign3A_556 = arith.extui %sign3A_555 : i1 to i32
        %sign3A_557 = arith.subi %sign3A_553, %sign3A_556 : i32
        %sign3A_558 = arith.constant 0 : i32
        %sign3A_559 = arith.cmpi sgt, %jit3A_549, %sign3A_558 : i32
        %sign3A_560 = arith.extui %sign3A_559 : i1 to i32
        %sign3A_561 = arith.constant 0 : i32
        %sign3A_562 = arith.cmpi slt, %jit3A_549, %sign3A_561 : i32
        %sign3A_563 = arith.extui %sign3A_562 : i1 to i32
        %sign3A_564 = arith.subi %sign3A_560, %sign3A_563 : i32
        %ne3A_565 = arith.cmpi ne, %sign3A_557, %sign3A_564 : i32
        %rem3A_566 = arith.remsi %add3A_485, %jit3A_549 : i32
        %ne3A_567 = arith.constant 0 : i32
        %ne3A_568 = arith.cmpi ne, %rem3A_566, %ne3A_567 : i32
        %and3A_569 = arith.andi %ne3A_565, %ne3A_568 : i1
        %sub3A_570 = arith.constant 1 : i32
        %sub3A_571 = arith.subi %div3A_550, %sub3A_570 : i32
        %select_n3A_572 = arith.select %and3A_569, %sub3A_571, %div3A_550 : i32
        %mul3A_573 = arith.constant 50 : i32
        %mul3A_574 = arith.muli %select_n3A_572, %mul3A_573 : i32
        %sub3A_575 = arith.subi %add3A_485, %mul3A_574 : i32
        %mul3A_576 = arith.constant 6400 : i32
        %mul3A_577 = arith.muli %select_n3A_572, %mul3A_576 : i32
        %add3A_578 = arith.addi %mul3A_577, %sub3A_575 : i32
        %add3A_579 = arith.constant 0 : i32
        %add3A_580 = arith.addi %add3A_578, %add3A_579 : i32
        %add3A_581 = vector.broadcast %add3A_580 : i32 to vector<16xi32>
        %add3A_582 = arith.addi %mul3A_5, %add3A_581 : vector<16xi32>
        %gather3A_583 = tpu.vector_load_idx %arg5[%add3A_582] : memref<25600xi32, #tpu.memory_space<vmem>>[vector<16xi32>], vector<16xi32>,
        %swap3A_584 = arith.constant 2 : i32
        %swap3A_585 = arith.index_cast %swap3A_584 : i32 to index
        %swap3A_586 = arith.constant 0 : index
        %swap3A_587 = tpu.vector_load %arg6[%swap3A_585, %swap3A_586] {strides = array<i32>} : memref<4x128xi32, #tpu.memory_space<vmem>>, vector<16xi32>,
        tpu.vector_store %arg6[%swap3A_585, %swap3A_586], %gather3A_583 {strides = array<i32>} : memref<4x128xi32, #tpu.memory_space<vmem>>, vector<16xi32>,
        %add3A_588 = arith.constant 800 : i32
        %add3A_589 = arith.addi %add3A_578, %add3A_588 : i32
        %add3A_590 = vector.broadcast %add3A_589 : i32 to vector<16xi32>
        %add3A_591 = arith.addi %mul3A_5, %add3A_590 : vector<16xi32>
        %gather3A_592 = tpu.vector_load_idx %arg5[%add3A_591] : memref<25600xi32, #tpu.memory_space<vmem>>[vector<16xi32>], vector<16xi32>,
        %swap3A_593 = arith.constant 2 : i32
        %swap3A_594 = arith.index_cast %swap3A_593 : i32 to index
        %swap3A_595 = arith.constant 16 : index
        %swap3A_596 = tpu.vector_load %arg6[%swap3A_594, %swap3A_595] {strides = array<i32>} : memref<4x128xi32, #tpu.memory_space<vmem>>, vector<16xi32>,
        tpu.vector_store %arg6[%swap3A_594, %swap3A_595], %gather3A_592 {strides = array<i32>} : memref<4x128xi32, #tpu.memory_space<vmem>>, vector<16xi32>,
        %add3A_597 = arith.constant 1600 : i32
        %add3A_598 = arith.addi %add3A_578, %add3A_597 : i32
        %add3A_599 = vector.broadcast %add3A_598 : i32 to vector<16xi32>
        %add3A_600 = arith.addi %mul3A_5, %add3A_599 : vector<16xi32>
        %gather3A_601 = tpu.vector_load_idx %arg5[%add3A_600] : memref<25600xi32, #tpu.memory_space<vmem>>[vector<16xi32>], vector<16xi32>,
        %swap3A_602 = arith.constant 2 : i32
        %swap3A_603 = arith.index_cast %swap3A_602 : i32 to index
        %swap3A_604 = arith.constant 32 : index
        %swap3A_605 = tpu.vector_load %arg6[%swap3A_603, %swap3A_604] {strides = array<i32>} : memref<4x128xi32, #tpu.memory_space<vmem>>, vector<16xi32>,
        tpu.vector_store %arg6[%swap3A_603, %swap3A_604], %gather3A_601 {strides = array<i32>} : memref<4x128xi32, #tpu.memory_space<vmem>>, vector<16xi32>,
        %add3A_606 = arith.constant 2400 : i32
        %add3A_607 = arith.addi %add3A_578, %add3A_606 : i32
        %add3A_608 = vector.broadcast %add3A_607 : i32 to vector<16xi32>
        %add3A_609 = arith.addi %mul3A_5, %add3A_608 : vector<16xi32>
        %gather3A_610 = tpu.vector_load_idx %arg5[%add3A_609] : memref<25600xi32, #tpu.memory_space<vmem>>[vector<16xi32>], vector<16xi32>,
        %swap3A_611 = arith.constant 2 : i32
        %swap3A_612 = arith.index_cast %swap3A_611 : i32 to index
        %swap3A_613 = arith.constant 48 : index
        %swap3A_614 = tpu.vector_load %arg6[%swap3A_612, %swap3A_613] {strides = array<i32>} : memref<4x128xi32, #tpu.memory_space<vmem>>, vector<16xi32>,
        tpu.vector_store %arg6[%swap3A_612, %swap3A_613], %gather3A_610 {strides = array<i32>} : memref<4x128xi32, #tpu.memory_space<vmem>>, vector<16xi32>,
        %add3A_615 = arith.constant 3200 : i32
        %add3A_616 = arith.addi %add3A_578, %add3A_615 : i32
        %add3A_617 = vector.broadcast %add3A_616 : i32 to vector<16xi32>
        %add3A_618 = arith.addi %mul3A_5, %add3A_617 : vector<16xi32>
        %gather3A_619 = tpu.vector_load_idx %arg5[%add3A_618] : memref<25600xi32, #tpu.memory_space<vmem>>[vector<16xi32>], vector<16xi32>,
        %swap3A_620 = arith.constant 2 : i32
        %swap3A_621 = arith.index_cast %swap3A_620 : i32 to index
        %swap3A_622 = arith.constant 64 : index
        %swap3A_623 = tpu.vector_load %arg6[%swap3A_621, %swap3A_622] {strides = array<i32>} : memref<4x128xi32, #tpu.memory_space<vmem>>, vector<16xi32>,
        tpu.vector_store %arg6[%swap3A_621, %swap3A_622], %gather3A_619 {strides = array<i32>} : memref<4x128xi32, #tpu.memory_space<vmem>>, vector<16xi32>,
        %add3A_624 = arith.constant 4000 : i32
        %add3A_625 = arith.addi %add3A_578, %add3A_624 : i32
        %add3A_626 = vector.broadcast %add3A_625 : i32 to vector<16xi32>
        %add3A_627 = arith.addi %mul3A_5, %add3A_626 : vector<16xi32>
        %gather3A_628 = tpu.vector_load_idx %arg5[%add3A_627] : memref<25600xi32, #tpu.memory_space<vmem>>[vector<16xi32>], vector<16xi32>,
        %swap3A_629 = arith.constant 2 : i32
        %swap3A_630 = arith.index_cast %swap3A_629 : i32 to index
        %swap3A_631 = arith.constant 80 : index
        %swap3A_632 = tpu.vector_load %arg6[%swap3A_630, %swap3A_631] {strides = array<i32>} : memref<4x128xi32, #tpu.memory_space<vmem>>, vector<16xi32>,
        tpu.vector_store %arg6[%swap3A_630, %swap3A_631], %gather3A_628 {strides = array<i32>} : memref<4x128xi32, #tpu.memory_space<vmem>>, vector<16xi32>,
        %add3A_633 = arith.constant 4800 : i32
        %add3A_634 = arith.addi %add3A_578, %add3A_633 : i32
        %add3A_635 = vector.broadcast %add3A_634 : i32 to vector<16xi32>
        %add3A_636 = arith.addi %mul3A_5, %add3A_635 : vector<16xi32>
        %gather3A_637 = tpu.vector_load_idx %arg5[%add3A_636] : memref<25600xi32, #tpu.memory_space<vmem>>[vector<16xi32>], vector<16xi32>,
        %swap3A_638 = arith.constant 2 : i32
        %swap3A_639 = arith.index_cast %swap3A_638 : i32 to index
        %swap3A_640 = arith.constant 96 : index
        %swap3A_641 = tpu.vector_load %arg6[%swap3A_639, %swap3A_640] {strides = array<i32>} : memref<4x128xi32, #tpu.memory_space<vmem>>, vector<16xi32>,
        tpu.vector_store %arg6[%swap3A_639, %swap3A_640], %gather3A_637 {strides = array<i32>} : memref<4x128xi32, #tpu.memory_space<vmem>>, vector<16xi32>,
        %add3A_642 = arith.constant 5600 : i32
        %add3A_643 = arith.addi %add3A_578, %add3A_642 : i32
        %add3A_644 = vector.broadcast %add3A_643 : i32 to vector<16xi32>
        %add3A_645 = arith.addi %mul3A_5, %add3A_644 : vector<16xi32>
        %gather3A_646 = tpu.vector_load_idx %arg5[%add3A_645] : memref<25600xi32, #tpu.memory_space<vmem>>[vector<16xi32>], vector<16xi32>,
        %swap3A_647 = arith.constant 2 : i32
        %swap3A_648 = arith.index_cast %swap3A_647 : i32 to index
        %swap3A_649 = arith.constant 112 : index
        %swap3A_650 = tpu.vector_load %arg6[%swap3A_648, %swap3A_649] {strides = array<i32>} : memref<4x128xi32, #tpu.memory_space<vmem>>, vector<16xi32>,
        tpu.vector_store %arg6[%swap3A_648, %swap3A_649], %gather3A_646 {strides = array<i32>} : memref<4x128xi32, #tpu.memory_space<vmem>>, vector<16xi32>,
        %dma_start3A_651 = arith.constant 2 : i32
        %dma_start3A_652 = arith.constant 2 : i32
        %dma_start3A_653 = arith.constant 0 : i32
        %dma_start3A_654 = arith.constant 0 : i32
        %dma_start3A_655 = tpu.memref_slice %arg7[%dma_start3A_652, %dma_start3A_653, %dma_start3A_654] : memref<4x128x64xf32, #tpu.memory_space<vmem>> -> memref<1x128x64xf32, #tpu.memory_space<vmem>>
        %dma_start3A_656 = tpu.memref_squeeze %dma_start3A_655 : memref<1x128x64xf32, #tpu.memory_space<vmem>> -> memref<128x64xf32, #tpu.memory_space<vmem>>
        %dma_start3A_657 = arith.constant 0 : i32
        %dma_start3A_658 = tpu.memref_slice %arg6[%dma_start3A_651, %dma_start3A_657] : memref<4x128xi32, #tpu.memory_space<vmem>> -> memref<1x128xi32, #tpu.memory_space<vmem>>
        %dma_start3A_659 = tpu.memref_squeeze %dma_start3A_658 : memref<1x128xi32, #tpu.memory_space<vmem>> -> memref<128xi32, #tpu.memory_space<vmem>>
        %dma_start3A_660 = arith.constant 0 : i32
        %dma_start3A_661 = arith.constant 0 : i32
        %dma_start3A_662 = tpu.memref_slice %arg3[%dma_start3A_660, %dma_start3A_661] : memref<1000000x64xf32, #tpu.memory_space<hbm>> -> memref<1000000x64xf32, #tpu.memory_space<hbm>>
        tpu.enqueue_indirect_dma source(%dma_start3A_662 : memref<1000000x64xf32, #tpu.memory_space<hbm>>) target(%dma_start3A_656 : memref<128x64xf32, #tpu.memory_space<vmem>>) offsets(%dma_start3A_659 : memref<128xi32, #tpu.memory_space<vmem>>) semaphore(%arg11 : memref<!tpu.dma_semaphore, #tpu.memory_space<semaphore_mem>>)
      } else {
      }
      %dma_wait3A_491 = arith.constant 3 : i32
      %dma_wait3A_492 = arith.constant 0 : i32
      %dma_wait3A_493 = arith.constant 0 : i32
      %dma_wait3A_494 = tpu.memref_slice %arg7[%dma_wait3A_491, %dma_wait3A_492, %dma_wait3A_493] : memref<4x128x64xf32, #tpu.memory_space<vmem>> -> memref<1x128x64xf32, #tpu.memory_space<vmem>>
      %dma_wait3A_495 = tpu.memref_squeeze %dma_wait3A_494 : memref<1x128x64xf32, #tpu.memory_space<vmem>> -> memref<128x64xf32, #tpu.memory_space<vmem>>
      %dma_wait3A_496 = arith.constant 0 : i32
      %dma_wait3A_497 = arith.constant 0 : i32
      %dma_wait3A_498 = tpu.memref_slice %arg3[%dma_wait3A_496, %dma_wait3A_497] : memref<1000000x64xf32, #tpu.memory_space<hbm>> -> memref<128x64xf32, #tpu.memory_space<hbm>>
      %dma_wait3A_499 = arith.constant 0 : i32
      %dma_wait3A_500 = arith.constant 0 : i32
      %dma_wait3A_501 = tpu.memref_slice %arg7[%dma_wait3A_491, %dma_wait3A_499, %dma_wait3A_500] : memref<4x128x64xf32, #tpu.memory_space<vmem>> -> memref<1x128x64xf32, #tpu.memory_space<vmem>>
      %dma_wait3A_502 = tpu.memref_squeeze %dma_wait3A_501 : memref<1x128x64xf32, #tpu.memory_space<vmem>> -> memref<128x64xf32, #tpu.memory_space<vmem>>
      %dma_wait3A_503 = arith.constant 0 : i32
      %dma_wait3A_504 = arith.constant 0 : i32
      %dma_wait3A_505 = tpu.memref_slice %arg3[%dma_wait3A_503, %dma_wait3A_504] : memref<1000000x64xf32, #tpu.memory_space<hbm>> -> memref<128x64xf32, #tpu.memory_space<hbm>>
      tpu.wait_dma2 semaphore(%arg12 : memref<!tpu.dma_semaphore, #tpu.memory_space<semaphore_mem>>) src(%dma_wait3A_505 : memref<128x64xf32, #tpu.memory_space<hbm>>) dst(%dma_wait3A_502 : memref<128x64xf32, #tpu.memory_space<vmem>>)
      %ge3A_506 = arith.constant 2 : i32
      %ge3A_507 = arith.cmpi sge, %add3A_483, %ge3A_506 : i32
      %convert_element_type3A_508 = arith.extui %ge3A_507 : i1 to i32
      %cond3A_509 = arith.constant 0 : i32
      %cond3A_510 = arith.cmpi ne, %convert_element_type3A_508, %cond3A_509 : i32
      scf.if %cond3A_510 {
        %dma_wait3A_549 = arith.constant 0 : i32
        %dma_wait3A_550 = arith.constant 0 : i32
        %dma_wait3A_551 = arith.constant 0 : i32
        %dma_wait3A_552 = tpu.memref_slice %arg7[%dma_wait3A_549, %dma_wait3A_550, %dma_wait3A_551] : memref<4x128x64xf32, #tpu.memory_space<vmem>> -> memref<1x128x64xf32, #tpu.memory_space<vmem>>
        %dma_wait3A_553 = tpu.memref_squeeze %dma_wait3A_552 : memref<1x128x64xf32, #tpu.memory_space<vmem>> -> memref<128x64xf32, #tpu.memory_space<vmem>>
        %dma_wait3A_554 = arith.constant 0 : i32
        %dma_wait3A_555 = arith.constant 0 : i32
        %dma_wait3A_556 = tpu.memref_slice %arg3[%dma_wait3A_554, %dma_wait3A_555] : memref<1000000x64xf32, #tpu.memory_space<hbm>> -> memref<128x64xf32, #tpu.memory_space<hbm>>
        %dma_wait3A_557 = arith.constant 0 : i32
        %dma_wait3A_558 = arith.constant 0 : i32
        %dma_wait3A_559 = tpu.memref_slice %arg7[%dma_wait3A_549, %dma_wait3A_557, %dma_wait3A_558] : memref<4x128x64xf32, #tpu.memory_space<vmem>> -> memref<1x128x64xf32, #tpu.memory_space<vmem>>
        %dma_wait3A_560 = tpu.memref_squeeze %dma_wait3A_559 : memref<1x128x64xf32, #tpu.memory_space<vmem>> -> memref<128x64xf32, #tpu.memory_space<vmem>>
        %dma_wait3A_561 = arith.constant 0 : i32
        %dma_wait3A_562 = arith.constant 0 : i32
        %dma_wait3A_563 = tpu.memref_slice %arg3[%dma_wait3A_561, %dma_wait3A_562] : memref<1000000x64xf32, #tpu.memory_space<hbm>> -> memref<128x64xf32, #tpu.memory_space<hbm>>
        tpu.wait_dma2 semaphore(%arg14 : memref<!tpu.dma_semaphore, #tpu.memory_space<semaphore_mem>>) src(%dma_wait3A_563 : memref<128x64xf32, #tpu.memory_space<hbm>>) dst(%dma_wait3A_560 : memref<128x64xf32, #tpu.memory_space<vmem>>)
      } else {
      }
      %parallel_loop3A_511 = arith.constant 0 : i32
      %parallel_loop3A_512 = arith.constant 128 : i32
      %parallel_loop3A_513 = arith.constant 1 : i32
      scf.for %parallel_loop3A_549 = %parallel_loop3A_511 to %parallel_loop3A_512 step %parallel_loop3A_513  : i32 {
        %parallel_loop3A_550 = vector.broadcast %parallel_loop3A_549 : i32 to vector<16xi32>
        %parallel_loop3A_551 = arith.addi %mul3A_8, %parallel_loop3A_550 : vector<16xi32>
        %parallel_loop3A_552 = arith.constant 3 : i32
        %parallel_loop3A_553 = arith.index_cast %parallel_loop3A_552 : i32 to index
        %parallel_loop3A_554 = arith.index_cast %parallel_loop3A_549 : i32 to index
        %parallel_loop3A_555 = arith.constant 0 : index
        %parallel_loop3A_556 = tpu.vector_load %arg7[%parallel_loop3A_553, %parallel_loop3A_554, %parallel_loop3A_555] {strides = array<i32>} : memref<4x128x64xf32, #tpu.memory_space<vmem>>, vector<16xf32>,
        %parallel_loop3A_557 = arith.constant 1 : i32
        %parallel_loop3A_558 = arith.constant 0 : i32
        %parallel_loop3A_559 = arith.constant 0 : i32
        %parallel_loop3A_560 = tpu.memref_slice %arg8[%parallel_loop3A_557, %parallel_loop3A_558, %parallel_loop3A_559] : memref<2x64x136xf32, #tpu.memory_space<vmem>> -> memref<1x64x136xf32, #tpu.memory_space<vmem>>
        %parallel_loop3A_561 = tpu.memref_squeeze %parallel_loop3A_560 : memref<1x64x136xf32, #tpu.memory_space<vmem>> -> memref<64x136xf32, #tpu.memory_space<vmem>>
        tpu.vector_store_idx %parallel_loop3A_561[%add3A_11, %parallel_loop3A_551], %parallel_loop3A_556 : memref<64x136xf32, #tpu.memory_space<vmem>>[vector<16xi32>, vector<16xi32>], vector<16xf32>,
        %parallel_loop3A_562 = arith.constant 3 : i32
        %parallel_loop3A_563 = arith.index_cast %parallel_loop3A_562 : i32 to index
        %parallel_loop3A_564 = arith.index_cast %parallel_loop3A_549 : i32 to index
        %parallel_loop3A_565 = arith.constant 16 : index
        %parallel_loop3A_566 = tpu.vector_load %arg7[%parallel_loop3A_563, %parallel_loop3A_564, %parallel_loop3A_565] {strides = array<i32>} : memref<4x128x64xf32, #tpu.memory_space<vmem>>, vector<16xf32>,
        %parallel_loop3A_567 = arith.constant 1 : i32
        %parallel_loop3A_568 = arith.constant 0 : i32
        %parallel_loop3A_569 = arith.constant 0 : i32
        %parallel_loop3A_570 = tpu.memref_slice %arg8[%parallel_loop3A_567, %parallel_loop3A_568, %parallel_loop3A_569] : memref<2x64x136xf32, #tpu.memory_space<vmem>> -> memref<1x64x136xf32, #tpu.memory_space<vmem>>
        %parallel_loop3A_571 = tpu.memref_squeeze %parallel_loop3A_570 : memref<1x64x136xf32, #tpu.memory_space<vmem>> -> memref<64x136xf32, #tpu.memory_space<vmem>>
        tpu.vector_store_idx %parallel_loop3A_571[%add3A_14, %parallel_loop3A_551], %parallel_loop3A_566 : memref<64x136xf32, #tpu.memory_space<vmem>>[vector<16xi32>, vector<16xi32>], vector<16xf32>,
        %parallel_loop3A_572 = arith.constant 3 : i32
        %parallel_loop3A_573 = arith.index_cast %parallel_loop3A_572 : i32 to index
        %parallel_loop3A_574 = arith.index_cast %parallel_loop3A_549 : i32 to index
        %parallel_loop3A_575 = arith.constant 32 : index
        %parallel_loop3A_576 = tpu.vector_load %arg7[%parallel_loop3A_573, %parallel_loop3A_574, %parallel_loop3A_575] {strides = array<i32>} : memref<4x128x64xf32, #tpu.memory_space<vmem>>, vector<16xf32>,
        %parallel_loop3A_577 = arith.constant 1 : i32
        %parallel_loop3A_578 = arith.constant 0 : i32
        %parallel_loop3A_579 = arith.constant 0 : i32
        %parallel_loop3A_580 = tpu.memref_slice %arg8[%parallel_loop3A_577, %parallel_loop3A_578, %parallel_loop3A_579] : memref<2x64x136xf32, #tpu.memory_space<vmem>> -> memref<1x64x136xf32, #tpu.memory_space<vmem>>
        %parallel_loop3A_581 = tpu.memref_squeeze %parallel_loop3A_580 : memref<1x64x136xf32, #tpu.memory_space<vmem>> -> memref<64x136xf32, #tpu.memory_space<vmem>>
        tpu.vector_store_idx %parallel_loop3A_581[%add3A_17, %parallel_loop3A_551], %parallel_loop3A_576 : memref<64x136xf32, #tpu.memory_space<vmem>>[vector<16xi32>, vector<16xi32>], vector<16xf32>,
        %parallel_loop3A_582 = arith.constant 3 : i32
        %parallel_loop3A_583 = arith.index_cast %parallel_loop3A_582 : i32 to index
        %parallel_loop3A_584 = arith.index_cast %parallel_loop3A_549 : i32 to index
        %parallel_loop3A_585 = arith.constant 48 : index
        %parallel_loop3A_586 = tpu.vector_load %arg7[%parallel_loop3A_583, %parallel_loop3A_584, %parallel_loop3A_585] {strides = array<i32>} : memref<4x128x64xf32, #tpu.memory_space<vmem>>, vector<16xf32>,
        %parallel_loop3A_587 = arith.constant 1 : i32
        %parallel_loop3A_588 = arith.constant 0 : i32
        %parallel_loop3A_589 = arith.constant 0 : i32
        %parallel_loop3A_590 = tpu.memref_slice %arg8[%parallel_loop3A_587, %parallel_loop3A_588, %parallel_loop3A_589] : memref<2x64x136xf32, #tpu.memory_space<vmem>> -> memref<1x64x136xf32, #tpu.memory_space<vmem>>
        %parallel_loop3A_591 = tpu.memref_squeeze %parallel_loop3A_590 : memref<1x64x136xf32, #tpu.memory_space<vmem>> -> memref<64x136xf32, #tpu.memory_space<vmem>>
        tpu.vector_store_idx %parallel_loop3A_591[%add3A_20, %parallel_loop3A_551], %parallel_loop3A_586 : memref<64x136xf32, #tpu.memory_space<vmem>>[vector<16xi32>, vector<16xi32>], vector<16xf32>,
      } {sc.loop_unroll_factor = 4 : i64, sc.parallel_access}
      %jit3A_514 = arith.constant 50 : i32
      %div3A_515 = arith.divsi %add3A_483, %jit3A_514 : i32
      %sign3A_516 = arith.constant 0 : i32
      %sign3A_517 = arith.cmpi sgt, %add3A_483, %sign3A_516 : i32
      %sign3A_518 = arith.extui %sign3A_517 : i1 to i32
      %sign3A_519 = arith.constant 0 : i32
      %sign3A_520 = arith.cmpi slt, %add3A_483, %sign3A_519 : i32
      %sign3A_521 = arith.extui %sign3A_520 : i1 to i32
      %sign3A_522 = arith.subi %sign3A_518, %sign3A_521 : i32
      %sign3A_523 = arith.constant 0 : i32
      %sign3A_524 = arith.cmpi sgt, %jit3A_514, %sign3A_523 : i32
      %sign3A_525 = arith.extui %sign3A_524 : i1 to i32
      %sign3A_526 = arith.constant 0 : i32
      %sign3A_527 = arith.cmpi slt, %jit3A_514, %sign3A_526 : i32
      %sign3A_528 = arith.extui %sign3A_527 : i1 to i32
      %sign3A_529 = arith.subi %sign3A_525, %sign3A_528 : i32
      %ne3A_530 = arith.cmpi ne, %sign3A_522, %sign3A_529 : i32
      %rem3A_531 = arith.remsi %add3A_483, %jit3A_514 : i32
      %ne3A_532 = arith.constant 0 : i32
      %ne3A_533 = arith.cmpi ne, %rem3A_531, %ne3A_532 : i32
      %and3A_534 = arith.andi %ne3A_530, %ne3A_533 : i1
      %sub3A_535 = arith.constant 1 : i32
      %sub3A_536 = arith.subi %div3A_515, %sub3A_535 : i32
      %select_n3A_537 = arith.select %and3A_534, %sub3A_536, %div3A_515 : i32
      %mul3A_538 = arith.constant 50 : i32
      %mul3A_539 = arith.muli %select_n3A_537, %mul3A_538 : i32
      %sub3A_540 = arith.subi %add3A_483, %mul3A_539 : i32
      %mul3A_541 = arith.constant 4 : i32
      %mul3A_542 = arith.muli %add3A, %mul3A_541 : i32
      %add3A_543 = arith.addi %mul3A_542, %select_n3A_537 : i32
      %scan3A_544 = arith.constant 0 : i32
      %scan3A_545 = arith.constant 64 : i32
      %scan3A_546 = arith.addi %scan3A_544, %scan3A_545 : i32
      %scan3A_547 = arith.constant 8 : i32
      scf.for %scan3A_549 = %scan3A_544 to %scan3A_546 step %scan3A_547  : i32 {
        %jit3A_550 = arith.constant 8 : i32
        %div3A_551 = arith.divsi %scan3A_549, %jit3A_550 : i32
        %sign3A_552 = arith.constant 0 : i32
        %sign3A_553 = arith.cmpi sgt, %scan3A_549, %sign3A_552 : i32
        %sign3A_554 = arith.extui %sign3A_553 : i1 to i32
        %sign3A_555 = arith.constant 0 : i32
        %sign3A_556 = arith.cmpi slt, %scan3A_549, %sign3A_555 : i32
        %sign3A_557 = arith.extui %sign3A_556 : i1 to i32
        %sign3A_558 = arith.subi %sign3A_554, %sign3A_557 : i32
        %sign3A_559 = arith.constant 0 : i32
        %sign3A_560 = arith.cmpi sgt, %jit3A_550, %sign3A_559 : i32
        %sign3A_561 = arith.extui %sign3A_560 : i1 to i32
        %sign3A_562 = arith.constant 0 : i32
        %sign3A_563 = arith.cmpi slt, %jit3A_550, %sign3A_562 : i32
        %sign3A_564 = arith.extui %sign3A_563 : i1 to i32
        %sign3A_565 = arith.subi %sign3A_561, %sign3A_564 : i32
        %ne3A_566 = arith.cmpi ne, %sign3A_558, %sign3A_565 : i32
        %rem3A_567 = arith.remsi %scan3A_549, %jit3A_550 : i32
        %ne3A_568 = arith.constant 0 : i32
        %ne3A_569 = arith.cmpi ne, %rem3A_567, %ne3A_568 : i32
        %and3A_570 = arith.andi %ne3A_566, %ne3A_569 : i1
        %sub3A_571 = arith.constant 1 : i32
        %sub3A_572 = arith.subi %div3A_551, %sub3A_571 : i32
        %select_n3A_573 = arith.select %and3A_570, %sub3A_572, %div3A_551 : i32
        %mul3A_574 = arith.constant 8 : i32
        %mul3A_575 = arith.muli %select_n3A_573, %mul3A_574 : i32
        %sub3A_576 = arith.subi %scan3A_549, %mul3A_575 : i32
        %dma_start3A_577 = arith.constant 1 : i32
        %dma_start3A_578 = arith.constant 0 : i32
        %dma_start3A_579 = tpu.memref_slice %arg8[%dma_start3A_577, %scan3A_549, %dma_start3A_578] : memref<2x64x136xf32, #tpu.memory_space<vmem>> -> memref<1x1x128xf32, #tpu.memory_space<vmem>>
        %dma_start3A_580 = tpu.memref_squeeze %dma_start3A_579 : memref<1x1x128xf32, #tpu.memory_space<vmem>> -> memref<128xf32, #tpu.memory_space<vmem>>
        %dma_start3A_581 = arith.constant 0 : i32
        %dma_start3A_582 = tpu.memref_slice %arg4[%sub3A_540, %select_n3A_573, %add3A_543, %sub3A_576, %dma_start3A_581] : memref<50x8x128x8x128xf32, #tpu.memory_space<hbm>> -> memref<1x1x1x1x128xf32, #tpu.memory_space<hbm>>
        %dma_start3A_583 = tpu.memref_squeeze %dma_start3A_582 : memref<1x1x1x1x128xf32, #tpu.memory_space<hbm>> -> memref<128xf32, #tpu.memory_space<hbm>>
        %dma_start3A_584 = arith.constant 0 : i32
        %dma_start3A_585 = tpu.memref_slice %arg4[%sub3A_540, %select_n3A_573, %add3A_543, %sub3A_576, %dma_start3A_584] : memref<50x8x128x8x128xf32, #tpu.memory_space<hbm>> -> memref<1x1x1x1x128xf32, #tpu.memory_space<hbm>>
        %dma_start3A_586 = tpu.memref_squeeze %dma_start3A_585 : memref<1x1x1x1x128xf32, #tpu.memory_space<hbm>> -> memref<128xf32, #tpu.memory_space<hbm>>
        %dma_start3A_587 = arith.constant 0 : i32
        %dma_start3A_588 = tpu.memref_slice %arg8[%dma_start3A_577, %scan3A_549, %dma_start3A_587] : memref<2x64x136xf32, #tpu.memory_space<vmem>> -> memref<1x1x128xf32, #tpu.memory_space<vmem>>
        %dma_start3A_589 = tpu.memref_squeeze %dma_start3A_588 : memref<1x1x128xf32, #tpu.memory_space<vmem>> -> memref<128xf32, #tpu.memory_space<vmem>>
        tpu.enqueue_dma source(%dma_start3A_589 : memref<128xf32, #tpu.memory_space<vmem>>) target(%dma_start3A_586 : memref<128xf32, #tpu.memory_space<hbm>>) target_semaphore(%arg14 : memref<!tpu.dma_semaphore, #tpu.memory_space<semaphore_mem>>)
        %scan3A_590 = arith.constant 1 : i32
        %scan3A_591 = arith.addi %scan3A_549, %scan3A_590 : i32
        %jit3A_592 = arith.constant 8 : i32
        %div3A_593 = arith.divsi %scan3A_591, %jit3A_592 : i32
        %sign3A_594 = arith.constant 0 : i32
        %sign3A_595 = arith.cmpi sgt, %scan3A_591, %sign3A_594 : i32
        %sign3A_596 = arith.extui %sign3A_595 : i1 to i32
        %sign3A_597 = arith.constant 0 : i32
        %sign3A_598 = arith.cmpi slt, %scan3A_591, %sign3A_597 : i32
        %sign3A_599 = arith.extui %sign3A_598 : i1 to i32
        %sign3A_600 = arith.subi %sign3A_596, %sign3A_599 : i32
        %sign3A_601 = arith.constant 0 : i32
        %sign3A_602 = arith.cmpi sgt, %jit3A_592, %sign3A_601 : i32
        %sign3A_603 = arith.extui %sign3A_602 : i1 to i32
        %sign3A_604 = arith.constant 0 : i32
        %sign3A_605 = arith.cmpi slt, %jit3A_592, %sign3A_604 : i32
        %sign3A_606 = arith.extui %sign3A_605 : i1 to i32
        %sign3A_607 = arith.subi %sign3A_603, %sign3A_606 : i32
        %ne3A_608 = arith.cmpi ne, %sign3A_600, %sign3A_607 : i32
        %rem3A_609 = arith.remsi %scan3A_591, %jit3A_592 : i32
        %ne3A_610 = arith.constant 0 : i32
        %ne3A_611 = arith.cmpi ne, %rem3A_609, %ne3A_610 : i32
        %and3A_612 = arith.andi %ne3A_608, %ne3A_611 : i1
        %sub3A_613 = arith.constant 1 : i32
        %sub3A_614 = arith.subi %div3A_593, %sub3A_613 : i32
        %select_n3A_615 = arith.select %and3A_612, %sub3A_614, %div3A_593 : i32
        %mul3A_616 = arith.constant 8 : i32
        %mul3A_617 = arith.muli %select_n3A_615, %mul3A_616 : i32
        %sub3A_618 = arith.subi %scan3A_591, %mul3A_617 : i32
        %dma_start3A_619 = arith.constant 1 : i32
        %dma_start3A_620 = arith.constant 0 : i32
        %dma_start3A_621 = tpu.memref_slice %arg8[%dma_start3A_619, %scan3A_591, %dma_start3A_620] : memref<2x64x136xf32, #tpu.memory_space<vmem>> -> memref<1x1x128xf32, #tpu.memory_space<vmem>>
        %dma_start3A_622 = tpu.memref_squeeze %dma_start3A_621 : memref<1x1x128xf32, #tpu.memory_space<vmem>> -> memref<128xf32, #tpu.memory_space<vmem>>
        %dma_start3A_623 = arith.constant 0 : i32
        %dma_start3A_624 = tpu.memref_slice %arg4[%sub3A_540, %select_n3A_615, %add3A_543, %sub3A_618, %dma_start3A_623] : memref<50x8x128x8x128xf32, #tpu.memory_space<hbm>> -> memref<1x1x1x1x128xf32, #tpu.memory_space<hbm>>
        %dma_start3A_625 = tpu.memref_squeeze %dma_start3A_624 : memref<1x1x1x1x128xf32, #tpu.memory_space<hbm>> -> memref<128xf32, #tpu.memory_space<hbm>>
        %dma_start3A_626 = arith.constant 0 : i32
        %dma_start3A_627 = tpu.memref_slice %arg4[%sub3A_540, %select_n3A_615, %add3A_543, %sub3A_618, %dma_start3A_626] : memref<50x8x128x8x128xf32, #tpu.memory_space<hbm>> -> memref<1x1x1x1x128xf32, #tpu.memory_space<hbm>>
        %dma_start3A_628 = tpu.memref_squeeze %dma_start3A_627 : memref<1x1x1x1x128xf32, #tpu.memory_space<hbm>> -> memref<128xf32, #tpu.memory_space<hbm>>
        %dma_start3A_629 = arith.constant 0 : i32
        %dma_start3A_630 = tpu.memref_slice %arg8[%dma_start3A_619, %scan3A_591, %dma_start3A_629] : memref<2x64x136xf32, #tpu.memory_space<vmem>> -> memref<1x1x128xf32, #tpu.memory_space<vmem>>
        %dma_start3A_631 = tpu.memref_squeeze %dma_start3A_630 : memref<1x1x128xf32, #tpu.memory_space<vmem>> -> memref<128xf32, #tpu.memory_space<vmem>>
        tpu.enqueue_dma source(%dma_start3A_631 : memref<128xf32, #tpu.memory_space<vmem>>) target(%dma_start3A_628 : memref<128xf32, #tpu.memory_space<hbm>>) target_semaphore(%arg14 : memref<!tpu.dma_semaphore, #tpu.memory_space<semaphore_mem>>)
        %scan3A_632 = arith.constant 2 : i32
        %scan3A_633 = arith.addi %scan3A_549, %scan3A_632 : i32
        %jit3A_634 = arith.constant 8 : i32
        %div3A_635 = arith.divsi %scan3A_633, %jit3A_634 : i32
        %sign3A_636 = arith.constant 0 : i32
        %sign3A_637 = arith.cmpi sgt, %scan3A_633, %sign3A_636 : i32
        %sign3A_638 = arith.extui %sign3A_637 : i1 to i32
        %sign3A_639 = arith.constant 0 : i32
        %sign3A_640 = arith.cmpi slt, %scan3A_633, %sign3A_639 : i32
        %sign3A_641 = arith.extui %sign3A_640 : i1 to i32
        %sign3A_642 = arith.subi %sign3A_638, %sign3A_641 : i32
        %sign3A_643 = arith.constant 0 : i32
        %sign3A_644 = arith.cmpi sgt, %jit3A_634, %sign3A_643 : i32
        %sign3A_645 = arith.extui %sign3A_644 : i1 to i32
        %sign3A_646 = arith.constant 0 : i32
        %sign3A_647 = arith.cmpi slt, %jit3A_634, %sign3A_646 : i32
        %sign3A_648 = arith.extui %sign3A_647 : i1 to i32
        %sign3A_649 = arith.subi %sign3A_645, %sign3A_648 : i32
        %ne3A_650 = arith.cmpi ne, %sign3A_642, %sign3A_649 : i32
        %rem3A_651 = arith.remsi %scan3A_633, %jit3A_634 : i32
        %ne3A_652 = arith.constant 0 : i32
        %ne3A_653 = arith.cmpi ne, %rem3A_651, %ne3A_652 : i32
        %and3A_654 = arith.andi %ne3A_650, %ne3A_653 : i1
        %sub3A_655 = arith.constant 1 : i32
        %sub3A_656 = arith.subi %div3A_635, %sub3A_655 : i32
        %select_n3A_657 = arith.select %and3A_654, %sub3A_656, %div3A_635 : i32
        %mul3A_658 = arith.constant 8 : i32
        %mul3A_659 = arith.muli %select_n3A_657, %mul3A_658 : i32
        %sub3A_660 = arith.subi %scan3A_633, %mul3A_659 : i32
        %dma_start3A_661 = arith.constant 1 : i32
        %dma_start3A_662 = arith.constant 0 : i32
        %dma_start3A_663 = tpu.memref_slice %arg8[%dma_start3A_661, %scan3A_633, %dma_start3A_662] : memref<2x64x136xf32, #tpu.memory_space<vmem>> -> memref<1x1x128xf32, #tpu.memory_space<vmem>>
        %dma_start3A_664 = tpu.memref_squeeze %dma_start3A_663 : memref<1x1x128xf32, #tpu.memory_space<vmem>> -> memref<128xf32, #tpu.memory_space<vmem>>
        %dma_start3A_665 = arith.constant 0 : i32
        %dma_start3A_666 = tpu.memref_slice %arg4[%sub3A_540, %select_n3A_657, %add3A_543, %sub3A_660, %dma_start3A_665] : memref<50x8x128x8x128xf32, #tpu.memory_space<hbm>> -> memref<1x1x1x1x128xf32, #tpu.memory_space<hbm>>
        %dma_start3A_667 = tpu.memref_squeeze %dma_start3A_666 : memref<1x1x1x1x128xf32, #tpu.memory_space<hbm>> -> memref<128xf32, #tpu.memory_space<hbm>>
        %dma_start3A_668 = arith.constant 0 : i32
        %dma_start3A_669 = tpu.memref_slice %arg4[%sub3A_540, %select_n3A_657, %add3A_543, %sub3A_660, %dma_start3A_668] : memref<50x8x128x8x128xf32, #tpu.memory_space<hbm>> -> memref<1x1x1x1x128xf32, #tpu.memory_space<hbm>>
        %dma_start3A_670 = tpu.memref_squeeze %dma_start3A_669 : memref<1x1x1x1x128xf32, #tpu.memory_space<hbm>> -> memref<128xf32, #tpu.memory_space<hbm>>
        %dma_start3A_671 = arith.constant 0 : i32
        %dma_start3A_672 = tpu.memref_slice %arg8[%dma_start3A_661, %scan3A_633, %dma_start3A_671] : memref<2x64x136xf32, #tpu.memory_space<vmem>> -> memref<1x1x128xf32, #tpu.memory_space<vmem>>
        %dma_start3A_673 = tpu.memref_squeeze %dma_start3A_672 : memref<1x1x128xf32, #tpu.memory_space<vmem>> -> memref<128xf32, #tpu.memory_space<vmem>>
        tpu.enqueue_dma source(%dma_start3A_673 : memref<128xf32, #tpu.memory_space<vmem>>) target(%dma_start3A_670 : memref<128xf32, #tpu.memory_space<hbm>>) target_semaphore(%arg14 : memref<!tpu.dma_semaphore, #tpu.memory_space<semaphore_mem>>)
        %scan3A_674 = arith.constant 3 : i32
        %scan3A_675 = arith.addi %scan3A_549, %scan3A_674 : i32
        %jit3A_676 = arith.constant 8 : i32
        %div3A_677 = arith.divsi %scan3A_675, %jit3A_676 : i32
        %sign3A_678 = arith.constant 0 : i32
        %sign3A_679 = arith.cmpi sgt, %scan3A_675, %sign3A_678 : i32
        %sign3A_680 = arith.extui %sign3A_679 : i1 to i32
        %sign3A_681 = arith.constant 0 : i32
        %sign3A_682 = arith.cmpi slt, %scan3A_675, %sign3A_681 : i32
        %sign3A_683 = arith.extui %sign3A_682 : i1 to i32
        %sign3A_684 = arith.subi %sign3A_680, %sign3A_683 : i32
        %sign3A_685 = arith.constant 0 : i32
        %sign3A_686 = arith.cmpi sgt, %jit3A_676, %sign3A_685 : i32
        %sign3A_687 = arith.extui %sign3A_686 : i1 to i32
        %sign3A_688 = arith.constant 0 : i32
        %sign3A_689 = arith.cmpi slt, %jit3A_676, %sign3A_688 : i32
        %sign3A_690 = arith.extui %sign3A_689 : i1 to i32
        %sign3A_691 = arith.subi %sign3A_687, %sign3A_690 : i32
        %ne3A_692 = arith.cmpi ne, %sign3A_684, %sign3A_691 : i32
        %rem3A_693 = arith.remsi %scan3A_675, %jit3A_676 : i32
        %ne3A_694 = arith.constant 0 : i32
        %ne3A_695 = arith.cmpi ne, %rem3A_693, %ne3A_694 : i32
        %and3A_696 = arith.andi %ne3A_692, %ne3A_695 : i1
        %sub3A_697 = arith.constant 1 : i32
        %sub3A_698 = arith.subi %div3A_677, %sub3A_697 : i32
        %select_n3A_699 = arith.select %and3A_696, %sub3A_698, %div3A_677 : i32
        %mul3A_700 = arith.constant 8 : i32
        %mul3A_701 = arith.muli %select_n3A_699, %mul3A_700 : i32
        %sub3A_702 = arith.subi %scan3A_675, %mul3A_701 : i32
        %dma_start3A_703 = arith.constant 1 : i32
        %dma_start3A_704 = arith.constant 0 : i32
        %dma_start3A_705 = tpu.memref_slice %arg8[%dma_start3A_703, %scan3A_675, %dma_start3A_704] : memref<2x64x136xf32, #tpu.memory_space<vmem>> -> memref<1x1x128xf32, #tpu.memory_space<vmem>>
        %dma_start3A_706 = tpu.memref_squeeze %dma_start3A_705 : memref<1x1x128xf32, #tpu.memory_space<vmem>> -> memref<128xf32, #tpu.memory_space<vmem>>
        %dma_start3A_707 = arith.constant 0 : i32
        %dma_start3A_708 = tpu.memref_slice %arg4[%sub3A_540, %select_n3A_699, %add3A_543, %sub3A_702, %dma_start3A_707] : memref<50x8x128x8x128xf32, #tpu.memory_space<hbm>> -> memref<1x1x1x1x128xf32, #tpu.memory_space<hbm>>
        %dma_start3A_709 = tpu.memref_squeeze %dma_start3A_708 : memref<1x1x1x1x128xf32, #tpu.memory_space<hbm>> -> memref<128xf32, #tpu.memory_space<hbm>>
        %dma_start3A_710 = arith.constant 0 : i32
        %dma_start3A_711 = tpu.memref_slice %arg4[%sub3A_540, %select_n3A_699, %add3A_543, %sub3A_702, %dma_start3A_710] : memref<50x8x128x8x128xf32, #tpu.memory_space<hbm>> -> memref<1x1x1x1x128xf32, #tpu.memory_space<hbm>>
        %dma_start3A_712 = tpu.memref_squeeze %dma_start3A_711 : memref<1x1x1x1x128xf32, #tpu.memory_space<hbm>> -> memref<128xf32, #tpu.memory_space<hbm>>
        %dma_start3A_713 = arith.constant 0 : i32
        %dma_start3A_714 = tpu.memref_slice %arg8[%dma_start3A_703, %scan3A_675, %dma_start3A_713] : memref<2x64x136xf32, #tpu.memory_space<vmem>> -> memref<1x1x128xf32, #tpu.memory_space<vmem>>
        %dma_start3A_715 = tpu.memref_squeeze %dma_start3A_714 : memref<1x1x128xf32, #tpu.memory_space<vmem>> -> memref<128xf32, #tpu.memory_space<vmem>>
        tpu.enqueue_dma source(%dma_start3A_715 : memref<128xf32, #tpu.memory_space<vmem>>) target(%dma_start3A_712 : memref<128xf32, #tpu.memory_space<hbm>>) target_semaphore(%arg14 : memref<!tpu.dma_semaphore, #tpu.memory_space<semaphore_mem>>)
        %scan3A_716 = arith.constant 4 : i32
        %scan3A_717 = arith.addi %scan3A_549, %scan3A_716 : i32
        %jit3A_718 = arith.constant 8 : i32
        %div3A_719 = arith.divsi %scan3A_717, %jit3A_718 : i32
        %sign3A_720 = arith.constant 0 : i32
        %sign3A_721 = arith.cmpi sgt, %scan3A_717, %sign3A_720 : i32
        %sign3A_722 = arith.extui %sign3A_721 : i1 to i32
        %sign3A_723 = arith.constant 0 : i32
        %sign3A_724 = arith.cmpi slt, %scan3A_717, %sign3A_723 : i32
        %sign3A_725 = arith.extui %sign3A_724 : i1 to i32
        %sign3A_726 = arith.subi %sign3A_722, %sign3A_725 : i32
        %sign3A_727 = arith.constant 0 : i32
        %sign3A_728 = arith.cmpi sgt, %jit3A_718, %sign3A_727 : i32
        %sign3A_729 = arith.extui %sign3A_728 : i1 to i32
        %sign3A_730 = arith.constant 0 : i32
        %sign3A_731 = arith.cmpi slt, %jit3A_718, %sign3A_730 : i32
        %sign3A_732 = arith.extui %sign3A_731 : i1 to i32
        %sign3A_733 = arith.subi %sign3A_729, %sign3A_732 : i32
        %ne3A_734 = arith.cmpi ne, %sign3A_726, %sign3A_733 : i32
        %rem3A_735 = arith.remsi %scan3A_717, %jit3A_718 : i32
        %ne3A_736 = arith.constant 0 : i32
        %ne3A_737 = arith.cmpi ne, %rem3A_735, %ne3A_736 : i32
        %and3A_738 = arith.andi %ne3A_734, %ne3A_737 : i1
        %sub3A_739 = arith.constant 1 : i32
        %sub3A_740 = arith.subi %div3A_719, %sub3A_739 : i32
        %select_n3A_741 = arith.select %and3A_738, %sub3A_740, %div3A_719 : i32
        %mul3A_742 = arith.constant 8 : i32
        %mul3A_743 = arith.muli %select_n3A_741, %mul3A_742 : i32
        %sub3A_744 = arith.subi %scan3A_717, %mul3A_743 : i32
        %dma_start3A_745 = arith.constant 1 : i32
        %dma_start3A_746 = arith.constant 0 : i32
        %dma_start3A_747 = tpu.memref_slice %arg8[%dma_start3A_745, %scan3A_717, %dma_start3A_746] : memref<2x64x136xf32, #tpu.memory_space<vmem>> -> memref<1x1x128xf32, #tpu.memory_space<vmem>>
        %dma_start3A_748 = tpu.memref_squeeze %dma_start3A_747 : memref<1x1x128xf32, #tpu.memory_space<vmem>> -> memref<128xf32, #tpu.memory_space<vmem>>
        %dma_start3A_749 = arith.constant 0 : i32
        %dma_start3A_750 = tpu.memref_slice %arg4[%sub3A_540, %select_n3A_741, %add3A_543, %sub3A_744, %dma_start3A_749] : memref<50x8x128x8x128xf32, #tpu.memory_space<hbm>> -> memref<1x1x1x1x128xf32, #tpu.memory_space<hbm>>
        %dma_start3A_751 = tpu.memref_squeeze %dma_start3A_750 : memref<1x1x1x1x128xf32, #tpu.memory_space<hbm>> -> memref<128xf32, #tpu.memory_space<hbm>>
        %dma_start3A_752 = arith.constant 0 : i32
        %dma_start3A_753 = tpu.memref_slice %arg4[%sub3A_540, %select_n3A_741, %add3A_543, %sub3A_744, %dma_start3A_752] : memref<50x8x128x8x128xf32, #tpu.memory_space<hbm>> -> memref<1x1x1x1x128xf32, #tpu.memory_space<hbm>>
        %dma_start3A_754 = tpu.memref_squeeze %dma_start3A_753 : memref<1x1x1x1x128xf32, #tpu.memory_space<hbm>> -> memref<128xf32, #tpu.memory_space<hbm>>
        %dma_start3A_755 = arith.constant 0 : i32
        %dma_start3A_756 = tpu.memref_slice %arg8[%dma_start3A_745, %scan3A_717, %dma_start3A_755] : memref<2x64x136xf32, #tpu.memory_space<vmem>> -> memref<1x1x128xf32, #tpu.memory_space<vmem>>
        %dma_start3A_757 = tpu.memref_squeeze %dma_start3A_756 : memref<1x1x128xf32, #tpu.memory_space<vmem>> -> memref<128xf32, #tpu.memory_space<vmem>>
        tpu.enqueue_dma source(%dma_start3A_757 : memref<128xf32, #tpu.memory_space<vmem>>) target(%dma_start3A_754 : memref<128xf32, #tpu.memory_space<hbm>>) target_semaphore(%arg14 : memref<!tpu.dma_semaphore, #tpu.memory_space<semaphore_mem>>)
        %scan3A_758 = arith.constant 5 : i32
        %scan3A_759 = arith.addi %scan3A_549, %scan3A_758 : i32
        %jit3A_760 = arith.constant 8 : i32
        %div3A_761 = arith.divsi %scan3A_759, %jit3A_760 : i32
        %sign3A_762 = arith.constant 0 : i32
        %sign3A_763 = arith.cmpi sgt, %scan3A_759, %sign3A_762 : i32
        %sign3A_764 = arith.extui %sign3A_763 : i1 to i32
        %sign3A_765 = arith.constant 0 : i32
        %sign3A_766 = arith.cmpi slt, %scan3A_759, %sign3A_765 : i32
        %sign3A_767 = arith.extui %sign3A_766 : i1 to i32
        %sign3A_768 = arith.subi %sign3A_764, %sign3A_767 : i32
        %sign3A_769 = arith.constant 0 : i32
        %sign3A_770 = arith.cmpi sgt, %jit3A_760, %sign3A_769 : i32
        %sign3A_771 = arith.extui %sign3A_770 : i1 to i32
        %sign3A_772 = arith.constant 0 : i32
        %sign3A_773 = arith.cmpi slt, %jit3A_760, %sign3A_772 : i32
        %sign3A_774 = arith.extui %sign3A_773 : i1 to i32
        %sign3A_775 = arith.subi %sign3A_771, %sign3A_774 : i32
        %ne3A_776 = arith.cmpi ne, %sign3A_768, %sign3A_775 : i32
        %rem3A_777 = arith.remsi %scan3A_759, %jit3A_760 : i32
        %ne3A_778 = arith.constant 0 : i32
        %ne3A_779 = arith.cmpi ne, %rem3A_777, %ne3A_778 : i32
        %and3A_780 = arith.andi %ne3A_776, %ne3A_779 : i1
        %sub3A_781 = arith.constant 1 : i32
        %sub3A_782 = arith.subi %div3A_761, %sub3A_781 : i32
        %select_n3A_783 = arith.select %and3A_780, %sub3A_782, %div3A_761 : i32
        %mul3A_784 = arith.constant 8 : i32
        %mul3A_785 = arith.muli %select_n3A_783, %mul3A_784 : i32
        %sub3A_786 = arith.subi %scan3A_759, %mul3A_785 : i32
        %dma_start3A_787 = arith.constant 1 : i32
        %dma_start3A_788 = arith.constant 0 : i32
        %dma_start3A_789 = tpu.memref_slice %arg8[%dma_start3A_787, %scan3A_759, %dma_start3A_788] : memref<2x64x136xf32, #tpu.memory_space<vmem>> -> memref<1x1x128xf32, #tpu.memory_space<vmem>>
        %dma_start3A_790 = tpu.memref_squeeze %dma_start3A_789 : memref<1x1x128xf32, #tpu.memory_space<vmem>> -> memref<128xf32, #tpu.memory_space<vmem>>
        %dma_start3A_791 = arith.constant 0 : i32
        %dma_start3A_792 = tpu.memref_slice %arg4[%sub3A_540, %select_n3A_783, %add3A_543, %sub3A_786, %dma_start3A_791] : memref<50x8x128x8x128xf32, #tpu.memory_space<hbm>> -> memref<1x1x1x1x128xf32, #tpu.memory_space<hbm>>
        %dma_start3A_793 = tpu.memref_squeeze %dma_start3A_792 : memref<1x1x1x1x128xf32, #tpu.memory_space<hbm>> -> memref<128xf32, #tpu.memory_space<hbm>>
        %dma_start3A_794 = arith.constant 0 : i32
        %dma_start3A_795 = tpu.memref_slice %arg4[%sub3A_540, %select_n3A_783, %add3A_543, %sub3A_786, %dma_start3A_794] : memref<50x8x128x8x128xf32, #tpu.memory_space<hbm>> -> memref<1x1x1x1x128xf32, #tpu.memory_space<hbm>>
        %dma_start3A_796 = tpu.memref_squeeze %dma_start3A_795 : memref<1x1x1x1x128xf32, #tpu.memory_space<hbm>> -> memref<128xf32, #tpu.memory_space<hbm>>
        %dma_start3A_797 = arith.constant 0 : i32
        %dma_start3A_798 = tpu.memref_slice %arg8[%dma_start3A_787, %scan3A_759, %dma_start3A_797] : memref<2x64x136xf32, #tpu.memory_space<vmem>> -> memref<1x1x128xf32, #tpu.memory_space<vmem>>
        %dma_start3A_799 = tpu.memref_squeeze %dma_start3A_798 : memref<1x1x128xf32, #tpu.memory_space<vmem>> -> memref<128xf32, #tpu.memory_space<vmem>>
        tpu.enqueue_dma source(%dma_start3A_799 : memref<128xf32, #tpu.memory_space<vmem>>) target(%dma_start3A_796 : memref<128xf32, #tpu.memory_space<hbm>>) target_semaphore(%arg14 : memref<!tpu.dma_semaphore, #tpu.memory_space<semaphore_mem>>)
        %scan3A_800 = arith.constant 6 : i32
        %scan3A_801 = arith.addi %scan3A_549, %scan3A_800 : i32
        %jit3A_802 = arith.constant 8 : i32
        %div3A_803 = arith.divsi %scan3A_801, %jit3A_802 : i32
        %sign3A_804 = arith.constant 0 : i32
        %sign3A_805 = arith.cmpi sgt, %scan3A_801, %sign3A_804 : i32
        %sign3A_806 = arith.extui %sign3A_805 : i1 to i32
        %sign3A_807 = arith.constant 0 : i32
        %sign3A_808 = arith.cmpi slt, %scan3A_801, %sign3A_807 : i32
        %sign3A_809 = arith.extui %sign3A_808 : i1 to i32
        %sign3A_810 = arith.subi %sign3A_806, %sign3A_809 : i32
        %sign3A_811 = arith.constant 0 : i32
        %sign3A_812 = arith.cmpi sgt, %jit3A_802, %sign3A_811 : i32
        %sign3A_813 = arith.extui %sign3A_812 : i1 to i32
        %sign3A_814 = arith.constant 0 : i32
        %sign3A_815 = arith.cmpi slt, %jit3A_802, %sign3A_814 : i32
        %sign3A_816 = arith.extui %sign3A_815 : i1 to i32
        %sign3A_817 = arith.subi %sign3A_813, %sign3A_816 : i32
        %ne3A_818 = arith.cmpi ne, %sign3A_810, %sign3A_817 : i32
        %rem3A_819 = arith.remsi %scan3A_801, %jit3A_802 : i32
        %ne3A_820 = arith.constant 0 : i32
        %ne3A_821 = arith.cmpi ne, %rem3A_819, %ne3A_820 : i32
        %and3A_822 = arith.andi %ne3A_818, %ne3A_821 : i1
        %sub3A_823 = arith.constant 1 : i32
        %sub3A_824 = arith.subi %div3A_803, %sub3A_823 : i32
        %select_n3A_825 = arith.select %and3A_822, %sub3A_824, %div3A_803 : i32
        %mul3A_826 = arith.constant 8 : i32
        %mul3A_827 = arith.muli %select_n3A_825, %mul3A_826 : i32
        %sub3A_828 = arith.subi %scan3A_801, %mul3A_827 : i32
        %dma_start3A_829 = arith.constant 1 : i32
        %dma_start3A_830 = arith.constant 0 : i32
        %dma_start3A_831 = tpu.memref_slice %arg8[%dma_start3A_829, %scan3A_801, %dma_start3A_830] : memref<2x64x136xf32, #tpu.memory_space<vmem>> -> memref<1x1x128xf32, #tpu.memory_space<vmem>>
        %dma_start3A_832 = tpu.memref_squeeze %dma_start3A_831 : memref<1x1x128xf32, #tpu.memory_space<vmem>> -> memref<128xf32, #tpu.memory_space<vmem>>
        %dma_start3A_833 = arith.constant 0 : i32
        %dma_start3A_834 = tpu.memref_slice %arg4[%sub3A_540, %select_n3A_825, %add3A_543, %sub3A_828, %dma_start3A_833] : memref<50x8x128x8x128xf32, #tpu.memory_space<hbm>> -> memref<1x1x1x1x128xf32, #tpu.memory_space<hbm>>
        %dma_start3A_835 = tpu.memref_squeeze %dma_start3A_834 : memref<1x1x1x1x128xf32, #tpu.memory_space<hbm>> -> memref<128xf32, #tpu.memory_space<hbm>>
        %dma_start3A_836 = arith.constant 0 : i32
        %dma_start3A_837 = tpu.memref_slice %arg4[%sub3A_540, %select_n3A_825, %add3A_543, %sub3A_828, %dma_start3A_836] : memref<50x8x128x8x128xf32, #tpu.memory_space<hbm>> -> memref<1x1x1x1x128xf32, #tpu.memory_space<hbm>>
        %dma_start3A_838 = tpu.memref_squeeze %dma_start3A_837 : memref<1x1x1x1x128xf32, #tpu.memory_space<hbm>> -> memref<128xf32, #tpu.memory_space<hbm>>
        %dma_start3A_839 = arith.constant 0 : i32
        %dma_start3A_840 = tpu.memref_slice %arg8[%dma_start3A_829, %scan3A_801, %dma_start3A_839] : memref<2x64x136xf32, #tpu.memory_space<vmem>> -> memref<1x1x128xf32, #tpu.memory_space<vmem>>
        %dma_start3A_841 = tpu.memref_squeeze %dma_start3A_840 : memref<1x1x128xf32, #tpu.memory_space<vmem>> -> memref<128xf32, #tpu.memory_space<vmem>>
        tpu.enqueue_dma source(%dma_start3A_841 : memref<128xf32, #tpu.memory_space<vmem>>) target(%dma_start3A_838 : memref<128xf32, #tpu.memory_space<hbm>>) target_semaphore(%arg14 : memref<!tpu.dma_semaphore, #tpu.memory_space<semaphore_mem>>)
        %scan3A_842 = arith.constant 7 : i32
        %scan3A_843 = arith.addi %scan3A_549, %scan3A_842 : i32
        %jit3A_844 = arith.constant 8 : i32
        %div3A_845 = arith.divsi %scan3A_843, %jit3A_844 : i32
        %sign3A_846 = arith.constant 0 : i32
        %sign3A_847 = arith.cmpi sgt, %scan3A_843, %sign3A_846 : i32
        %sign3A_848 = arith.extui %sign3A_847 : i1 to i32
        %sign3A_849 = arith.constant 0 : i32
        %sign3A_850 = arith.cmpi slt, %scan3A_843, %sign3A_849 : i32
        %sign3A_851 = arith.extui %sign3A_850 : i1 to i32
        %sign3A_852 = arith.subi %sign3A_848, %sign3A_851 : i32
        %sign3A_853 = arith.constant 0 : i32
        %sign3A_854 = arith.cmpi sgt, %jit3A_844, %sign3A_853 : i32
        %sign3A_855 = arith.extui %sign3A_854 : i1 to i32
        %sign3A_856 = arith.constant 0 : i32
        %sign3A_857 = arith.cmpi slt, %jit3A_844, %sign3A_856 : i32
        %sign3A_858 = arith.extui %sign3A_857 : i1 to i32
        %sign3A_859 = arith.subi %sign3A_855, %sign3A_858 : i32
        %ne3A_860 = arith.cmpi ne, %sign3A_852, %sign3A_859 : i32
        %rem3A_861 = arith.remsi %scan3A_843, %jit3A_844 : i32
        %ne3A_862 = arith.constant 0 : i32
        %ne3A_863 = arith.cmpi ne, %rem3A_861, %ne3A_862 : i32
        %and3A_864 = arith.andi %ne3A_860, %ne3A_863 : i1
        %sub3A_865 = arith.constant 1 : i32
        %sub3A_866 = arith.subi %div3A_845, %sub3A_865 : i32
        %select_n3A_867 = arith.select %and3A_864, %sub3A_866, %div3A_845 : i32
        %mul3A_868 = arith.constant 8 : i32
        %mul3A_869 = arith.muli %select_n3A_867, %mul3A_868 : i32
        %sub3A_870 = arith.subi %scan3A_843, %mul3A_869 : i32
        %dma_start3A_871 = arith.constant 1 : i32
        %dma_start3A_872 = arith.constant 0 : i32
        %dma_start3A_873 = tpu.memref_slice %arg8[%dma_start3A_871, %scan3A_843, %dma_start3A_872] : memref<2x64x136xf32, #tpu.memory_space<vmem>> -> memref<1x1x128xf32, #tpu.memory_space<vmem>>
        %dma_start3A_874 = tpu.memref_squeeze %dma_start3A_873 : memref<1x1x128xf32, #tpu.memory_space<vmem>> -> memref<128xf32, #tpu.memory_space<vmem>>
        %dma_start3A_875 = arith.constant 0 : i32
        %dma_start3A_876 = tpu.memref_slice %arg4[%sub3A_540, %select_n3A_867, %add3A_543, %sub3A_870, %dma_start3A_875] : memref<50x8x128x8x128xf32, #tpu.memory_space<hbm>> -> memref<1x1x1x1x128xf32, #tpu.memory_space<hbm>>
        %dma_start3A_877 = tpu.memref_squeeze %dma_start3A_876 : memref<1x1x1x1x128xf32, #tpu.memory_space<hbm>> -> memref<128xf32, #tpu.memory_space<hbm>>
        %dma_start3A_878 = arith.constant 0 : i32
        %dma_start3A_879 = tpu.memref_slice %arg4[%sub3A_540, %select_n3A_867, %add3A_543, %sub3A_870, %dma_start3A_878] : memref<50x8x128x8x128xf32, #tpu.memory_space<hbm>> -> memref<1x1x1x1x128xf32, #tpu.memory_space<hbm>>
        %dma_start3A_880 = tpu.memref_squeeze %dma_start3A_879 : memref<1x1x1x1x128xf32, #tpu.memory_space<hbm>> -> memref<128xf32, #tpu.memory_space<hbm>>
        %dma_start3A_881 = arith.constant 0 : i32
        %dma_start3A_882 = tpu.memref_slice %arg8[%dma_start3A_871, %scan3A_843, %dma_start3A_881] : memref<2x64x136xf32, #tpu.memory_space<vmem>> -> memref<1x1x128xf32, #tpu.memory_space<vmem>>
        %dma_start3A_883 = tpu.memref_squeeze %dma_start3A_882 : memref<1x1x128xf32, #tpu.memory_space<vmem>> -> memref<128xf32, #tpu.memory_space<vmem>>
        tpu.enqueue_dma source(%dma_start3A_883 : memref<128xf32, #tpu.memory_space<vmem>>) target(%dma_start3A_880 : memref<128xf32, #tpu.memory_space<hbm>>) target_semaphore(%arg14 : memref<!tpu.dma_semaphore, #tpu.memory_space<semaphore_mem>>)
      }
      %scan3A_548 = arith.constant 64 : i32
    }
    %scan3A_261 = arith.constant 50 : i32
    %dma_wait3A = arith.constant 0 : i32
    %dma_wait3A_262 = arith.constant 0 : i32
    %dma_wait3A_263 = arith.constant 0 : i32
    %dma_wait3A_264 = tpu.memref_slice %arg7[%dma_wait3A, %dma_wait3A_262, %dma_wait3A_263] : memref<4x128x64xf32, #tpu.memory_space<vmem>> -> memref<1x128x64xf32, #tpu.memory_space<vmem>>
    %dma_wait3A_265 = tpu.memref_squeeze %dma_wait3A_264 : memref<1x128x64xf32, #tpu.memory_space<vmem>> -> memref<128x64xf32, #tpu.memory_space<vmem>>
    %dma_wait3A_266 = arith.constant 0 : i32
    %dma_wait3A_267 = arith.constant 0 : i32
    %dma_wait3A_268 = tpu.memref_slice %arg3[%dma_wait3A_266, %dma_wait3A_267] : memref<1000000x64xf32, #tpu.memory_space<hbm>> -> memref<128x64xf32, #tpu.memory_space<hbm>>
    %dma_wait3A_269 = arith.constant 0 : i32
    %dma_wait3A_270 = arith.constant 0 : i32
    %dma_wait3A_271 = tpu.memref_slice %arg7[%dma_wait3A, %dma_wait3A_269, %dma_wait3A_270] : memref<4x128x64xf32, #tpu.memory_space<vmem>> -> memref<1x128x64xf32, #tpu.memory_space<vmem>>
    %dma_wait3A_272 = tpu.memref_squeeze %dma_wait3A_271 : memref<1x128x64xf32, #tpu.memory_space<vmem>> -> memref<128x64xf32, #tpu.memory_space<vmem>>
    %dma_wait3A_273 = arith.constant 0 : i32
    %dma_wait3A_274 = arith.constant 0 : i32
    %dma_wait3A_275 = tpu.memref_slice %arg3[%dma_wait3A_273, %dma_wait3A_274] : memref<1000000x64xf32, #tpu.memory_space<hbm>> -> memref<128x64xf32, #tpu.memory_space<hbm>>
    tpu.wait_dma2 semaphore(%arg13 : memref<!tpu.dma_semaphore, #tpu.memory_space<semaphore_mem>>) src(%dma_wait3A_275 : memref<128x64xf32, #tpu.memory_space<hbm>>) dst(%dma_wait3A_272 : memref<128x64xf32, #tpu.memory_space<vmem>>)
    %dma_wait3A_276 = arith.constant 0 : i32
    %dma_wait3A_277 = arith.constant 0 : i32
    %dma_wait3A_278 = arith.constant 0 : i32
    %dma_wait3A_279 = tpu.memref_slice %arg7[%dma_wait3A_276, %dma_wait3A_277, %dma_wait3A_278] : memref<4x128x64xf32, #tpu.memory_space<vmem>> -> memref<1x128x64xf32, #tpu.memory_space<vmem>>
    %dma_wait3A_280 = tpu.memref_squeeze %dma_wait3A_279 : memref<1x128x64xf32, #tpu.memory_space<vmem>> -> memref<128x64xf32, #tpu.memory_space<vmem>>
    %dma_wait3A_281 = arith.constant 0 : i32
    %dma_wait3A_282 = arith.constant 0 : i32
    %dma_wait3A_283 = tpu.memref_slice %arg3[%dma_wait3A_281, %dma_wait3A_282] : memref<1000000x64xf32, #tpu.memory_space<hbm>> -> memref<128x64xf32, #tpu.memory_space<hbm>>
    %dma_wait3A_284 = arith.constant 0 : i32
    %dma_wait3A_285 = arith.constant 0 : i32
    %dma_wait3A_286 = tpu.memref_slice %arg7[%dma_wait3A_276, %dma_wait3A_284, %dma_wait3A_285] : memref<4x128x64xf32, #tpu.memory_space<vmem>> -> memref<1x128x64xf32, #tpu.memory_space<vmem>>
    %dma_wait3A_287 = tpu.memref_squeeze %dma_wait3A_286 : memref<1x128x64xf32, #tpu.memory_space<vmem>> -> memref<128x64xf32, #tpu.memory_space<vmem>>
    %dma_wait3A_288 = arith.constant 0 : i32
    %dma_wait3A_289 = arith.constant 0 : i32
    %dma_wait3A_290 = tpu.memref_slice %arg3[%dma_wait3A_288, %dma_wait3A_289] : memref<1000000x64xf32, #tpu.memory_space<hbm>> -> memref<128x64xf32, #tpu.memory_space<hbm>>
    tpu.wait_dma2 semaphore(%arg14 : memref<!tpu.dma_semaphore, #tpu.memory_space<semaphore_mem>>) src(%dma_wait3A_290 : memref<128x64xf32, #tpu.memory_space<hbm>>) dst(%dma_wait3A_287 : memref<128x64xf32, #tpu.memory_space<vmem>>)
    return
  }
}

</mosaic_0001>

<sc_bundles>
// kernel: kernel.3.cloned.1.call-start
scs
__scs_entry_jumppad:
0x0: {  	(pc) =	sbr.rel $0x88, $3  }
0x1: {  	(tag) =	ssettag $0x0;
	lr =	simm.s32 $0x1  }
0x2: {  	[smem:$0x3F9F] =	sst lr;
	_ =	strace $0xD0000000  }
0x3: {  	_ = 	snop  }
0x4: {  	_ = 	snop  }
0x5: {  	_ = 	snop  }
0x6: {  	_ = 	snop  }
0x7: {  	_ = 	snop  }
__scs_overlays_trampoline_lowered:
0x8: {  	[smem:$0x3FAE] =	sst s0  }
0x9: {  	[smem:$0x3FAF] =	sst s1  }
0xa: {  	[smem:$0x3FB0] =	sst s2  }
0xb: {  	[smem:$0x3FB1] =	sst s3  }
0xc: {  	[smem:$0x3FB2] =	sst s4  }
0xd: {  	[smem:$0x3FB3] =	sst s5  }
0xe: {  	[smem:$0x3FB4] =	sst s6  }
0xf: {  	[smem:$0x3FB5] =	sst s7  }
0x10: {  	[smem:$0x3FB6] =	sst s8  }
0x11: {  	[smem:$0x3FB7] =	sst s9;
	s0 =	simm.s32 @!p0 $0x0  }
0x12: {  	s1 =	sld [smem:$0x3F9D];
	s0 =	simm.s32 @p0 $0x1  }
0x13: {  	[smem:$0x3FB8] =	sst s0;
	s0 =	simm.s32 @!p1 $0x0  }
0x14: {  	s2 =	sld [smem:$0x3F9C];
	s0 =	simm.s32 @p1 $0x1  }
0x15: {  	[smem:$0x3FB9] =	sst s0;
	s0 =	simm.s32 @!p2 $0x0  }
0x16: {  	s3 =	sld [smem:$0x3FDB];
	s0 =	simm.s32 @p2 $0x1  }
0x17: {  	s4 =	simm.s32 $0x1BF5;
	[smem:$0x3FBB] =	sst s0  }
0x18: {  	s0 =	sld [smem:$0x3F9E];
	_ =	swait.ge [sflag:s4], $0x0  }
0x19: {  	s7 =	sld [smem:$0x3F9F]  }
0x1a: {  	s8 =	sadd.s32 $0xFFFFE003, lr  }
0x1b: {  	s9 =	sadd.s32 $0xFFFFFEF7, lr;
	s5 =	simm.s32 $0xFFFFFFFF;
	p2 =	slt.u32 s8, $0xFFFFF086  }
0x1c: {  	p1 =	slt.u32 s9, $0xF7A;
	s5 =	simm.s32 @!p2 $0x0  }
0x1d: {  	s5 =	simm.s32 @p1 $0x1;
	p0 =	seq.s32 s7, s2  }
0x1e: {  	s7 =	smul.u32 @!p0 $0xF7A, s2;
	p2 =	seq.s32 @!p0 s5, $0x0  }
0x1f: {  	s9 =	smul.u32 $0xF7A, s1;
	s8 =	simm.s32 @!p0 $0x1BF5;
	p2 =	por !p2, p0  }
0x20: {  	[sflag:s8] =	ssyncset.s32 @!p0 $0xFFFFF086;
	s6 =	sadd.s32 @!p0 s3, s7;
	s7 =	simm.s32 @!p0 $0x108  }
0x21: {  	s3 =	sadd.s32 s3, s9;
	s6 =	sadd.s32 @!p0 $0x88, s6;
	s7 =	simm.s32 @p2 $0x1082  }
0x22: {  	[simem:s7], [sflag:s8] =	dma.local @!p0 [hbm:s6], $0xF7A  }
0x23: {  	s9 =	sor.u32 $0xD0000000, s2;
	s6 =	simm.s32 $0x108;
	_ =	swait.ge @!p0 [sflag:s8], $0x0  }
0x24: {  	s3 =	sadd.s32 $0x88, s3;
	s6 =	simm.s32 @!p1 $0x1082;
	[sflag:s4] =	ssyncset.s32 $0xFFFFF086  }
0x25: {  	[simem:s6], [sflag:s4] =	dma.local [hbm:s3], $0xF7A  }
0x26: {  	[smem:$0x3F9F] =	sst s1;
	(tag) =	ssettag s2;
	_ =	strace s9  }
0x27: {  	s1 =	sld [smem:$0x3FAF]  }
0x28: {  	s2 =	sld [smem:$0x3FB0]  }
0x29: {  	s4 =	sld [smem:$0x3FB2]  }
0x2a: {  	p0 =	seq.s32 s5, $0x0;
	s5 =	sld [smem:$0x3FB3]  }
0x2b: {  	s6 =	sld [smem:$0x3FB4]  }
0x2c: {  	s7 =	sld [smem:$0x3FB5]  }
0x2d: {  	s3 =	simm.s32 $0x108;
	s8 =	sld [smem:$0x3FB6]  }
0x2e: {  	s3 =	simm.s32 @!p0 $0x1082;
	s9 =	sld [smem:$0x3FB7]  }
0x2f: {  	lr =	sadd.s32 s0, s3;
	s0 =	sld [smem:$0x3FAE]  }
0x30: {  	s3 =	sld [smem:$0x3FB1]  }
0x31: {  	[smem:$0x3FBA] =	sst s10  }
0x32: {  	s10 =	sld [smem:$0x3FB8];
	_ =	sdelay $0x3  }
0x33: {  	p0 =	seq.s32 s10, $0x1;
	s10 =	sld [smem:$0x3FBA];
	_ =	sdelay $0x3  }
0x34: {  	[smem:$0x3FBA] =	sst s10  }
0x35: {  	s10 =	sld [smem:$0x3FB9];
	_ =	sdelay $0x3  }
0x36: {  	p1 =	seq.s32 s10, $0x1;
	s10 =	sld [smem:$0x3FBA];
	_ =	sdelay $0x3  }
0x37: {  	[smem:$0x3FBA] =	sst s10  }
0x38: {  	s10 =	sld [smem:$0x3FBB]  }
0x39: {  	_ = 	snop;
	(pc) =	sbr.ind lr, $3  }
0x3a: {  	_ = 	snop  }
0x3b: {  	_ = 	snop  }
0x3c: {  	p2 =	seq.s32 s10, $0x1;
	s10 =	sld [smem:$0x3FBA]  }
0x3d: {  	_ =	shalt  }
0x3e: {  	_ =	shalt  }
0x3f: {  	_ =	shalt  }
0x40: {  	_ =	shalt  }
0x41: {  	_ =	shalt  }
0x42: {  	_ =	shalt  }
0x43: {  	_ =	shalt  }
0x44: {  	_ =	shalt  }
0x45: {  	_ =	shalt  }
0x46: {  	_ =	shalt  }
0x47: {  	_ =	shalt  }
0x48: {  	_ =	shalt  }
0x49: {  	_ =	shalt  }
0x4a: {  	_ =	shalt  }
0x4b: {  	_ =	shalt  }
0x4c: {  	_ =	shalt  }
0x4d: {  	_ =	shalt  }
0x4e: {  	_ =	shalt  }
0x4f: {  	_ =	shalt  }
0x50: {  	_ =	shalt  }
0x51: {  	_ =	shalt  }
0x52: {  	_ =	shalt  }
0x53: {  	_ =	shalt  }
0x54: {  	_ =	shalt  }
0x55: {  	_ =	shalt  }
0x56: {  	_ =	shalt  }
0x57: {  	_ =	shalt  }
0x58: {  	_ =	shalt  }
0x59: {  	_ =	shalt  }
0x5a: {  	_ =	shalt  }
0x5b: {  	_ =	shalt  }
0x5c: {  	_ =	shalt  }
0x5d: {  	_ =	shalt  }
0x5e: {  	_ =	shalt  }
0x5f: {  	_ =	shalt  }
0x60: {  	_ =	shalt  }
0x61: {  	_ =	shalt  }
0x62: {  	_ =	shalt  }
0x63: {  	_ =	shalt  }
0x64: {  	_ =	shalt  }
0x65: {  	_ =	shalt  }
0x66: {  	_ =	shalt  }
0x67: {  	_ =	shalt  }
0x68: {  	_ =	shalt  }
0x69: {  	_ =	shalt  }
0x6a: {  	_ =	shalt  }
0x6b: {  	_ =	shalt  }
0x6c: {  	_ =	shalt  }
0x6d: {  	_ =	shalt  }
0x6e: {  	_ =	shalt  }
0x6f: {  	_ =	shalt  }
0x70: {  	_ =	shalt  }
0x71: {  	_ =	shalt  }
0x72: {  	_ =	shalt  }
0x73: {  	_ =	shalt  }
0x74: {  	_ =	shalt  }
0x75: {  	_ =	shalt  }
0x76: {  	_ =	shalt  }
0x77: {  	_ =	shalt  }
0x78: {  	_ =	shalt  }
0x79: {  	_ =	shalt  }
0x7a: {  	_ =	shalt  }
0x7b: {  	_ =	shalt  }
0x7c: {  	_ =	shalt  }
0x7d: {  	_ =	shalt  }
0x7e: {  	_ =	shalt  }
0x7f: {  	_ =	shalt  }
0x80: {  	_ =	shalt  }
0x81: {  	_ =	shalt  }
0x82: {  	_ =	shalt  }
0x83: {  	_ =	shalt  }
0x84: {  	_ =	shalt  }
0x85: {  	_ =	shalt  }
0x86: {  	_ =	shalt  }
0x87: {  	_ =	shalt  }
.Lfunc_end0:
.L_simem_size_0:
called_computation_lowered:
.L_overlay_start_0:
0x88: {  	s2 =	sld [smem:$0x3FD9]  }
0x89: {  	s3 =	sld [smem:$0x3FFE];
	_ =	sdelay $0x1  }
0x8a: {  	s1 =	srdreg.scid  }
0x8b: {  	s0 =	sand.u32 $0x1, s1  }
0x8c: {  	s17 =	sshll.u32 s0, $0xA;
	s2 =	sadd.s32 s3, s2  }
0x8d: {  	s2 =	sadd.s32 s2, s17  }
0x8e: {  	[smem:$0x3FC6] =	sst s2  }
0x8f: {  	_ = 	snop  }
0x90: {  	s2 =	sld [smem:$0x3FD0];
	(tm) =	ssettm $0x1  }
0x91: {  	s18 =	sld [smem:$0x3FFB];
	_ =	sdelay $0x3  }
0x92: {  	_ =	strace s18  }
0x93: {  	s3 =	sld [smem:$0x3FFC];
	_ =	sdelay $0x3  }
0x94: {  	_ =	strace s3  }
0x95: {  	s3 =	sld [smem:$0x3FFD];
	_ =	sdelay $0x3  }
0x96: {  	_ =	strace s3  }
0x97: {  	_ =	strace $0x8FFFFFFF  }
0x98: {  	s19 =	sld [smem:$0x3FDB];
	_ =	sdelay $0x1  }
0x99: {  	s4 =	simm.s32 $_scs_section_size  }
0x9a: {  	s5 =	simm.s32 $_size__tile_overlayer_lowered;
	s6 =	simm.s32 $_tile_overlayer_lowered  }
0x9b: {  	s22 =	simm.s32 $0x1BFF;
	s21 =	sshll.u32 s6, $0x1;
	s3 =	sadd.s32 s4, s19  }
0x9c: {  	s7 =	simm.s32 $0x0;
	s20 =	sshll.u32 s5, $0x1;
	s5 =	sadd.s32 s21, s3  }
0x9d: {  	[timem:s7], [sflag:s22] =	dma.local [hbm:s5], s20  }
0x9e: {  	_ =	swait.ge [sflag:s22], s20  }
0x9f: {  	s4 =	ssub.s32 $0x0, s20;
	[sflag:s22] =	ssyncset.done $0x0  }
0xa0: {  	[sflag:s22] =	ssyncadd.s32 s4;
	_ =	sdelay $0x1  }
0xa1: {  	s23 =	simm.s32 $0x1B8B  }
0xa2: {  	_ =	swait.ge [sflag:s23], $0x1  }
0xa3: {  	[sflag:s23] =	ssyncset.done $0x0  }
0xa4: {  	s25 =	simm.s32 $0x1B8E;
	s24 =	sld [smem:$0x3FFE];
	[sflag:s23] =	ssyncadd.s32 $0xFFFFFFFF  }
0xa5: {  	s26 =	simm.s32 $execute0_lowered;
	[smem:$0x3FD2] =	sst s25  }
0xa6: {  	s5 =	sshll.u32 s26, $0x1;
	_ =	strace $0x80000046;
	[dreg:$0x1] =	wrdreg $0xFFFFFFFF  }
0xa7: {  	s28 =	simm.s32 $_size_execute0_lowered;
	s3 =	sadd.s32 s3, s5;
	[dreg:$0x0] =	wrdreg $0x0  }
0xa8: {  	s5 =	sshll.u32 s28, $0x1;
	[dreg:$0x2] =	wrdreg s3  }
0xa9: {  	[dreg:$0x3] =	wrdreg s5  }
0xaa: {  	[dreg:$0x4] =	wrdreg $0xC0  }
0xab: {  	_ =	task [dreg:s7], $0x5FFFF  }
0xac: {  	[dreg:$0x1] =	wrdreg $0xFFFFFFFF  }
0xad: {  	[dreg:$0x0] =	wrdreg $0x60  }
0xae: {  	[dreg:$0x2] =	wrdreg s24  }
0xaf: {  	[dreg:$0x3] =	wrdreg s2  }
0xb0: {  	[dreg:$0x4] =	wrdreg $0x9  }
0xb1: {  	_ =	task.clear_ibuf [dreg:s7], $0x5FFFF;
	_ =	strace $0x90000046  }
0xb2: {  	s29 =	simm.s32 $0x9;
	_ =	strace $0x80000048  }
0xb3: {  	_ =	swait.ge [sflag:s29], $0x1  }
0xb4: {  	[sflag:s29] =	ssyncadd.s32 $0xFFFFFFFF  }
0xb5: {  	_ =	strace $0x90000048  }
0xb6: {  	_ =	sfence  }
0xb7: {  	s30 =	sld [smem:$0x0];
	_ =	sdelay $0x2  }
0xb8: {  	s31 =	sshll.u32 s1, $0xD;
	s1 =	sshrl.u32 s1, $0x2  }
0xb9: {  	s3 =	sand.u32 $0x4000, s31;
	s1 =	sadd.s32 s1, s30  }
0xba: {  	s0 =	sor.u32 s3, s0;
	s1 =	sshll.u32 s1, $0x11  }
0xbb: {  	s0 =	sor.u32 s1, s0  }
0xbc: {  	s0 =	sadd.s32 $0x8F2B, s0  }
0xbd: {  	[sflag:s0] =	ssyncadd.remote.s32 $0x1  }
0xbe: {  	_ =	sfence.sel $0xFFFF  }
0xbf: {  	[dreg:$0x0] =	wrdreg $0xFFFFFFFF;
	(pc) =	sbr.abs _section_cstart, $3  }
0xc0: {  	[dreg:$0x1] =	wrdreg $0xFFFFFFFF  }
0xc1: {  	_ =	task.clear_ibuf [dreg:s7], $0x2FFFF;
	_ =	strace $0x9FFFFFFF  }
0xc2: {  	(tm) =	ssettm $0x7FFFFFFF  }
0xc3: {  	_ =	shalt  }
tec
execute0_lowered:
.L_overlay_start_1:
0x0: {  	(tag) =	ssettag $0x1  }
0x1: {  	s0 =	srdreg.scid  }
0x2: {  	s8 =	stileid.u32;
	s1 =	rddreg [dreg:$0x0]  }
0x3: {  	s2 =	rddreg [dreg:$0x1];
	v21 =	vlaneseq.u32;
	s22 =	simm.s32 $0xE600;
	s23 =	simm.s32 $0x2  }
0x4: {  	s24 =	simm.s32 $0x6;
	s25 =	simm.s32 $0x10800;
	s28 =	simm.s32 $0x5;
	v0 =	vmul.u32 $0x32, v21  }
0x5: {  	s0 =	sand.u32 $0x1, s0;
	s3 =	sshll.u32 s8, $0x1;
	s8 =	sshll.u32 s8, $0xD  }
0x6: {  	v21 =	vmul.u32 $0x88, v21;
	s4 =	sor.u32 s0, s3;
	s3 =	simm.s32 $0x0;
	s6 =	ssub.s32 $0x2, s0;
	v1 =	vadd.s32 $0x320, v0;
	v2 =	vadd.s32 $0x640, v0  }
0x7: {  	s0 =	sshll.u32 s0, $0xC;
	s4 =	smul.u32 $0xC80, s4;
	[smem:$0x7FF] =	sst s3;
	v3 =	vadd.s32 $0x960, v0;
	v4 =	vadd.s32 $0xC80, v0;
	v5 =	vadd.s32 $0xFA0, v0  }
0x8: {  	s7 =	sshrl.u32 s6, $0x1;
	s0 =	sor.u32 s0, s8;
	v6 =	vadd.s32 $0x12C0, v0;
	v7 =	vadd.s32 $0x15E0, v0;
	v8 =	vor.u32 $0x1, v0;
	_ =	strace $0x80000047  }
0x9: {  	v9 =	vadd.s32 $0x321, v0;
	v10 =	vadd.s32 $0x641, v0;
	v11 =	vadd.s32 $0x961, v0;
	s26 =	ssub.s32 s6, s7;
	s30 =	sor.u32 $0x100000, s0;
	[dreg:$0x3] =	wrdreg s0  }
.Ltmp0:
0xa: {  	v12 =	vadd.s32 $0xC81, v0;
	v13 =	vadd.s32 $0xFA1, v0;
	v14 =	vadd.s32 $0x12C1, v0;
	s31 =	sor.u32 $0x200000, s0;
	[dreg:$0x6] =	wrdreg s30;
	(pc) =	sbr.rel .LBB2_1-.Ltmp0, $4  }
0xb: {  	v15 =	vadd.s32 $0x15E1, v0;
	v16 =	vadd.s32 $0x2, v0;
	v17 =	vadd.s32 $0x322, v0;
	s0 =	sor.u32 $0x300000, s0;
	s5 =	sadd.s32 s4, s1;
	[dreg:$0x7] =	wrdreg s31  }
0xc: {  	v18 =	vadd.s32 $0x642, v0;
	v19 =	vadd.s32 $0x962, v0;
	v20 =	vadd.s32 $0xC82, v0;
	s4 =	sadd.s32 $0xF42A00, s1;
	s1 =	smax.u32 s26, $0x1;
	[dreg:$0x8] =	wrdreg s0  }
0xd: {  	s29 =	simm.s32 $0x4;
	v22 =	vadd.s32 $0xFA2, v0;
	v23 =	vadd.s32 $0x12C2, v0;
	v24 =	vadd.s32 $0x15E2, v0;
	s5 =	sadd.s32 $0x600, s5;
	[dreg:$0x5] =	wrdreg s1  }
0xe: {  	v25 =	vadd.s32 $0x880, v21;
	v26 =	vadd.s32 $0x1100, v21;
	v27 =	vadd.s32 $0x1980, v21;
	s26 =	simm.s32 $0x3;
	s1 =	simm.s32 $0x0;
	[dreg:$0x4] =	wrdreg s5  }
.LBB2_39:
0xf: {  	_ =	swait.ge [sflag:s28], $0x2000  }
0x10: {  	[sflag:s28] =	ssyncset.done $0x0  }
0x11: {  	[sflag:s28] =	ssyncadd.s32 $0xFFFFE000  }
0x12: {  	_ =	swait.ge [sflag:s24], $0x2000  }
0x13: {  	s1 =	rddreg [dreg:$0x9]  }
0x14: {  	s0 =	rddreg [dreg:$0x5];
	s1 =	sadd.s32 $0x1, s1  }
0x15: {  	p0 =	sne.s32 s1, s0  }
.Ltmp1:
0x16: {  	_ = 	snop;
	(pc) =	sbr.rel @!p0 .LBB2_40-.Ltmp1, $3  }
0x17: {  	_ =	sdelay $0x1  }
0x18: {  	[sflag:s24] =	ssyncset.done $0x0  }
0x19: {  	[sflag:s24] =	ssyncadd.s32 $0xFFFFE000  }
.LBB2_1:
0x1a: {  	[dreg:$0x9] =	wrdreg s1  }
0x1b: {  	s0 =	rddreg [dreg:$0x4];
	s16 =	simm.s32 $0x7  }
0x1c: {  	[tilespmem:s3], [sflag:$0x7] =	stream.linear.gather [hbm4b:s0+s3], $0x6400, $0x38;
	[tilespmem:$0x12A00] =	vst v63  }
0x1d: {  	_ =	swait.ge [sflag:s16], $0x6400  }
0x1e: {  	[sflag:s16] =	ssyncset.done $0x0  }
0x1f: {  	[sflag:s16] =	ssyncadd.s32 $0xFFFF9C00  }
0x20: {  	v28 =	vld.idx.msk [tilespmem:v0+s3+$0x0], $0xffff;
	_ =	sdelay $0x4  }
0x21: {  	[tilespmem:$0x6400] =	vst v28  }
0x22: {  	v28 =	vld.idx.msk [tilespmem:v1+s3+$0x0], $0xffff;
	_ =	sdelay $0x4  }
0x23: {  	[tilespmem:$0x6410] =	vst v28  }
0x24: {  	v28 =	vld.idx.msk [tilespmem:v2+s3+$0x0], $0xffff;
	_ =	sdelay $0x4  }
0x25: {  	[tilespmem:$0x6420] =	vst v28  }
0x26: {  	v28 =	vld.idx.msk [tilespmem:v3+s3+$0x0], $0xffff;
	_ =	sdelay $0x4  }
0x27: {  	[tilespmem:$0x6430] =	vst v28  }
0x28: {  	v28 =	vld.idx.msk [tilespmem:v4+s3+$0x0], $0xffff;
	_ =	sdelay $0x4  }
0x29: {  	[tilespmem:$0x6440] =	vst v28  }
0x2a: {  	v28 =	vld.idx.msk [tilespmem:v5+s3+$0x0], $0xffff;
	_ =	sdelay $0x4  }
0x2b: {  	[tilespmem:$0x6450] =	vst v28  }
0x2c: {  	v28 =	vld.idx.msk [tilespmem:v6+s3+$0x0], $0xffff;
	_ =	sdelay $0x4  }
0x2d: {  	[tilespmem:$0x6460] =	vst v28  }
0x2e: {  	v28 =	vld.idx.msk [tilespmem:v7+s3+$0x0], $0xffff;
	_ =	sdelay $0x4  }
0x2f: {  	s17 =	simm.s32 $0x80;
	s18 =	simm.s32 $0x6400;
	s5 =	simm.s32 $0x6600;
	[tilespmem:$0x6470] =	vst v28  }
0x30: {  	[tilespmem:s5], [sflag:$0x1] =	stream.indirect.gather [hbm4b:s4+s17], $0x40, s18, s17, $0xb8;
	[tilespmem:$0x12A00] =	vst v63  }
0x31: {  	v28 =	vld.idx.msk [tilespmem:v8+s3+$0x0], $0xffff;
	_ =	sdelay $0x4  }
0x32: {  	[tilespmem:$0x6480] =	vst v28  }
0x33: {  	v28 =	vld.idx.msk [tilespmem:v9+s3+$0x0], $0xffff;
	_ =	sdelay $0x4  }
0x34: {  	[tilespmem:$0x6490] =	vst v28  }
0x35: {  	v28 =	vld.idx.msk [tilespmem:v10+s3+$0x0], $0xffff;
	_ =	sdelay $0x4  }
0x36: {  	[tilespmem:$0x64A0] =	vst v28  }
0x37: {  	v28 =	vld.idx.msk [tilespmem:v11+s3+$0x0], $0xffff;
	_ =	sdelay $0x4  }
0x38: {  	[tilespmem:$0x64B0] =	vst v28  }
0x39: {  	v28 =	vld.idx.msk [tilespmem:v12+s3+$0x0], $0xffff;
	_ =	sdelay $0x4  }
0x3a: {  	[tilespmem:$0x64C0] =	vst v28  }
0x3b: {  	v28 =	vld.idx.msk [tilespmem:v13+s3+$0x0], $0xffff;
	_ =	sdelay $0x4  }
0x3c: {  	[tilespmem:$0x64D0] =	vst v28  }
0x3d: {  	v28 =	vld.idx.msk [tilespmem:v14+s3+$0x0], $0xffff;
	_ =	sdelay $0x4  }
0x3e: {  	[tilespmem:$0x64E0] =	vst v28  }
0x3f: {  	v28 =	vld.idx.msk [tilespmem:v15+s3+$0x0], $0xffff;
	_ =	sdelay $0x4  }
0x40: {  	s19 =	simm.s32 $0x6480;
	s20 =	simm.s32 $0x8600;
	[tilespmem:$0x64F0] =	vst v28  }
0x41: {  	[tilespmem:s20], [sflag:$0x2] =	stream.indirect.gather [hbm4b:s4+s17], $0x40, s19, s17, $0xb8;
	[tilespmem:$0x12A00] =	vst v63  }
0x42: {  	v28 =	vld.idx.msk [tilespmem:v16+s3+$0x0], $0xffff;
	_ =	sdelay $0x4  }
0x43: {  	[tilespmem:$0x6500] =	vst v28  }
0x44: {  	v28 =	vld.idx.msk [tilespmem:v17+s3+$0x0], $0xffff;
	_ =	sdelay $0x4  }
0x45: {  	[tilespmem:$0x6510] =	vst v28  }
0x46: {  	v28 =	vld.idx.msk [tilespmem:v18+s3+$0x0], $0xffff;
	_ =	sdelay $0x4  }
0x47: {  	[tilespmem:$0x6520] =	vst v28  }
0x48: {  	v28 =	vld.idx.msk [tilespmem:v19+s3+$0x0], $0xffff;
	_ =	sdelay $0x4  }
0x49: {  	[tilespmem:$0x6530] =	vst v28  }
0x4a: {  	v28 =	vld.idx.msk [tilespmem:v20+s3+$0x0], $0xffff;
	_ =	sdelay $0x4  }
0x4b: {  	[tilespmem:$0x6540] =	vst v28  }
0x4c: {  	v28 =	vld.idx.msk [tilespmem:v22+s3+$0x0], $0xffff;
	_ =	sdelay $0x4  }
0x4d: {  	[tilespmem:$0x6550] =	vst v28  }
0x4e: {  	v28 =	vld.idx.msk [tilespmem:v23+s3+$0x0], $0xffff;
	_ =	sdelay $0x4  }
0x4f: {  	[tilespmem:$0x6560] =	vst v28  }
0x50: {  	v28 =	vld.idx.msk [tilespmem:v24+s3+$0x0], $0xffff;
	_ =	sdelay $0x2  }
0x51: {  	s10 =	rddreg [dreg:$0x8]  }
0x52: {  	s21 =	simm.s32 $0x6500;
	s30 =	simm.s32 $0xA600;
	s9 =	rddreg [dreg:$0x7]  }
0x53: {  	s31 =	simm.s32 $0x3;
	s6 =	simm.s32 $0x0;
	s8 =	rddreg [dreg:$0x6];
	[tilespmem:$0x6570] =	vst v28  }
0x54: {  	[tilespmem:s30], [sflag:$0x3] =	stream.indirect.gather [hbm4b:s4+s17], $0x40, s21, s17, $0xb8;
	[tilespmem:$0x12A00] =	vst v63  }
0x55: {  	s0 =	simm.s32 $0x2;
	s5 =	rddreg [dreg:$0x3];
	s17 =	simm.s32 $0x0  }
.LBB2_2:
0x56: {  	s1 =	sshllo.u32 s6, $0x2  }
0x57: {  	s7 =	smul.u32 $0x29, s1;
	_ =	sdelay $0x1  }
0x58: {  	s7 =	sshrl.u32 s7, $0xB  }
0x59: {  	s7 =	sand.u32 $0x1F, s7  }
0x5a: {  	s11 =	smul.u32 $0xFFFFFFCE, s7  }
0x5b: {  	s7 =	smul.u32 $0x1900, s7  }
0x5c: {  	s1 =	sadd.s32 s1, s11  }
0x5d: {  	s1 =	sadd.s32 s7, s1  }
0x5e: {  	v28 =	vadd.s32 s1, v0;
	_ =	sdelay $0x4  }
0x5f: {  	s7 =	sadd.s32 $0x320, s1;
	v28 =	vld.idx.msk [tilespmem:v28+s3+$0x0], $0xffff  }
0x60: {  	v29 =	vadd.s32 s7, v0;
	_ =	sdelay $0x3  }
0x61: {  	[tilespmem:$0x6580] =	vst v28  }
0x62: {  	s21 =	sadd.s32 $0x640, s1;
	v28 =	vld.idx.msk [tilespmem:v29+s3+$0x0], $0xffff  }
0x63: {  	v29 =	vadd.s32 s21, v0;
	_ =	sdelay $0x3  }
0x64: {  	[tilespmem:$0x6590] =	vst v28  }
0x65: {  	s11 =	sadd.s32 $0x960, s1;
	v28 =	vld.idx.msk [tilespmem:v29+s3+$0x0], $0xffff  }
0x66: {  	v29 =	vadd.s32 s11, v0;
	_ =	sdelay $0x3  }
0x67: {  	[tilespmem:$0x65A0] =	vst v28  }
0x68: {  	s12 =	sadd.s32 $0xC80, s1;
	v28 =	vld.idx.msk [tilespmem:v29+s3+$0x0], $0xffff  }
0x69: {  	v29 =	vadd.s32 s12, v0;
	_ =	sdelay $0x3  }
0x6a: {  	[tilespmem:$0x65B0] =	vst v28  }
0x6b: {  	s13 =	sadd.s32 $0xFA0, s1;
	v28 =	vld.idx.msk [tilespmem:v29+s3+$0x0], $0xffff  }
0x6c: {  	v29 =	vadd.s32 s13, v0;
	_ =	sdelay $0x3  }
0x6d: {  	[tilespmem:$0x65C0] =	vst v28  }
0x6e: {  	s14 =	sadd.s32 $0x12C0, s1;
	v28 =	vld.idx.msk [tilespmem:v29+s3+$0x0], $0xffff  }
0x6f: {  	v29 =	vadd.s32 s14, v0;
	_ =	sdelay $0x3  }
0x70: {  	[tilespmem:$0x65D0] =	vst v28  }
0x71: {  	s1 =	sadd.s32 $0x15E0, s1;
	v28 =	vld.idx.msk [tilespmem:v29+s3+$0x0], $0xffff  }
0x72: {  	v29 =	vadd.s32 s1, v0;
	_ =	sdelay $0x3  }
0x73: {  	[tilespmem:$0x65E0] =	vst v28  }
0x74: {  	v28 =	vld.idx.msk [tilespmem:v29+s3+$0x0], $0xffff;
	_ =	sdelay $0x3  }
0x75: {  	s15 =	simm.s32 $0x80  }
0x76: {  	s16 =	simm.s32 $0x6580;
	s18 =	simm.s32 $0xC600;
	s19 =	simm.s32 $0x1;
	[tilespmem:$0x65F0] =	vst v28  }
0x77: {  	[tilespmem:s18], [sflag:$0x4] =	stream.indirect.gather [hbm4b:s4+s15], $0x40, s16, s15, $0xb8;
	[tilespmem:$0x12A00] =	vst v63  }
0x78: {  	_ =	swait.ge [sflag:s19], $0x2000  }
0x79: {  	p0 =	seq.s32 s6, $0x0;
	[sflag:s19] =	ssyncset.done $0x0  }
0x7a: {  	s1 =	simm.s32 @!p0 $0x5;
	[sflag:s19] =	ssyncadd.s32 $0xFFFFE000  }
0x7b: {  	s20 =	simm.s32 $0x3;
	_ =	swait.ge @!p0 [sflag:s1], $0x2000  }
0x7c: {  	v28 =	vmov s20;
	[sflag:s1] =	ssyncset.done @!p0 $0x0  }
0x7d: {  	s21 =	simm.s32 $0x0;
	s11 =	simm.s32 $0x6680;
	v29 =	vand.u32 $0x7F, v28;
	[sflag:s1] =	ssyncadd.s32 @!p0 $0xFFFFE000  }
0x7e: {  	s7 =	simm.s32 $0x1;
	v28 =	vmov s21;
	v32 =	vadd.s32 v21, v29;
	v31 =	vld [tilespmem:s11+$0x40]  }
0x7f: {  	v30 =	vand.u32 $0x7C, v28;
	v28 =	vmov s7  }
0x80: {  	v34 =	vadd.s32 v21, v30;
	v35 =	vand.u32 $0x7D, v28;
	v33 =	vld [tilespmem:s11+$0xFFFFFF80]  }
0x81: {  	v36 =	vadd.s32 v21, v35;
	v28 =	vld [tilespmem:s11+$0xFFFFFFC0]  }
0x82: {  	s12 =	simm.s32 $0x2  }
0x83: {  	v37 =	vmov s12;
	[tilespmem:v32+s22+$0x0] =	vst.idx.msk $0xffff, v31  }
0x84: {  	v37 =	vand.u32 $0x7E, v37;
	v48 =	vadd.s32 v25, v29;
	v31 =	vld [tilespmem:s11+$0x50]  }
0x85: {  	v39 =	vadd.s32 v21, v37;
	v38 =	vld [tilespmem:s11+$0x0];
	[tilespmem:v34+s22+$0x0] =	vst.idx.msk $0xffff, v33  }
0x86: {  	s16 =	simm.s32 $0x6;
	v49 =	vadd.s32 v25, v30;
	[tilespmem:v36+s22+$0x0] =	vst.idx.msk $0xffff, v28;
	v33 =	vld [tilespmem:s11+$0xFFFFFF90]  }
0x87: {  	v54 =	vmov s16;
	v50 =	vadd.s32 v25, v35;
	v28 =	vld [tilespmem:s11+$0xFFFFFFD0]  }
0x88: {  	s18 =	simm.s32 $0x6780;
	v51 =	vadd.s32 v26, v29;
	v56 =	vadd.s32 v27, v29;
	v29 =	vand.u32 $0x7E, v54  }
0x89: {  	s13 =	simm.s32 $0x7;
	v60 =	vadd.s32 v21, v29;
	v59 =	vld [tilespmem:s18+$0x0];
	[tilespmem:v48+s22+$0x0] =	vst.idx.msk $0xffff, v31  }
0x8a: {  	v53 =	vmov s13;
	[tilespmem:v39+s22+$0x0] =	vst.idx.msk $0xffff, v38;
	v31 =	vld [tilespmem:s11+$0x60]  }
0x8b: {  	v40 =	vadd.s32 v25, v37;
	s14 =	simm.s32 $0x4;
	v32 =	vand.u32 $0x7F, v53;
	v39 =	vld [tilespmem:s11+$0x10];
	[tilespmem:v49+s22+$0x0] =	vst.idx.msk $0xffff, v33  }
0x8c: {  	v42 =	vld [tilespmem:s18+$0x40];
	v43 =	vadd.s32 v21, v32;
	[tilespmem:v50+s22+$0x0] =	vst.idx.msk $0xffff, v28;
	v28 =	vmov s14  }
0x8d: {  	s15 =	simm.s32 $0x5;
	v52 =	vadd.s32 v26, v30;
	v33 =	vld [tilespmem:s11+$0xFFFFFFA0];
	v28 =	vand.u32 $0x7C, v28  }
0x8e: {  	v46 =	vmov s15;
	v44 =	vld [tilespmem:s18+$0xFFFFFF80];
	[tilespmem:v60+s22+$0x0] =	vst.idx.msk $0xffff, v59;
	v45 =	vadd.s32 v21, v28  }
0x8f: {  	v41 =	vadd.s32 v26, v35;
	v36 =	vld [tilespmem:s11+$0xFFFFFFE0];
	[tilespmem:v51+s22+$0x0] =	vst.idx.msk $0xffff, v31;
	v31 =	vand.u32 $0x7D, v46  }
0x90: {  	v57 =	vld [tilespmem:s18+$0xFFFFFFC0];
	[tilespmem:v40+s22+$0x0] =	vst.idx.msk $0xffff, v39;
	v58 =	vadd.s32 v21, v31  }
0x91: {  	v62 =	vadd.s32 v26, v37;
	[tilespmem:v43+s22+$0x0] =	vst.idx.msk $0xffff, v42;
	v61 =	vld [tilespmem:s11+$0x20]  }
0x92: {  	v63 =	vadd.s32 v25, v32;
	v43 =	vld [tilespmem:s18+$0x50];
	[tilespmem:v52+s22+$0x0] =	vst.idx.msk $0xffff, v33  }
0x93: {  	s13 =	smulhi.u32 $0x51EB851F, s17;
	v55 =	vld [tilespmem:s11+$0x70];
	[tilespmem:v45+s22+$0x0] =	vst.idx.msk $0xffff, v44  }
0x94: {  	s19 =	smulhi.u32 $0x51EB851F, s31;
	v47 =	vadd.s32 v25, v28;
	[tilespmem:v41+s22+$0x0] =	vst.idx.msk $0xffff, v36;
	v45 =	vld [tilespmem:s18+$0xFFFFFF90]  }
0x95: {  	s20 =	smulhi.u32 $0x51EB851F, s0;
	s21 =	sshrl.u32 s13, $0x4;
	v49 =	vadd.s32 v27, v35;
	v48 =	vld [tilespmem:s11+$0xFFFFFFF0];
	[tilespmem:v58+s22+$0x0] =	vst.idx.msk $0xffff, v57  }
0x96: {  	s13 =	smul.u32 $0x31FFC00, s21;
	s1 =	sshrl.u32 s19, $0x4;
	[tilespmem:v62+s22+$0x0] =	vst.idx.msk $0xffff, v61;
	v42 =	vadd.s32 v25, v31;
	v40 =	vld [tilespmem:s18+$0xFFFFFFD0]  }
0x97: {  	s7 =	sshrl.u32 s20, $0x4;
	s1 =	smul.u32 $0x31FFC00, s1;
	v35 =	vld [tilespmem:s18+$0x10];
	[tilespmem:v63+s22+$0x0] =	vst.idx.msk $0xffff, v43;
	v41 =	vadd.s32 v25, v29  }
0x98: {  	s16 =	sshll.u32 s6, $0x2;
	s30 =	ssub.s32 s5, s13;
	s14 =	smul.u32 $0x31FFC00, s7;
	v39 =	vadd.s32 v27, v37;
	v33 =	vld [tilespmem:s11+$0x30];
	[tilespmem:v56+s22+$0x0] =	vst.idx.msk $0xffff, v55  }
0x99: {  	s19 =	simm.s32 $0xB;
	s7 =	ssub.s32 s10, s1;
	s1 =	ssub.s32 s8, s13;
	v37 =	vadd.s32 v26, v32;
	v34 =	vld [tilespmem:s18+$0x60];
	[tilespmem:v47+s22+$0x0] =	vst.idx.msk $0xffff, v45  }
0x9a: {  	s13 =	simm.s32 $0x8;
	s15 =	ssub.s32 s9, s14;
	s14 =	simm.s32 $0xC;
	v38 =	vadd.s32 v26, v28;
	[tilespmem:v49+s22+$0x0] =	vst.idx.msk $0xffff, v48;
	v36 =	vld [tilespmem:s18+$0xFFFFFFA0]  }
.LBB2_3:
0x9b: {  	p1 =	slt.u32 s14, $0x7C;
	v43 =	vmov s19;
	[tilespmem:v42+s22+$0x0] =	vst.idx.msk $0xffff, v40;
	v40 =	vld [tilespmem:s11+$0xFFFFFFB0];
	v42 =	vadd.s32 v27, v30;
	v30 =	vmov v28;
	s11 =	smov.u32 s18  }
0x9c: {  	v28 =	vmov s13;
	v45 =	vadd.s32 v26, v31;
	s18 =	sadd.s32 $0x100, s18;
	v43 =	vand.u32 $0x7F, v43;
	v44 =	vld [tilespmem:s11+$0xFFFFFFE0];
	[tilespmem:v41+s22+$0x0] =	vst.idx.msk $0xffff, v35  }
0x9d: {  	s19 =	sadd.s32 $0x1, s13;
	v28 =	vand.u32 $0x7C, v28;
	v35 =	vld [tilespmem:s18+$0x40];
	v41 =	vadd.s32 v21, v43;
	[tilespmem:v39+s22+$0x0] =	vst.idx.msk $0xffff, v33  }
0x9e: {  	v46 =	vmov s19;
	s19 =	sadd.s32 $0x2, s13;
	s13 =	smov.u32 s14;
	v39 =	vadd.s32 v21, v28;
	v33 =	vld [tilespmem:s18+$0xFFFFFF80];
	[tilespmem:v37+s22+$0x0] =	vst.idx.msk $0xffff, v34  }
0x9f: {  	v34 =	vand.u32 $0x7D, v46;
	v37 =	vmov s19;
	[tilespmem:v38+s22+$0x0] =	vst.idx.msk $0xffff, v36;
	v36 =	vld [tilespmem:s11+$0x70];
	v38 =	vadd.s32 v27, v32;
	v32 =	vmovc v43  }
0xa0: {  	v46 =	vadd.s32 v21, v34;
	v37 =	vand.u32 $0x7E, v37;
	v43 =	vld [tilespmem:s18+$0xFFFFFFC0];
	[tilespmem:v42+s22+$0x0] =	vst.idx.msk $0xffff, v40  }
0xa1: {  	v48 =	vadd.s32 v21, v37;
	v47 =	vld [tilespmem:s18+$0x0];
	[tilespmem:v45+s22+$0x0] =	vst.idx.msk $0xffff, v44  }
0xa2: {  	v45 =	vadd.s32 v26, v29;
	[tilespmem:v41+s22+$0x0] =	vst.idx.msk $0xffff, v35;
	v44 =	vld [tilespmem:s11+$0x20]  }
0xa3: {  	[tilespmem:v39+s22+$0x0] =	vst.idx.msk $0xffff, v33;
	v33 =	vld [tilespmem:s18+$0x50];
	v39 =	vadd.s32 v25, v32  }
0xa4: {  	v50 =	vadd.s32 v25, v28;
	v49 =	vld [tilespmem:s18+$0xFFFFFF90];
	[tilespmem:v38+s22+$0x0] =	vst.idx.msk $0xffff, v36  }
0xa5: {  	[tilespmem:v46+s22+$0x0] =	vst.idx.msk $0xffff, v43;
	v43 =	vld [tilespmem:s11+$0xFFFFFFF0];
	v46 =	vadd.s32 v27, v31;
	v31 =	vmov v34  }
.Ltmp2:
0xa6: {  	v40 =	vld [tilespmem:s18+$0xFFFFFFD0];
	v42 =	vadd.s32 v25, v31;
	[tilespmem:v48+s22+$0x0] =	vst.idx.msk $0xffff, v47;
	(pc) =	sbr.rel @p1 .LBB2_3-.Ltmp2, $4  }
0xa7: {  	v41 =	vadd.s32 v25, v37;
	v35 =	vld [tilespmem:s18+$0x10];
	[tilespmem:v45+s22+$0x0] =	vst.idx.msk $0xffff, v44  }
0xa8: {  	[tilespmem:v39+s22+$0x0] =	vst.idx.msk $0xffff, v33;
	v33 =	vld [tilespmem:s11+$0x30];
	v39 =	vadd.s32 v27, v29;
	v29 =	vmov v37  }
0xa9: {  	v37 =	vadd.s32 v26, v32;
	[tilespmem:v50+s22+$0x0] =	vst.idx.msk $0xffff, v49;
	v34 =	vld [tilespmem:s18+$0x60]  }
0xaa: {  	s14 =	sadd.s32 $0x4, s14;
	s19 =	sadd.s32 $0x3, s13;
	v38 =	vadd.s32 v26, v28;
	v36 =	vld [tilespmem:s18+$0xFFFFFFA0];
	[tilespmem:v46+s22+$0x0] =	vst.idx.msk $0xffff, v43  }
0xab: {  	_ =	sdelay $0x2  }
0xac: {  	v43 =	vmov s19  }
0xad: {  	s14 =	sadd.s32 $0x1, s13;
	[tilespmem:v42+s22+$0x0] =	vst.idx.msk $0xffff, v40;
	v63 =	vld [tilespmem:s11+$0xFFFFFFB0];
	v30 =	vadd.s32 v27, v30;
	s20 =	sadd.s32 $0x100, s18;
	v45 =	vmov s13;
	v42 =	vand.u32 $0x7F, v43  }
0xae: {  	s21 =	sadd.s32 $0x2, s13;
	v48 =	vmov s14;
	[tilespmem:v41+s22+$0x0] =	vst.idx.msk $0xffff, v35;
	v49 =	vld [tilespmem:s20+$0x40];
	v45 =	vand.u32 $0x7C, v45;
	v50 =	vadd.s32 v21, v42  }
0xaf: {  	v44 =	vmov s21;
	v46 =	vld [tilespmem:s20+$0xFFFFFF80];
	v43 =	vand.u32 $0x7D, v48;
	[tilespmem:v39+s22+$0x0] =	vst.idx.msk $0xffff, v33;
	v55 =	vadd.s32 v21, v45  }
0xb0: {  	v51 =	vld [tilespmem:s20+$0xFFFFFFC0];
	v44 =	vand.u32 $0x7E, v44;
	v52 =	vadd.s32 v21, v43;
	[tilespmem:v37+s22+$0x0] =	vst.idx.msk $0xffff, v34  }
0xb1: {  	v53 =	vld [tilespmem:s20+$0x0];
	v54 =	vadd.s32 v21, v44;
	[tilespmem:v38+s22+$0x0] =	vst.idx.msk $0xffff, v36  }
0xb2: {  	v57 =	vadd.s32 v26, v31;
	v56 =	vld [tilespmem:s18+$0xFFFFFFE0];
	[tilespmem:v30+s22+$0x0] =	vst.idx.msk $0xffff, v63  }
0xb3: {  	v48 =	vld [tilespmem:s18+$0x20];
	[tilespmem:v50+s22+$0x0] =	vst.idx.msk $0xffff, v49;
	v49 =	vadd.s32 v26, v29  }
0xb4: {  	v59 =	vadd.s32 v25, v42;
	[tilespmem:v55+s22+$0x0] =	vst.idx.msk $0xffff, v46;
	v35 =	vld [tilespmem:s20+$0x50]  }
0xb5: {  	v63 =	vadd.s32 v25, v45;
	[tilespmem:v52+s22+$0x0] =	vst.idx.msk $0xffff, v51;
	v62 =	vld [tilespmem:s20+$0xFFFFFF90]  }
0xb6: {  	v60 =	vadd.s32 v25, v43;
	[tilespmem:v54+s22+$0x0] =	vst.idx.msk $0xffff, v53;
	v33 =	vld [tilespmem:s20+$0xFFFFFFD0]  }
0xb7: {  	v61 =	vadd.s32 v25, v44;
	[tilespmem:v57+s22+$0x0] =	vst.idx.msk $0xffff, v56;
	v34 =	vld [tilespmem:s20+$0x10]  }
0xb8: {  	v32 =	vadd.s32 v27, v32;
	v58 =	vld [tilespmem:s18+$0x70];
	[tilespmem:v49+s22+$0x0] =	vst.idx.msk $0xffff, v48  }
0xb9: {  	v29 =	vadd.s32 v27, v29;
	[tilespmem:v59+s22+$0x0] =	vst.idx.msk $0xffff, v35;
	v38 =	vld [tilespmem:s18+$0x30]  }
0xba: {  	v52 =	vadd.s32 v26, v42;
	[tilespmem:v63+s22+$0x0] =	vst.idx.msk $0xffff, v62;
	v35 =	vld [tilespmem:s20+$0x60]  }
0xbb: {  	v57 =	vadd.s32 v26, v45;
	[tilespmem:v60+s22+$0x0] =	vst.idx.msk $0xffff, v33;
	v56 =	vld [tilespmem:s20+$0xFFFFFFA0]  }
0xbc: {  	v53 =	vadd.s32 v26, v43;
	[tilespmem:v61+s22+$0x0] =	vst.idx.msk $0xffff, v34;
	v33 =	vld [tilespmem:s20+$0xFFFFFFE0]  }
0xbd: {  	v55 =	vadd.s32 v26, v44;
	[tilespmem:v32+s22+$0x0] =	vst.idx.msk $0xffff, v58;
	v54 =	vld [tilespmem:s20+$0x20]  }
0xbe: {  	v50 =	vld [tilespmem:s18+$0xFFFFFFF0];
	v51 =	vadd.s32 v27, v31;
	[tilespmem:v29+s22+$0x0] =	vst.idx.msk $0xffff, v38  }
0xbf: {  	v28 =	vadd.s32 v27, v28;
	v58 =	vld [tilespmem:s18+$0xFFFFFFB0];
	[tilespmem:v52+s22+$0x0] =	vst.idx.msk $0xffff, v35  }
0xc0: {  	v60 =	vadd.s32 v27, v42;
	[tilespmem:v57+s22+$0x0] =	vst.idx.msk $0xffff, v56;
	v59 =	vld [tilespmem:s20+$0x70]  }
0xc1: {  	v63 =	vadd.s32 v27, v45;
	[tilespmem:v53+s22+$0x0] =	vst.idx.msk $0xffff, v33;
	v29 =	vld [tilespmem:s20+$0xFFFFFFB0]  }
0xc2: {  	v61 =	vadd.s32 v27, v43;
	[tilespmem:v55+s22+$0x0] =	vst.idx.msk $0xffff, v54;
	v33 =	vld [tilespmem:s20+$0xFFFFFFF0]  }
0xc3: {  	p2 =	por $0x1, $0x1;
	[tilespmem:v51+s22+$0x0] =	vst.idx.msk $0xffff, v50;
	v62 =	vadd.s32 v27, v44;
	v30 =	vld [tilespmem:s20+$0x30]  }
.Ltmp3:
0xc4: {  	[tilespmem:v28+s22+$0x0] =	vst.idx.msk $0xffff, v58;
	(pc) =	sbr.rel @!p2 .LBB2_5-.Ltmp3, $4  }
0xc5: {  	[tilespmem:v60+s22+$0x0] =	vst.idx.msk $0xffff, v59  }
0xc6: {  	[tilespmem:v63+s22+$0x0] =	vst.idx.msk $0xffff, v29  }
0xc7: {  	s11 =	simm.s32 $0xE9B8;
	s13 =	sshrl.u32 s30, $0x3;
	[tilespmem:v61+s22+$0x0] =	vst.idx.msk $0xffff, v33  }
0xc8: {  	s19 =	sadd.s32 $0x20000, s30;
	p1 =	por $0x0, $0x0;
	s20 =	simm.s32 $0xE688;
	[tilespmem:v62+s22+$0x0] =	vst.idx.msk $0xffff, v30  }
0xc9: {  	s18 =	sadd.s32 s2, s13;
	s12 =	simm.s32 $0xE600  }
0xca: {  	[hbm4b:s18+s3] =	stream.linear.scatter [tilespmem:s12], [sflag:$0x5], $0x80, $0x38;
	[tilespmem:$0x12A00] =	vst v63  }
0xcb: {  	s13 =	sshrl.u32 s19, $0x3;
	s14 =	sadd.s32 $0x10, s18  }
0xcc: {  	[hbm4b:s14+s3] =	stream.linear.scatter [tilespmem:s20], [sflag:$0x5], $0x80, $0x38;
	[tilespmem:$0x12A00] =	vst v63  }
0xcd: {  	s30 =	simm.s32 $0x8;
	s20 =	sadd.s32 $0x20, s18;
	s14 =	simm.s32 $0xE710  }
0xce: {  	[hbm4b:s20+s3] =	stream.linear.scatter [tilespmem:s14], [sflag:$0x5], $0x80, $0x38;
	[tilespmem:$0x12A00] =	vst v63  }
0xcf: {  	p2 =	por $0x1, $0x1;
	s21 =	sadd.s32 $0x30, s18;
	s12 =	simm.s32 $0xE798  }
0xd0: {  	[hbm4b:s21+s3] =	stream.linear.scatter [tilespmem:s12], [sflag:$0x5], $0x80, $0x38;
	[tilespmem:$0x12A00] =	vst v63  }
0xd1: {  	s19 =	sadd.s32 $0x20000, s19;
	s14 =	sadd.s32 $0x40, s18;
	s20 =	simm.s32 $0xE820  }
0xd2: {  	[hbm4b:s14+s3] =	stream.linear.scatter [tilespmem:s20], [sflag:$0x5], $0x80, $0x38;
	[tilespmem:$0x12A00] =	vst v63  }
.Ltmp4:
0xd3: {  	s21 =	sadd.s32 $0x50, s18;
	s12 =	simm.s32 $0xE8A8;
	(pc) =	sbr.rel @!p2 .LBB2_7-.Ltmp4, $4  }
0xd4: {  	[hbm4b:s21+s3] =	stream.linear.scatter [tilespmem:s12], [sflag:$0x5], $0x80, $0x38;
	[tilespmem:$0x12A00] =	vst v63  }
0xd5: {  	s14 =	sadd.s32 $0x70, s18;
	s18 =	sadd.s32 $0x60, s18;
	s21 =	simm.s32 $0xE930  }
0xd6: {  	[hbm4b:s18+s3] =	stream.linear.scatter [tilespmem:s21], [sflag:$0x5], $0x80, $0x38;
	[tilespmem:$0x12A00] =	vst v63  }
0xd7: {  	p1 =	por $0x1, $0x1;
	s20 =	simm.s32 $0xEAC8;
	s18 =	simm.s32 $0xEDF8  }
.LBB2_8:
0xd8: {  	[hbm4b:s14+s3] =	stream.linear.scatter [tilespmem:s11], [sflag:$0x5], $0x80, $0x38;
	[tilespmem:$0x12A00] =	vst v63  }
0xd9: {  	s12 =	sadd.s32 s2, s13;
	s13 =	sshrl.u32 s19, $0x3;
	s11 =	sadd.s32 $0xFFFFFC48, s18  }
0xda: {  	[hbm4b:s12+s3] =	stream.linear.scatter [tilespmem:s11], [sflag:$0x5], $0x80, $0x38;
	[tilespmem:$0x12A00] =	vst v63  }
0xdb: {  	s21 =	sadd.s32 $0x30, s12;
	s14 =	sadd.s32 $0x70, s12;
	s11 =	sadd.s32 $0x10, s12  }
0xdc: {  	[hbm4b:s11+s3] =	stream.linear.scatter [tilespmem:s20], [sflag:$0x5], $0x80, $0x38;
	[tilespmem:$0x12A00] =	vst v63  }
0xdd: {  	s30 =	sadd.s32 $0x8, s30;
	s11 =	sadd.s32 $0x20, s12;
	s20 =	sadd.s32 $0xFFFFFD58, s18  }
0xde: {  	[hbm4b:s11+s3] =	stream.linear.scatter [tilespmem:s20], [sflag:$0x5], $0x80, $0x38;
	[tilespmem:$0x12A00] =	vst v63  }
0xdf: {  	p2 =	slt.u32 s30, $0x38;
	s20 =	sadd.s32 $0xFFFFFDE0, s18;
	s11 =	smov.u32 s18  }
0xe0: {  	[hbm4b:s21+s3] =	stream.linear.scatter [tilespmem:s20], [sflag:$0x5], $0x80, $0x38;
	[tilespmem:$0x12A00] =	vst v63  }
0xe1: {  	s20 =	sadd.s32 $0x40, s12;
	s21 =	sadd.s32 $0xFFFFFE68, s18  }
0xe2: {  	[hbm4b:s20+s3] =	stream.linear.scatter [tilespmem:s21], [sflag:$0x5], $0x80, $0x38;
	[tilespmem:$0x12A00] =	vst v63  }
.Ltmp5:
0xe3: {  	s20 =	sadd.s32 $0x50, s12;
	s21 =	sadd.s32 $0xFFFFFEF0, s18;
	(pc) =	sbr.rel @p2 .LBB2_8-.Ltmp5, $4  }
0xe4: {  	[hbm4b:s20+s3] =	stream.linear.scatter [tilespmem:s21], [sflag:$0x5], $0x80, $0x38;
	[tilespmem:$0x12A00] =	vst v63  }
0xe5: {  	s12 =	sadd.s32 $0x60, s12;
	s18 =	sadd.s32 $0x440, s18;
	s20 =	sadd.s32 $0xFFFFFF78, s11  }
0xe6: {  	[hbm4b:s12+s3] =	stream.linear.scatter [tilespmem:s20], [sflag:$0x5], $0x80, $0x38;
	[tilespmem:$0x12A00] =	vst v63  }
0xe7: {  	s19 =	sadd.s32 $0x20000, s19;
	s20 =	sadd.s32 $0xFFFFFCD0, s18  }
0xe8: {  	s19 =	smov.u32 s11;
	s11 =	smov.u32 s18  }
.LBB2_10:
0xe9: {  	[hbm4b:s14+s3] =	stream.linear.scatter @p1 [tilespmem:s19], [sflag:$0x5], $0x80, $0x38;
	[tilespmem:$0x12A00] =	vst v63  }
0xea: {  	s12 =	sadd.s32 s2, s13;
	s14 =	sadd.s32 $0xFFFFFC48, s11  }
0xeb: {  	[hbm4b:s12+s3] =	stream.linear.scatter [tilespmem:s14], [sflag:$0x5], $0x80, $0x38;
	[tilespmem:$0x12A00] =	vst v63  }
0xec: {  	s18 =	sadd.s32 $0x10, s12  }
0xed: {  	[hbm4b:s18+s3] =	stream.linear.scatter [tilespmem:s20], [sflag:$0x5], $0x80, $0x38;
	[tilespmem:$0x12A00] =	vst v63  }
0xee: {  	s19 =	sadd.s32 $0x20, s12;
	s20 =	sadd.s32 $0xFFFFFD58, s11  }
0xef: {  	[hbm4b:s19+s3] =	stream.linear.scatter [tilespmem:s20], [sflag:$0x5], $0x80, $0x38;
	[tilespmem:$0x12A00] =	vst v63  }
0xf0: {  	s30 =	sadd.s32 $0xFFFFFDE0, s11;
	s21 =	sadd.s32 $0x30, s12  }
0xf1: {  	[hbm4b:s21+s3] =	stream.linear.scatter [tilespmem:s30], [sflag:$0x5], $0x80, $0x38;
	[tilespmem:$0x12A00] =	vst v63  }
0xf2: {  	s14 =	sadd.s32 $0x40, s12;
	s18 =	sadd.s32 $0xFFFFFE68, s11  }
0xf3: {  	[hbm4b:s14+s3] =	stream.linear.scatter [tilespmem:s18], [sflag:$0x5], $0x80, $0x38;
	[tilespmem:$0x12A00] =	vst v63  }
0xf4: {  	p1 =	sne.s32 s6, $0x31;
	s19 =	sadd.s32 $0x50, s12;
	s20 =	sadd.s32 $0xFFFFFEF0, s11  }
0xf5: {  	[hbm4b:s19+s3] =	stream.linear.scatter [tilespmem:s20], [sflag:$0x5], $0x80, $0x38;
	[tilespmem:$0x12A00] =	vst v63  }
.Ltmp6:
0xf6: {  	_ = 	snop;
	(pc) =	sbr.rel @p1 .LBB2_12-.Ltmp6, $4  }
0xf7: {  	s21 =	sadd.s32 $0x60, s12;
	s30 =	sadd.s32 $0xFFFFFF78, s11  }
0xf8: {  	[hbm4b:s21+s3] =	stream.linear.scatter [tilespmem:s30], [sflag:$0x5], $0x80, $0x38;
	[tilespmem:$0x12A00] =	vst v63  }
0xf9: {  	s12 =	sadd.s32 $0x70, s12  }
0xfa: {  	[hbm4b:s12+s3] =	stream.linear.scatter [tilespmem:s11], [sflag:$0x5], $0x80, $0x38;
	[tilespmem:$0x12A00] =	vst v63  }
.Ltmp7:
0xfb: {  	(pc) =	sbr.rel .LBB2_13-.Ltmp7, $4  }
0xfc: {  	_ = 	snop  }
0xfd: {  	_ =	swait.ge [sflag:s23], $0x2000  }
0xfe: {  	[sflag:s23] =	ssyncset.done $0x0  }
0xff: {  	[sflag:s23] =	ssyncadd.s32 $0xFFFFE000  }
.LBB2_12:
0x100: {  	s11 =	sadd.s32 $0x4, s16  }
0x101: {  	s12 =	smulhi.u32 $0x51EB851F, s11;
	_ =	sdelay $0x1  }
0x102: {  	s12 =	sshrl.u32 s12, $0x4  }
0x103: {  	s12 =	smul.u32 $0x18CE, s12;
	_ =	sdelay $0x1  }
0x104: {  	s11 =	sadd.s32 s11, s12  }
0x105: {  	v28 =	vadd.s32 s11, v0;
	_ =	sdelay $0x4  }
0x106: {  	s12 =	sadd.s32 $0x320, s11;
	v28 =	vld.idx.msk [tilespmem:v28+s3+$0x0], $0xffff  }
0x107: {  	v29 =	vadd.s32 s12, v0;
	_ =	sdelay $0x3  }
0x108: {  	[tilespmem:$0x6400] =	vst v28  }
0x109: {  	s13 =	sadd.s32 $0x640, s11;
	v28 =	vld.idx.msk [tilespmem:v29+s3+$0x0], $0xffff  }
0x10a: {  	v29 =	vadd.s32 s13, v0;
	_ =	sdelay $0x3  }
0x10b: {  	[tilespmem:$0x6410] =	vst v28  }
0x10c: {  	s14 =	sadd.s32 $0x960, s11;
	v28 =	vld.idx.msk [tilespmem:v29+s3+$0x0], $0xffff  }
0x10d: {  	v29 =	vadd.s32 s14, v0;
	_ =	sdelay $0x3  }
0x10e: {  	[tilespmem:$0x6420] =	vst v28  }
0x10f: {  	s18 =	sadd.s32 $0xC80, s11;
	v28 =	vld.idx.msk [tilespmem:v29+s3+$0x0], $0xffff  }
0x110: {  	v29 =	vadd.s32 s18, v0;
	_ =	sdelay $0x3  }
0x111: {  	[tilespmem:$0x6430] =	vst v28  }
0x112: {  	s19 =	sadd.s32 $0xFA0, s11;
	v28 =	vld.idx.msk [tilespmem:v29+s3+$0x0], $0xffff  }
0x113: {  	v29 =	vadd.s32 s19, v0;
	_ =	sdelay $0x3  }
0x114: {  	[tilespmem:$0x6440] =	vst v28  }
0x115: {  	s20 =	sadd.s32 $0x12C0, s11;
	v28 =	vld.idx.msk [tilespmem:v29+s3+$0x0], $0xffff  }
0x116: {  	v29 =	vadd.s32 s20, v0;
	_ =	sdelay $0x3  }
0x117: {  	[tilespmem:$0x6450] =	vst v28  }
0x118: {  	s11 =	sadd.s32 $0x15E0, s11;
	v28 =	vld.idx.msk [tilespmem:v29+s3+$0x0], $0xffff  }
0x119: {  	v29 =	vadd.s32 s11, v0;
	_ =	sdelay $0x3  }
0x11a: {  	[tilespmem:$0x6460] =	vst v28  }
0x11b: {  	v28 =	vld.idx.msk [tilespmem:v29+s3+$0x0], $0xffff;
	_ =	sdelay $0x3  }
0x11c: {  	s21 =	simm.s32 $0x80  }
.Ltmp8:
0x11d: {  	s30 =	simm.s32 $0x6400;
	s13 =	simm.s32 $0x6600;
	[tilespmem:$0x6470] =	vst v28;
	(pc) =	sbr.rel @p0 .LBB2_14-.Ltmp8, $4  }
0x11e: {  	[tilespmem:s13], [sflag:$0x1] =	stream.indirect.gather [hbm4b:s4+s21], $0x40, s30, s21, $0xb8;
	[tilespmem:$0x12A00] =	vst v63  }
0x11f: {  	_ =	swait.ge [sflag:s23], $0x2000  }
0x120: {  	[sflag:s23] =	ssyncset.done $0x0  }
0x121: {  	[sflag:s23] =	ssyncadd.s32 $0xFFFFE000  }
.LBB2_13:
0x122: {  	_ =	swait.ge [sflag:s24], $0x2000  }
0x123: {  	[sflag:s24] =	ssyncset.done $0x0  }
0x124: {  	[sflag:s24] =	ssyncadd.s32 $0xFFFFE000  }
.LBB2_14:
0x125: {  	s11 =	simm.s32 $0x3  }
0x126: {  	v28 =	vmov s11  }
0x127: {  	s12 =	simm.s32 $0x0;
	s19 =	simm.s32 $0x2;
	s11 =	simm.s32 $0x86F0;
	v29 =	vand.u32 $0x7F, v28  }
0x128: {  	s18 =	simm.s32 $0x1;
	v37 =	vmov s19;
	v28 =	vmov s12;
	v31 =	vld [tilespmem:s11+$0xFFFFFFD0];
	v32 =	vadd.s32 v21, v29  }
0x129: {  	v37 =	vand.u32 $0x7E, v37;
	v30 =	vand.u32 $0x7C, v28;
	v28 =	vmov s18  }
0x12a: {  	v38 =	vld [tilespmem:s11+$0xFFFFFF90];
	v39 =	vadd.s32 v21, v37;
	v35 =	vand.u32 $0x7D, v28  }
0x12b: {  	v28 =	vld [tilespmem:s11+$0xFFFFFF50];
	v36 =	vadd.s32 v21, v35;
	_ =	sdelay $0x1  }
0x12c: {  	[tilespmem:v32+s25+$0x0] =	vst.idx.msk $0xffff, v31  }
0x12d: {  	v48 =	vadd.s32 v25, v29;
	v31 =	vld [tilespmem:s11+$0xFFFFFFE0]  }
0x12e: {  	v33 =	vld [tilespmem:s11+$0xFFFFFF10];
	v34 =	vadd.s32 v21, v30;
	[tilespmem:v39+s25+$0x0] =	vst.idx.msk $0xffff, v38  }
0x12f: {  	s30 =	simm.s32 $0x6;
	v40 =	vadd.s32 v25, v37;
	v39 =	vld [tilespmem:s11+$0xFFFFFFA0];
	[tilespmem:v36+s25+$0x0] =	vst.idx.msk $0xffff, v28  }
0x130: {  	v54 =	vmov s30;
	v50 =	vadd.s32 v25, v35;
	v28 =	vld [tilespmem:s11+$0xFFFFFF60]  }
0x131: {  	s20 =	simm.s32 $0x7;
	v51 =	vadd.s32 v26, v29;
	s18 =	simm.s32 $0x87F0;
	v56 =	vadd.s32 v27, v29;
	v29 =	vand.u32 $0x7E, v54  }
0x132: {  	v53 =	vmov s20;
	v59 =	vld [tilespmem:s18+$0xFFFFFF90];
	v60 =	vadd.s32 v21, v29;
	[tilespmem:v48+s25+$0x0] =	vst.idx.msk $0xffff, v31  }
0x133: {  	v32 =	vand.u32 $0x7F, v53;
	[tilespmem:v34+s25+$0x0] =	vst.idx.msk $0xffff, v33;
	v31 =	vld [tilespmem:s11+$0xFFFFFFF0]  }
0x134: {  	s13 =	simm.s32 $0x4;
	v42 =	vld [tilespmem:s18+$0xFFFFFFD0];
	v43 =	vadd.s32 v21, v32;
	[tilespmem:v40+s25+$0x0] =	vst.idx.msk $0xffff, v39  }
0x135: {  	v49 =	vadd.s32 v25, v30;
	v33 =	vld [tilespmem:s11+$0xFFFFFF20];
	[tilespmem:v50+s25+$0x0] =	vst.idx.msk $0xffff, v28;
	v28 =	vmov s13  }
0x136: {  	s21 =	simm.s32 $0x5;
	v62 =	vadd.s32 v26, v37;
	v61 =	vld [tilespmem:s11+$0xFFFFFFB0];
	v28 =	vand.u32 $0x7C, v28  }
0x137: {  	v46 =	vmov s21;
	v44 =	vld [tilespmem:s18+$0xFFFFFF10];
	[tilespmem:v60+s25+$0x0] =	vst.idx.msk $0xffff, v59;
	v45 =	vadd.s32 v21, v28  }
0x138: {  	v41 =	vadd.s32 v26, v35;
	v36 =	vld [tilespmem:s11+$0xFFFFFF70];
	[tilespmem:v51+s25+$0x0] =	vst.idx.msk $0xffff, v31;
	v31 =	vand.u32 $0x7D, v46  }
0x139: {  	v57 =	vld [tilespmem:s18+$0xFFFFFF50];
	[tilespmem:v43+s25+$0x0] =	vst.idx.msk $0xffff, v42;
	v58 =	vadd.s32 v21, v31  }
0x13a: {  	v63 =	vadd.s32 v25, v32;
	[tilespmem:v49+s25+$0x0] =	vst.idx.msk $0xffff, v33;
	v43 =	vld [tilespmem:s18+$0xFFFFFFE0]  }
0x13b: {  	v52 =	vadd.s32 v26, v30;
	v33 =	vld [tilespmem:s11+$0xFFFFFF30];
	[tilespmem:v62+s25+$0x0] =	vst.idx.msk $0xffff, v61  }
0x13c: {  	v55 =	vld [tilespmem:s11+$0x0];
	[tilespmem:v45+s25+$0x0] =	vst.idx.msk $0xffff, v44  }
0x13d: {  	v47 =	vadd.s32 v25, v28;
	[tilespmem:v41+s25+$0x0] =	vst.idx.msk $0xffff, v36;
	v45 =	vld [tilespmem:s18+$0xFFFFFF20]  }
0x13e: {  	v49 =	vadd.s32 v27, v35;
	v48 =	vld [tilespmem:s11+$0xFFFFFF80];
	[tilespmem:v58+s25+$0x0] =	vst.idx.msk $0xffff, v57  }
0x13f: {  	[tilespmem:v63+s25+$0x0] =	vst.idx.msk $0xffff, v43;
	v42 =	vadd.s32 v25, v31;
	v41 =	vld [tilespmem:s18+$0xFFFFFF60]  }
0x140: {  	v39 =	vld [tilespmem:s18+$0xFFFFFFA0];
	v40 =	vadd.s32 v25, v29;
	[tilespmem:v52+s25+$0x0] =	vst.idx.msk $0xffff, v33  }
0x141: {  	v38 =	vadd.s32 v27, v37;
	v35 =	vld [tilespmem:s11+$0xFFFFFFC0];
	[tilespmem:v56+s25+$0x0] =	vst.idx.msk $0xffff, v55  }
0x142: {  	v33 =	vld [tilespmem:s18+$0xFFFFFFF0];
	v36 =	vadd.s32 v26, v32;
	[tilespmem:v47+s25+$0x0] =	vst.idx.msk $0xffff, v45  }
0x143: {  	s14 =	simm.s32 $0xC;
	s19 =	simm.s32 $0xB;
	s13 =	simm.s32 $0x8;
	v37 =	vadd.s32 v26, v28;
	[tilespmem:v49+s25+$0x0] =	vst.idx.msk $0xffff, v48;
	v34 =	vld [tilespmem:s18+$0xFFFFFF30]  }
.LBB2_15:
0x144: {  	p0 =	slt.u32 s14, $0x7C;
	v43 =	vmov s19;
	[tilespmem:v42+s25+$0x0] =	vst.idx.msk $0xffff, v41;
	v41 =	vld [tilespmem:s11+$0xFFFFFF40];
	v42 =	vadd.s32 v27, v30;
	v30 =	vmov v28;
	s11 =	smov.u32 s18  }
0x145: {  	v28 =	vmov s13;
	v45 =	vadd.s32 v26, v31;
	s18 =	sadd.s32 $0x100, s18;
	v43 =	vand.u32 $0x7F, v43;
	v44 =	vld [tilespmem:s11+$0xFFFFFF70];
	[tilespmem:v40+s25+$0x0] =	vst.idx.msk $0xffff, v39  }
0x146: {  	s12 =	sadd.s32 $0x1, s13;
	v28 =	vand.u32 $0x7C, v28;
	v39 =	vld [tilespmem:s18+$0xFFFFFFD0];
	v40 =	vadd.s32 v21, v43;
	[tilespmem:v38+s25+$0x0] =	vst.idx.msk $0xffff, v35  }
0x147: {  	v46 =	vmov s12;
	s12 =	sadd.s32 $0x2, s13;
	s13 =	smov.u32 s14;
	v38 =	vadd.s32 v21, v28;
	v35 =	vld [tilespmem:s18+$0xFFFFFF10];
	[tilespmem:v36+s25+$0x0] =	vst.idx.msk $0xffff, v33  }
0x148: {  	v33 =	vand.u32 $0x7D, v46;
	v36 =	vmov s12;
	[tilespmem:v37+s25+$0x0] =	vst.idx.msk $0xffff, v34;
	v34 =	vld [tilespmem:s11+$0x0];
	v37 =	vadd.s32 v27, v32;
	v32 =	vmovc v43  }
0x149: {  	v46 =	vadd.s32 v21, v33;
	v36 =	vand.u32 $0x7E, v36;
	v43 =	vld [tilespmem:s18+$0xFFFFFF50];
	[tilespmem:v42+s25+$0x0] =	vst.idx.msk $0xffff, v41  }
0x14a: {  	v48 =	vadd.s32 v21, v36;
	v47 =	vld [tilespmem:s18+$0xFFFFFF90];
	[tilespmem:v45+s25+$0x0] =	vst.idx.msk $0xffff, v44  }
0x14b: {  	v45 =	vadd.s32 v26, v29;
	[tilespmem:v40+s25+$0x0] =	vst.idx.msk $0xffff, v39;
	v44 =	vld [tilespmem:s11+$0xFFFFFFB0]  }
0x14c: {  	[tilespmem:v38+s25+$0x0] =	vst.idx.msk $0xffff, v35;
	v35 =	vld [tilespmem:s18+$0xFFFFFFE0];
	v38 =	vadd.s32 v25, v32  }
0x14d: {  	v50 =	vadd.s32 v25, v28;
	v49 =	vld [tilespmem:s18+$0xFFFFFF20];
	[tilespmem:v37+s25+$0x0] =	vst.idx.msk $0xffff, v34  }
0x14e: {  	[tilespmem:v46+s25+$0x0] =	vst.idx.msk $0xffff, v43;
	v43 =	vld [tilespmem:s11+$0xFFFFFF80];
	v46 =	vadd.s32 v27, v31;
	v31 =	vmov v33  }
.Ltmp9:
0x14f: {  	v41 =	vld [tilespmem:s18+$0xFFFFFF60];
	v42 =	vadd.s32 v25, v31;
	[tilespmem:v48+s25+$0x0] =	vst.idx.msk $0xffff, v47;
	(pc) =	sbr.rel @p0 .LBB2_15-.Ltmp9, $4  }
0x150: {  	v40 =	vadd.s32 v25, v36;
	v39 =	vld [tilespmem:s18+$0xFFFFFFA0];
	[tilespmem:v45+s25+$0x0] =	vst.idx.msk $0xffff, v44  }
0x151: {  	[tilespmem:v38+s25+$0x0] =	vst.idx.msk $0xffff, v35;
	v35 =	vld [tilespmem:s11+$0xFFFFFFC0];
	v38 =	vadd.s32 v27, v29;
	v29 =	vmov v36  }
0x152: {  	v36 =	vadd.s32 v26, v32;
	[tilespmem:v50+s25+$0x0] =	vst.idx.msk $0xffff, v49;
	v33 =	vld [tilespmem:s18+$0xFFFFFFF0]  }
0x153: {  	s14 =	sadd.s32 $0x4, s14;
	s19 =	sadd.s32 $0x3, s13;
	v37 =	vadd.s32 v26, v28;
	v34 =	vld [tilespmem:s18+$0xFFFFFF30];
	[tilespmem:v46+s25+$0x0] =	vst.idx.msk $0xffff, v43  }
0x154: {  	_ =	sdelay $0x2  }
0x155: {  	v43 =	vmov s19  }
0x156: {  	s12 =	sadd.s32 $0x1, s13;
	[tilespmem:v42+s25+$0x0] =	vst.idx.msk $0xffff, v41;
	v63 =	vld [tilespmem:s11+$0xFFFFFF40];
	v30 =	vadd.s32 v27, v30;
	s21 =	sadd.s32 $0x100, s18;
	v45 =	vmov s13;
	v42 =	vand.u32 $0x7F, v43  }
0x157: {  	s30 =	sadd.s32 $0x2, s13;
	v48 =	vmov s12;
	[tilespmem:v40+s25+$0x0] =	vst.idx.msk $0xffff, v39;
	v49 =	vld [tilespmem:s21+$0xFFFFFFD0];
	v45 =	vand.u32 $0x7C, v45;
	v50 =	vadd.s32 v21, v42  }
0x158: {  	v44 =	vmov s30;
	v46 =	vld [tilespmem:s21+$0xFFFFFF10];
	v43 =	vand.u32 $0x7D, v48;
	[tilespmem:v38+s25+$0x0] =	vst.idx.msk $0xffff, v35;
	v55 =	vadd.s32 v21, v45  }
0x159: {  	v51 =	vld [tilespmem:s21+$0xFFFFFF50];
	v44 =	vand.u32 $0x7E, v44;
	v52 =	vadd.s32 v21, v43;
	[tilespmem:v36+s25+$0x0] =	vst.idx.msk $0xffff, v33  }
0x15a: {  	v53 =	vld [tilespmem:s21+$0xFFFFFF90];
	v54 =	vadd.s32 v21, v44;
	[tilespmem:v37+s25+$0x0] =	vst.idx.msk $0xffff, v34  }
0x15b: {  	v57 =	vadd.s32 v26, v31;
	v56 =	vld [tilespmem:s18+$0xFFFFFF70];
	[tilespmem:v30+s25+$0x0] =	vst.idx.msk $0xffff, v63  }
0x15c: {  	v48 =	vld [tilespmem:s18+$0xFFFFFFB0];
	[tilespmem:v50+s25+$0x0] =	vst.idx.msk $0xffff, v49;
	v49 =	vadd.s32 v26, v29  }
0x15d: {  	v59 =	vadd.s32 v25, v42;
	[tilespmem:v55+s25+$0x0] =	vst.idx.msk $0xffff, v46;
	v39 =	vld [tilespmem:s21+$0xFFFFFFE0]  }
0x15e: {  	v63 =	vadd.s32 v25, v45;
	[tilespmem:v52+s25+$0x0] =	vst.idx.msk $0xffff, v51;
	v62 =	vld [tilespmem:s21+$0xFFFFFF20]  }
0x15f: {  	v60 =	vadd.s32 v25, v43;
	[tilespmem:v54+s25+$0x0] =	vst.idx.msk $0xffff, v53;
	v35 =	vld [tilespmem:s21+$0xFFFFFF60]  }
0x160: {  	v61 =	vadd.s32 v25, v44;
	[tilespmem:v57+s25+$0x0] =	vst.idx.msk $0xffff, v56;
	v33 =	vld [tilespmem:s21+$0xFFFFFFA0]  }
0x161: {  	v32 =	vadd.s32 v27, v32;
	v58 =	vld [tilespmem:s18+$0x0];
	[tilespmem:v49+s25+$0x0] =	vst.idx.msk $0xffff, v48  }
0x162: {  	v29 =	vadd.s32 v27, v29;
	[tilespmem:v59+s25+$0x0] =	vst.idx.msk $0xffff, v39;
	v37 =	vld [tilespmem:s18+$0xFFFFFFC0]  }
0x163: {  	v52 =	vadd.s32 v26, v42;
	[tilespmem:v63+s25+$0x0] =	vst.idx.msk $0xffff, v62;
	v39 =	vld [tilespmem:s21+$0xFFFFFFF0]  }
0x164: {  	v57 =	vadd.s32 v26, v45;
	[tilespmem:v60+s25+$0x0] =	vst.idx.msk $0xffff, v35;
	v56 =	vld [tilespmem:s21+$0xFFFFFF30]  }
0x165: {  	v53 =	vadd.s32 v26, v43;
	[tilespmem:v61+s25+$0x0] =	vst.idx.msk $0xffff, v33;
	v35 =	vld [tilespmem:s21+$0xFFFFFF70]  }
0x166: {  	v55 =	vadd.s32 v26, v44;
	[tilespmem:v32+s25+$0x0] =	vst.idx.msk $0xffff, v58;
	v54 =	vld [tilespmem:s21+$0xFFFFFFB0]  }
0x167: {  	v50 =	vld [tilespmem:s18+$0xFFFFFF80];
	v51 =	vadd.s32 v27, v31;
	[tilespmem:v29+s25+$0x0] =	vst.idx.msk $0xffff, v37  }
0x168: {  	v28 =	vadd.s32 v27, v28;
	v58 =	vld [tilespmem:s18+$0xFFFFFF40];
	[tilespmem:v52+s25+$0x0] =	vst.idx.msk $0xffff, v39  }
0x169: {  	v60 =	vadd.s32 v27, v42;
	[tilespmem:v57+s25+$0x0] =	vst.idx.msk $0xffff, v56;
	v59 =	vld [tilespmem:s21+$0x0]  }
0x16a: {  	v63 =	vadd.s32 v27, v45;
	[tilespmem:v53+s25+$0x0] =	vst.idx.msk $0xffff, v35;
	v29 =	vld [tilespmem:s21+$0xFFFFFF40]  }
0x16b: {  	v61 =	vadd.s32 v27, v43;
	[tilespmem:v55+s25+$0x0] =	vst.idx.msk $0xffff, v54;
	v35 =	vld [tilespmem:s21+$0xFFFFFF80]  }
0x16c: {  	p1 =	por $0x1, $0x1;
	[tilespmem:v51+s25+$0x0] =	vst.idx.msk $0xffff, v50;
	v62 =	vadd.s32 v27, v44;
	v30 =	vld [tilespmem:s21+$0xFFFFFFC0]  }
.Ltmp10:
0x16d: {  	[tilespmem:v28+s25+$0x0] =	vst.idx.msk $0xffff, v58;
	(pc) =	sbr.rel @!p1 .LBB2_17-.Ltmp10, $4  }
0x16e: {  	[tilespmem:v60+s25+$0x0] =	vst.idx.msk $0xffff, v59  }
0x16f: {  	[tilespmem:v63+s25+$0x0] =	vst.idx.msk $0xffff, v29  }
0x170: {  	s11 =	simm.s32 $0x10BB8;
	s20 =	simm.s32 $0x10888;
	[tilespmem:v61+s25+$0x0] =	vst.idx.msk $0xffff, v35  }
0x171: {  	s19 =	sadd.s32 $0x20000, s1;
	p0 =	por $0x0, $0x0;
	s18 =	sshrl.u32 s1, $0x3;
	[tilespmem:v62+s25+$0x0] =	vst.idx.msk $0xffff, v30  }
0x172: {  	s12 =	sadd.s32 s2, s18;
	s1 =	simm.s32 $0x10800  }
0x173: {  	[hbm4b:s12+s3] =	stream.linear.scatter [tilespmem:s1], [sflag:$0x6], $0x80, $0x38;
	[tilespmem:$0x12A00] =	vst v63  }
0x174: {  	s13 =	simm.s32 $0x10910;
	s21 =	sadd.s32 $0x10, s12  }
0x175: {  	[hbm4b:s21+s3] =	stream.linear.scatter [tilespmem:s20], [sflag:$0x6], $0x80, $0x38;
	[tilespmem:$0x12A00] =	vst v63  }
0x176: {  	s14 =	simm.s32 $0x10998;
	p1 =	por $0x1, $0x1;
	s30 =	sadd.s32 $0x20, s12  }
0x177: {  	[hbm4b:s30+s3] =	stream.linear.scatter [tilespmem:s13], [sflag:$0x6], $0x80, $0x38;
	[tilespmem:$0x12A00] =	vst v63  }
0x178: {  	p0 =	por $0x1, $0x1;
	s18 =	sadd.s32 $0x40, s12;
	s13 =	sadd.s32 $0x30, s12  }
0x179: {  	[hbm4b:s13+s3] =	stream.linear.scatter [tilespmem:s14], [sflag:$0x6], $0x80, $0x38;
	[tilespmem:$0x12A00] =	vst v63  }
0x17a: {  	s1 =	sshrl.u32 s19, $0x3;
	s19 =	sadd.s32 $0x20000, s19;
	s20 =	simm.s32 $0x10A20  }
0x17b: {  	[hbm4b:s18+s3] =	stream.linear.scatter [tilespmem:s20], [sflag:$0x6], $0x80, $0x38;
	[tilespmem:$0x12A00] =	vst v63  }
.Ltmp11:
0x17c: {  	s21 =	sadd.s32 $0x50, s12;
	s30 =	simm.s32 $0x10B30;
	(pc) =	sbr.rel @!p1 .LBB2_19-.Ltmp11, $4  }
0x17d: {  	s14 =	simm.s32 $0x10AA8;
	s13 =	sadd.s32 $0x70, s12;
	s12 =	sadd.s32 $0x60, s12  }
0x17e: {  	[hbm4b:s21+s3] =	stream.linear.scatter [tilespmem:s14], [sflag:$0x6], $0x80, $0x38;
	[tilespmem:$0x12A00] =	vst v63  }
0x17f: {  	s18 =	simm.s32 $0x8;
	s20 =	simm.s32 $0x10CC8;
	s14 =	simm.s32 $0x10FF8  }
0x180: {  	[hbm4b:s12+s3] =	stream.linear.scatter [tilespmem:s30], [sflag:$0x6], $0x80, $0x38;
	[tilespmem:$0x12A00] =	vst v63  }
.LBB2_20:
0x181: {  	[hbm4b:s13+s3] =	stream.linear.scatter [tilespmem:s11], [sflag:$0x6], $0x80, $0x38;
	[tilespmem:$0x12A00] =	vst v63  }
0x182: {  	s12 =	sadd.s32 s2, s1;
	s1 =	sshrl.u32 s19, $0x3;
	s11 =	sadd.s32 $0xFFFFFC48, s14  }
0x183: {  	[hbm4b:s12+s3] =	stream.linear.scatter [tilespmem:s11], [sflag:$0x6], $0x80, $0x38;
	[tilespmem:$0x12A00] =	vst v63  }
0x184: {  	s21 =	sadd.s32 $0x30, s12;
	s13 =	sadd.s32 $0x70, s12;
	s11 =	sadd.s32 $0x10, s12  }
0x185: {  	[hbm4b:s11+s3] =	stream.linear.scatter [tilespmem:s20], [sflag:$0x6], $0x80, $0x38;
	[tilespmem:$0x12A00] =	vst v63  }
0x186: {  	s18 =	sadd.s32 $0x8, s18;
	s11 =	sadd.s32 $0x20, s12;
	s20 =	sadd.s32 $0xFFFFFD58, s14  }
0x187: {  	[hbm4b:s11+s3] =	stream.linear.scatter [tilespmem:s20], [sflag:$0x6], $0x80, $0x38;
	[tilespmem:$0x12A00] =	vst v63  }
0x188: {  	p1 =	slt.u32 s18, $0x38;
	s20 =	sadd.s32 $0xFFFFFDE0, s14;
	s11 =	smov.u32 s14  }
0x189: {  	[hbm4b:s21+s3] =	stream.linear.scatter [tilespmem:s20], [sflag:$0x6], $0x80, $0x38;
	[tilespmem:$0x12A00] =	vst v63  }
0x18a: {  	s20 =	sadd.s32 $0x40, s12;
	s21 =	sadd.s32 $0xFFFFFE68, s14  }
0x18b: {  	[hbm4b:s20+s3] =	stream.linear.scatter [tilespmem:s21], [sflag:$0x6], $0x80, $0x38;
	[tilespmem:$0x12A00] =	vst v63  }
.Ltmp12:
0x18c: {  	s20 =	sadd.s32 $0x50, s12;
	s21 =	sadd.s32 $0xFFFFFEF0, s14;
	(pc) =	sbr.rel @p1 .LBB2_20-.Ltmp12, $4  }
0x18d: {  	[hbm4b:s20+s3] =	stream.linear.scatter [tilespmem:s21], [sflag:$0x6], $0x80, $0x38;
	[tilespmem:$0x12A00] =	vst v63  }
0x18e: {  	s12 =	sadd.s32 $0x60, s12;
	s14 =	sadd.s32 $0x440, s14;
	s20 =	sadd.s32 $0xFFFFFF78, s11  }
0x18f: {  	[hbm4b:s12+s3] =	stream.linear.scatter [tilespmem:s20], [sflag:$0x6], $0x80, $0x38;
	[tilespmem:$0x12A00] =	vst v63  }
0x190: {  	s19 =	sadd.s32 $0x20000, s19;
	s20 =	sadd.s32 $0xFFFFFCD0, s14  }
0x191: {  	s19 =	smov.u32 s11;
	s18 =	smov.u32 s1;
	s11 =	smov.u32 s14  }
.LBB2_22:
0x192: {  	[hbm4b:s13+s3] =	stream.linear.scatter @p0 [tilespmem:s19], [sflag:$0x6], $0x80, $0x38;
	[tilespmem:$0x12A00] =	vst v63  }
0x193: {  	s1 =	sadd.s32 s2, s18;
	s12 =	sadd.s32 $0xFFFFFC48, s11  }
0x194: {  	[hbm4b:s1+s3] =	stream.linear.scatter [tilespmem:s12], [sflag:$0x6], $0x80, $0x38;
	[tilespmem:$0x12A00] =	vst v63  }
0x195: {  	p0 =	seq.s32 s6, $0x31;
	s14 =	sadd.s32 $0x10, s1  }
0x196: {  	[hbm4b:s14+s3] =	stream.linear.scatter [tilespmem:s20], [sflag:$0x6], $0x80, $0x38;
	[tilespmem:$0x12A00] =	vst v63  }
0x197: {  	s19 =	sadd.s32 $0xFFFFFD58, s11;
	s18 =	sadd.s32 $0x20, s1;
	s12 =	sadd.s32 @!p0 $0x5, s16  }
0x198: {  	[hbm4b:s18+s3] =	stream.linear.scatter [tilespmem:s19], [sflag:$0x6], $0x80, $0x38;
	[tilespmem:$0x12A00] =	vst v63  }
0x199: {  	s21 =	sadd.s32 $0xFFFFFDE0, s11;
	s20 =	sadd.s32 $0x30, s1;
	s18 =	smulhi.u32 @!p0 $0x51EB851F, s12  }
0x19a: {  	[hbm4b:s20+s3] =	stream.linear.scatter [tilespmem:s21], [sflag:$0x6], $0x80, $0x38;
	[tilespmem:$0x12A00] =	vst v63  }
0x19b: {  	s13 =	sshrl.u32 @!p0 s18, $0x4  }
0x19c: {  	s30 =	sadd.s32 $0x40, s1;
	s14 =	sadd.s32 $0xFFFFFE68, s11;
	s13 =	smul.u32 @!p0 $0x18CE, s13  }
0x19d: {  	v28 =	vlaneseq.u32 @!p0;
	[hbm4b:s30+s3] =	stream.linear.scatter [tilespmem:s14], [sflag:$0x6], $0x80, $0x38;
	[tilespmem:$0x12A00] =	vst v63  }
0x19e: {  	v28 =	vmul.u32 @!p0 $0x32, v28;
	s19 =	sadd.s32 $0x50, s1;
	s20 =	sadd.s32 $0xFFFFFEF0, s11;
	s12 =	sadd.s32 @!p0 s12, s13  }
0x19f: {  	[hbm4b:s19+s3] =	stream.linear.scatter [tilespmem:s20], [sflag:$0x6], $0x80, $0x38;
	[tilespmem:$0x12A00] =	vst v63  }
0x1a0: {  	s21 =	sadd.s32 $0x60, s1;
	s30 =	sadd.s32 $0xFFFFFF78, s11;
	v29 =	vadd.s32 @!p0 s12, v28  }
0x1a1: {  	[hbm4b:s21+s3] =	stream.linear.scatter [tilespmem:s30], [sflag:$0x6], $0x80, $0x38;
	[tilespmem:$0x12A00] =	vst v63  }
0x1a2: {  	s1 =	sadd.s32 $0x70, s1  }
0x1a3: {  	[hbm4b:s1+s3] =	stream.linear.scatter [tilespmem:s11], [sflag:$0x6], $0x80, $0x38;
	[tilespmem:$0x12A00] =	vst v63  }
0x1a4: {  	s1 =	simm.s32 @!p0 $0x0  }
0x1a5: {  	s11 =	sadd.s32 @!p0 $0x320, s12;
	v29 =	vld.idx.msk @!p0 [tilespmem:v29+s1+$0x0], $0xffff  }
0x1a6: {  	v30 =	vadd.s32 @!p0 s11, v28;
	_ =	sdelay $0x3  }
0x1a7: {  	[tilespmem:$0x6480] =	vst @!p0 v29  }
0x1a8: {  	s11 =	sadd.s32 @!p0 $0x640, s12;
	v29 =	vld.idx.msk @!p0 [tilespmem:v30+s1+$0x0], $0xffff  }
0x1a9: {  	v30 =	vadd.s32 @!p0 s11, v28;
	_ =	sdelay $0x3  }
0x1aa: {  	[tilespmem:$0x6490] =	vst @!p0 v29  }
0x1ab: {  	s11 =	sadd.s32 @!p0 $0x960, s12;
	v29 =	vld.idx.msk @!p0 [tilespmem:v30+s1+$0x0], $0xffff  }
0x1ac: {  	v30 =	vadd.s32 @!p0 s11, v28;
	_ =	sdelay $0x3  }
0x1ad: {  	[tilespmem:$0x64A0] =	vst @!p0 v29  }
0x1ae: {  	s11 =	sadd.s32 @!p0 $0xC80, s12;
	v29 =	vld.idx.msk @!p0 [tilespmem:v30+s1+$0x0], $0xffff  }
0x1af: {  	v30 =	vadd.s32 @!p0 s11, v28;
	_ =	sdelay $0x3  }
0x1b0: {  	[tilespmem:$0x64B0] =	vst @!p0 v29  }
0x1b1: {  	s11 =	sadd.s32 @!p0 $0xFA0, s12;
	v29 =	vld.idx.msk @!p0 [tilespmem:v30+s1+$0x0], $0xffff  }
0x1b2: {  	v30 =	vadd.s32 @!p0 s11, v28;
	_ =	sdelay $0x3  }
0x1b3: {  	[tilespmem:$0x64C0] =	vst @!p0 v29  }
0x1b4: {  	s11 =	sadd.s32 @!p0 $0x12C0, s12;
	v29 =	vld.idx.msk @!p0 [tilespmem:v30+s1+$0x0], $0xffff  }
0x1b5: {  	v30 =	vadd.s32 @!p0 s11, v28;
	_ =	sdelay $0x3  }
0x1b6: {  	[tilespmem:$0x64D0] =	vst @!p0 v29  }
0x1b7: {  	s11 =	sadd.s32 @!p0 $0x15E0, s12;
	v29 =	vld.idx.msk @!p0 [tilespmem:v30+s1+$0x0], $0xffff  }
0x1b8: {  	v28 =	vadd.s32 @!p0 s11, v28;
	_ =	sdelay $0x3  }
0x1b9: {  	[tilespmem:$0x64E0] =	vst @!p0 v29  }
0x1ba: {  	v28 =	vld.idx.msk @!p0 [tilespmem:v28+s1+$0x0], $0xffff;
	_ =	sdelay $0x4  }
0x1bb: {  	s12 =	simm.s32 @!p0 $0x8600;
	s11 =	simm.s32 @!p0 $0x6480;
	s1 =	simm.s32 @!p0 $0x80;
	[tilespmem:$0x64F0] =	vst @!p0 v28  }
0x1bc: {  	[tilespmem:s12], [sflag:$0x2] =	stream.indirect.gather @!p0 [hbm4b:s4+s1], $0x40, s11, s1, $0xb8;
	[tilespmem:$0x12A00] =	vst v63  }
0x1bd: {  	_ =	swait.ge [sflag:s26], $0x2000  }
0x1be: {  	[sflag:s26] =	ssyncset.done $0x0  }
0x1bf: {  	[sflag:s26] =	ssyncadd.s32 $0xFFFFE000  }
0x1c0: {  	s12 =	simm.s32 $0x3;
	_ =	swait.ge [sflag:s28], $0x2000  }
0x1c1: {  	v28 =	vmov s12;
	[sflag:s28] =	ssyncset.done $0x0  }
0x1c2: {  	s13 =	simm.s32 $0x0;
	s11 =	simm.s32 $0xA6F0;
	v29 =	vand.u32 $0x7F, v28;
	[sflag:s28] =	ssyncadd.s32 $0xFFFFE000  }
0x1c3: {  	s14 =	simm.s32 $0x1;
	v28 =	vmov s13;
	v32 =	vadd.s32 v21, v29;
	v31 =	vld [tilespmem:s11+$0xFFFFFFD0]  }
0x1c4: {  	v30 =	vand.u32 $0x7C, v28;
	v28 =	vmov s14  }
0x1c5: {  	v34 =	vadd.s32 v21, v30;
	v35 =	vand.u32 $0x7D, v28;
	v33 =	vld [tilespmem:s11+$0xFFFFFF10]  }
0x1c6: {  	v36 =	vadd.s32 v21, v35;
	v28 =	vld [tilespmem:s11+$0xFFFFFF50]  }
0x1c7: {  	s18 =	simm.s32 $0x2  }
0x1c8: {  	v37 =	vmov s18;
	[tilespmem:v32+s22+$0x0] =	vst.idx.msk $0xffff, v31  }
0x1c9: {  	v37 =	vand.u32 $0x7E, v37;
	v48 =	vadd.s32 v25, v29;
	v31 =	vld [tilespmem:s11+$0xFFFFFFE0]  }
0x1ca: {  	v39 =	vadd.s32 v21, v37;
	v38 =	vld [tilespmem:s11+$0xFFFFFF90];
	[tilespmem:v34+s22+$0x0] =	vst.idx.msk $0xffff, v33  }
0x1cb: {  	s30 =	simm.s32 $0x6;
	v49 =	vadd.s32 v25, v30;
	[tilespmem:v36+s22+$0x0] =	vst.idx.msk $0xffff, v28;
	v33 =	vld [tilespmem:s11+$0xFFFFFF20]  }
0x1cc: {  	v54 =	vmov s30;
	v50 =	vadd.s32 v25, v35;
	v28 =	vld [tilespmem:s11+$0xFFFFFF60]  }
0x1cd: {  	s1 =	simm.s32 $0xA7F0;
	v51 =	vadd.s32 v26, v29;
	v56 =	vadd.s32 v27, v29;
	v29 =	vand.u32 $0x7E, v54  }
0x1ce: {  	s19 =	simm.s32 $0x7;
	v60 =	vadd.s32 v21, v29;
	v59 =	vld [tilespmem:s1+$0xFFFFFF90];
	[tilespmem:v48+s22+$0x0] =	vst.idx.msk $0xffff, v31  }
0x1cf: {  	v53 =	vmov s19;
	[tilespmem:v39+s22+$0x0] =	vst.idx.msk $0xffff, v38;
	v31 =	vld [tilespmem:s11+$0xFFFFFFF0]  }
0x1d0: {  	v40 =	vadd.s32 v25, v37;
	s20 =	simm.s32 $0x4;
	v32 =	vand.u32 $0x7F, v53;
	v39 =	vld [tilespmem:s11+$0xFFFFFFA0];
	[tilespmem:v49+s22+$0x0] =	vst.idx.msk $0xffff, v33  }
0x1d1: {  	v42 =	vld [tilespmem:s1+$0xFFFFFFD0];
	v43 =	vadd.s32 v21, v32;
	[tilespmem:v50+s22+$0x0] =	vst.idx.msk $0xffff, v28;
	v28 =	vmov s20  }
0x1d2: {  	s21 =	simm.s32 $0x5;
	v52 =	vadd.s32 v26, v30;
	v33 =	vld [tilespmem:s11+$0xFFFFFF30];
	v28 =	vand.u32 $0x7C, v28  }
0x1d3: {  	v46 =	vmov s21;
	v44 =	vld [tilespmem:s1+$0xFFFFFF10];
	[tilespmem:v60+s22+$0x0] =	vst.idx.msk $0xffff, v59;
	v45 =	vadd.s32 v21, v28  }
0x1d4: {  	v41 =	vadd.s32 v26, v35;
	v36 =	vld [tilespmem:s11+$0xFFFFFF70];
	[tilespmem:v51+s22+$0x0] =	vst.idx.msk $0xffff, v31;
	v31 =	vand.u32 $0x7D, v46  }
0x1d5: {  	v57 =	vld [tilespmem:s1+$0xFFFFFF50];
	[tilespmem:v40+s22+$0x0] =	vst.idx.msk $0xffff, v39;
	v58 =	vadd.s32 v21, v31  }
0x1d6: {  	v62 =	vadd.s32 v26, v37;
	[tilespmem:v43+s22+$0x0] =	vst.idx.msk $0xffff, v42;
	v61 =	vld [tilespmem:s11+$0xFFFFFFB0]  }
0x1d7: {  	v63 =	vadd.s32 v25, v32;
	v43 =	vld [tilespmem:s1+$0xFFFFFFE0];
	[tilespmem:v52+s22+$0x0] =	vst.idx.msk $0xffff, v33  }
0x1d8: {  	v55 =	vld [tilespmem:s11+$0x0];
	[tilespmem:v45+s22+$0x0] =	vst.idx.msk $0xffff, v44  }
0x1d9: {  	v47 =	vadd.s32 v25, v28;
	[tilespmem:v41+s22+$0x0] =	vst.idx.msk $0xffff, v36;
	v45 =	vld [tilespmem:s1+$0xFFFFFF20]  }
0x1da: {  	v49 =	vadd.s32 v27, v35;
	v48 =	vld [tilespmem:s11+$0xFFFFFF80];
	[tilespmem:v58+s22+$0x0] =	vst.idx.msk $0xffff, v57  }
0x1db: {  	[tilespmem:v62+s22+$0x0] =	vst.idx.msk $0xffff, v61;
	v42 =	vadd.s32 v25, v31;
	v41 =	vld [tilespmem:s1+$0xFFFFFF60]  }
0x1dc: {  	v39 =	vld [tilespmem:s1+$0xFFFFFFA0];
	v40 =	vadd.s32 v25, v29;
	[tilespmem:v63+s22+$0x0] =	vst.idx.msk $0xffff, v43  }
0x1dd: {  	v38 =	vadd.s32 v27, v37;
	v35 =	vld [tilespmem:s11+$0xFFFFFFC0];
	[tilespmem:v56+s22+$0x0] =	vst.idx.msk $0xffff, v55  }
0x1de: {  	v36 =	vadd.s32 v26, v32;
	v33 =	vld [tilespmem:s1+$0xFFFFFFF0];
	[tilespmem:v47+s22+$0x0] =	vst.idx.msk $0xffff, v45  }
0x1df: {  	s18 =	simm.s32 $0xB;
	s13 =	simm.s32 $0x8;
	s14 =	simm.s32 $0xC;
	v37 =	vadd.s32 v26, v28;
	[tilespmem:v49+s22+$0x0] =	vst.idx.msk $0xffff, v48;
	v34 =	vld [tilespmem:s1+$0xFFFFFF30]  }
.LBB2_23:
0x1e0: {  	p1 =	slt.u32 s14, $0x7C;
	v43 =	vmov s18;
	[tilespmem:v42+s22+$0x0] =	vst.idx.msk $0xffff, v41;
	v41 =	vld [tilespmem:s11+$0xFFFFFF40];
	v42 =	vadd.s32 v27, v30;
	v30 =	vmov v28;
	s11 =	smov.u32 s1  }
0x1e1: {  	v28 =	vmov s13;
	v45 =	vadd.s32 v26, v31;
	s1 =	sadd.s32 $0x100, s1;
	v43 =	vand.u32 $0x7F, v43;
	v44 =	vld [tilespmem:s11+$0xFFFFFF70];
	[tilespmem:v40+s22+$0x0] =	vst.idx.msk $0xffff, v39  }
0x1e2: {  	s12 =	sadd.s32 $0x1, s13;
	v28 =	vand.u32 $0x7C, v28;
	v39 =	vld [tilespmem:s1+$0xFFFFFFD0];
	v40 =	vadd.s32 v21, v43;
	[tilespmem:v38+s22+$0x0] =	vst.idx.msk $0xffff, v35  }
0x1e3: {  	v46 =	vmov s12;
	s12 =	sadd.s32 $0x2, s13;
	s13 =	smov.u32 s14;
	v38 =	vadd.s32 v21, v28;
	v35 =	vld [tilespmem:s1+$0xFFFFFF10];
	[tilespmem:v36+s22+$0x0] =	vst.idx.msk $0xffff, v33  }
0x1e4: {  	v33 =	vand.u32 $0x7D, v46;
	v36 =	vmov s12;
	[tilespmem:v37+s22+$0x0] =	vst.idx.msk $0xffff, v34;
	v34 =	vld [tilespmem:s11+$0x0];
	v37 =	vadd.s32 v27, v32;
	v32 =	vmovc v43  }
0x1e5: {  	v46 =	vadd.s32 v21, v33;
	v36 =	vand.u32 $0x7E, v36;
	v43 =	vld [tilespmem:s1+$0xFFFFFF50];
	[tilespmem:v42+s22+$0x0] =	vst.idx.msk $0xffff, v41  }
0x1e6: {  	v48 =	vadd.s32 v21, v36;
	v47 =	vld [tilespmem:s1+$0xFFFFFF90];
	[tilespmem:v45+s22+$0x0] =	vst.idx.msk $0xffff, v44  }
0x1e7: {  	v45 =	vadd.s32 v26, v29;
	[tilespmem:v40+s22+$0x0] =	vst.idx.msk $0xffff, v39;
	v44 =	vld [tilespmem:s11+$0xFFFFFFB0]  }
0x1e8: {  	[tilespmem:v38+s22+$0x0] =	vst.idx.msk $0xffff, v35;
	v35 =	vld [tilespmem:s1+$0xFFFFFFE0];
	v38 =	vadd.s32 v25, v32  }
0x1e9: {  	v50 =	vadd.s32 v25, v28;
	v49 =	vld [tilespmem:s1+$0xFFFFFF20];
	[tilespmem:v37+s22+$0x0] =	vst.idx.msk $0xffff, v34  }
0x1ea: {  	[tilespmem:v46+s22+$0x0] =	vst.idx.msk $0xffff, v43;
	v43 =	vld [tilespmem:s11+$0xFFFFFF80];
	v46 =	vadd.s32 v27, v31;
	v31 =	vmov v33  }
.Ltmp13:
0x1eb: {  	v41 =	vld [tilespmem:s1+$0xFFFFFF60];
	v42 =	vadd.s32 v25, v31;
	[tilespmem:v48+s22+$0x0] =	vst.idx.msk $0xffff, v47;
	(pc) =	sbr.rel @p1 .LBB2_23-.Ltmp13, $4  }
0x1ec: {  	v40 =	vadd.s32 v25, v36;
	v39 =	vld [tilespmem:s1+$0xFFFFFFA0];
	[tilespmem:v45+s22+$0x0] =	vst.idx.msk $0xffff, v44  }
0x1ed: {  	[tilespmem:v38+s22+$0x0] =	vst.idx.msk $0xffff, v35;
	v35 =	vld [tilespmem:s11+$0xFFFFFFC0];
	v38 =	vadd.s32 v27, v29;
	v29 =	vmov v36  }
0x1ee: {  	v36 =	vadd.s32 v26, v32;
	[tilespmem:v50+s22+$0x0] =	vst.idx.msk $0xffff, v49;
	v33 =	vld [tilespmem:s1+$0xFFFFFFF0]  }
0x1ef: {  	s14 =	sadd.s32 $0x4, s14;
	s18 =	sadd.s32 $0x3, s13;
	v37 =	vadd.s32 v26, v28;
	v34 =	vld [tilespmem:s1+$0xFFFFFF30];
	[tilespmem:v46+s22+$0x0] =	vst.idx.msk $0xffff, v43  }
0x1f0: {  	_ =	sdelay $0x2  }
0x1f1: {  	v43 =	vmov s18  }
0x1f2: {  	s12 =	sadd.s32 $0x1, s13;
	[tilespmem:v42+s22+$0x0] =	vst.idx.msk $0xffff, v41;
	v63 =	vld [tilespmem:s11+$0xFFFFFF40];
	v30 =	vadd.s32 v27, v30;
	s21 =	sadd.s32 $0x100, s1;
	v45 =	vmov s13;
	v42 =	vand.u32 $0x7F, v43  }
0x1f3: {  	s30 =	sadd.s32 $0x2, s13;
	v48 =	vmov s12;
	[tilespmem:v40+s22+$0x0] =	vst.idx.msk $0xffff, v39;
	v49 =	vld [tilespmem:s21+$0xFFFFFFD0];
	v45 =	vand.u32 $0x7C, v45;
	v50 =	vadd.s32 v21, v42  }
0x1f4: {  	v44 =	vmov s30;
	v46 =	vld [tilespmem:s21+$0xFFFFFF10];
	v43 =	vand.u32 $0x7D, v48;
	[tilespmem:v38+s22+$0x0] =	vst.idx.msk $0xffff, v35;
	v55 =	vadd.s32 v21, v45  }
0x1f5: {  	v51 =	vld [tilespmem:s21+$0xFFFFFF50];
	v44 =	vand.u32 $0x7E, v44;
	v52 =	vadd.s32 v21, v43;
	[tilespmem:v36+s22+$0x0] =	vst.idx.msk $0xffff, v33  }
0x1f6: {  	v53 =	vld [tilespmem:s21+$0xFFFFFF90];
	v54 =	vadd.s32 v21, v44;
	[tilespmem:v37+s22+$0x0] =	vst.idx.msk $0xffff, v34  }
0x1f7: {  	v57 =	vadd.s32 v26, v31;
	v56 =	vld [tilespmem:s1+$0xFFFFFF70];
	[tilespmem:v30+s22+$0x0] =	vst.idx.msk $0xffff, v63  }
0x1f8: {  	v48 =	vld [tilespmem:s1+$0xFFFFFFB0];
	[tilespmem:v50+s22+$0x0] =	vst.idx.msk $0xffff, v49;
	v49 =	vadd.s32 v26, v29  }
0x1f9: {  	v59 =	vadd.s32 v25, v42;
	[tilespmem:v55+s22+$0x0] =	vst.idx.msk $0xffff, v46;
	v39 =	vld [tilespmem:s21+$0xFFFFFFE0]  }
0x1fa: {  	v63 =	vadd.s32 v25, v45;
	[tilespmem:v52+s22+$0x0] =	vst.idx.msk $0xffff, v51;
	v62 =	vld [tilespmem:s21+$0xFFFFFF20]  }
0x1fb: {  	v60 =	vadd.s32 v25, v43;
	[tilespmem:v54+s22+$0x0] =	vst.idx.msk $0xffff, v53;
	v35 =	vld [tilespmem:s21+$0xFFFFFF60]  }
0x1fc: {  	v61 =	vadd.s32 v25, v44;
	[tilespmem:v57+s22+$0x0] =	vst.idx.msk $0xffff, v56;
	v33 =	vld [tilespmem:s21+$0xFFFFFFA0]  }
0x1fd: {  	v32 =	vadd.s32 v27, v32;
	v58 =	vld [tilespmem:s1+$0x0];
	[tilespmem:v49+s22+$0x0] =	vst.idx.msk $0xffff, v48  }
0x1fe: {  	v29 =	vadd.s32 v27, v29;
	[tilespmem:v59+s22+$0x0] =	vst.idx.msk $0xffff, v39;
	v37 =	vld [tilespmem:s1+$0xFFFFFFC0]  }
0x1ff: {  	v52 =	vadd.s32 v26, v42;
	[tilespmem:v63+s22+$0x0] =	vst.idx.msk $0xffff, v62;
	v39 =	vld [tilespmem:s21+$0xFFFFFFF0]  }
0x200: {  	v57 =	vadd.s32 v26, v45;
	[tilespmem:v60+s22+$0x0] =	vst.idx.msk $0xffff, v35;
	v56 =	vld [tilespmem:s21+$0xFFFFFF30]  }
0x201: {  	v53 =	vadd.s32 v26, v43;
	[tilespmem:v61+s22+$0x0] =	vst.idx.msk $0xffff, v33;
	v35 =	vld [tilespmem:s21+$0xFFFFFF70]  }
0x202: {  	v55 =	vadd.s32 v26, v44;
	[tilespmem:v32+s22+$0x0] =	vst.idx.msk $0xffff, v58;
	v54 =	vld [tilespmem:s21+$0xFFFFFFB0]  }
0x203: {  	v50 =	vld [tilespmem:s1+$0xFFFFFF80];
	v51 =	vadd.s32 v27, v31;
	[tilespmem:v29+s22+$0x0] =	vst.idx.msk $0xffff, v37  }
0x204: {  	v28 =	vadd.s32 v27, v28;
	v58 =	vld [tilespmem:s1+$0xFFFFFF40];
	[tilespmem:v52+s22+$0x0] =	vst.idx.msk $0xffff, v39  }
0x205: {  	v60 =	vadd.s32 v27, v42;
	[tilespmem:v57+s22+$0x0] =	vst.idx.msk $0xffff, v56;
	v59 =	vld [tilespmem:s21+$0x0]  }
0x206: {  	v63 =	vadd.s32 v27, v45;
	[tilespmem:v53+s22+$0x0] =	vst.idx.msk $0xffff, v35;
	v29 =	vld [tilespmem:s21+$0xFFFFFF40]  }
0x207: {  	v61 =	vadd.s32 v27, v43;
	[tilespmem:v55+s22+$0x0] =	vst.idx.msk $0xffff, v54;
	v35 =	vld [tilespmem:s21+$0xFFFFFF80]  }
0x208: {  	p2 =	por $0x1, $0x1;
	[tilespmem:v51+s22+$0x0] =	vst.idx.msk $0xffff, v50;
	v62 =	vadd.s32 v27, v44;
	v30 =	vld [tilespmem:s21+$0xFFFFFFC0]  }
.Ltmp14:
0x209: {  	[tilespmem:v28+s22+$0x0] =	vst.idx.msk $0xffff, v58;
	(pc) =	sbr.rel @!p2 .LBB2_25-.Ltmp14, $4  }
0x20a: {  	[tilespmem:v60+s22+$0x0] =	vst.idx.msk $0xffff, v59  }
0x20b: {  	[tilespmem:v63+s22+$0x0] =	vst.idx.msk $0xffff, v29  }
0x20c: {  	s11 =	sshrl.u32 s15, $0x3;
	s19 =	simm.s32 $0xE688;
	[tilespmem:v61+s22+$0x0] =	vst.idx.msk $0xffff, v35  }
0x20d: {  	s18 =	sadd.s32 $0x20000, s15;
	p1 =	por $0x0, $0x0;
	s1 =	simm.s32 $0xE9B8;
	[tilespmem:v62+s22+$0x0] =	vst.idx.msk $0xffff, v30  }
0x20e: {  	s12 =	sadd.s32 s2, s11;
	s20 =	simm.s32 $0xE600  }
0x20f: {  	[hbm4b:s12+s3] =	stream.linear.scatter [tilespmem:s20], [sflag:$0x5], $0x80, $0x38;
	[tilespmem:$0x12A00] =	vst v63  }
0x210: {  	s13 =	simm.s32 $0xE710;
	s21 =	sadd.s32 $0x10, s12  }
0x211: {  	[hbm4b:s21+s3] =	stream.linear.scatter [tilespmem:s19], [sflag:$0x5], $0x80, $0x38;
	[tilespmem:$0x12A00] =	vst v63  }
0x212: {  	s15 =	simm.s32 $0xE798;
	s11 =	sshrl.u32 s18, $0x3;
	s30 =	sadd.s32 $0x20, s12  }
0x213: {  	[hbm4b:s30+s3] =	stream.linear.scatter [tilespmem:s13], [sflag:$0x5], $0x80, $0x38;
	[tilespmem:$0x12A00] =	vst v63  }
0x214: {  	p2 =	por $0x1, $0x1;
	s18 =	sadd.s32 $0x20000, s18;
	s14 =	sadd.s32 $0x30, s12  }
0x215: {  	[hbm4b:s14+s3] =	stream.linear.scatter [tilespmem:s15], [sflag:$0x5], $0x80, $0x38;
	[tilespmem:$0x12A00] =	vst v63  }
0x216: {  	p1 =	por $0x1, $0x1;
	s20 =	simm.s32 $0xE820;
	s19 =	sadd.s32 $0x40, s12  }
0x217: {  	[hbm4b:s19+s3] =	stream.linear.scatter [tilespmem:s20], [sflag:$0x5], $0x80, $0x38;
	[tilespmem:$0x12A00] =	vst v63  }
.Ltmp15:
0x218: {  	s21 =	sadd.s32 $0x50, s12;
	s13 =	sadd.s32 $0x70, s12;
	(pc) =	sbr.rel @!p2 .LBB2_27-.Ltmp15, $4  }
0x219: {  	s12 =	sadd.s32 $0x60, s12;
	s30 =	simm.s32 $0xE930;
	s14 =	simm.s32 $0xE8A8  }
0x21a: {  	[hbm4b:s21+s3] =	stream.linear.scatter [tilespmem:s14], [sflag:$0x5], $0x80, $0x38;
	[tilespmem:$0x12A00] =	vst v63  }
0x21b: {  	s15 =	simm.s32 $0x8;
	s19 =	simm.s32 $0xEAC8;
	s14 =	simm.s32 $0xEDF8  }
0x21c: {  	[hbm4b:s12+s3] =	stream.linear.scatter [tilespmem:s30], [sflag:$0x5], $0x80, $0x38;
	[tilespmem:$0x12A00] =	vst v63  }
.LBB2_28:
0x21d: {  	[hbm4b:s13+s3] =	stream.linear.scatter [tilespmem:s1], [sflag:$0x5], $0x80, $0x38;
	[tilespmem:$0x12A00] =	vst v63  }
0x21e: {  	s12 =	sadd.s32 s2, s11;
	s11 =	sshrl.u32 s18, $0x3;
	s1 =	sadd.s32 $0xFFFFFC48, s14  }
0x21f: {  	[hbm4b:s12+s3] =	stream.linear.scatter [tilespmem:s1], [sflag:$0x5], $0x80, $0x38;
	[tilespmem:$0x12A00] =	vst v63  }
0x220: {  	s20 =	sadd.s32 $0x30, s12;
	s13 =	sadd.s32 $0x70, s12;
	s1 =	sadd.s32 $0x10, s12  }
0x221: {  	[hbm4b:s1+s3] =	stream.linear.scatter [tilespmem:s19], [sflag:$0x5], $0x80, $0x38;
	[tilespmem:$0x12A00] =	vst v63  }
0x222: {  	s15 =	sadd.s32 $0x8, s15;
	s1 =	sadd.s32 $0x20, s12;
	s19 =	sadd.s32 $0xFFFFFD58, s14  }
0x223: {  	[hbm4b:s1+s3] =	stream.linear.scatter [tilespmem:s19], [sflag:$0x5], $0x80, $0x38;
	[tilespmem:$0x12A00] =	vst v63  }
0x224: {  	p2 =	slt.u32 s15, $0x38;
	s19 =	sadd.s32 $0xFFFFFDE0, s14;
	s1 =	smov.u32 s14  }
0x225: {  	[hbm4b:s20+s3] =	stream.linear.scatter [tilespmem:s19], [sflag:$0x5], $0x80, $0x38;
	[tilespmem:$0x12A00] =	vst v63  }
0x226: {  	s19 =	sadd.s32 $0x40, s12;
	s20 =	sadd.s32 $0xFFFFFE68, s14  }
0x227: {  	[hbm4b:s19+s3] =	stream.linear.scatter [tilespmem:s20], [sflag:$0x5], $0x80, $0x38;
	[tilespmem:$0x12A00] =	vst v63  }
.Ltmp16:
0x228: {  	s19 =	sadd.s32 $0x50, s12;
	s20 =	sadd.s32 $0xFFFFFEF0, s14;
	(pc) =	sbr.rel @p2 .LBB2_28-.Ltmp16, $4  }
0x229: {  	[hbm4b:s19+s3] =	stream.linear.scatter [tilespmem:s20], [sflag:$0x5], $0x80, $0x38;
	[tilespmem:$0x12A00] =	vst v63  }
0x22a: {  	s12 =	sadd.s32 $0x60, s12;
	s14 =	sadd.s32 $0x440, s14;
	s19 =	sadd.s32 $0xFFFFFF78, s1  }
0x22b: {  	[hbm4b:s12+s3] =	stream.linear.scatter [tilespmem:s19], [sflag:$0x5], $0x80, $0x38;
	[tilespmem:$0x12A00] =	vst v63  }
0x22c: {  	s18 =	sadd.s32 $0x20000, s18;
	s19 =	sadd.s32 $0xFFFFFCD0, s14  }
0x22d: {  	s15 =	smov.u32 s1;
	s1 =	smov.u32 s14  }
.LBB2_30:
0x22e: {  	[hbm4b:s13+s3] =	stream.linear.scatter @p1 [tilespmem:s15], [sflag:$0x5], $0x80, $0x38;
	[tilespmem:$0x12A00] =	vst v63  }
0x22f: {  	s11 =	sadd.s32 s2, s11;
	s12 =	sadd.s32 $0xFFFFFC48, s1  }
0x230: {  	[hbm4b:s11+s3] =	stream.linear.scatter [tilespmem:s12], [sflag:$0x5], $0x80, $0x38;
	[tilespmem:$0x12A00] =	vst v63  }
0x231: {  	s20 =	sadd.s32 $0x10, s11  }
0x232: {  	[hbm4b:s20+s3] =	stream.linear.scatter [tilespmem:s19], [sflag:$0x5], $0x80, $0x38;
	[tilespmem:$0x12A00] =	vst v63  }
0x233: {  	s30 =	sadd.s32 $0xFFFFFD58, s1;
	s21 =	sadd.s32 $0x20, s11  }
0x234: {  	[hbm4b:s21+s3] =	stream.linear.scatter [tilespmem:s30], [sflag:$0x5], $0x80, $0x38;
	[tilespmem:$0x12A00] =	vst v63  }
0x235: {  	s15 =	sadd.s32 $0xFFFFFDE0, s1;
	s14 =	sadd.s32 $0x30, s11;
	s12 =	sadd.s32 @!p0 $0x6, s16  }
0x236: {  	[hbm4b:s14+s3] =	stream.linear.scatter [tilespmem:s15], [sflag:$0x5], $0x80, $0x38;
	[tilespmem:$0x12A00] =	vst v63  }
0x237: {  	s18 =	sadd.s32 $0x40, s11;
	s14 =	sadd.s32 $0xFFFFFE68, s1;
	s15 =	smulhi.u32 @!p0 $0x51EB851F, s12  }
0x238: {  	[hbm4b:s18+s3] =	stream.linear.scatter [tilespmem:s14], [sflag:$0x5], $0x80, $0x38;
	[tilespmem:$0x12A00] =	vst v63  }
0x239: {  	s13 =	sshrl.u32 @!p0 s15, $0x4  }
0x23a: {  	v28 =	vlaneseq.u32 @!p0;
	s19 =	sadd.s32 $0x50, s11;
	s20 =	sadd.s32 $0xFFFFFEF0, s1;
	s13 =	smul.u32 @!p0 $0x18CE, s13  }
0x23b: {  	v28 =	vmul.u32 @!p0 $0x32, v28;
	[hbm4b:s19+s3] =	stream.linear.scatter [tilespmem:s20], [sflag:$0x5], $0x80, $0x38;
	[tilespmem:$0x12A00] =	vst v63  }
0x23c: {  	s12 =	sadd.s32 @!p0 s12, s13  }
0x23d: {  	s21 =	sadd.s32 $0x60, s11;
	s30 =	sadd.s32 $0xFFFFFF78, s1;
	v29 =	vadd.s32 @!p0 s12, v28  }
0x23e: {  	[hbm4b:s21+s3] =	stream.linear.scatter [tilespmem:s30], [sflag:$0x5], $0x80, $0x38;
	[tilespmem:$0x12A00] =	vst v63  }
0x23f: {  	s11 =	sadd.s32 $0x70, s11  }
0x240: {  	[hbm4b:s11+s3] =	stream.linear.scatter [tilespmem:s1], [sflag:$0x5], $0x80, $0x38;
	[tilespmem:$0x12A00] =	vst v63  }
0x241: {  	s1 =	simm.s32 @!p0 $0x0  }
0x242: {  	s11 =	sadd.s32 @!p0 $0x320, s12;
	v29 =	vld.idx.msk @!p0 [tilespmem:v29+s1+$0x0], $0xffff  }
0x243: {  	v30 =	vadd.s32 @!p0 s11, v28;
	_ =	sdelay $0x3  }
0x244: {  	[tilespmem:$0x6500] =	vst @!p0 v29  }
0x245: {  	s11 =	sadd.s32 @!p0 $0x640, s12;
	v29 =	vld.idx.msk @!p0 [tilespmem:v30+s1+$0x0], $0xffff  }
0x246: {  	v30 =	vadd.s32 @!p0 s11, v28;
	_ =	sdelay $0x3  }
0x247: {  	[tilespmem:$0x6510] =	vst @!p0 v29  }
0x248: {  	s11 =	sadd.s32 @!p0 $0x960, s12;
	v29 =	vld.idx.msk @!p0 [tilespmem:v30+s1+$0x0], $0xffff  }
0x249: {  	v30 =	vadd.s32 @!p0 s11, v28;
	_ =	sdelay $0x3  }
0x24a: {  	[tilespmem:$0x6520] =	vst @!p0 v29  }
0x24b: {  	s11 =	sadd.s32 @!p0 $0xC80, s12;
	v29 =	vld.idx.msk @!p0 [tilespmem:v30+s1+$0x0], $0xffff  }
0x24c: {  	v30 =	vadd.s32 @!p0 s11, v28;
	_ =	sdelay $0x3  }
0x24d: {  	[tilespmem:$0x6530] =	vst @!p0 v29  }
0x24e: {  	s11 =	sadd.s32 @!p0 $0xFA0, s12;
	v29 =	vld.idx.msk @!p0 [tilespmem:v30+s1+$0x0], $0xffff  }
0x24f: {  	v30 =	vadd.s32 @!p0 s11, v28;
	_ =	sdelay $0x3  }
0x250: {  	[tilespmem:$0x6540] =	vst @!p0 v29  }
0x251: {  	s11 =	sadd.s32 @!p0 $0x12C0, s12;
	v29 =	vld.idx.msk @!p0 [tilespmem:v30+s1+$0x0], $0xffff  }
0x252: {  	v30 =	vadd.s32 @!p0 s11, v28;
	_ =	sdelay $0x3  }
0x253: {  	[tilespmem:$0x6550] =	vst @!p0 v29  }
0x254: {  	s11 =	sadd.s32 @!p0 $0x15E0, s12;
	v29 =	vld.idx.msk @!p0 [tilespmem:v30+s1+$0x0], $0xffff  }
0x255: {  	v28 =	vadd.s32 @!p0 s11, v28;
	_ =	sdelay $0x3  }
0x256: {  	[tilespmem:$0x6560] =	vst @!p0 v29  }
0x257: {  	v28 =	vld.idx.msk @!p0 [tilespmem:v28+s1+$0x0], $0xffff;
	_ =	sdelay $0x4  }
0x258: {  	s12 =	simm.s32 @!p0 $0xA600;
	s11 =	simm.s32 @!p0 $0x6500;
	s1 =	simm.s32 @!p0 $0x80;
	[tilespmem:$0x6570] =	vst @!p0 v28  }
0x259: {  	[tilespmem:s12], [sflag:$0x3] =	stream.indirect.gather @!p0 [hbm4b:s4+s1], $0x40, s11, s1, $0xb8;
	[tilespmem:$0x12A00] =	vst v63  }
0x25a: {  	_ =	swait.ge [sflag:s29], $0x2000  }
0x25b: {  	[sflag:s29] =	ssyncset.done $0x0  }
0x25c: {  	[sflag:s29] =	ssyncadd.s32 $0xFFFFE000  }
0x25d: {  	s14 =	simm.s32 $0x3;
	_ =	swait.ge [sflag:s24], $0x2000  }
0x25e: {  	v28 =	vmov s14;
	[sflag:s24] =	ssyncset.done $0x0  }
0x25f: {  	s15 =	simm.s32 $0x0;
	s11 =	simm.s32 $0xC6F0;
	v29 =	vand.u32 $0x7F, v28;
	[sflag:s24] =	ssyncadd.s32 $0xFFFFE000  }
0x260: {  	s16 =	simm.s32 $0x1;
	v28 =	vmov s15;
	v32 =	vadd.s32 v21, v29;
	v31 =	vld [tilespmem:s11+$0xFFFFFFD0]  }
0x261: {  	v30 =	vand.u32 $0x7C, v28;
	v28 =	vmov s16  }
0x262: {  	v34 =	vadd.s32 v21, v30;
	v35 =	vand.u32 $0x7D, v28;
	v33 =	vld [tilespmem:s11+$0xFFFFFF10]  }
0x263: {  	v36 =	vadd.s32 v21, v35;
	v28 =	vld [tilespmem:s11+$0xFFFFFF50]  }
0x264: {  	s18 =	simm.s32 $0x2  }
0x265: {  	v37 =	vmov s18;
	[tilespmem:v32+s25+$0x0] =	vst.idx.msk $0xffff, v31  }
0x266: {  	v37 =	vand.u32 $0x7E, v37;
	v48 =	vadd.s32 v25, v29;
	v31 =	vld [tilespmem:s11+$0xFFFFFFE0]  }
0x267: {  	v39 =	vadd.s32 v21, v37;
	v38 =	vld [tilespmem:s11+$0xFFFFFF90];
	[tilespmem:v34+s25+$0x0] =	vst.idx.msk $0xffff, v33  }
0x268: {  	s30 =	simm.s32 $0x6;
	v49 =	vadd.s32 v25, v30;
	[tilespmem:v36+s25+$0x0] =	vst.idx.msk $0xffff, v28;
	v33 =	vld [tilespmem:s11+$0xFFFFFF20]  }
0x269: {  	v54 =	vmov s30;
	v50 =	vadd.s32 v25, v35;
	v28 =	vld [tilespmem:s11+$0xFFFFFF60]  }
0x26a: {  	s1 =	simm.s32 $0xC7F0;
	v51 =	vadd.s32 v26, v29;
	v56 =	vadd.s32 v27, v29;
	v29 =	vand.u32 $0x7E, v54  }
0x26b: {  	s19 =	simm.s32 $0x7;
	v60 =	vadd.s32 v21, v29;
	v59 =	vld [tilespmem:s1+$0xFFFFFF90];
	[tilespmem:v48+s25+$0x0] =	vst.idx.msk $0xffff, v31  }
0x26c: {  	v53 =	vmov s19;
	[tilespmem:v39+s25+$0x0] =	vst.idx.msk $0xffff, v38;
	v31 =	vld [tilespmem:s11+$0xFFFFFFF0]  }
0x26d: {  	s20 =	simm.s32 $0x4;
	v40 =	vadd.s32 v25, v37;
	v32 =	vand.u32 $0x7F, v53;
	v39 =	vld [tilespmem:s11+$0xFFFFFFA0];
	[tilespmem:v49+s25+$0x0] =	vst.idx.msk $0xffff, v33  }
0x26e: {  	v42 =	vld [tilespmem:s1+$0xFFFFFFD0];
	v43 =	vadd.s32 v21, v32;
	[tilespmem:v50+s25+$0x0] =	vst.idx.msk $0xffff, v28;
	v28 =	vmov s20  }
0x26f: {  	s21 =	simm.s32 $0x5;
	v52 =	vadd.s32 v26, v30;
	v33 =	vld [tilespmem:s11+$0xFFFFFF30];
	v28 =	vand.u32 $0x7C, v28  }
0x270: {  	v46 =	vmov s21;
	v44 =	vld [tilespmem:s1+$0xFFFFFF10];
	[tilespmem:v60+s25+$0x0] =	vst.idx.msk $0xffff, v59;
	v45 =	vadd.s32 v21, v28  }
0x271: {  	v41 =	vadd.s32 v26, v35;
	v36 =	vld [tilespmem:s11+$0xFFFFFF70];
	[tilespmem:v51+s25+$0x0] =	vst.idx.msk $0xffff, v31;
	v31 =	vand.u32 $0x7D, v46  }
0x272: {  	v57 =	vld [tilespmem:s1+$0xFFFFFF50];
	[tilespmem:v40+s25+$0x0] =	vst.idx.msk $0xffff, v39;
	v58 =	vadd.s32 v21, v31  }
0x273: {  	v62 =	vadd.s32 v26, v37;
	[tilespmem:v43+s25+$0x0] =	vst.idx.msk $0xffff, v42;
	v61 =	vld [tilespmem:s11+$0xFFFFFFB0]  }
0x274: {  	v63 =	vadd.s32 v25, v32;
	v43 =	vld [tilespmem:s1+$0xFFFFFFE0];
	[tilespmem:v52+s25+$0x0] =	vst.idx.msk $0xffff, v33  }
0x275: {  	v55 =	vld [tilespmem:s11+$0x0];
	[tilespmem:v45+s25+$0x0] =	vst.idx.msk $0xffff, v44  }
0x276: {  	v47 =	vadd.s32 v25, v28;
	[tilespmem:v41+s25+$0x0] =	vst.idx.msk $0xffff, v36;
	v45 =	vld [tilespmem:s1+$0xFFFFFF20]  }
0x277: {  	v49 =	vadd.s32 v27, v35;
	v48 =	vld [tilespmem:s11+$0xFFFFFF80];
	[tilespmem:v58+s25+$0x0] =	vst.idx.msk $0xffff, v57  }
0x278: {  	[tilespmem:v62+s25+$0x0] =	vst.idx.msk $0xffff, v61;
	v42 =	vadd.s32 v25, v31;
	v41 =	vld [tilespmem:s1+$0xFFFFFF60]  }
0x279: {  	v39 =	vld [tilespmem:s1+$0xFFFFFFA0];
	v40 =	vadd.s32 v25, v29;
	[tilespmem:v63+s25+$0x0] =	vst.idx.msk $0xffff, v43  }
0x27a: {  	v38 =	vadd.s32 v27, v37;
	v35 =	vld [tilespmem:s11+$0xFFFFFFC0];
	[tilespmem:v56+s25+$0x0] =	vst.idx.msk $0xffff, v55  }
0x27b: {  	v36 =	vadd.s32 v26, v32;
	v33 =	vld [tilespmem:s1+$0xFFFFFFF0];
	[tilespmem:v47+s25+$0x0] =	vst.idx.msk $0xffff, v45  }
0x27c: {  	s13 =	simm.s32 $0x8;
	s14 =	simm.s32 $0xC;
	s15 =	simm.s32 $0xB;
	v37 =	vadd.s32 v26, v28;
	[tilespmem:v49+s25+$0x0] =	vst.idx.msk $0xffff, v48;
	v34 =	vld [tilespmem:s1+$0xFFFFFF30]  }
.LBB2_31:
0x27d: {  	p0 =	slt.u32 s14, $0x7C;
	v43 =	vmov s15;
	[tilespmem:v42+s25+$0x0] =	vst.idx.msk $0xffff, v41;
	v41 =	vld [tilespmem:s11+$0xFFFFFF40];
	v42 =	vadd.s32 v27, v30;
	v30 =	vmov v28;
	s11 =	smov.u32 s1  }
0x27e: {  	v28 =	vmov s13;
	v45 =	vadd.s32 v26, v31;
	s1 =	sadd.s32 $0x100, s1;
	v43 =	vand.u32 $0x7F, v43;
	v44 =	vld [tilespmem:s11+$0xFFFFFF70];
	[tilespmem:v40+s25+$0x0] =	vst.idx.msk $0xffff, v39  }
0x27f: {  	s12 =	sadd.s32 $0x1, s13;
	v28 =	vand.u32 $0x7C, v28;
	v39 =	vld [tilespmem:s1+$0xFFFFFFD0];
	v40 =	vadd.s32 v21, v43;
	[tilespmem:v38+s25+$0x0] =	vst.idx.msk $0xffff, v35  }
0x280: {  	v46 =	vmov s12;
	s12 =	sadd.s32 $0x2, s13;
	s13 =	smov.u32 s14;
	v38 =	vadd.s32 v21, v28;
	v35 =	vld [tilespmem:s1+$0xFFFFFF10];
	[tilespmem:v36+s25+$0x0] =	vst.idx.msk $0xffff, v33  }
0x281: {  	v33 =	vand.u32 $0x7D, v46;
	v36 =	vmov s12;
	[tilespmem:v37+s25+$0x0] =	vst.idx.msk $0xffff, v34;
	v34 =	vld [tilespmem:s11+$0x0];
	v37 =	vadd.s32 v27, v32;
	v32 =	vmovc v43  }
0x282: {  	v46 =	vadd.s32 v21, v33;
	v36 =	vand.u32 $0x7E, v36;
	v43 =	vld [tilespmem:s1+$0xFFFFFF50];
	[tilespmem:v42+s25+$0x0] =	vst.idx.msk $0xffff, v41  }
0x283: {  	v48 =	vadd.s32 v21, v36;
	v47 =	vld [tilespmem:s1+$0xFFFFFF90];
	[tilespmem:v45+s25+$0x0] =	vst.idx.msk $0xffff, v44  }
0x284: {  	v45 =	vadd.s32 v26, v29;
	[tilespmem:v40+s25+$0x0] =	vst.idx.msk $0xffff, v39;
	v44 =	vld [tilespmem:s11+$0xFFFFFFB0]  }
0x285: {  	[tilespmem:v38+s25+$0x0] =	vst.idx.msk $0xffff, v35;
	v35 =	vld [tilespmem:s1+$0xFFFFFFE0];
	v38 =	vadd.s32 v25, v32  }
0x286: {  	v50 =	vadd.s32 v25, v28;
	v49 =	vld [tilespmem:s1+$0xFFFFFF20];
	[tilespmem:v37+s25+$0x0] =	vst.idx.msk $0xffff, v34  }
0x287: {  	[tilespmem:v46+s25+$0x0] =	vst.idx.msk $0xffff, v43;
	v43 =	vld [tilespmem:s11+$0xFFFFFF80];
	v46 =	vadd.s32 v27, v31;
	v31 =	vmov v33  }
.Ltmp17:
0x288: {  	v41 =	vld [tilespmem:s1+$0xFFFFFF60];
	v42 =	vadd.s32 v25, v31;
	[tilespmem:v48+s25+$0x0] =	vst.idx.msk $0xffff, v47;
	(pc) =	sbr.rel @p0 .LBB2_31-.Ltmp17, $4  }
0x289: {  	v40 =	vadd.s32 v25, v36;
	v39 =	vld [tilespmem:s1+$0xFFFFFFA0];
	[tilespmem:v45+s25+$0x0] =	vst.idx.msk $0xffff, v44  }
0x28a: {  	[tilespmem:v38+s25+$0x0] =	vst.idx.msk $0xffff, v35;
	v35 =	vld [tilespmem:s11+$0xFFFFFFC0];
	v38 =	vadd.s32 v27, v29;
	v29 =	vmov v36  }
0x28b: {  	v36 =	vadd.s32 v26, v32;
	[tilespmem:v50+s25+$0x0] =	vst.idx.msk $0xffff, v49;
	v33 =	vld [tilespmem:s1+$0xFFFFFFF0]  }
0x28c: {  	s14 =	sadd.s32 $0x4, s14;
	s15 =	sadd.s32 $0x3, s13;
	v37 =	vadd.s32 v26, v28;
	v34 =	vld [tilespmem:s1+$0xFFFFFF30];
	[tilespmem:v46+s25+$0x0] =	vst.idx.msk $0xffff, v43  }
0x28d: {  	_ =	sdelay $0x2  }
0x28e: {  	v43 =	vmov s15  }
0x28f: {  	s12 =	sadd.s32 $0x1, s13;
	[tilespmem:v42+s25+$0x0] =	vst.idx.msk $0xffff, v41;
	v63 =	vld [tilespmem:s11+$0xFFFFFF40];
	v30 =	vadd.s32 v27, v30;
	s21 =	sadd.s32 $0x100, s1;
	v45 =	vmov s13;
	v42 =	vand.u32 $0x7F, v43  }
0x290: {  	s30 =	sadd.s32 $0x2, s13;
	v48 =	vmov s12;
	[tilespmem:v40+s25+$0x0] =	vst.idx.msk $0xffff, v39;
	v49 =	vld [tilespmem:s21+$0xFFFFFFD0];
	v45 =	vand.u32 $0x7C, v45;
	v50 =	vadd.s32 v21, v42  }
0x291: {  	v44 =	vmov s30;
	v46 =	vld [tilespmem:s21+$0xFFFFFF10];
	v43 =	vand.u32 $0x7D, v48;
	[tilespmem:v38+s25+$0x0] =	vst.idx.msk $0xffff, v35;
	v55 =	vadd.s32 v21, v45  }
0x292: {  	v51 =	vld [tilespmem:s21+$0xFFFFFF50];
	v44 =	vand.u32 $0x7E, v44;
	v52 =	vadd.s32 v21, v43;
	[tilespmem:v36+s25+$0x0] =	vst.idx.msk $0xffff, v33  }
0x293: {  	v53 =	vld [tilespmem:s21+$0xFFFFFF90];
	v54 =	vadd.s32 v21, v44;
	[tilespmem:v37+s25+$0x0] =	vst.idx.msk $0xffff, v34  }
0x294: {  	v57 =	vadd.s32 v26, v31;
	v56 =	vld [tilespmem:s1+$0xFFFFFF70];
	[tilespmem:v30+s25+$0x0] =	vst.idx.msk $0xffff, v63  }
0x295: {  	v48 =	vld [tilespmem:s1+$0xFFFFFFB0];
	[tilespmem:v50+s25+$0x0] =	vst.idx.msk $0xffff, v49;
	v49 =	vadd.s32 v26, v29  }
0x296: {  	v59 =	vadd.s32 v25, v42;
	[tilespmem:v55+s25+$0x0] =	vst.idx.msk $0xffff, v46;
	v39 =	vld [tilespmem:s21+$0xFFFFFFE0]  }
0x297: {  	v63 =	vadd.s32 v25, v45;
	[tilespmem:v52+s25+$0x0] =	vst.idx.msk $0xffff, v51;
	v62 =	vld [tilespmem:s21+$0xFFFFFF20]  }
0x298: {  	v60 =	vadd.s32 v25, v43;
	[tilespmem:v54+s25+$0x0] =	vst.idx.msk $0xffff, v53;
	v35 =	vld [tilespmem:s21+$0xFFFFFF60]  }
0x299: {  	v61 =	vadd.s32 v25, v44;
	[tilespmem:v57+s25+$0x0] =	vst.idx.msk $0xffff, v56;
	v33 =	vld [tilespmem:s21+$0xFFFFFFA0]  }
0x29a: {  	v32 =	vadd.s32 v27, v32;
	v58 =	vld [tilespmem:s1+$0x0];
	[tilespmem:v49+s25+$0x0] =	vst.idx.msk $0xffff, v48  }
0x29b: {  	v29 =	vadd.s32 v27, v29;
	[tilespmem:v59+s25+$0x0] =	vst.idx.msk $0xffff, v39;
	v37 =	vld [tilespmem:s1+$0xFFFFFFC0]  }
0x29c: {  	v52 =	vadd.s32 v26, v42;
	[tilespmem:v63+s25+$0x0] =	vst.idx.msk $0xffff, v62;
	v39 =	vld [tilespmem:s21+$0xFFFFFFF0]  }
0x29d: {  	v57 =	vadd.s32 v26, v45;
	[tilespmem:v60+s25+$0x0] =	vst.idx.msk $0xffff, v35;
	v56 =	vld [tilespmem:s21+$0xFFFFFF30]  }
0x29e: {  	v53 =	vadd.s32 v26, v43;
	[tilespmem:v61+s25+$0x0] =	vst.idx.msk $0xffff, v33;
	v35 =	vld [tilespmem:s21+$0xFFFFFF70]  }
0x29f: {  	v55 =	vadd.s32 v26, v44;
	[tilespmem:v32+s25+$0x0] =	vst.idx.msk $0xffff, v58;
	v54 =	vld [tilespmem:s21+$0xFFFFFFB0]  }
0x2a0: {  	v50 =	vld [tilespmem:s1+$0xFFFFFF80];
	v51 =	vadd.s32 v27, v31;
	[tilespmem:v29+s25+$0x0] =	vst.idx.msk $0xffff, v37  }
0x2a1: {  	v28 =	vadd.s32 v27, v28;
	v58 =	vld [tilespmem:s1+$0xFFFFFF40];
	[tilespmem:v52+s25+$0x0] =	vst.idx.msk $0xffff, v39  }
0x2a2: {  	v60 =	vadd.s32 v27, v42;
	[tilespmem:v57+s25+$0x0] =	vst.idx.msk $0xffff, v56;
	v59 =	vld [tilespmem:s21+$0x0]  }
0x2a3: {  	v63 =	vadd.s32 v27, v45;
	[tilespmem:v53+s25+$0x0] =	vst.idx.msk $0xffff, v35;
	v29 =	vld [tilespmem:s21+$0xFFFFFF40]  }
0x2a4: {  	v61 =	vadd.s32 v27, v43;
	[tilespmem:v55+s25+$0x0] =	vst.idx.msk $0xffff, v54;
	v35 =	vld [tilespmem:s21+$0xFFFFFF80]  }
0x2a5: {  	p1 =	por $0x1, $0x1;
	[tilespmem:v51+s25+$0x0] =	vst.idx.msk $0xffff, v50;
	v62 =	vadd.s32 v27, v44;
	v30 =	vld [tilespmem:s21+$0xFFFFFFC0]  }
.Ltmp18:
0x2a6: {  	[tilespmem:v28+s25+$0x0] =	vst.idx.msk $0xffff, v58;
	(pc) =	sbr.rel @!p1 .LBB2_33-.Ltmp18, $4  }
0x2a7: {  	[tilespmem:v60+s25+$0x0] =	vst.idx.msk $0xffff, v59  }
0x2a8: {  	[tilespmem:v63+s25+$0x0] =	vst.idx.msk $0xffff, v29  }
0x2a9: {  	s14 =	sshrl.u32 s7, $0x3;
	s16 =	simm.s32 $0x10888;
	[tilespmem:v61+s25+$0x0] =	vst.idx.msk $0xffff, v35  }
0x2aa: {  	s15 =	sadd.s32 $0x20000, s7;
	p0 =	por $0x0, $0x0;
	s1 =	simm.s32 $0x10BB8;
	[tilespmem:v62+s25+$0x0] =	vst.idx.msk $0xffff, v30  }
0x2ab: {  	s12 =	sadd.s32 s2, s14;
	s7 =	simm.s32 $0x10800  }
0x2ac: {  	[hbm4b:s12+s3] =	stream.linear.scatter [tilespmem:s7], [sflag:$0x6], $0x80, $0x38;
	[tilespmem:$0x12A00] =	vst v63  }
0x2ad: {  	s11 =	simm.s32 $0x10910;
	s13 =	sadd.s32 $0x10, s12  }
0x2ae: {  	[hbm4b:s13+s3] =	stream.linear.scatter [tilespmem:s16], [sflag:$0x6], $0x80, $0x38;
	[tilespmem:$0x12A00] =	vst v63  }
0x2af: {  	s18 =	simm.s32 $0x10998;
	s20 =	simm.s32 $0x10A20;
	s14 =	sadd.s32 $0x20, s12  }
0x2b0: {  	[hbm4b:s14+s3] =	stream.linear.scatter [tilespmem:s11], [sflag:$0x6], $0x80, $0x38;
	[tilespmem:$0x12A00] =	vst v63  }
0x2b1: {  	s30 =	simm.s32 $0x10B30;
	p1 =	por $0x1, $0x1;
	s16 =	sadd.s32 $0x30, s12  }
0x2b2: {  	[hbm4b:s16+s3] =	stream.linear.scatter [tilespmem:s18], [sflag:$0x6], $0x80, $0x38;
	[tilespmem:$0x12A00] =	vst v63  }
0x2b3: {  	p0 =	por $0x1, $0x1;
	s19 =	sadd.s32 $0x40, s12;
	s7 =	sshrl.u32 s15, $0x3  }
0x2b4: {  	[hbm4b:s19+s3] =	stream.linear.scatter [tilespmem:s20], [sflag:$0x6], $0x80, $0x38;
	[tilespmem:$0x12A00] =	vst v63  }
.Ltmp19:
0x2b5: {  	s21 =	sadd.s32 $0x50, s12;
	s15 =	sadd.s32 $0x20000, s15;
	(pc) =	sbr.rel @!p1 .LBB2_35-.Ltmp19, $4  }
0x2b6: {  	s13 =	simm.s32 $0x10AA8;
	s11 =	sadd.s32 $0x70, s12;
	s12 =	sadd.s32 $0x60, s12  }
0x2b7: {  	[hbm4b:s21+s3] =	stream.linear.scatter [tilespmem:s13], [sflag:$0x6], $0x80, $0x38;
	[tilespmem:$0x12A00] =	vst v63  }
0x2b8: {  	s14 =	simm.s32 $0x8;
	s16 =	simm.s32 $0x10CC8;
	s13 =	simm.s32 $0x10FF8  }
0x2b9: {  	[hbm4b:s12+s3] =	stream.linear.scatter [tilespmem:s30], [sflag:$0x6], $0x80, $0x38;
	[tilespmem:$0x12A00] =	vst v63  }
.LBB2_36:
0x2ba: {  	[hbm4b:s11+s3] =	stream.linear.scatter [tilespmem:s1], [sflag:$0x6], $0x80, $0x38;
	[tilespmem:$0x12A00] =	vst v63  }
0x2bb: {  	s12 =	sadd.s32 s2, s7;
	s7 =	sshrl.u32 s15, $0x3;
	s1 =	sadd.s32 $0xFFFFFC48, s13  }
0x2bc: {  	[hbm4b:s12+s3] =	stream.linear.scatter [tilespmem:s1], [sflag:$0x6], $0x80, $0x38;
	[tilespmem:$0x12A00] =	vst v63  }
0x2bd: {  	s18 =	sadd.s32 $0x30, s12;
	s11 =	sadd.s32 $0x70, s12;
	s1 =	sadd.s32 $0x10, s12  }
0x2be: {  	[hbm4b:s1+s3] =	stream.linear.scatter [tilespmem:s16], [sflag:$0x6], $0x80, $0x38;
	[tilespmem:$0x12A00] =	vst v63  }
0x2bf: {  	s14 =	sadd.s32 $0x8, s14;
	s1 =	sadd.s32 $0x20, s12;
	s16 =	sadd.s32 $0xFFFFFD58, s13  }
0x2c0: {  	[hbm4b:s1+s3] =	stream.linear.scatter [tilespmem:s16], [sflag:$0x6], $0x80, $0x38;
	[tilespmem:$0x12A00] =	vst v63  }
0x2c1: {  	p1 =	slt.u32 s14, $0x38;
	s16 =	sadd.s32 $0xFFFFFDE0, s13;
	s1 =	smov.u32 s13  }
0x2c2: {  	[hbm4b:s18+s3] =	stream.linear.scatter [tilespmem:s16], [sflag:$0x6], $0x80, $0x38;
	[tilespmem:$0x12A00] =	vst v63  }
0x2c3: {  	s16 =	sadd.s32 $0x40, s12;
	s18 =	sadd.s32 $0xFFFFFE68, s13  }
0x2c4: {  	[hbm4b:s16+s3] =	stream.linear.scatter [tilespmem:s18], [sflag:$0x6], $0x80, $0x38;
	[tilespmem:$0x12A00] =	vst v63  }
.Ltmp20:
0x2c5: {  	s16 =	sadd.s32 $0x50, s12;
	s18 =	sadd.s32 $0xFFFFFEF0, s13;
	(pc) =	sbr.rel @p1 .LBB2_36-.Ltmp20, $4  }
0x2c6: {  	[hbm4b:s16+s3] =	stream.linear.scatter [tilespmem:s18], [sflag:$0x6], $0x80, $0x38;
	[tilespmem:$0x12A00] =	vst v63  }
0x2c7: {  	s12 =	sadd.s32 $0x60, s12;
	s13 =	sadd.s32 $0x440, s13;
	s16 =	sadd.s32 $0xFFFFFF78, s1  }
0x2c8: {  	[hbm4b:s12+s3] =	stream.linear.scatter [tilespmem:s16], [sflag:$0x6], $0x80, $0x38;
	[tilespmem:$0x12A00] =	vst v63  }
0x2c9: {  	s15 =	sadd.s32 $0x20000, s15;
	s16 =	sadd.s32 $0xFFFFFCD0, s13  }
0x2ca: {  	s15 =	smov.u32 s1;
	s14 =	smov.u32 s7;
	s1 =	smov.u32 s13  }
.LBB2_38:
0x2cb: {  	[hbm4b:s11+s3] =	stream.linear.scatter @p0 [tilespmem:s15], [sflag:$0x6], $0x80, $0x38;
	[tilespmem:$0x12A00] =	vst v63  }
0x2cc: {  	s7 =	sadd.s32 s2, s14;
	s30 =	sadd.s32 $0xFFFFFC48, s1  }
0x2cd: {  	[hbm4b:s7+s3] =	stream.linear.scatter [tilespmem:s30], [sflag:$0x6], $0x80, $0x38;
	[tilespmem:$0x12A00] =	vst v63  }
0x2ce: {  	s15 =	sadd.s32 $0xFFFFFDE0, s1;
	s12 =	sadd.s32 $0x10, s7  }
0x2cf: {  	[hbm4b:s12+s3] =	stream.linear.scatter [tilespmem:s16], [sflag:$0x6], $0x80, $0x38;
	[tilespmem:$0x12A00] =	vst v63  }
0x2d0: {  	s18 =	sadd.s32 $0xFFFFFE68, s1;
	s13 =	sadd.s32 $0x20, s7;
	s12 =	sadd.s32 $0xFFFFFD58, s1  }
0x2d1: {  	[hbm4b:s13+s3] =	stream.linear.scatter [tilespmem:s12], [sflag:$0x6], $0x80, $0x38;
	[tilespmem:$0x12A00] =	vst v63  }
0x2d2: {  	s20 =	sadd.s32 $0xFFFFFEF0, s1;
	s6 =	sadd.s32 $0x1, s6;
	s14 =	sadd.s32 $0x30, s7  }
0x2d3: {  	[hbm4b:s14+s3] =	stream.linear.scatter [tilespmem:s15], [sflag:$0x6], $0x80, $0x38;
	[tilespmem:$0x12A00] =	vst v63  }
0x2d4: {  	s5 =	sadd.s32 $0x400000, s5;
	s17 =	sadd.s32 $0x4, s17;
	s16 =	sadd.s32 $0x40, s7  }
0x2d5: {  	[hbm4b:s16+s3] =	stream.linear.scatter [tilespmem:s18], [sflag:$0x6], $0x80, $0x38;
	[tilespmem:$0x12A00] =	vst v63  }
0x2d6: {  	s8 =	sadd.s32 $0x400000, s8;
	s19 =	sadd.s32 $0x50, s7;
	p0 =	sne.s32 s6, $0x32  }
0x2d7: {  	[hbm4b:s19+s3] =	stream.linear.scatter [tilespmem:s20], [sflag:$0x6], $0x80, $0x38;
	[tilespmem:$0x12A00] =	vst v63  }
.Ltmp21:
0x2d8: {  	s9 =	sadd.s32 $0x400000, s9;
	s0 =	sadd.s32 $0x4, s0;
	(pc) =	sbr.rel @p0 .LBB2_2-.Ltmp21, $4  }
.Ltmp22:
0x2d9: {  	s21 =	sadd.s32 $0x60, s7;
	s30 =	sadd.s32 $0xFFFFFF78, s1;
	(pc) =	sbr.rel @!p0 .LBB2_39-.Ltmp22, $4  }
0x2da: {  	[hbm4b:s21+s3] =	stream.linear.scatter [tilespmem:s30], [sflag:$0x6], $0x80, $0x38;
	[tilespmem:$0x12A00] =	vst v63  }
0x2db: {  	s10 =	sadd.s32 $0x400000, s10;
	s31 =	sadd.s32 $0x4, s31;
	s7 =	sadd.s32 $0x70, s7  }
0x2dc: {  	[hbm4b:s7+s3] =	stream.linear.scatter [tilespmem:s1], [sflag:$0x6], $0x80, $0x38;
	[tilespmem:$0x12A00] =	vst v63  }
0x2dd: {  	_ = 	snop  }
.LBB2_5:
.Ltmp23:
0x2de: {  	(pc) =	sbr.rel .LBB2_10-.Ltmp23, $2  }
0x2df: {  	_ =	sdelay $0x2  }
0x2e0: {  	_ = 	snop  }
.LBB2_17:
.Ltmp24:
0x2e1: {  	(pc) =	sbr.rel .LBB2_22-.Ltmp24, $2  }
0x2e2: {  	_ =	sdelay $0x2  }
0x2e3: {  	_ = 	snop  }
.LBB2_25:
.Ltmp25:
0x2e4: {  	(pc) =	sbr.rel .LBB2_30-.Ltmp25, $2  }
0x2e5: {  	_ =	sdelay $0x2  }
0x2e6: {  	_ = 	snop  }
.LBB2_33:
.Ltmp26:
0x2e7: {  	(pc) =	sbr.rel .LBB2_38-.Ltmp26, $2  }
0x2e8: {  	_ =	sdelay $0x2  }
0x2e9: {  	_ = 	snop  }
.LBB2_7:
.Ltmp27:
0x2ea: {  	(pc) =	sbr.rel .LBB2_10-.Ltmp27, $2  }
0x2eb: {  	_ =	sdelay $0x2  }
0x2ec: {  	s19 =	simm.s32 $0xE9B8;
	s11 =	simm.s32 $0xEDF8  }
.LBB2_19:
.Ltmp28:
0x2ed: {  	(pc) =	sbr.rel .LBB2_22-.Ltmp28, $2  }
0x2ee: {  	_ =	sdelay $0x2  }
0x2ef: {  	s19 =	simm.s32 $0x10BB8;
	s18 =	smov.u32 s1;
	s11 =	simm.s32 $0x10FF8  }
.LBB2_27:
.Ltmp29:
0x2f0: {  	(pc) =	sbr.rel .LBB2_30-.Ltmp29, $2  }
0x2f1: {  	_ =	sdelay $0x2  }
0x2f2: {  	s15 =	simm.s32 $0xE9B8;
	s1 =	simm.s32 $0xEDF8  }
.LBB2_35:
.Ltmp30:
0x2f3: {  	(pc) =	sbr.rel .LBB2_38-.Ltmp30, $2  }
0x2f4: {  	_ =	sdelay $0x2  }
0x2f5: {  	s15 =	simm.s32 $0x10BB8;
	s14 =	smov.u32 s7;
	s1 =	simm.s32 $0x10FF8  }
.LBB2_40:
0x2f6: {  	_ =	sfence.sel $0x180000  }
0x2f7: {  	[bflag:$0x0] =	sbarrier.arrive $0xFFFF  }
0x2f8: {  	_ =	strace $0x90000047  }
0x2f9: {  	s0 =	stileid.u32;
	[bflag:$0x2] =	sbarrier.arrive $0xFFFF  }
0x2fa: {  	p0 =	sne.s32 s0, $0x0;
	s0 =	rddreg [dreg:$0x2]  }
0x2fb: {  	s0 =	sadd.s32 @!p0 $0x100000, s0  }
0x2fc: {  	[sflag:s0] =	ssyncadd.tile.s32 @!p0 $0x1;
	_ =	shalt  }
.Lfunc_end2:
_tile_overlayer_lowered:
.L_overlay_start_2:
0x2fd: {  	(tag) =	ssettag $0x2  }
0x2fe: {  	s0 =	rddreg [dreg:$0x0];
	s2 =	stileid.u32  }
0x2ff: {  	s1 =	rddreg [dreg:$0x1];
	p0 =	sne.s32 s2, $0x0  }
0x300: {  	s3 =	rddreg [dreg:$0x2];
	[bflag:$0x3] =	sbarrier.arrive $0xFFFF;
	s2 =	simm.s32 @!p0 $0x1C07  }
0x301: {  	[timem:s3], [sflag:s2] =	dma.local @!p0 [hbm:s0], s1  }
0x302: {  	s0 =	simm.s32 @!p0 $0x7  }
0x303: {  	_ =	swait.ge @!p0 [sflag:s0], s1  }
0x304: {  	s1 =	ssub.s32 @!p0 $0x0, s1;
	[sflag:s0] =	ssyncset.done @!p0 $0x0  }
0x305: {  	[sflag:s0] =	ssyncadd.s32 @!p0 s1  }
0x306: {  	[bflag:$0x3] =	sbarrier.arrive $0xFFFF  }
0x307: {  	_ =	shalt  }

</sc_bundles>
